<compile_context>
chip_gen: v7x
topology: tpu7x:2x2x1
jax: 0.10.2.dev20260603
libtpu: 0.0.44.dev20260713+nightly
codegen_flags: <defaults>
</compile_context>

<pallas_src>
import jax
import jax.numpy as jnp
from jax import lax
from jax.experimental import pallas as pl
from jax.experimental.pallas import tpu as pltpu
from jax.experimental.pallas import tpu_sc as plsc

N_ATOMS = 6400000
NUM_EMB = 104
NUM_SEG = 4096
TAB_REP = 16
TAB_PAD = 128 * TAB_REP

NUM_CORES = 2
NUM_SUBCORES = 16
NUM_WORKERS = NUM_CORES * NUM_SUBCORES
CHUNK = N_ATOMS // NUM_WORKERS
BLK = 20000
NUM_BLKS = CHUNK // BLK
SB = 160
SB_VECS = SB // 16
NUM_SBS = BLK // SB
NUM_GRPS = (NUM_SBS + 15) // 16
SEG_SLICE = NUM_SEG // NUM_SUBCORES


def _take16(x, idx):
    return x.at[idx].get(mode="promise_in_bounds")


def _sc_body(species_hbm, batch_hbm, table_hbm, out_hbm,
             table_v, sp0_v, b0_v, sp1_v, b1_v, acc_v, red_v, res_v, shared,
             sem_s0, sem_b0, sem_s1, sem_b1):
    cid = lax.axis_index("c")
    sid = lax.axis_index("s")
    wid = cid * NUM_SUBCORES + sid
    base = wid * CHUNK

    bufs = [(sp0_v, b0_v), (sp1_v, b1_v)]
    sems = [(sem_s0, sem_b0), (sem_s1, sem_b1)]
    pending = {}

    def issue(blk):
        pb = blk % 2
        off = base + blk * BLK
        c1 = pltpu.async_copy(species_hbm.at[pl.ds(off, BLK)],
                              bufs[pb][0], sems[pb][0])
        c2 = pltpu.async_copy(batch_hbm.at[pl.ds(off, BLK)],
                              bufs[pb][1], sems[pb][1])
        pending[blk] = (c1, c2)

    issue(0)
    issue(1)

    pltpu.sync_copy(table_hbm, table_v)

    zeros16 = jnp.zeros((16,), jnp.float32)

    def zero_body(q, _):
        acc_v[pl.ds(q * 16, 16)] = zeros16
        return _

    lax.fori_loop(0, NUM_SEG // 16, zero_body, None)

    iota = lax.iota(jnp.int32, 16)
    iota0 = jnp.zeros((16,), jnp.int32)

    def gather_shifts(sp):
        return plsc.load_gather(table_v, [(sp << 4) + iota])
    idxp1 = jnp.minimum(iota + 1, 15)
    is_lane15 = iota == 15

    for blk in range(NUM_BLKS):
        if 2 <= blk + 1 < NUM_BLKS:
            issue(blk + 1)
        c1, c2 = pending.pop(blk)
        c1.wait()
        c2.wait()
        sp_v, b_v = bufs[blk % 2]

        @plsc.parallel_loop(0, NUM_SBS, step=1)
        def sb_body(q):
            sb0 = q * SB
            bfirst = b_v[pl.ds(sb0, 16)]
            blast = b_v[pl.ds(sb0 + SB - 16, 16)]
            bf0 = _take16(bfirst, iota0)
            m15u = is_lane15 & (bf0 == blast)
            accs = [zeros16, zeros16, zeros16, zeros16]
            for t in range(SB_VECS):
                sp = sp_v[pl.ds(sb0 + t * 16, 16)]
                vals = gather_shifts(sp)
                accs[t % 4] = accs[t % 4] + vals
            total = plsc.cumsum(accs[0] + accs[1] + accs[2] + accs[3])
            plsc.addupdate_scatter(acc_v, [blast], total, mask=m15u)

        def slow_sb(sbq):
            @plsc.parallel_loop(0, SB_VECS, step=1)
            def vec_body(t):
                off16 = sbq * SB + t * 16
                sp = sp_v[pl.ds(off16, 16)]
                b = b_v[pl.ds(off16, 16)]
                vals = gather_shifts(sp)
                c = plsc.cumsum(vals)
                bn = _take16(b, idxp1)
                neq = b != bn
                m1 = neq | is_lane15
                plsc.addupdate_scatter(acc_v, [b], c, mask=m1)
                plsc.addupdate_scatter(acc_v, [bn], 0.0 - c, mask=neq)

        def grp_body(g, _):
            gbase = g * 16
            sbi = jnp.minimum(gbase + iota, NUM_SBS - 1)
            valid = (gbase + iota) < NUM_SBS
            idxf = sbi * SB
            vf = plsc.load_gather(b_v, [idxf])
            vl = plsc.load_gather(b_v, [idxf + (SB - 1)])
            m0 = (vf != vl) & valid

            def w_cond(m):
                return jnp.any(m)

            def w_body(m):
                lane = plsc.all_reduce_ffs(m)
                lane0 = lane[0] if lane.ndim else lane
                slow_sb(gbase + lane0)
                return m & (iota != lane0)

            lax.while_loop(w_cond, w_body, m0)
            return _

        lax.fori_loop(0, NUM_GRPS, grp_body, None)

    pltpu.sync_copy(acc_v, shared.at[sid])
    plsc.subcore_barrier()

    col = sid * SEG_SLICE
    row_copies = [
        pltpu.async_copy(shared.at[r, pl.ds(col, SEG_SLICE)],
                         red_v.at[pl.ds(r * SEG_SLICE, SEG_SLICE)], sem_s0)
        for r in range(NUM_SUBCORES)
    ]
    for cpy in row_copies:
        cpy.wait()

    def red_body(q, _):
        v = jnp.zeros((16,), jnp.float32)
        for r in range(NUM_SUBCORES):
            v = v + red_v[pl.ds(r * SEG_SLICE + q * 16, 16)]
        res_v[pl.ds(q * 16, 16)] = v
        return _

    lax.fori_loop(0, SEG_SLICE // 16, red_body, None)

    pltpu.sync_copy(res_v, out_hbm.at[cid, pl.ds(col, SEG_SLICE)])


@jax.jit
def _sc_segsum(species, batch, table):
    mesh = plsc.VectorSubcoreMesh(core_axis_name="c", subcore_axis_name="s")
    return pl.kernel(
        _sc_body,
        out_type=jax.ShapeDtypeStruct((NUM_CORES, NUM_SEG), jnp.float32),
        mesh=mesh,
        compiler_params=pltpu.CompilerParams(needs_layout_passes=False),
        scratch_types=[
            pltpu.VMEM((TAB_PAD,), jnp.float32),
            pltpu.VMEM((BLK,), jnp.int32),
            pltpu.VMEM((BLK,), jnp.int32),
            pltpu.VMEM((BLK,), jnp.int32),
            pltpu.VMEM((BLK,), jnp.int32),
            pltpu.VMEM((NUM_SEG,), jnp.float32),
            pltpu.VMEM((NUM_SEG,), jnp.float32),
            pltpu.VMEM((SEG_SLICE,), jnp.float32),
            pltpu.VMEM_SHARED((NUM_SUBCORES, NUM_SEG), jnp.float32),
            pltpu.SemaphoreType.DMA,
            pltpu.SemaphoreType.DMA,
            pltpu.SemaphoreType.DMA,
            pltpu.SemaphoreType.DMA,
        ],
    )(species, batch, table)


def _add2_body(p_ref, o_ref):
    o_ref[...] = p_ref[0] + p_ref[1]


@jax.jit
def _add_partials(partials):
    p = partials.reshape(NUM_CORES, 32, 128)
    out = pl.pallas_call(
        _add2_body,
        out_shape=jax.ShapeDtypeStruct((32, 128), jnp.float32),
    )(p)
    return out.reshape(NUM_SEG)


def kernel(species, batch, constant_shifts):
    rep = jnp.repeat(constant_shifts[:, 0], TAB_REP)
    table = jnp.pad(rep, (0, TAB_PAD - NUM_EMB * TAB_REP))
    partials = _sc_segsum(species, batch, table)
    return _add_partials(partials)

# --- scband reference (transcript-rebuilt; emitter-appended) ---
"""Pipeline reference for scband-reference-energies-18562848654086 (READ-ONLY COPY).

The authoritative reference and input builder live on the scoring server;
editing this copy changes nothing except your own understanding.
"""

import jax, jax.numpy as jnp
import numpy as np

N = 6400000
NUM_EMBEDDINGS = 104
NUM_SEGMENTS = 4096


def setup_inputs(seed: int = 0) -> dict:
    key = jax.random.key(seed)
    k1, k2, k3 = jax.random.split(key, 3)
    species = jax.random.randint(k1, (N,), 0, NUM_EMBEDDINGS)
    batch = jnp.sort(jax.random.randint(k2, (N,), 0, NUM_SEGMENTS))
    # learned parameter: constant_shifts of shape (num_embeddings, max_num_datasets)
    # (original init is zeros; random values used here so outputs/grads are nontrivial)
    constant_shifts = jax.random.normal(k3, (NUM_EMBEDDINGS, 1), dtype=jnp.float32) * 0.1
    return {"species": species, "batch": batch, "constant_shifts": constant_shifts}


def reference(species, batch, constant_shifts):
    # dataset_index is None branch: constant_shifts[..., 0][species]
    energy_shift_per_atom = constant_shifts[..., 0][species]
    # dim_size = len(torch.unique(batch))
    num_segments = NUM_SEGMENTS
    energy = jax.ops.segment_sum(energy_shift_per_atom, batch, num_segments=num_segments)
    return energy

if __name__ == "__main__":
    import jax
    _d = setup_inputs()
    print(jax.jit(kernel)(*tuple(_d.values())))

</pallas_src>

<mosaic_0001>
#map = affine_map<(d0, d1) -> (0)>
#map1 = affine_map<(d0, d1) -> (0, 0)>
module attributes {stable_mosaic.version = 14 : i64} {
  func.func @_sc_body(%arg0: i32, %arg1: i32, %arg2: memref<6400000xi32, #tpu.memory_space<hbm>>, %arg3: memref<6400000xi32, #tpu.memory_space<hbm>>, %arg4: memref<2048xf32, #tpu.memory_space<hbm>>, %arg5: memref<2x4096xf32, #tpu.memory_space<hbm>>, %arg6: memref<2048xf32, #tpu.memory_space<vmem>>, %arg7: memref<20000xi32, #tpu.memory_space<vmem>>, %arg8: memref<20000xi32, #tpu.memory_space<vmem>>, %arg9: memref<20000xi32, #tpu.memory_space<vmem>>, %arg10: memref<20000xi32, #tpu.memory_space<vmem>>, %arg11: memref<4096xf32, #tpu.memory_space<vmem>>, %arg12: memref<4096xf32, #tpu.memory_space<vmem>>, %arg13: memref<256xf32, #tpu.memory_space<vmem>>, %arg14: memref<16x4096xf32, #tpu.memory_space<vmem_shared>>, %arg15: memref<!tpu.dma_semaphore, #tpu.memory_space<semaphore_mem>>, %arg16: memref<!tpu.dma_semaphore, #tpu.memory_space<semaphore_mem>>, %arg17: memref<!tpu.dma_semaphore, #tpu.memory_space<semaphore_mem>>, %arg18: memref<!tpu.dma_semaphore, #tpu.memory_space<semaphore_mem>>) attributes {dimension_semantics = [#tpu.dimension_semantics<core_parallel>, #tpu.dimension_semantics<subcore_parallel>], iteration_bounds = array<i64: 2, 16>, scalar_prefetch = 0 : i64, scratch_operands = 13 : i64, tpu.core_type = #tpu.core_type<sc_vector_subcore>, window_params = [{transform_indices = #map}, {transform_indices = #map}, {transform_indices = #map}, {transform_indices = #map1}]} {
    %mul3A = arith.constant 16 : i32
    %mul3A_0 = arith.muli %arg0, %mul3A : i32
    %add3A = arith.addi %mul3A_0, %arg1 : i32
    %mul3A_1 = arith.constant 200000 : i32
    %mul3A_2 = arith.muli %add3A, %mul3A_1 : i32
    %add3A_3 = arith.constant 0 : i32
    %add3A_4 = arith.addi %mul3A_2, %add3A_3 : i32
    %dma_start3A = tpu.memref_slice %arg2[%add3A_4] : memref<6400000xi32, #tpu.memory_space<hbm>> -> memref<20000xi32, #tpu.memory_space<hbm>>
    %dma_start3A_5 = tpu.memref_slice %arg2[%add3A_4] : memref<6400000xi32, #tpu.memory_space<hbm>> -> memref<20000xi32, #tpu.memory_space<hbm>>
    tpu.enqueue_dma source(%dma_start3A_5 : memref<20000xi32, #tpu.memory_space<hbm>>) target(%arg7 : memref<20000xi32, #tpu.memory_space<vmem>>) target_semaphore(%arg15 : memref<!tpu.dma_semaphore, #tpu.memory_space<semaphore_mem>>)
    %dma_start3A_6 = tpu.memref_slice %arg3[%add3A_4] : memref<6400000xi32, #tpu.memory_space<hbm>> -> memref<20000xi32, #tpu.memory_space<hbm>>
    %dma_start3A_7 = tpu.memref_slice %arg3[%add3A_4] : memref<6400000xi32, #tpu.memory_space<hbm>> -> memref<20000xi32, #tpu.memory_space<hbm>>
    tpu.enqueue_dma source(%dma_start3A_7 : memref<20000xi32, #tpu.memory_space<hbm>>) target(%arg8 : memref<20000xi32, #tpu.memory_space<vmem>>) target_semaphore(%arg16 : memref<!tpu.dma_semaphore, #tpu.memory_space<semaphore_mem>>)
    %add3A_8 = arith.constant 20000 : i32
    %add3A_9 = arith.addi %mul3A_2, %add3A_8 : i32
    %dma_start3A_10 = tpu.memref_slice %arg2[%add3A_9] : memref<6400000xi32, #tpu.memory_space<hbm>> -> memref<20000xi32, #tpu.memory_space<hbm>>
    %dma_start3A_11 = tpu.memref_slice %arg2[%add3A_9] : memref<6400000xi32, #tpu.memory_space<hbm>> -> memref<20000xi32, #tpu.memory_space<hbm>>
    tpu.enqueue_dma source(%dma_start3A_11 : memref<20000xi32, #tpu.memory_space<hbm>>) target(%arg9 : memref<20000xi32, #tpu.memory_space<vmem>>) target_semaphore(%arg17 : memref<!tpu.dma_semaphore, #tpu.memory_space<semaphore_mem>>)
    %dma_start3A_12 = tpu.memref_slice %arg3[%add3A_9] : memref<6400000xi32, #tpu.memory_space<hbm>> -> memref<20000xi32, #tpu.memory_space<hbm>>
    %dma_start3A_13 = tpu.memref_slice %arg3[%add3A_9] : memref<6400000xi32, #tpu.memory_space<hbm>> -> memref<20000xi32, #tpu.memory_space<hbm>>
    tpu.enqueue_dma source(%dma_start3A_13 : memref<20000xi32, #tpu.memory_space<hbm>>) target(%arg10 : memref<20000xi32, #tpu.memory_space<vmem>>) target_semaphore(%arg18 : memref<!tpu.dma_semaphore, #tpu.memory_space<semaphore_mem>>)
    "tpu.region"() ({
      %run_scoped3A = tpu.sem_alloc : memref<!tpu.dma_semaphore, #tpu.memory_space<semaphore_mem>>
      tpu.enqueue_dma source(%arg4 : memref<2048xf32, #tpu.memory_space<hbm>>) target(%arg6 : memref<2048xf32, #tpu.memory_space<vmem>>) target_semaphore(%run_scoped3A : memref<!tpu.dma_semaphore, #tpu.memory_space<semaphore_mem>>)
      tpu.wait_dma2 semaphore(%run_scoped3A : memref<!tpu.dma_semaphore, #tpu.memory_space<semaphore_mem>>) src(%arg4 : memref<2048xf32, #tpu.memory_space<hbm>>) dst(%arg6 : memref<2048xf32, #tpu.memory_space<vmem>>)
      tpu.yield
    }) : () -> ()
    %broadcast_in_dim3A = arith.constant 0.000000e+00 : f32
    %broadcast_in_dim3A_14 = vector.broadcast %broadcast_in_dim3A : f32 to vector<16xf32>
    %scan3A = arith.constant 0 : i32
    %scan3A_15 = arith.constant 256 : i32
    %scan3A_16 = arith.addi %scan3A, %scan3A_15 : i32
    %scan3A_17 = arith.constant 1 : i32
    scf.for %scan3A_489 = %scan3A to %scan3A_16 step %scan3A_17  : i32 {
      %mul3A_490 = arith.constant 16 : i32
      %mul3A_491 = arith.muli %scan3A_489, %mul3A_490 : i32
      %swap3A = arith.index_cast %mul3A_491 : i32 to index
      %swap3A_492 = tpu.vector_load %arg11[%swap3A] {strides = array<i32>} : memref<4096xf32, #tpu.memory_space<vmem>>, vector<16xf32>,
      tpu.vector_store %arg11[%swap3A], %broadcast_in_dim3A_14 {strides = array<i32>} : memref<4096xf32, #tpu.memory_space<vmem>>, vector<16xf32>,
    }
    %scan3A_18 = arith.constant 256 : i32
    %iota3A = tpu.iota {dimensions = array<i32: 0>} : vector<16xi32>
    %broadcast_in_dim3A_19 = arith.constant 0 : i32
    %broadcast_in_dim3A_20 = vector.broadcast %broadcast_in_dim3A_19 : i32 to vector<16xi32>
    %add3A_21 = arith.constant 1 : i32
    %add3A_22 = vector.broadcast %add3A_21 : i32 to vector<16xi32>
    %add3A_23 = arith.addi %iota3A, %add3A_22 : vector<16xi32>
    %min3A = arith.constant 15 : i32
    %min3A_24 = vector.broadcast %min3A : i32 to vector<16xi32>
    %min3A_25 = arith.minsi %add3A_23, %min3A_24 : vector<16xi32>
    %eq3A = arith.constant 15 : i32
    %eq3A_26 = vector.broadcast %eq3A : i32 to vector<16xi32>
    %eq3A_27 = arith.cmpi eq, %iota3A, %eq3A_26 : vector<16xi32>
    %dma_wait3A = tpu.memref_slice %arg2[%add3A_4] : memref<6400000xi32, #tpu.memory_space<hbm>> -> memref<20000xi32, #tpu.memory_space<hbm>>
    %dma_wait3A_28 = tpu.memref_slice %arg2[%add3A_4] : memref<6400000xi32, #tpu.memory_space<hbm>> -> memref<20000xi32, #tpu.memory_space<hbm>>
    tpu.wait_dma2 semaphore(%arg15 : memref<!tpu.dma_semaphore, #tpu.memory_space<semaphore_mem>>) src(%dma_wait3A_28 : memref<20000xi32, #tpu.memory_space<hbm>>) dst(%arg7 : memref<20000xi32, #tpu.memory_space<vmem>>)
    %dma_wait3A_29 = tpu.memref_slice %arg3[%add3A_4] : memref<6400000xi32, #tpu.memory_space<hbm>> -> memref<20000xi32, #tpu.memory_space<hbm>>
    %dma_wait3A_30 = tpu.memref_slice %arg3[%add3A_4] : memref<6400000xi32, #tpu.memory_space<hbm>> -> memref<20000xi32, #tpu.memory_space<hbm>>
    tpu.wait_dma2 semaphore(%arg16 : memref<!tpu.dma_semaphore, #tpu.memory_space<semaphore_mem>>) src(%dma_wait3A_30 : memref<20000xi32, #tpu.memory_space<hbm>>) dst(%arg8 : memref<20000xi32, #tpu.memory_space<vmem>>)
    %parallel_loop3A = arith.constant 0 : i32
    %parallel_loop3A_31 = arith.constant 125 : i32
    %parallel_loop3A_32 = arith.constant 1 : i32
    scf.for %parallel_loop3A_489 = %parallel_loop3A to %parallel_loop3A_31 step %parallel_loop3A_32  : i32 {
      %parallel_loop3A_490 = arith.constant 160 : i32
      %parallel_loop3A_491 = arith.muli %parallel_loop3A_489, %parallel_loop3A_490 : i32
      %parallel_loop3A_492 = arith.index_cast %parallel_loop3A_491 : i32 to index
      %parallel_loop3A_493 = tpu.vector_load %arg8[%parallel_loop3A_492] {strides = array<i32>} : memref<20000xi32, #tpu.memory_space<vmem>>, vector<16xi32>,
      %parallel_loop3A_494 = arith.constant 160 : i32
      %parallel_loop3A_495 = arith.addi %parallel_loop3A_491, %parallel_loop3A_494 : i32
      %parallel_loop3A_496 = arith.constant 16 : i32
      %parallel_loop3A_497 = arith.subi %parallel_loop3A_495, %parallel_loop3A_496 : i32
      %parallel_loop3A_498 = arith.index_cast %parallel_loop3A_497 : i32 to index
      %parallel_loop3A_499 = tpu.vector_load %arg8[%parallel_loop3A_498] {strides = array<i32>} : memref<20000xi32, #tpu.memory_space<vmem>>, vector<16xi32>,
      %parallel_loop3A_500 = arith.constant 0 : i32
      %parallel_loop3A_501 = vector.broadcast %parallel_loop3A_500 : i32 to vector<16xi32>
      %parallel_loop3A_502 = arith.cmpi slt, %broadcast_in_dim3A_20, %parallel_loop3A_501 : vector<16xi32>
      %parallel_loop3A_503 = arith.constant 16 : i32
      %parallel_loop3A_504 = vector.broadcast %parallel_loop3A_503 : i32 to vector<16xi32>
      %parallel_loop3A_505 = arith.addi %broadcast_in_dim3A_20, %parallel_loop3A_504 : vector<16xi32>
      %parallel_loop3A_506 = arith.select %parallel_loop3A_502, %parallel_loop3A_505, %broadcast_in_dim3A_20 : vector<16xi1>, vector<16xi32>
      %parallel_loop3A_507 = vector.shape_cast %parallel_loop3A_506 : vector<16xi32> to vector<16x1xi32>
      %parallel_loop3A_508 = vector.shape_cast %parallel_loop3A_507 : vector<16x1xi32> to vector<16xi32>
      %parallel_loop3A_509 = tpu.dynamic_gather %parallel_loop3A_493[%parallel_loop3A_508] in [0] : vector<16xi32>, vector<16xi32> -> vector<16xi32>
      %parallel_loop3A_510 = arith.cmpi eq, %parallel_loop3A_509, %parallel_loop3A_499 : vector<16xi32>
      %parallel_loop3A_511 = arith.andi %eq3A_27, %parallel_loop3A_510 : vector<16xi1>
      %parallel_loop3A_512 = arith.constant 0 : i32
      %parallel_loop3A_513 = arith.addi %parallel_loop3A_491, %parallel_loop3A_512 : i32
      %parallel_loop3A_514 = arith.index_cast %parallel_loop3A_513 : i32 to index
      %parallel_loop3A_515 = tpu.vector_load %arg7[%parallel_loop3A_514] {strides = array<i32>} : memref<20000xi32, #tpu.memory_space<vmem>>, vector<16xi32>,
      %parallel_loop3A_516 = arith.constant 4 : i32
      %parallel_loop3A_517 = vector.broadcast %parallel_loop3A_516 : i32 to vector<16xi32>
      %parallel_loop3A_518 = arith.shli %parallel_loop3A_515, %parallel_loop3A_517 : vector<16xi32>
      %parallel_loop3A_519 = arith.addi %parallel_loop3A_518, %iota3A : vector<16xi32>
      %parallel_loop3A_520 = tpu.vector_load_idx %arg6[%parallel_loop3A_519] : memref<2048xf32, #tpu.memory_space<vmem>>[vector<16xi32>], vector<16xf32>,
      %parallel_loop3A_521 = arith.addf %broadcast_in_dim3A_14, %parallel_loop3A_520 : vector<16xf32>
      %parallel_loop3A_522 = arith.constant 16 : i32
      %parallel_loop3A_523 = arith.addi %parallel_loop3A_491, %parallel_loop3A_522 : i32
      %parallel_loop3A_524 = arith.index_cast %parallel_loop3A_523 : i32 to index
      %parallel_loop3A_525 = tpu.vector_load %arg7[%parallel_loop3A_524] {strides = array<i32>} : memref<20000xi32, #tpu.memory_space<vmem>>, vector<16xi32>,
      %parallel_loop3A_526 = arith.constant 4 : i32
      %parallel_loop3A_527 = vector.broadcast %parallel_loop3A_526 : i32 to vector<16xi32>
      %parallel_loop3A_528 = arith.shli %parallel_loop3A_525, %parallel_loop3A_527 : vector<16xi32>
      %parallel_loop3A_529 = arith.addi %parallel_loop3A_528, %iota3A : vector<16xi32>
      %parallel_loop3A_530 = tpu.vector_load_idx %arg6[%parallel_loop3A_529] : memref<2048xf32, #tpu.memory_space<vmem>>[vector<16xi32>], vector<16xf32>,
      %parallel_loop3A_531 = arith.addf %broadcast_in_dim3A_14, %parallel_loop3A_530 : vector<16xf32>
      %parallel_loop3A_532 = arith.constant 32 : i32
      %parallel_loop3A_533 = arith.addi %parallel_loop3A_491, %parallel_loop3A_532 : i32
      %parallel_loop3A_534 = arith.index_cast %parallel_loop3A_533 : i32 to index
      %parallel_loop3A_535 = tpu.vector_load %arg7[%parallel_loop3A_534] {strides = array<i32>} : memref<20000xi32, #tpu.memory_space<vmem>>, vector<16xi32>,
      %parallel_loop3A_536 = arith.constant 4 : i32
      %parallel_loop3A_537 = vector.broadcast %parallel_loop3A_536 : i32 to vector<16xi32>
      %parallel_loop3A_538 = arith.shli %parallel_loop3A_535, %parallel_loop3A_537 : vector<16xi32>
      %parallel_loop3A_539 = arith.addi %parallel_loop3A_538, %iota3A : vector<16xi32>
      %parallel_loop3A_540 = tpu.vector_load_idx %arg6[%parallel_loop3A_539] : memref<2048xf32, #tpu.memory_space<vmem>>[vector<16xi32>], vector<16xf32>,
      %parallel_loop3A_541 = arith.addf %broadcast_in_dim3A_14, %parallel_loop3A_540 : vector<16xf32>
      %parallel_loop3A_542 = arith.constant 48 : i32
      %parallel_loop3A_543 = arith.addi %parallel_loop3A_491, %parallel_loop3A_542 : i32
      %parallel_loop3A_544 = arith.index_cast %parallel_loop3A_543 : i32 to index
      %parallel_loop3A_545 = tpu.vector_load %arg7[%parallel_loop3A_544] {strides = array<i32>} : memref<20000xi32, #tpu.memory_space<vmem>>, vector<16xi32>,
      %parallel_loop3A_546 = arith.constant 4 : i32
      %parallel_loop3A_547 = vector.broadcast %parallel_loop3A_546 : i32 to vector<16xi32>
      %parallel_loop3A_548 = arith.shli %parallel_loop3A_545, %parallel_loop3A_547 : vector<16xi32>
      %parallel_loop3A_549 = arith.addi %parallel_loop3A_548, %iota3A : vector<16xi32>
      %parallel_loop3A_550 = tpu.vector_load_idx %arg6[%parallel_loop3A_549] : memref<2048xf32, #tpu.memory_space<vmem>>[vector<16xi32>], vector<16xf32>,
      %parallel_loop3A_551 = arith.addf %broadcast_in_dim3A_14, %parallel_loop3A_550 : vector<16xf32>
      %parallel_loop3A_552 = arith.constant 64 : i32
      %parallel_loop3A_553 = arith.addi %parallel_loop3A_491, %parallel_loop3A_552 : i32
      %parallel_loop3A_554 = arith.index_cast %parallel_loop3A_553 : i32 to index
      %parallel_loop3A_555 = tpu.vector_load %arg7[%parallel_loop3A_554] {strides = array<i32>} : memref<20000xi32, #tpu.memory_space<vmem>>, vector<16xi32>,
      %parallel_loop3A_556 = arith.constant 4 : i32
      %parallel_loop3A_557 = vector.broadcast %parallel_loop3A_556 : i32 to vector<16xi32>
      %parallel_loop3A_558 = arith.shli %parallel_loop3A_555, %parallel_loop3A_557 : vector<16xi32>
      %parallel_loop3A_559 = arith.addi %parallel_loop3A_558, %iota3A : vector<16xi32>
      %parallel_loop3A_560 = tpu.vector_load_idx %arg6[%parallel_loop3A_559] : memref<2048xf32, #tpu.memory_space<vmem>>[vector<16xi32>], vector<16xf32>,
      %parallel_loop3A_561 = arith.addf %parallel_loop3A_521, %parallel_loop3A_560 : vector<16xf32>
      %parallel_loop3A_562 = arith.constant 80 : i32
      %parallel_loop3A_563 = arith.addi %parallel_loop3A_491, %parallel_loop3A_562 : i32
      %parallel_loop3A_564 = arith.index_cast %parallel_loop3A_563 : i32 to index
      %parallel_loop3A_565 = tpu.vector_load %arg7[%parallel_loop3A_564] {strides = array<i32>} : memref<20000xi32, #tpu.memory_space<vmem>>, vector<16xi32>,
      %parallel_loop3A_566 = arith.constant 4 : i32
      %parallel_loop3A_567 = vector.broadcast %parallel_loop3A_566 : i32 to vector<16xi32>
      %parallel_loop3A_568 = arith.shli %parallel_loop3A_565, %parallel_loop3A_567 : vector<16xi32>
      %parallel_loop3A_569 = arith.addi %parallel_loop3A_568, %iota3A : vector<16xi32>
      %parallel_loop3A_570 = tpu.vector_load_idx %arg6[%parallel_loop3A_569] : memref<2048xf32, #tpu.memory_space<vmem>>[vector<16xi32>], vector<16xf32>,
      %parallel_loop3A_571 = arith.addf %parallel_loop3A_531, %parallel_loop3A_570 : vector<16xf32>
      %parallel_loop3A_572 = arith.constant 96 : i32
      %parallel_loop3A_573 = arith.addi %parallel_loop3A_491, %parallel_loop3A_572 : i32
      %parallel_loop3A_574 = arith.index_cast %parallel_loop3A_573 : i32 to index
      %parallel_loop3A_575 = tpu.vector_load %arg7[%parallel_loop3A_574] {strides = array<i32>} : memref<20000xi32, #tpu.memory_space<vmem>>, vector<16xi32>,
      %parallel_loop3A_576 = arith.constant 4 : i32
      %parallel_loop3A_577 = vector.broadcast %parallel_loop3A_576 : i32 to vector<16xi32>
      %parallel_loop3A_578 = arith.shli %parallel_loop3A_575, %parallel_loop3A_577 : vector<16xi32>
      %parallel_loop3A_579 = arith.addi %parallel_loop3A_578, %iota3A : vector<16xi32>
      %parallel_loop3A_580 = tpu.vector_load_idx %arg6[%parallel_loop3A_579] : memref<2048xf32, #tpu.memory_space<vmem>>[vector<16xi32>], vector<16xf32>,
      %parallel_loop3A_581 = arith.addf %parallel_loop3A_541, %parallel_loop3A_580 : vector<16xf32>
      %parallel_loop3A_582 = arith.constant 112 : i32
      %parallel_loop3A_583 = arith.addi %parallel_loop3A_491, %parallel_loop3A_582 : i32
      %parallel_loop3A_584 = arith.index_cast %parallel_loop3A_583 : i32 to index
      %parallel_loop3A_585 = tpu.vector_load %arg7[%parallel_loop3A_584] {strides = array<i32>} : memref<20000xi32, #tpu.memory_space<vmem>>, vector<16xi32>,
      %parallel_loop3A_586 = arith.constant 4 : i32
      %parallel_loop3A_587 = vector.broadcast %parallel_loop3A_586 : i32 to vector<16xi32>
      %parallel_loop3A_588 = arith.shli %parallel_loop3A_585, %parallel_loop3A_587 : vector<16xi32>
      %parallel_loop3A_589 = arith.addi %parallel_loop3A_588, %iota3A : vector<16xi32>
      %parallel_loop3A_590 = tpu.vector_load_idx %arg6[%parallel_loop3A_589] : memref<2048xf32, #tpu.memory_space<vmem>>[vector<16xi32>], vector<16xf32>,
      %parallel_loop3A_591 = arith.addf %parallel_loop3A_551, %parallel_loop3A_590 : vector<16xf32>
      %parallel_loop3A_592 = arith.constant 128 : i32
      %parallel_loop3A_593 = arith.addi %parallel_loop3A_491, %parallel_loop3A_592 : i32
      %parallel_loop3A_594 = arith.index_cast %parallel_loop3A_593 : i32 to index
      %parallel_loop3A_595 = tpu.vector_load %arg7[%parallel_loop3A_594] {strides = array<i32>} : memref<20000xi32, #tpu.memory_space<vmem>>, vector<16xi32>,
      %parallel_loop3A_596 = arith.constant 4 : i32
      %parallel_loop3A_597 = vector.broadcast %parallel_loop3A_596 : i32 to vector<16xi32>
      %parallel_loop3A_598 = arith.shli %parallel_loop3A_595, %parallel_loop3A_597 : vector<16xi32>
      %parallel_loop3A_599 = arith.addi %parallel_loop3A_598, %iota3A : vector<16xi32>
      %parallel_loop3A_600 = tpu.vector_load_idx %arg6[%parallel_loop3A_599] : memref<2048xf32, #tpu.memory_space<vmem>>[vector<16xi32>], vector<16xf32>,
      %parallel_loop3A_601 = arith.addf %parallel_loop3A_561, %parallel_loop3A_600 : vector<16xf32>
      %parallel_loop3A_602 = arith.constant 144 : i32
      %parallel_loop3A_603 = arith.addi %parallel_loop3A_491, %parallel_loop3A_602 : i32
      %parallel_loop3A_604 = arith.index_cast %parallel_loop3A_603 : i32 to index
      %parallel_loop3A_605 = tpu.vector_load %arg7[%parallel_loop3A_604] {strides = array<i32>} : memref<20000xi32, #tpu.memory_space<vmem>>, vector<16xi32>,
      %parallel_loop3A_606 = arith.constant 4 : i32
      %parallel_loop3A_607 = vector.broadcast %parallel_loop3A_606 : i32 to vector<16xi32>
      %parallel_loop3A_608 = arith.shli %parallel_loop3A_605, %parallel_loop3A_607 : vector<16xi32>
      %parallel_loop3A_609 = arith.addi %parallel_loop3A_608, %iota3A : vector<16xi32>
      %parallel_loop3A_610 = tpu.vector_load_idx %arg6[%parallel_loop3A_609] : memref<2048xf32, #tpu.memory_space<vmem>>[vector<16xi32>], vector<16xf32>,
      %parallel_loop3A_611 = arith.addf %parallel_loop3A_571, %parallel_loop3A_610 : vector<16xf32>
      %parallel_loop3A_612 = arith.addf %parallel_loop3A_601, %parallel_loop3A_611 : vector<16xf32>
      %parallel_loop3A_613 = arith.addf %parallel_loop3A_612, %parallel_loop3A_581 : vector<16xf32>
      %parallel_loop3A_614 = arith.addf %parallel_loop3A_613, %parallel_loop3A_591 : vector<16xf32>
      %parallel_loop3A_615 = arith.constant true
      %parallel_loop3A_616 = vector.broadcast %parallel_loop3A_615 : i1 to vector<16xi1>
      %parallel_loop3A_617 = tpu.scan <sum>, %parallel_loop3A_614 masked %parallel_loop3A_616 : vector<16xf32>, vector<16xi1> -> vector<16xf32>
      tpu.vector_store_idx %arg11[%parallel_loop3A_499], %parallel_loop3A_617 masked %parallel_loop3A_511 {add = true} : memref<4096xf32, #tpu.memory_space<vmem>>[vector<16xi32>], vector<16xf32>, vector<16xi1>
    } {sc.loop_unroll_factor = 1 : i64, sc.parallel_access}
    %scan3A_33 = arith.constant 0 : i32
    %scan3A_34 = arith.constant 8 : i32
    %scan3A_35 = arith.addi %scan3A_33, %scan3A_34 : i32
    %scan3A_36 = arith.constant 1 : i32
    scf.for %scan3A_489 = %scan3A_33 to %scan3A_35 step %scan3A_36  : i32 {
      %mul3A_490 = arith.constant 16 : i32
      %mul3A_491 = arith.muli %scan3A_489, %mul3A_490 : i32
      %add3A_492 = vector.broadcast %mul3A_491 : i32 to vector<16xi32>
      %add3A_493 = arith.addi %add3A_492, %iota3A : vector<16xi32>
      %min3A_494 = arith.constant 124 : i32
      %min3A_495 = vector.broadcast %min3A_494 : i32 to vector<16xi32>
      %min3A_496 = arith.minsi %add3A_493, %min3A_495 : vector<16xi32>
      %add3A_497 = vector.broadcast %mul3A_491 : i32 to vector<16xi32>
      %add3A_498 = arith.addi %add3A_497, %iota3A : vector<16xi32>
      %lt3A = arith.constant 125 : i32
      %lt3A_499 = vector.broadcast %lt3A : i32 to vector<16xi32>
      %lt3A_500 = arith.cmpi slt, %add3A_498, %lt3A_499 : vector<16xi32>
      %mul3A_501 = arith.constant 160 : i32
      %mul3A_502 = vector.broadcast %mul3A_501 : i32 to vector<16xi32>
      %mul3A_503 = arith.muli %min3A_496, %mul3A_502 : vector<16xi32>
      %gather3A = tpu.vector_load_idx %arg8[%mul3A_503] : memref<20000xi32, #tpu.memory_space<vmem>>[vector<16xi32>], vector<16xi32>,
      %add3A_504 = arith.constant 159 : i32
      %add3A_505 = vector.broadcast %add3A_504 : i32 to vector<16xi32>
      %add3A_506 = arith.addi %mul3A_503, %add3A_505 : vector<16xi32>
      %gather3A_507 = tpu.vector_load_idx %arg8[%add3A_506] : memref<20000xi32, #tpu.memory_space<vmem>>[vector<16xi32>], vector<16xi32>,
      %ne3A = arith.cmpi ne, %gather3A, %gather3A_507 : vector<16xi32>
      %and3A = arith.andi %ne3A, %lt3A_500 : vector<16xi1>
      %while3A = scf.while (%while3A_508 = %and3A) : (vector<16xi1>) -> vector<16xi1> {
        %reduce_or3A = arith.constant 1.000000e+00 : f32
        %reduce_or3A_509 = arith.constant 0.000000e+00 : f32
        %reduce_or3A_510 = vector.broadcast %reduce_or3A : f32 to vector<16xf32>
        %reduce_or3A_511 = vector.broadcast %reduce_or3A_509 : f32 to vector<16xf32>
        %reduce_or3A_512 = arith.select %while3A_508, %reduce_or3A_510, %reduce_or3A_511 : vector<16xi1>, vector<16xf32>
        %reduce_or3A_513 = arith.constant true
        %reduce_or3A_514 = vector.broadcast %reduce_or3A_513 : i1 to vector<16xi1>
        %reduce_or3A_515 = tpu.scan <max>, %reduce_or3A_512 masked %reduce_or3A_514 : vector<16xf32>, vector<16xi1> -> vector<16xf32>
        %reduce_or3A_516 = vector.extract %reduce_or3A_515[15] : f32 from vector<16xf32>
        %reduce_or3A_517 = arith.constant 0.000000e+00 : f32
        %reduce_or3A_518 = arith.cmpf ogt, %reduce_or3A_516, %reduce_or3A_517 : f32
        scf.condition(%reduce_or3A_518) %while3A_508 : vector<16xi1>
      } do {
      ^bb0(%while3A_508: vector<16xi1>):
        %all_reduce_ffs3A = tpu.all_reduce %while3A_508 {dim = 0 : i64, kind = #tpu.reduction_kind<find_first_set>} : vector<16xi1> -> vector<16xi32>
        %slice3A = vector.extract_strided_slice %all_reduce_ffs3A {offsets = [0], sizes = [1], strides = [1]} : vector<16xi32> to vector<1xi32>
        %squeeze3A = vector.extract %slice3A[0] : i32 from vector<1xi32>
        %add3A_509 = arith.addi %mul3A_491, %squeeze3A : i32
        %parallel_loop3A_510 = arith.constant 0 : i32
        %parallel_loop3A_511 = arith.constant 10 : i32
        %parallel_loop3A_512 = arith.constant 1 : i32
        scf.for %parallel_loop3A_516 = %parallel_loop3A_510 to %parallel_loop3A_511 step %parallel_loop3A_512  : i32 {
          %parallel_loop3A_517 = arith.constant 160 : i32
          %parallel_loop3A_518 = arith.muli %add3A_509, %parallel_loop3A_517 : i32
          %parallel_loop3A_519 = arith.constant 16 : i32
          %parallel_loop3A_520 = arith.muli %parallel_loop3A_516, %parallel_loop3A_519 : i32
          %parallel_loop3A_521 = arith.addi %parallel_loop3A_518, %parallel_loop3A_520 : i32
          %parallel_loop3A_522 = arith.index_cast %parallel_loop3A_521 : i32 to index
          %parallel_loop3A_523 = tpu.vector_load %arg7[%parallel_loop3A_522] {strides = array<i32>} : memref<20000xi32, #tpu.memory_space<vmem>>, vector<16xi32>,
          %parallel_loop3A_524 = arith.index_cast %parallel_loop3A_521 : i32 to index
          %parallel_loop3A_525 = tpu.vector_load %arg8[%parallel_loop3A_524] {strides = array<i32>} : memref<20000xi32, #tpu.memory_space<vmem>>, vector<16xi32>,
          %parallel_loop3A_526 = arith.constant 4 : i32
          %parallel_loop3A_527 = vector.broadcast %parallel_loop3A_526 : i32 to vector<16xi32>
          %parallel_loop3A_528 = arith.shli %parallel_loop3A_523, %parallel_loop3A_527 : vector<16xi32>
          %parallel_loop3A_529 = arith.addi %parallel_loop3A_528, %iota3A : vector<16xi32>
          %parallel_loop3A_530 = tpu.vector_load_idx %arg6[%parallel_loop3A_529] : memref<2048xf32, #tpu.memory_space<vmem>>[vector<16xi32>], vector<16xf32>,
          %parallel_loop3A_531 = arith.constant true
          %parallel_loop3A_532 = vector.broadcast %parallel_loop3A_531 : i1 to vector<16xi1>
          %parallel_loop3A_533 = tpu.scan <sum>, %parallel_loop3A_530 masked %parallel_loop3A_532 : vector<16xf32>, vector<16xi1> -> vector<16xf32>
          %parallel_loop3A_534 = arith.constant 0 : i32
          %parallel_loop3A_535 = vector.broadcast %parallel_loop3A_534 : i32 to vector<16xi32>
          %parallel_loop3A_536 = arith.cmpi slt, %min3A_25, %parallel_loop3A_535 : vector<16xi32>
          %parallel_loop3A_537 = arith.constant 16 : i32
          %parallel_loop3A_538 = vector.broadcast %parallel_loop3A_537 : i32 to vector<16xi32>
          %parallel_loop3A_539 = arith.addi %min3A_25, %parallel_loop3A_538 : vector<16xi32>
          %parallel_loop3A_540 = arith.select %parallel_loop3A_536, %parallel_loop3A_539, %min3A_25 : vector<16xi1>, vector<16xi32>
          %parallel_loop3A_541 = vector.shape_cast %parallel_loop3A_540 : vector<16xi32> to vector<16x1xi32>
          %parallel_loop3A_542 = vector.shape_cast %parallel_loop3A_541 : vector<16x1xi32> to vector<16xi32>
          %parallel_loop3A_543 = tpu.dynamic_gather %parallel_loop3A_525[%parallel_loop3A_542] in [0] : vector<16xi32>, vector<16xi32> -> vector<16xi32>
          %parallel_loop3A_544 = arith.cmpi ne, %parallel_loop3A_525, %parallel_loop3A_543 : vector<16xi32>
          %parallel_loop3A_545 = arith.ori %parallel_loop3A_544, %eq3A_27 : vector<16xi1>
          tpu.vector_store_idx %arg11[%parallel_loop3A_525], %parallel_loop3A_533 masked %parallel_loop3A_545 {add = true} : memref<4096xf32, #tpu.memory_space<vmem>>[vector<16xi32>], vector<16xf32>, vector<16xi1>
          %parallel_loop3A_546 = arith.constant 0.000000e+00 : f32
          %parallel_loop3A_547 = vector.broadcast %parallel_loop3A_546 : f32 to vector<16xf32>
          %parallel_loop3A_548 = arith.subf %parallel_loop3A_547, %parallel_loop3A_533 : vector<16xf32>
          tpu.vector_store_idx %arg11[%parallel_loop3A_543], %parallel_loop3A_548 masked %parallel_loop3A_544 {add = true} : memref<4096xf32, #tpu.memory_space<vmem>>[vector<16xi32>], vector<16xf32>, vector<16xi1>
        } {sc.loop_unroll_factor = 1 : i64, sc.parallel_access}
        %ne3A_513 = vector.broadcast %squeeze3A : i32 to vector<16xi32>
        %ne3A_514 = arith.cmpi ne, %iota3A, %ne3A_513 : vector<16xi32>
        %and3A_515 = arith.andi %while3A_508, %ne3A_514 : vector<16xi1>
        scf.yield %and3A_515 : vector<16xi1>
      }
    }
    %scan3A_37 = arith.constant 8 : i32
    %add3A_38 = arith.constant 40000 : i32
    %add3A_39 = arith.addi %mul3A_2, %add3A_38 : i32
    %dma_start3A_40 = tpu.memref_slice %arg2[%add3A_39] : memref<6400000xi32, #tpu.memory_space<hbm>> -> memref<20000xi32, #tpu.memory_space<hbm>>
    %dma_start3A_41 = tpu.memref_slice %arg2[%add3A_39] : memref<6400000xi32, #tpu.memory_space<hbm>> -> memref<20000xi32, #tpu.memory_space<hbm>>
    tpu.enqueue_dma source(%dma_start3A_41 : memref<20000xi32, #tpu.memory_space<hbm>>) target(%arg7 : memref<20000xi32, #tpu.memory_space<vmem>>) target_semaphore(%arg15 : memref<!tpu.dma_semaphore, #tpu.memory_space<semaphore_mem>>)
    %dma_start3A_42 = tpu.memref_slice %arg3[%add3A_39] : memref<6400000xi32, #tpu.memory_space<hbm>> -> memref<20000xi32, #tpu.memory_space<hbm>>
    %dma_start3A_43 = tpu.memref_slice %arg3[%add3A_39] : memref<6400000xi32, #tpu.memory_space<hbm>> -> memref<20000xi32, #tpu.memory_space<hbm>>
    tpu.enqueue_dma source(%dma_start3A_43 : memref<20000xi32, #tpu.memory_space<hbm>>) target(%arg8 : memref<20000xi32, #tpu.memory_space<vmem>>) target_semaphore(%arg16 : memref<!tpu.dma_semaphore, #tpu.memory_space<semaphore_mem>>)
    %dma_wait3A_44 = tpu.memref_slice %arg2[%add3A_9] : memref<6400000xi32, #tpu.memory_space<hbm>> -> memref<20000xi32, #tpu.memory_space<hbm>>
    %dma_wait3A_45 = tpu.memref_slice %arg2[%add3A_9] : memref<6400000xi32, #tpu.memory_space<hbm>> -> memref<20000xi32, #tpu.memory_space<hbm>>
    tpu.wait_dma2 semaphore(%arg17 : memref<!tpu.dma_semaphore, #tpu.memory_space<semaphore_mem>>) src(%dma_wait3A_45 : memref<20000xi32, #tpu.memory_space<hbm>>) dst(%arg9 : memref<20000xi32, #tpu.memory_space<vmem>>)
    %dma_wait3A_46 = tpu.memref_slice %arg3[%add3A_9] : memref<6400000xi32, #tpu.memory_space<hbm>> -> memref<20000xi32, #tpu.memory_space<hbm>>
    %dma_wait3A_47 = tpu.memref_slice %arg3[%add3A_9] : memref<6400000xi32, #tpu.memory_space<hbm>> -> memref<20000xi32, #tpu.memory_space<hbm>>
    tpu.wait_dma2 semaphore(%arg18 : memref<!tpu.dma_semaphore, #tpu.memory_space<semaphore_mem>>) src(%dma_wait3A_47 : memref<20000xi32, #tpu.memory_space<hbm>>) dst(%arg10 : memref<20000xi32, #tpu.memory_space<vmem>>)
    %parallel_loop3A_48 = arith.constant 0 : i32
    %parallel_loop3A_49 = arith.constant 125 : i32
    %parallel_loop3A_50 = arith.constant 1 : i32
    scf.for %parallel_loop3A_489 = %parallel_loop3A_48 to %parallel_loop3A_49 step %parallel_loop3A_50  : i32 {
      %parallel_loop3A_490 = arith.constant 160 : i32
      %parallel_loop3A_491 = arith.muli %parallel_loop3A_489, %parallel_loop3A_490 : i32
      %parallel_loop3A_492 = arith.index_cast %parallel_loop3A_491 : i32 to index
      %parallel_loop3A_493 = tpu.vector_load %arg10[%parallel_loop3A_492] {strides = array<i32>} : memref<20000xi32, #tpu.memory_space<vmem>>, vector<16xi32>,
      %parallel_loop3A_494 = arith.constant 160 : i32
      %parallel_loop3A_495 = arith.addi %parallel_loop3A_491, %parallel_loop3A_494 : i32
      %parallel_loop3A_496 = arith.constant 16 : i32
      %parallel_loop3A_497 = arith.subi %parallel_loop3A_495, %parallel_loop3A_496 : i32
      %parallel_loop3A_498 = arith.index_cast %parallel_loop3A_497 : i32 to index
      %parallel_loop3A_499 = tpu.vector_load %arg10[%parallel_loop3A_498] {strides = array<i32>} : memref<20000xi32, #tpu.memory_space<vmem>>, vector<16xi32>,
      %parallel_loop3A_500 = arith.constant 0 : i32
      %parallel_loop3A_501 = vector.broadcast %parallel_loop3A_500 : i32 to vector<16xi32>
      %parallel_loop3A_502 = arith.cmpi slt, %broadcast_in_dim3A_20, %parallel_loop3A_501 : vector<16xi32>
      %parallel_loop3A_503 = arith.constant 16 : i32
      %parallel_loop3A_504 = vector.broadcast %parallel_loop3A_503 : i32 to vector<16xi32>
      %parallel_loop3A_505 = arith.addi %broadcast_in_dim3A_20, %parallel_loop3A_504 : vector<16xi32>
      %parallel_loop3A_506 = arith.select %parallel_loop3A_502, %parallel_loop3A_505, %broadcast_in_dim3A_20 : vector<16xi1>, vector<16xi32>
      %parallel_loop3A_507 = vector.shape_cast %parallel_loop3A_506 : vector<16xi32> to vector<16x1xi32>
      %parallel_loop3A_508 = vector.shape_cast %parallel_loop3A_507 : vector<16x1xi32> to vector<16xi32>
      %parallel_loop3A_509 = tpu.dynamic_gather %parallel_loop3A_493[%parallel_loop3A_508] in [0] : vector<16xi32>, vector<16xi32> -> vector<16xi32>
      %parallel_loop3A_510 = arith.cmpi eq, %parallel_loop3A_509, %parallel_loop3A_499 : vector<16xi32>
      %parallel_loop3A_511 = arith.andi %eq3A_27, %parallel_loop3A_510 : vector<16xi1>
      %parallel_loop3A_512 = arith.constant 0 : i32
      %parallel_loop3A_513 = arith.addi %parallel_loop3A_491, %parallel_loop3A_512 : i32
      %parallel_loop3A_514 = arith.index_cast %parallel_loop3A_513 : i32 to index
      %parallel_loop3A_515 = tpu.vector_load %arg9[%parallel_loop3A_514] {strides = array<i32>} : memref<20000xi32, #tpu.memory_space<vmem>>, vector<16xi32>,
      %parallel_loop3A_516 = arith.constant 4 : i32
      %parallel_loop3A_517 = vector.broadcast %parallel_loop3A_516 : i32 to vector<16xi32>
      %parallel_loop3A_518 = arith.shli %parallel_loop3A_515, %parallel_loop3A_517 : vector<16xi32>
      %parallel_loop3A_519 = arith.addi %parallel_loop3A_518, %iota3A : vector<16xi32>
      %parallel_loop3A_520 = tpu.vector_load_idx %arg6[%parallel_loop3A_519] : memref<2048xf32, #tpu.memory_space<vmem>>[vector<16xi32>], vector<16xf32>,
      %parallel_loop3A_521 = arith.addf %broadcast_in_dim3A_14, %parallel_loop3A_520 : vector<16xf32>
      %parallel_loop3A_522 = arith.constant 16 : i32
      %parallel_loop3A_523 = arith.addi %parallel_loop3A_491, %parallel_loop3A_522 : i32
      %parallel_loop3A_524 = arith.index_cast %parallel_loop3A_523 : i32 to index
      %parallel_loop3A_525 = tpu.vector_load %arg9[%parallel_loop3A_524] {strides = array<i32>} : memref<20000xi32, #tpu.memory_space<vmem>>, vector<16xi32>,
      %parallel_loop3A_526 = arith.constant 4 : i32
      %parallel_loop3A_527 = vector.broadcast %parallel_loop3A_526 : i32 to vector<16xi32>
      %parallel_loop3A_528 = arith.shli %parallel_loop3A_525, %parallel_loop3A_527 : vector<16xi32>
      %parallel_loop3A_529 = arith.addi %parallel_loop3A_528, %iota3A : vector<16xi32>
      %parallel_loop3A_530 = tpu.vector_load_idx %arg6[%parallel_loop3A_529] : memref<2048xf32, #tpu.memory_space<vmem>>[vector<16xi32>], vector<16xf32>,
      %parallel_loop3A_531 = arith.addf %broadcast_in_dim3A_14, %parallel_loop3A_530 : vector<16xf32>
      %parallel_loop3A_532 = arith.constant 32 : i32
      %parallel_loop3A_533 = arith.addi %parallel_loop3A_491, %parallel_loop3A_532 : i32
      %parallel_loop3A_534 = arith.index_cast %parallel_loop3A_533 : i32 to index
      %parallel_loop3A_535 = tpu.vector_load %arg9[%parallel_loop3A_534] {strides = array<i32>} : memref<20000xi32, #tpu.memory_space<vmem>>, vector<16xi32>,
      %parallel_loop3A_536 = arith.constant 4 : i32
      %parallel_loop3A_537 = vector.broadcast %parallel_loop3A_536 : i32 to vector<16xi32>
      %parallel_loop3A_538 = arith.shli %parallel_loop3A_535, %parallel_loop3A_537 : vector<16xi32>
      %parallel_loop3A_539 = arith.addi %parallel_loop3A_538, %iota3A : vector<16xi32>
      %parallel_loop3A_540 = tpu.vector_load_idx %arg6[%parallel_loop3A_539] : memref<2048xf32, #tpu.memory_space<vmem>>[vector<16xi32>], vector<16xf32>,
      %parallel_loop3A_541 = arith.addf %broadcast_in_dim3A_14, %parallel_loop3A_540 : vector<16xf32>
      %parallel_loop3A_542 = arith.constant 48 : i32
      %parallel_loop3A_543 = arith.addi %parallel_loop3A_491, %parallel_loop3A_542 : i32
      %parallel_loop3A_544 = arith.index_cast %parallel_loop3A_543 : i32 to index
      %parallel_loop3A_545 = tpu.vector_load %arg9[%parallel_loop3A_544] {strides = array<i32>} : memref<20000xi32, #tpu.memory_space<vmem>>, vector<16xi32>,
      %parallel_loop3A_546 = arith.constant 4 : i32
      %parallel_loop3A_547 = vector.broadcast %parallel_loop3A_546 : i32 to vector<16xi32>
      %parallel_loop3A_548 = arith.shli %parallel_loop3A_545, %parallel_loop3A_547 : vector<16xi32>
      %parallel_loop3A_549 = arith.addi %parallel_loop3A_548, %iota3A : vector<16xi32>
      %parallel_loop3A_550 = tpu.vector_load_idx %arg6[%parallel_loop3A_549] : memref<2048xf32, #tpu.memory_space<vmem>>[vector<16xi32>], vector<16xf32>,
      %parallel_loop3A_551 = arith.addf %broadcast_in_dim3A_14, %parallel_loop3A_550 : vector<16xf32>
      %parallel_loop3A_552 = arith.constant 64 : i32
      %parallel_loop3A_553 = arith.addi %parallel_loop3A_491, %parallel_loop3A_552 : i32
      %parallel_loop3A_554 = arith.index_cast %parallel_loop3A_553 : i32 to index
      %parallel_loop3A_555 = tpu.vector_load %arg9[%parallel_loop3A_554] {strides = array<i32>} : memref<20000xi32, #tpu.memory_space<vmem>>, vector<16xi32>,
      %parallel_loop3A_556 = arith.constant 4 : i32
      %parallel_loop3A_557 = vector.broadcast %parallel_loop3A_556 : i32 to vector<16xi32>
      %parallel_loop3A_558 = arith.shli %parallel_loop3A_555, %parallel_loop3A_557 : vector<16xi32>
      %parallel_loop3A_559 = arith.addi %parallel_loop3A_558, %iota3A : vector<16xi32>
      %parallel_loop3A_560 = tpu.vector_load_idx %arg6[%parallel_loop3A_559] : memref<2048xf32, #tpu.memory_space<vmem>>[vector<16xi32>], vector<16xf32>,
      %parallel_loop3A_561 = arith.addf %parallel_loop3A_521, %parallel_loop3A_560 : vector<16xf32>
      %parallel_loop3A_562 = arith.constant 80 : i32
      %parallel_loop3A_563 = arith.addi %parallel_loop3A_491, %parallel_loop3A_562 : i32
      %parallel_loop3A_564 = arith.index_cast %parallel_loop3A_563 : i32 to index
      %parallel_loop3A_565 = tpu.vector_load %arg9[%parallel_loop3A_564] {strides = array<i32>} : memref<20000xi32, #tpu.memory_space<vmem>>, vector<16xi32>,
      %parallel_loop3A_566 = arith.constant 4 : i32
      %parallel_loop3A_567 = vector.broadcast %parallel_loop3A_566 : i32 to vector<16xi32>
      %parallel_loop3A_568 = arith.shli %parallel_loop3A_565, %parallel_loop3A_567 : vector<16xi32>
      %parallel_loop3A_569 = arith.addi %parallel_loop3A_568, %iota3A : vector<16xi32>
      %parallel_loop3A_570 = tpu.vector_load_idx %arg6[%parallel_loop3A_569] : memref<2048xf32, #tpu.memory_space<vmem>>[vector<16xi32>], vector<16xf32>,
      %parallel_loop3A_571 = arith.addf %parallel_loop3A_531, %parallel_loop3A_570 : vector<16xf32>
      %parallel_loop3A_572 = arith.constant 96 : i32
      %parallel_loop3A_573 = arith.addi %parallel_loop3A_491, %parallel_loop3A_572 : i32
      %parallel_loop3A_574 = arith.index_cast %parallel_loop3A_573 : i32 to index
      %parallel_loop3A_575 = tpu.vector_load %arg9[%parallel_loop3A_574] {strides = array<i32>} : memref<20000xi32, #tpu.memory_space<vmem>>, vector<16xi32>,
      %parallel_loop3A_576 = arith.constant 4 : i32
      %parallel_loop3A_577 = vector.broadcast %parallel_loop3A_576 : i32 to vector<16xi32>
      %parallel_loop3A_578 = arith.shli %parallel_loop3A_575, %parallel_loop3A_577 : vector<16xi32>
      %parallel_loop3A_579 = arith.addi %parallel_loop3A_578, %iota3A : vector<16xi32>
      %parallel_loop3A_580 = tpu.vector_load_idx %arg6[%parallel_loop3A_579] : memref<2048xf32, #tpu.memory_space<vmem>>[vector<16xi32>], vector<16xf32>,
      %parallel_loop3A_581 = arith.addf %parallel_loop3A_541, %parallel_loop3A_580 : vector<16xf32>
      %parallel_loop3A_582 = arith.constant 112 : i32
      %parallel_loop3A_583 = arith.addi %parallel_loop3A_491, %parallel_loop3A_582 : i32
      %parallel_loop3A_584 = arith.index_cast %parallel_loop3A_583 : i32 to index
      %parallel_loop3A_585 = tpu.vector_load %arg9[%parallel_loop3A_584] {strides = array<i32>} : memref<20000xi32, #tpu.memory_space<vmem>>, vector<16xi32>,
      %parallel_loop3A_586 = arith.constant 4 : i32
      %parallel_loop3A_587 = vector.broadcast %parallel_loop3A_586 : i32 to vector<16xi32>
      %parallel_loop3A_588 = arith.shli %parallel_loop3A_585, %parallel_loop3A_587 : vector<16xi32>
      %parallel_loop3A_589 = arith.addi %parallel_loop3A_588, %iota3A : vector<16xi32>
      %parallel_loop3A_590 = tpu.vector_load_idx %arg6[%parallel_loop3A_589] : memref<2048xf32, #tpu.memory_space<vmem>>[vector<16xi32>], vector<16xf32>,
      %parallel_loop3A_591 = arith.addf %parallel_loop3A_551, %parallel_loop3A_590 : vector<16xf32>
      %parallel_loop3A_592 = arith.constant 128 : i32
      %parallel_loop3A_593 = arith.addi %parallel_loop3A_491, %parallel_loop3A_592 : i32
      %parallel_loop3A_594 = arith.index_cast %parallel_loop3A_593 : i32 to index
      %parallel_loop3A_595 = tpu.vector_load %arg9[%parallel_loop3A_594] {strides = array<i32>} : memref<20000xi32, #tpu.memory_space<vmem>>, vector<16xi32>,
      %parallel_loop3A_596 = arith.constant 4 : i32
      %parallel_loop3A_597 = vector.broadcast %parallel_loop3A_596 : i32 to vector<16xi32>
      %parallel_loop3A_598 = arith.shli %parallel_loop3A_595, %parallel_loop3A_597 : vector<16xi32>
      %parallel_loop3A_599 = arith.addi %parallel_loop3A_598, %iota3A : vector<16xi32>
      %parallel_loop3A_600 = tpu.vector_load_idx %arg6[%parallel_loop3A_599] : memref<2048xf32, #tpu.memory_space<vmem>>[vector<16xi32>], vector<16xf32>,
      %parallel_loop3A_601 = arith.addf %parallel_loop3A_561, %parallel_loop3A_600 : vector<16xf32>
      %parallel_loop3A_602 = arith.constant 144 : i32
      %parallel_loop3A_603 = arith.addi %parallel_loop3A_491, %parallel_loop3A_602 : i32
      %parallel_loop3A_604 = arith.index_cast %parallel_loop3A_603 : i32 to index
      %parallel_loop3A_605 = tpu.vector_load %arg9[%parallel_loop3A_604] {strides = array<i32>} : memref<20000xi32, #tpu.memory_space<vmem>>, vector<16xi32>,
      %parallel_loop3A_606 = arith.constant 4 : i32
      %parallel_loop3A_607 = vector.broadcast %parallel_loop3A_606 : i32 to vector<16xi32>
      %parallel_loop3A_608 = arith.shli %parallel_loop3A_605, %parallel_loop3A_607 : vector<16xi32>
      %parallel_loop3A_609 = arith.addi %parallel_loop3A_608, %iota3A : vector<16xi32>
      %parallel_loop3A_610 = tpu.vector_load_idx %arg6[%parallel_loop3A_609] : memref<2048xf32, #tpu.memory_space<vmem>>[vector<16xi32>], vector<16xf32>,
      %parallel_loop3A_611 = arith.addf %parallel_loop3A_571, %parallel_loop3A_610 : vector<16xf32>
      %parallel_loop3A_612 = arith.addf %parallel_loop3A_601, %parallel_loop3A_611 : vector<16xf32>
      %parallel_loop3A_613 = arith.addf %parallel_loop3A_612, %parallel_loop3A_581 : vector<16xf32>
      %parallel_loop3A_614 = arith.addf %parallel_loop3A_613, %parallel_loop3A_591 : vector<16xf32>
      %parallel_loop3A_615 = arith.constant true
      %parallel_loop3A_616 = vector.broadcast %parallel_loop3A_615 : i1 to vector<16xi1>
      %parallel_loop3A_617 = tpu.scan <sum>, %parallel_loop3A_614 masked %parallel_loop3A_616 : vector<16xf32>, vector<16xi1> -> vector<16xf32>
      tpu.vector_store_idx %arg11[%parallel_loop3A_499], %parallel_loop3A_617 masked %parallel_loop3A_511 {add = true} : memref<4096xf32, #tpu.memory_space<vmem>>[vector<16xi32>], vector<16xf32>, vector<16xi1>
    } {sc.loop_unroll_factor = 1 : i64, sc.parallel_access}
    %scan3A_51 = arith.constant 0 : i32
    %scan3A_52 = arith.constant 8 : i32
    %scan3A_53 = arith.addi %scan3A_51, %scan3A_52 : i32
    %scan3A_54 = arith.constant 1 : i32
    scf.for %scan3A_489 = %scan3A_51 to %scan3A_53 step %scan3A_54  : i32 {
      %mul3A_490 = arith.constant 16 : i32
      %mul3A_491 = arith.muli %scan3A_489, %mul3A_490 : i32
      %add3A_492 = vector.broadcast %mul3A_491 : i32 to vector<16xi32>
      %add3A_493 = arith.addi %add3A_492, %iota3A : vector<16xi32>
      %min3A_494 = arith.constant 124 : i32
      %min3A_495 = vector.broadcast %min3A_494 : i32 to vector<16xi32>
      %min3A_496 = arith.minsi %add3A_493, %min3A_495 : vector<16xi32>
      %add3A_497 = vector.broadcast %mul3A_491 : i32 to vector<16xi32>
      %add3A_498 = arith.addi %add3A_497, %iota3A : vector<16xi32>
      %lt3A = arith.constant 125 : i32
      %lt3A_499 = vector.broadcast %lt3A : i32 to vector<16xi32>
      %lt3A_500 = arith.cmpi slt, %add3A_498, %lt3A_499 : vector<16xi32>
      %mul3A_501 = arith.constant 160 : i32
      %mul3A_502 = vector.broadcast %mul3A_501 : i32 to vector<16xi32>
      %mul3A_503 = arith.muli %min3A_496, %mul3A_502 : vector<16xi32>
      %gather3A = tpu.vector_load_idx %arg10[%mul3A_503] : memref<20000xi32, #tpu.memory_space<vmem>>[vector<16xi32>], vector<16xi32>,
      %add3A_504 = arith.constant 159 : i32
      %add3A_505 = vector.broadcast %add3A_504 : i32 to vector<16xi32>
      %add3A_506 = arith.addi %mul3A_503, %add3A_505 : vector<16xi32>
      %gather3A_507 = tpu.vector_load_idx %arg10[%add3A_506] : memref<20000xi32, #tpu.memory_space<vmem>>[vector<16xi32>], vector<16xi32>,
      %ne3A = arith.cmpi ne, %gather3A, %gather3A_507 : vector<16xi32>
      %and3A = arith.andi %ne3A, %lt3A_500 : vector<16xi1>
      %while3A = scf.while (%while3A_508 = %and3A) : (vector<16xi1>) -> vector<16xi1> {
        %reduce_or3A = arith.constant 1.000000e+00 : f32
        %reduce_or3A_509 = arith.constant 0.000000e+00 : f32
        %reduce_or3A_510 = vector.broadcast %reduce_or3A : f32 to vector<16xf32>
        %reduce_or3A_511 = vector.broadcast %reduce_or3A_509 : f32 to vector<16xf32>
        %reduce_or3A_512 = arith.select %while3A_508, %reduce_or3A_510, %reduce_or3A_511 : vector<16xi1>, vector<16xf32>
        %reduce_or3A_513 = arith.constant true
        %reduce_or3A_514 = vector.broadcast %reduce_or3A_513 : i1 to vector<16xi1>
        %reduce_or3A_515 = tpu.scan <max>, %reduce_or3A_512 masked %reduce_or3A_514 : vector<16xf32>, vector<16xi1> -> vector<16xf32>
        %reduce_or3A_516 = vector.extract %reduce_or3A_515[15] : f32 from vector<16xf32>
        %reduce_or3A_517 = arith.constant 0.000000e+00 : f32
        %reduce_or3A_518 = arith.cmpf ogt, %reduce_or3A_516, %reduce_or3A_517 : f32
        scf.condition(%reduce_or3A_518) %while3A_508 : vector<16xi1>
      } do {
      ^bb0(%while3A_508: vector<16xi1>):
        %all_reduce_ffs3A = tpu.all_reduce %while3A_508 {dim = 0 : i64, kind = #tpu.reduction_kind<find_first_set>} : vector<16xi1> -> vector<16xi32>
        %slice3A = vector.extract_strided_slice %all_reduce_ffs3A {offsets = [0], sizes = [1], strides = [1]} : vector<16xi32> to vector<1xi32>
        %squeeze3A = vector.extract %slice3A[0] : i32 from vector<1xi32>
        %add3A_509 = arith.addi %mul3A_491, %squeeze3A : i32
        %parallel_loop3A_510 = arith.constant 0 : i32
        %parallel_loop3A_511 = arith.constant 10 : i32
        %parallel_loop3A_512 = arith.constant 1 : i32
        scf.for %parallel_loop3A_516 = %parallel_loop3A_510 to %parallel_loop3A_511 step %parallel_loop3A_512  : i32 {
          %parallel_loop3A_517 = arith.constant 160 : i32
          %parallel_loop3A_518 = arith.muli %add3A_509, %parallel_loop3A_517 : i32
          %parallel_loop3A_519 = arith.constant 16 : i32
          %parallel_loop3A_520 = arith.muli %parallel_loop3A_516, %parallel_loop3A_519 : i32
          %parallel_loop3A_521 = arith.addi %parallel_loop3A_518, %parallel_loop3A_520 : i32
          %parallel_loop3A_522 = arith.index_cast %parallel_loop3A_521 : i32 to index
          %parallel_loop3A_523 = tpu.vector_load %arg9[%parallel_loop3A_522] {strides = array<i32>} : memref<20000xi32, #tpu.memory_space<vmem>>, vector<16xi32>,
          %parallel_loop3A_524 = arith.index_cast %parallel_loop3A_521 : i32 to index
          %parallel_loop3A_525 = tpu.vector_load %arg10[%parallel_loop3A_524] {strides = array<i32>} : memref<20000xi32, #tpu.memory_space<vmem>>, vector<16xi32>,
          %parallel_loop3A_526 = arith.constant 4 : i32
          %parallel_loop3A_527 = vector.broadcast %parallel_loop3A_526 : i32 to vector<16xi32>
          %parallel_loop3A_528 = arith.shli %parallel_loop3A_523, %parallel_loop3A_527 : vector<16xi32>
          %parallel_loop3A_529 = arith.addi %parallel_loop3A_528, %iota3A : vector<16xi32>
          %parallel_loop3A_530 = tpu.vector_load_idx %arg6[%parallel_loop3A_529] : memref<2048xf32, #tpu.memory_space<vmem>>[vector<16xi32>], vector<16xf32>,
          %parallel_loop3A_531 = arith.constant true
          %parallel_loop3A_532 = vector.broadcast %parallel_loop3A_531 : i1 to vector<16xi1>
          %parallel_loop3A_533 = tpu.scan <sum>, %parallel_loop3A_530 masked %parallel_loop3A_532 : vector<16xf32>, vector<16xi1> -> vector<16xf32>
          %parallel_loop3A_534 = arith.constant 0 : i32
          %parallel_loop3A_535 = vector.broadcast %parallel_loop3A_534 : i32 to vector<16xi32>
          %parallel_loop3A_536 = arith.cmpi slt, %min3A_25, %parallel_loop3A_535 : vector<16xi32>
          %parallel_loop3A_537 = arith.constant 16 : i32
          %parallel_loop3A_538 = vector.broadcast %parallel_loop3A_537 : i32 to vector<16xi32>
          %parallel_loop3A_539 = arith.addi %min3A_25, %parallel_loop3A_538 : vector<16xi32>
          %parallel_loop3A_540 = arith.select %parallel_loop3A_536, %parallel_loop3A_539, %min3A_25 : vector<16xi1>, vector<16xi32>
          %parallel_loop3A_541 = vector.shape_cast %parallel_loop3A_540 : vector<16xi32> to vector<16x1xi32>
          %parallel_loop3A_542 = vector.shape_cast %parallel_loop3A_541 : vector<16x1xi32> to vector<16xi32>
          %parallel_loop3A_543 = tpu.dynamic_gather %parallel_loop3A_525[%parallel_loop3A_542] in [0] : vector<16xi32>, vector<16xi32> -> vector<16xi32>
          %parallel_loop3A_544 = arith.cmpi ne, %parallel_loop3A_525, %parallel_loop3A_543 : vector<16xi32>
          %parallel_loop3A_545 = arith.ori %parallel_loop3A_544, %eq3A_27 : vector<16xi1>
          tpu.vector_store_idx %arg11[%parallel_loop3A_525], %parallel_loop3A_533 masked %parallel_loop3A_545 {add = true} : memref<4096xf32, #tpu.memory_space<vmem>>[vector<16xi32>], vector<16xf32>, vector<16xi1>
          %parallel_loop3A_546 = arith.constant 0.000000e+00 : f32
          %parallel_loop3A_547 = vector.broadcast %parallel_loop3A_546 : f32 to vector<16xf32>
          %parallel_loop3A_548 = arith.subf %parallel_loop3A_547, %parallel_loop3A_533 : vector<16xf32>
          tpu.vector_store_idx %arg11[%parallel_loop3A_543], %parallel_loop3A_548 masked %parallel_loop3A_544 {add = true} : memref<4096xf32, #tpu.memory_space<vmem>>[vector<16xi32>], vector<16xf32>, vector<16xi1>
        } {sc.loop_unroll_factor = 1 : i64, sc.parallel_access}
        %ne3A_513 = vector.broadcast %squeeze3A : i32 to vector<16xi32>
        %ne3A_514 = arith.cmpi ne, %iota3A, %ne3A_513 : vector<16xi32>
        %and3A_515 = arith.andi %while3A_508, %ne3A_514 : vector<16xi1>
        scf.yield %and3A_515 : vector<16xi1>
      }
    }
    %scan3A_55 = arith.constant 8 : i32
    %add3A_56 = arith.constant 60000 : i32
    %add3A_57 = arith.addi %mul3A_2, %add3A_56 : i32
    %dma_start3A_58 = tpu.memref_slice %arg2[%add3A_57] : memref<6400000xi32, #tpu.memory_space<hbm>> -> memref<20000xi32, #tpu.memory_space<hbm>>
    %dma_start3A_59 = tpu.memref_slice %arg2[%add3A_57] : memref<6400000xi32, #tpu.memory_space<hbm>> -> memref<20000xi32, #tpu.memory_space<hbm>>
    tpu.enqueue_dma source(%dma_start3A_59 : memref<20000xi32, #tpu.memory_space<hbm>>) target(%arg9 : memref<20000xi32, #tpu.memory_space<vmem>>) target_semaphore(%arg17 : memref<!tpu.dma_semaphore, #tpu.memory_space<semaphore_mem>>)
    %dma_start3A_60 = tpu.memref_slice %arg3[%add3A_57] : memref<6400000xi32, #tpu.memory_space<hbm>> -> memref<20000xi32, #tpu.memory_space<hbm>>
    %dma_start3A_61 = tpu.memref_slice %arg3[%add3A_57] : memref<6400000xi32, #tpu.memory_space<hbm>> -> memref<20000xi32, #tpu.memory_space<hbm>>
    tpu.enqueue_dma source(%dma_start3A_61 : memref<20000xi32, #tpu.memory_space<hbm>>) target(%arg10 : memref<20000xi32, #tpu.memory_space<vmem>>) target_semaphore(%arg18 : memref<!tpu.dma_semaphore, #tpu.memory_space<semaphore_mem>>)
    %dma_wait3A_62 = tpu.memref_slice %arg2[%add3A_39] : memref<6400000xi32, #tpu.memory_space<hbm>> -> memref<20000xi32, #tpu.memory_space<hbm>>
    %dma_wait3A_63 = tpu.memref_slice %arg2[%add3A_39] : memref<6400000xi32, #tpu.memory_space<hbm>> -> memref<20000xi32, #tpu.memory_space<hbm>>
    tpu.wait_dma2 semaphore(%arg15 : memref<!tpu.dma_semaphore, #tpu.memory_space<semaphore_mem>>) src(%dma_wait3A_63 : memref<20000xi32, #tpu.memory_space<hbm>>) dst(%arg7 : memref<20000xi32, #tpu.memory_space<vmem>>)
    %dma_wait3A_64 = tpu.memref_slice %arg3[%add3A_39] : memref<6400000xi32, #tpu.memory_space<hbm>> -> memref<20000xi32, #tpu.memory_space<hbm>>
    %dma_wait3A_65 = tpu.memref_slice %arg3[%add3A_39] : memref<6400000xi32, #tpu.memory_space<hbm>> -> memref<20000xi32, #tpu.memory_space<hbm>>
    tpu.wait_dma2 semaphore(%arg16 : memref<!tpu.dma_semaphore, #tpu.memory_space<semaphore_mem>>) src(%dma_wait3A_65 : memref<20000xi32, #tpu.memory_space<hbm>>) dst(%arg8 : memref<20000xi32, #tpu.memory_space<vmem>>)
    %parallel_loop3A_66 = arith.constant 0 : i32
    %parallel_loop3A_67 = arith.constant 125 : i32
    %parallel_loop3A_68 = arith.constant 1 : i32
    scf.for %parallel_loop3A_489 = %parallel_loop3A_66 to %parallel_loop3A_67 step %parallel_loop3A_68  : i32 {
      %parallel_loop3A_490 = arith.constant 160 : i32
      %parallel_loop3A_491 = arith.muli %parallel_loop3A_489, %parallel_loop3A_490 : i32
      %parallel_loop3A_492 = arith.index_cast %parallel_loop3A_491 : i32 to index
      %parallel_loop3A_493 = tpu.vector_load %arg8[%parallel_loop3A_492] {strides = array<i32>} : memref<20000xi32, #tpu.memory_space<vmem>>, vector<16xi32>,
      %parallel_loop3A_494 = arith.constant 160 : i32
      %parallel_loop3A_495 = arith.addi %parallel_loop3A_491, %parallel_loop3A_494 : i32
      %parallel_loop3A_496 = arith.constant 16 : i32
      %parallel_loop3A_497 = arith.subi %parallel_loop3A_495, %parallel_loop3A_496 : i32
      %parallel_loop3A_498 = arith.index_cast %parallel_loop3A_497 : i32 to index
      %parallel_loop3A_499 = tpu.vector_load %arg8[%parallel_loop3A_498] {strides = array<i32>} : memref<20000xi32, #tpu.memory_space<vmem>>, vector<16xi32>,
      %parallel_loop3A_500 = arith.constant 0 : i32
      %parallel_loop3A_501 = vector.broadcast %parallel_loop3A_500 : i32 to vector<16xi32>
      %parallel_loop3A_502 = arith.cmpi slt, %broadcast_in_dim3A_20, %parallel_loop3A_501 : vector<16xi32>
      %parallel_loop3A_503 = arith.constant 16 : i32
      %parallel_loop3A_504 = vector.broadcast %parallel_loop3A_503 : i32 to vector<16xi32>
      %parallel_loop3A_505 = arith.addi %broadcast_in_dim3A_20, %parallel_loop3A_504 : vector<16xi32>
      %parallel_loop3A_506 = arith.select %parallel_loop3A_502, %parallel_loop3A_505, %broadcast_in_dim3A_20 : vector<16xi1>, vector<16xi32>
      %parallel_loop3A_507 = vector.shape_cast %parallel_loop3A_506 : vector<16xi32> to vector<16x1xi32>
      %parallel_loop3A_508 = vector.shape_cast %parallel_loop3A_507 : vector<16x1xi32> to vector<16xi32>
      %parallel_loop3A_509 = tpu.dynamic_gather %parallel_loop3A_493[%parallel_loop3A_508] in [0] : vector<16xi32>, vector<16xi32> -> vector<16xi32>
      %parallel_loop3A_510 = arith.cmpi eq, %parallel_loop3A_509, %parallel_loop3A_499 : vector<16xi32>
      %parallel_loop3A_511 = arith.andi %eq3A_27, %parallel_loop3A_510 : vector<16xi1>
      %parallel_loop3A_512 = arith.constant 0 : i32
      %parallel_loop3A_513 = arith.addi %parallel_loop3A_491, %parallel_loop3A_512 : i32
      %parallel_loop3A_514 = arith.index_cast %parallel_loop3A_513 : i32 to index
      %parallel_loop3A_515 = tpu.vector_load %arg7[%parallel_loop3A_514] {strides = array<i32>} : memref<20000xi32, #tpu.memory_space<vmem>>, vector<16xi32>,
      %parallel_loop3A_516 = arith.constant 4 : i32
      %parallel_loop3A_517 = vector.broadcast %parallel_loop3A_516 : i32 to vector<16xi32>
      %parallel_loop3A_518 = arith.shli %parallel_loop3A_515, %parallel_loop3A_517 : vector<16xi32>
      %parallel_loop3A_519 = arith.addi %parallel_loop3A_518, %iota3A : vector<16xi32>
      %parallel_loop3A_520 = tpu.vector_load_idx %arg6[%parallel_loop3A_519] : memref<2048xf32, #tpu.memory_space<vmem>>[vector<16xi32>], vector<16xf32>,
      %parallel_loop3A_521 = arith.addf %broadcast_in_dim3A_14, %parallel_loop3A_520 : vector<16xf32>
      %parallel_loop3A_522 = arith.constant 16 : i32
      %parallel_loop3A_523 = arith.addi %parallel_loop3A_491, %parallel_loop3A_522 : i32
      %parallel_loop3A_524 = arith.index_cast %parallel_loop3A_523 : i32 to index
      %parallel_loop3A_525 = tpu.vector_load %arg7[%parallel_loop3A_524] {strides = array<i32>} : memref<20000xi32, #tpu.memory_space<vmem>>, vector<16xi32>,
      %parallel_loop3A_526 = arith.constant 4 : i32
      %parallel_loop3A_527 = vector.broadcast %parallel_loop3A_526 : i32 to vector<16xi32>
      %parallel_loop3A_528 = arith.shli %parallel_loop3A_525, %parallel_loop3A_527 : vector<16xi32>
      %parallel_loop3A_529 = arith.addi %parallel_loop3A_528, %iota3A : vector<16xi32>
      %parallel_loop3A_530 = tpu.vector_load_idx %arg6[%parallel_loop3A_529] : memref<2048xf32, #tpu.memory_space<vmem>>[vector<16xi32>], vector<16xf32>,
      %parallel_loop3A_531 = arith.addf %broadcast_in_dim3A_14, %parallel_loop3A_530 : vector<16xf32>
      %parallel_loop3A_532 = arith.constant 32 : i32
      %parallel_loop3A_533 = arith.addi %parallel_loop3A_491, %parallel_loop3A_532 : i32
      %parallel_loop3A_534 = arith.index_cast %parallel_loop3A_533 : i32 to index
      %parallel_loop3A_535 = tpu.vector_load %arg7[%parallel_loop3A_534] {strides = array<i32>} : memref<20000xi32, #tpu.memory_space<vmem>>, vector<16xi32>,
      %parallel_loop3A_536 = arith.constant 4 : i32
      %parallel_loop3A_537 = vector.broadcast %parallel_loop3A_536 : i32 to vector<16xi32>
      %parallel_loop3A_538 = arith.shli %parallel_loop3A_535, %parallel_loop3A_537 : vector<16xi32>
      %parallel_loop3A_539 = arith.addi %parallel_loop3A_538, %iota3A : vector<16xi32>
      %parallel_loop3A_540 = tpu.vector_load_idx %arg6[%parallel_loop3A_539] : memref<2048xf32, #tpu.memory_space<vmem>>[vector<16xi32>], vector<16xf32>,
      %parallel_loop3A_541 = arith.addf %broadcast_in_dim3A_14, %parallel_loop3A_540 : vector<16xf32>
      %parallel_loop3A_542 = arith.constant 48 : i32
      %parallel_loop3A_543 = arith.addi %parallel_loop3A_491, %parallel_loop3A_542 : i32
      %parallel_loop3A_544 = arith.index_cast %parallel_loop3A_543 : i32 to index
      %parallel_loop3A_545 = tpu.vector_load %arg7[%parallel_loop3A_544] {strides = array<i32>} : memref<20000xi32, #tpu.memory_space<vmem>>, vector<16xi32>,
      %parallel_loop3A_546 = arith.constant 4 : i32
      %parallel_loop3A_547 = vector.broadcast %parallel_loop3A_546 : i32 to vector<16xi32>
      %parallel_loop3A_548 = arith.shli %parallel_loop3A_545, %parallel_loop3A_547 : vector<16xi32>
      %parallel_loop3A_549 = arith.addi %parallel_loop3A_548, %iota3A : vector<16xi32>
      %parallel_loop3A_550 = tpu.vector_load_idx %arg6[%parallel_loop3A_549] : memref<2048xf32, #tpu.memory_space<vmem>>[vector<16xi32>], vector<16xf32>,
      %parallel_loop3A_551 = arith.addf %broadcast_in_dim3A_14, %parallel_loop3A_550 : vector<16xf32>
      %parallel_loop3A_552 = arith.constant 64 : i32
      %parallel_loop3A_553 = arith.addi %parallel_loop3A_491, %parallel_loop3A_552 : i32
      %parallel_loop3A_554 = arith.index_cast %parallel_loop3A_553 : i32 to index
      %parallel_loop3A_555 = tpu.vector_load %arg7[%parallel_loop3A_554] {strides = array<i32>} : memref<20000xi32, #tpu.memory_space<vmem>>, vector<16xi32>,
      %parallel_loop3A_556 = arith.constant 4 : i32
      %parallel_loop3A_557 = vector.broadcast %parallel_loop3A_556 : i32 to vector<16xi32>
      %parallel_loop3A_558 = arith.shli %parallel_loop3A_555, %parallel_loop3A_557 : vector<16xi32>
      %parallel_loop3A_559 = arith.addi %parallel_loop3A_558, %iota3A : vector<16xi32>
      %parallel_loop3A_560 = tpu.vector_load_idx %arg6[%parallel_loop3A_559] : memref<2048xf32, #tpu.memory_space<vmem>>[vector<16xi32>], vector<16xf32>,
      %parallel_loop3A_561 = arith.addf %parallel_loop3A_521, %parallel_loop3A_560 : vector<16xf32>
      %parallel_loop3A_562 = arith.constant 80 : i32
      %parallel_loop3A_563 = arith.addi %parallel_loop3A_491, %parallel_loop3A_562 : i32
      %parallel_loop3A_564 = arith.index_cast %parallel_loop3A_563 : i32 to index
      %parallel_loop3A_565 = tpu.vector_load %arg7[%parallel_loop3A_564] {strides = array<i32>} : memref<20000xi32, #tpu.memory_space<vmem>>, vector<16xi32>,
      %parallel_loop3A_566 = arith.constant 4 : i32
      %parallel_loop3A_567 = vector.broadcast %parallel_loop3A_566 : i32 to vector<16xi32>
      %parallel_loop3A_568 = arith.shli %parallel_loop3A_565, %parallel_loop3A_567 : vector<16xi32>
      %parallel_loop3A_569 = arith.addi %parallel_loop3A_568, %iota3A : vector<16xi32>
      %parallel_loop3A_570 = tpu.vector_load_idx %arg6[%parallel_loop3A_569] : memref<2048xf32, #tpu.memory_space<vmem>>[vector<16xi32>], vector<16xf32>,
      %parallel_loop3A_571 = arith.addf %parallel_loop3A_531, %parallel_loop3A_570 : vector<16xf32>
      %parallel_loop3A_572 = arith.constant 96 : i32
      %parallel_loop3A_573 = arith.addi %parallel_loop3A_491, %parallel_loop3A_572 : i32
      %parallel_loop3A_574 = arith.index_cast %parallel_loop3A_573 : i32 to index
      %parallel_loop3A_575 = tpu.vector_load %arg7[%parallel_loop3A_574] {strides = array<i32>} : memref<20000xi32, #tpu.memory_space<vmem>>, vector<16xi32>,
      %parallel_loop3A_576 = arith.constant 4 : i32
      %parallel_loop3A_577 = vector.broadcast %parallel_loop3A_576 : i32 to vector<16xi32>
      %parallel_loop3A_578 = arith.shli %parallel_loop3A_575, %parallel_loop3A_577 : vector<16xi32>
      %parallel_loop3A_579 = arith.addi %parallel_loop3A_578, %iota3A : vector<16xi32>
      %parallel_loop3A_580 = tpu.vector_load_idx %arg6[%parallel_loop3A_579] : memref<2048xf32, #tpu.memory_space<vmem>>[vector<16xi32>], vector<16xf32>,
      %parallel_loop3A_581 = arith.addf %parallel_loop3A_541, %parallel_loop3A_580 : vector<16xf32>
      %parallel_loop3A_582 = arith.constant 112 : i32
      %parallel_loop3A_583 = arith.addi %parallel_loop3A_491, %parallel_loop3A_582 : i32
      %parallel_loop3A_584 = arith.index_cast %parallel_loop3A_583 : i32 to index
      %parallel_loop3A_585 = tpu.vector_load %arg7[%parallel_loop3A_584] {strides = array<i32>} : memref<20000xi32, #tpu.memory_space<vmem>>, vector<16xi32>,
      %parallel_loop3A_586 = arith.constant 4 : i32
      %parallel_loop3A_587 = vector.broadcast %parallel_loop3A_586 : i32 to vector<16xi32>
      %parallel_loop3A_588 = arith.shli %parallel_loop3A_585, %parallel_loop3A_587 : vector<16xi32>
      %parallel_loop3A_589 = arith.addi %parallel_loop3A_588, %iota3A : vector<16xi32>
      %parallel_loop3A_590 = tpu.vector_load_idx %arg6[%parallel_loop3A_589] : memref<2048xf32, #tpu.memory_space<vmem>>[vector<16xi32>], vector<16xf32>,
      %parallel_loop3A_591 = arith.addf %parallel_loop3A_551, %parallel_loop3A_590 : vector<16xf32>
      %parallel_loop3A_592 = arith.constant 128 : i32
      %parallel_loop3A_593 = arith.addi %parallel_loop3A_491, %parallel_loop3A_592 : i32
      %parallel_loop3A_594 = arith.index_cast %parallel_loop3A_593 : i32 to index
      %parallel_loop3A_595 = tpu.vector_load %arg7[%parallel_loop3A_594] {strides = array<i32>} : memref<20000xi32, #tpu.memory_space<vmem>>, vector<16xi32>,
      %parallel_loop3A_596 = arith.constant 4 : i32
      %parallel_loop3A_597 = vector.broadcast %parallel_loop3A_596 : i32 to vector<16xi32>
      %parallel_loop3A_598 = arith.shli %parallel_loop3A_595, %parallel_loop3A_597 : vector<16xi32>
      %parallel_loop3A_599 = arith.addi %parallel_loop3A_598, %iota3A : vector<16xi32>
      %parallel_loop3A_600 = tpu.vector_load_idx %arg6[%parallel_loop3A_599] : memref<2048xf32, #tpu.memory_space<vmem>>[vector<16xi32>], vector<16xf32>,
      %parallel_loop3A_601 = arith.addf %parallel_loop3A_561, %parallel_loop3A_600 : vector<16xf32>
      %parallel_loop3A_602 = arith.constant 144 : i32
      %parallel_loop3A_603 = arith.addi %parallel_loop3A_491, %parallel_loop3A_602 : i32
      %parallel_loop3A_604 = arith.index_cast %parallel_loop3A_603 : i32 to index
      %parallel_loop3A_605 = tpu.vector_load %arg7[%parallel_loop3A_604] {strides = array<i32>} : memref<20000xi32, #tpu.memory_space<vmem>>, vector<16xi32>,
      %parallel_loop3A_606 = arith.constant 4 : i32
      %parallel_loop3A_607 = vector.broadcast %parallel_loop3A_606 : i32 to vector<16xi32>
      %parallel_loop3A_608 = arith.shli %parallel_loop3A_605, %parallel_loop3A_607 : vector<16xi32>
      %parallel_loop3A_609 = arith.addi %parallel_loop3A_608, %iota3A : vector<16xi32>
      %parallel_loop3A_610 = tpu.vector_load_idx %arg6[%parallel_loop3A_609] : memref<2048xf32, #tpu.memory_space<vmem>>[vector<16xi32>], vector<16xf32>,
      %parallel_loop3A_611 = arith.addf %parallel_loop3A_571, %parallel_loop3A_610 : vector<16xf32>
      %parallel_loop3A_612 = arith.addf %parallel_loop3A_601, %parallel_loop3A_611 : vector<16xf32>
      %parallel_loop3A_613 = arith.addf %parallel_loop3A_612, %parallel_loop3A_581 : vector<16xf32>
      %parallel_loop3A_614 = arith.addf %parallel_loop3A_613, %parallel_loop3A_591 : vector<16xf32>
      %parallel_loop3A_615 = arith.constant true
      %parallel_loop3A_616 = vector.broadcast %parallel_loop3A_615 : i1 to vector<16xi1>
      %parallel_loop3A_617 = tpu.scan <sum>, %parallel_loop3A_614 masked %parallel_loop3A_616 : vector<16xf32>, vector<16xi1> -> vector<16xf32>
      tpu.vector_store_idx %arg11[%parallel_loop3A_499], %parallel_loop3A_617 masked %parallel_loop3A_511 {add = true} : memref<4096xf32, #tpu.memory_space<vmem>>[vector<16xi32>], vector<16xf32>, vector<16xi1>
    } {sc.loop_unroll_factor = 1 : i64, sc.parallel_access}
    %scan3A_69 = arith.constant 0 : i32
    %scan3A_70 = arith.constant 8 : i32
    %scan3A_71 = arith.addi %scan3A_69, %scan3A_70 : i32
    %scan3A_72 = arith.constant 1 : i32
    scf.for %scan3A_489 = %scan3A_69 to %scan3A_71 step %scan3A_72  : i32 {
      %mul3A_490 = arith.constant 16 : i32
      %mul3A_491 = arith.muli %scan3A_489, %mul3A_490 : i32
      %add3A_492 = vector.broadcast %mul3A_491 : i32 to vector<16xi32>
      %add3A_493 = arith.addi %add3A_492, %iota3A : vector<16xi32>
      %min3A_494 = arith.constant 124 : i32
      %min3A_495 = vector.broadcast %min3A_494 : i32 to vector<16xi32>
      %min3A_496 = arith.minsi %add3A_493, %min3A_495 : vector<16xi32>
      %add3A_497 = vector.broadcast %mul3A_491 : i32 to vector<16xi32>
      %add3A_498 = arith.addi %add3A_497, %iota3A : vector<16xi32>
      %lt3A = arith.constant 125 : i32
      %lt3A_499 = vector.broadcast %lt3A : i32 to vector<16xi32>
      %lt3A_500 = arith.cmpi slt, %add3A_498, %lt3A_499 : vector<16xi32>
      %mul3A_501 = arith.constant 160 : i32
      %mul3A_502 = vector.broadcast %mul3A_501 : i32 to vector<16xi32>
      %mul3A_503 = arith.muli %min3A_496, %mul3A_502 : vector<16xi32>
      %gather3A = tpu.vector_load_idx %arg8[%mul3A_503] : memref<20000xi32, #tpu.memory_space<vmem>>[vector<16xi32>], vector<16xi32>,
      %add3A_504 = arith.constant 159 : i32
      %add3A_505 = vector.broadcast %add3A_504 : i32 to vector<16xi32>
      %add3A_506 = arith.addi %mul3A_503, %add3A_505 : vector<16xi32>
      %gather3A_507 = tpu.vector_load_idx %arg8[%add3A_506] : memref<20000xi32, #tpu.memory_space<vmem>>[vector<16xi32>], vector<16xi32>,
      %ne3A = arith.cmpi ne, %gather3A, %gather3A_507 : vector<16xi32>
      %and3A = arith.andi %ne3A, %lt3A_500 : vector<16xi1>
      %while3A = scf.while (%while3A_508 = %and3A) : (vector<16xi1>) -> vector<16xi1> {
        %reduce_or3A = arith.constant 1.000000e+00 : f32
        %reduce_or3A_509 = arith.constant 0.000000e+00 : f32
        %reduce_or3A_510 = vector.broadcast %reduce_or3A : f32 to vector<16xf32>
        %reduce_or3A_511 = vector.broadcast %reduce_or3A_509 : f32 to vector<16xf32>
        %reduce_or3A_512 = arith.select %while3A_508, %reduce_or3A_510, %reduce_or3A_511 : vector<16xi1>, vector<16xf32>
        %reduce_or3A_513 = arith.constant true
        %reduce_or3A_514 = vector.broadcast %reduce_or3A_513 : i1 to vector<16xi1>
        %reduce_or3A_515 = tpu.scan <max>, %reduce_or3A_512 masked %reduce_or3A_514 : vector<16xf32>, vector<16xi1> -> vector<16xf32>
        %reduce_or3A_516 = vector.extract %reduce_or3A_515[15] : f32 from vector<16xf32>
        %reduce_or3A_517 = arith.constant 0.000000e+00 : f32
        %reduce_or3A_518 = arith.cmpf ogt, %reduce_or3A_516, %reduce_or3A_517 : f32
        scf.condition(%reduce_or3A_518) %while3A_508 : vector<16xi1>
      } do {
      ^bb0(%while3A_508: vector<16xi1>):
        %all_reduce_ffs3A = tpu.all_reduce %while3A_508 {dim = 0 : i64, kind = #tpu.reduction_kind<find_first_set>} : vector<16xi1> -> vector<16xi32>
        %slice3A = vector.extract_strided_slice %all_reduce_ffs3A {offsets = [0], sizes = [1], strides = [1]} : vector<16xi32> to vector<1xi32>
        %squeeze3A = vector.extract %slice3A[0] : i32 from vector<1xi32>
        %add3A_509 = arith.addi %mul3A_491, %squeeze3A : i32
        %parallel_loop3A_510 = arith.constant 0 : i32
        %parallel_loop3A_511 = arith.constant 10 : i32
        %parallel_loop3A_512 = arith.constant 1 : i32
        scf.for %parallel_loop3A_516 = %parallel_loop3A_510 to %parallel_loop3A_511 step %parallel_loop3A_512  : i32 {
          %parallel_loop3A_517 = arith.constant 160 : i32
          %parallel_loop3A_518 = arith.muli %add3A_509, %parallel_loop3A_517 : i32
          %parallel_loop3A_519 = arith.constant 16 : i32
          %parallel_loop3A_520 = arith.muli %parallel_loop3A_516, %parallel_loop3A_519 : i32
          %parallel_loop3A_521 = arith.addi %parallel_loop3A_518, %parallel_loop3A_520 : i32
          %parallel_loop3A_522 = arith.index_cast %parallel_loop3A_521 : i32 to index
          %parallel_loop3A_523 = tpu.vector_load %arg7[%parallel_loop3A_522] {strides = array<i32>} : memref<20000xi32, #tpu.memory_space<vmem>>, vector<16xi32>,
          %parallel_loop3A_524 = arith.index_cast %parallel_loop3A_521 : i32 to index
          %parallel_loop3A_525 = tpu.vector_load %arg8[%parallel_loop3A_524] {strides = array<i32>} : memref<20000xi32, #tpu.memory_space<vmem>>, vector<16xi32>,
          %parallel_loop3A_526 = arith.constant 4 : i32
          %parallel_loop3A_527 = vector.broadcast %parallel_loop3A_526 : i32 to vector<16xi32>
          %parallel_loop3A_528 = arith.shli %parallel_loop3A_523, %parallel_loop3A_527 : vector<16xi32>
          %parallel_loop3A_529 = arith.addi %parallel_loop3A_528, %iota3A : vector<16xi32>
          %parallel_loop3A_530 = tpu.vector_load_idx %arg6[%parallel_loop3A_529] : memref<2048xf32, #tpu.memory_space<vmem>>[vector<16xi32>], vector<16xf32>,
          %parallel_loop3A_531 = arith.constant true
          %parallel_loop3A_532 = vector.broadcast %parallel_loop3A_531 : i1 to vector<16xi1>
          %parallel_loop3A_533 = tpu.scan <sum>, %parallel_loop3A_530 masked %parallel_loop3A_532 : vector<16xf32>, vector<16xi1> -> vector<16xf32>
          %parallel_loop3A_534 = arith.constant 0 : i32
          %parallel_loop3A_535 = vector.broadcast %parallel_loop3A_534 : i32 to vector<16xi32>
          %parallel_loop3A_536 = arith.cmpi slt, %min3A_25, %parallel_loop3A_535 : vector<16xi32>
          %parallel_loop3A_537 = arith.constant 16 : i32
          %parallel_loop3A_538 = vector.broadcast %parallel_loop3A_537 : i32 to vector<16xi32>
          %parallel_loop3A_539 = arith.addi %min3A_25, %parallel_loop3A_538 : vector<16xi32>
          %parallel_loop3A_540 = arith.select %parallel_loop3A_536, %parallel_loop3A_539, %min3A_25 : vector<16xi1>, vector<16xi32>
          %parallel_loop3A_541 = vector.shape_cast %parallel_loop3A_540 : vector<16xi32> to vector<16x1xi32>
          %parallel_loop3A_542 = vector.shape_cast %parallel_loop3A_541 : vector<16x1xi32> to vector<16xi32>
          %parallel_loop3A_543 = tpu.dynamic_gather %parallel_loop3A_525[%parallel_loop3A_542] in [0] : vector<16xi32>, vector<16xi32> -> vector<16xi32>
          %parallel_loop3A_544 = arith.cmpi ne, %parallel_loop3A_525, %parallel_loop3A_543 : vector<16xi32>
          %parallel_loop3A_545 = arith.ori %parallel_loop3A_544, %eq3A_27 : vector<16xi1>
          tpu.vector_store_idx %arg11[%parallel_loop3A_525], %parallel_loop3A_533 masked %parallel_loop3A_545 {add = true} : memref<4096xf32, #tpu.memory_space<vmem>>[vector<16xi32>], vector<16xf32>, vector<16xi1>
          %parallel_loop3A_546 = arith.constant 0.000000e+00 : f32
          %parallel_loop3A_547 = vector.broadcast %parallel_loop3A_546 : f32 to vector<16xf32>
          %parallel_loop3A_548 = arith.subf %parallel_loop3A_547, %parallel_loop3A_533 : vector<16xf32>
          tpu.vector_store_idx %arg11[%parallel_loop3A_543], %parallel_loop3A_548 masked %parallel_loop3A_544 {add = true} : memref<4096xf32, #tpu.memory_space<vmem>>[vector<16xi32>], vector<16xf32>, vector<16xi1>
        } {sc.loop_unroll_factor = 1 : i64, sc.parallel_access}
        %ne3A_513 = vector.broadcast %squeeze3A : i32 to vector<16xi32>
        %ne3A_514 = arith.cmpi ne, %iota3A, %ne3A_513 : vector<16xi32>
        %and3A_515 = arith.andi %while3A_508, %ne3A_514 : vector<16xi1>
        scf.yield %and3A_515 : vector<16xi1>
      }
    }
    %scan3A_73 = arith.constant 8 : i32
    %add3A_74 = arith.constant 80000 : i32
    %add3A_75 = arith.addi %mul3A_2, %add3A_74 : i32
    %dma_start3A_76 = tpu.memref_slice %arg2[%add3A_75] : memref<6400000xi32, #tpu.memory_space<hbm>> -> memref<20000xi32, #tpu.memory_space<hbm>>
    %dma_start3A_77 = tpu.memref_slice %arg2[%add3A_75] : memref<6400000xi32, #tpu.memory_space<hbm>> -> memref<20000xi32, #tpu.memory_space<hbm>>
    tpu.enqueue_dma source(%dma_start3A_77 : memref<20000xi32, #tpu.memory_space<hbm>>) target(%arg7 : memref<20000xi32, #tpu.memory_space<vmem>>) target_semaphore(%arg15 : memref<!tpu.dma_semaphore, #tpu.memory_space<semaphore_mem>>)
    %dma_start3A_78 = tpu.memref_slice %arg3[%add3A_75] : memref<6400000xi32, #tpu.memory_space<hbm>> -> memref<20000xi32, #tpu.memory_space<hbm>>
    %dma_start3A_79 = tpu.memref_slice %arg3[%add3A_75] : memref<6400000xi32, #tpu.memory_space<hbm>> -> memref<20000xi32, #tpu.memory_space<hbm>>
    tpu.enqueue_dma source(%dma_start3A_79 : memref<20000xi32, #tpu.memory_space<hbm>>) target(%arg8 : memref<20000xi32, #tpu.memory_space<vmem>>) target_semaphore(%arg16 : memref<!tpu.dma_semaphore, #tpu.memory_space<semaphore_mem>>)
    %dma_wait3A_80 = tpu.memref_slice %arg2[%add3A_57] : memref<6400000xi32, #tpu.memory_space<hbm>> -> memref<20000xi32, #tpu.memory_space<hbm>>
    %dma_wait3A_81 = tpu.memref_slice %arg2[%add3A_57] : memref<6400000xi32, #tpu.memory_space<hbm>> -> memref<20000xi32, #tpu.memory_space<hbm>>
    tpu.wait_dma2 semaphore(%arg17 : memref<!tpu.dma_semaphore, #tpu.memory_space<semaphore_mem>>) src(%dma_wait3A_81 : memref<20000xi32, #tpu.memory_space<hbm>>) dst(%arg9 : memref<20000xi32, #tpu.memory_space<vmem>>)
    %dma_wait3A_82 = tpu.memref_slice %arg3[%add3A_57] : memref<6400000xi32, #tpu.memory_space<hbm>> -> memref<20000xi32, #tpu.memory_space<hbm>>
    %dma_wait3A_83 = tpu.memref_slice %arg3[%add3A_57] : memref<6400000xi32, #tpu.memory_space<hbm>> -> memref<20000xi32, #tpu.memory_space<hbm>>
    tpu.wait_dma2 semaphore(%arg18 : memref<!tpu.dma_semaphore, #tpu.memory_space<semaphore_mem>>) src(%dma_wait3A_83 : memref<20000xi32, #tpu.memory_space<hbm>>) dst(%arg10 : memref<20000xi32, #tpu.memory_space<vmem>>)
    %parallel_loop3A_84 = arith.constant 0 : i32
    %parallel_loop3A_85 = arith.constant 125 : i32
    %parallel_loop3A_86 = arith.constant 1 : i32
    scf.for %parallel_loop3A_489 = %parallel_loop3A_84 to %parallel_loop3A_85 step %parallel_loop3A_86  : i32 {
      %parallel_loop3A_490 = arith.constant 160 : i32
      %parallel_loop3A_491 = arith.muli %parallel_loop3A_489, %parallel_loop3A_490 : i32
      %parallel_loop3A_492 = arith.index_cast %parallel_loop3A_491 : i32 to index
      %parallel_loop3A_493 = tpu.vector_load %arg10[%parallel_loop3A_492] {strides = array<i32>} : memref<20000xi32, #tpu.memory_space<vmem>>, vector<16xi32>,
      %parallel_loop3A_494 = arith.constant 160 : i32
      %parallel_loop3A_495 = arith.addi %parallel_loop3A_491, %parallel_loop3A_494 : i32
      %parallel_loop3A_496 = arith.constant 16 : i32
      %parallel_loop3A_497 = arith.subi %parallel_loop3A_495, %parallel_loop3A_496 : i32
      %parallel_loop3A_498 = arith.index_cast %parallel_loop3A_497 : i32 to index
      %parallel_loop3A_499 = tpu.vector_load %arg10[%parallel_loop3A_498] {strides = array<i32>} : memref<20000xi32, #tpu.memory_space<vmem>>, vector<16xi32>,
      %parallel_loop3A_500 = arith.constant 0 : i32
      %parallel_loop3A_501 = vector.broadcast %parallel_loop3A_500 : i32 to vector<16xi32>
      %parallel_loop3A_502 = arith.cmpi slt, %broadcast_in_dim3A_20, %parallel_loop3A_501 : vector<16xi32>
      %parallel_loop3A_503 = arith.constant 16 : i32
      %parallel_loop3A_504 = vector.broadcast %parallel_loop3A_503 : i32 to vector<16xi32>
      %parallel_loop3A_505 = arith.addi %broadcast_in_dim3A_20, %parallel_loop3A_504 : vector<16xi32>
      %parallel_loop3A_506 = arith.select %parallel_loop3A_502, %parallel_loop3A_505, %broadcast_in_dim3A_20 : vector<16xi1>, vector<16xi32>
      %parallel_loop3A_507 = vector.shape_cast %parallel_loop3A_506 : vector<16xi32> to vector<16x1xi32>
      %parallel_loop3A_508 = vector.shape_cast %parallel_loop3A_507 : vector<16x1xi32> to vector<16xi32>
      %parallel_loop3A_509 = tpu.dynamic_gather %parallel_loop3A_493[%parallel_loop3A_508] in [0] : vector<16xi32>, vector<16xi32> -> vector<16xi32>
      %parallel_loop3A_510 = arith.cmpi eq, %parallel_loop3A_509, %parallel_loop3A_499 : vector<16xi32>
      %parallel_loop3A_511 = arith.andi %eq3A_27, %parallel_loop3A_510 : vector<16xi1>
      %parallel_loop3A_512 = arith.constant 0 : i32
      %parallel_loop3A_513 = arith.addi %parallel_loop3A_491, %parallel_loop3A_512 : i32
      %parallel_loop3A_514 = arith.index_cast %parallel_loop3A_513 : i32 to index
      %parallel_loop3A_515 = tpu.vector_load %arg9[%parallel_loop3A_514] {strides = array<i32>} : memref<20000xi32, #tpu.memory_space<vmem>>, vector<16xi32>,
      %parallel_loop3A_516 = arith.constant 4 : i32
      %parallel_loop3A_517 = vector.broadcast %parallel_loop3A_516 : i32 to vector<16xi32>
      %parallel_loop3A_518 = arith.shli %parallel_loop3A_515, %parallel_loop3A_517 : vector<16xi32>
      %parallel_loop3A_519 = arith.addi %parallel_loop3A_518, %iota3A : vector<16xi32>
      %parallel_loop3A_520 = tpu.vector_load_idx %arg6[%parallel_loop3A_519] : memref<2048xf32, #tpu.memory_space<vmem>>[vector<16xi32>], vector<16xf32>,
      %parallel_loop3A_521 = arith.addf %broadcast_in_dim3A_14, %parallel_loop3A_520 : vector<16xf32>
      %parallel_loop3A_522 = arith.constant 16 : i32
      %parallel_loop3A_523 = arith.addi %parallel_loop3A_491, %parallel_loop3A_522 : i32
      %parallel_loop3A_524 = arith.index_cast %parallel_loop3A_523 : i32 to index
      %parallel_loop3A_525 = tpu.vector_load %arg9[%parallel_loop3A_524] {strides = array<i32>} : memref<20000xi32, #tpu.memory_space<vmem>>, vector<16xi32>,
      %parallel_loop3A_526 = arith.constant 4 : i32
      %parallel_loop3A_527 = vector.broadcast %parallel_loop3A_526 : i32 to vector<16xi32>
      %parallel_loop3A_528 = arith.shli %parallel_loop3A_525, %parallel_loop3A_527 : vector<16xi32>
      %parallel_loop3A_529 = arith.addi %parallel_loop3A_528, %iota3A : vector<16xi32>
      %parallel_loop3A_530 = tpu.vector_load_idx %arg6[%parallel_loop3A_529] : memref<2048xf32, #tpu.memory_space<vmem>>[vector<16xi32>], vector<16xf32>,
      %parallel_loop3A_531 = arith.addf %broadcast_in_dim3A_14, %parallel_loop3A_530 : vector<16xf32>
      %parallel_loop3A_532 = arith.constant 32 : i32
      %parallel_loop3A_533 = arith.addi %parallel_loop3A_491, %parallel_loop3A_532 : i32
      %parallel_loop3A_534 = arith.index_cast %parallel_loop3A_533 : i32 to index
      %parallel_loop3A_535 = tpu.vector_load %arg9[%parallel_loop3A_534] {strides = array<i32>} : memref<20000xi32, #tpu.memory_space<vmem>>, vector<16xi32>,
      %parallel_loop3A_536 = arith.constant 4 : i32
      %parallel_loop3A_537 = vector.broadcast %parallel_loop3A_536 : i32 to vector<16xi32>
      %parallel_loop3A_538 = arith.shli %parallel_loop3A_535, %parallel_loop3A_537 : vector<16xi32>
      %parallel_loop3A_539 = arith.addi %parallel_loop3A_538, %iota3A : vector<16xi32>
      %parallel_loop3A_540 = tpu.vector_load_idx %arg6[%parallel_loop3A_539] : memref<2048xf32, #tpu.memory_space<vmem>>[vector<16xi32>], vector<16xf32>,
      %parallel_loop3A_541 = arith.addf %broadcast_in_dim3A_14, %parallel_loop3A_540 : vector<16xf32>
      %parallel_loop3A_542 = arith.constant 48 : i32
      %parallel_loop3A_543 = arith.addi %parallel_loop3A_491, %parallel_loop3A_542 : i32
      %parallel_loop3A_544 = arith.index_cast %parallel_loop3A_543 : i32 to index
      %parallel_loop3A_545 = tpu.vector_load %arg9[%parallel_loop3A_544] {strides = array<i32>} : memref<20000xi32, #tpu.memory_space<vmem>>, vector<16xi32>,
      %parallel_loop3A_546 = arith.constant 4 : i32
      %parallel_loop3A_547 = vector.broadcast %parallel_loop3A_546 : i32 to vector<16xi32>
      %parallel_loop3A_548 = arith.shli %parallel_loop3A_545, %parallel_loop3A_547 : vector<16xi32>
      %parallel_loop3A_549 = arith.addi %parallel_loop3A_548, %iota3A : vector<16xi32>
      %parallel_loop3A_550 = tpu.vector_load_idx %arg6[%parallel_loop3A_549] : memref<2048xf32, #tpu.memory_space<vmem>>[vector<16xi32>], vector<16xf32>,
      %parallel_loop3A_551 = arith.addf %broadcast_in_dim3A_14, %parallel_loop3A_550 : vector<16xf32>
      %parallel_loop3A_552 = arith.constant 64 : i32
      %parallel_loop3A_553 = arith.addi %parallel_loop3A_491, %parallel_loop3A_552 : i32
      %parallel_loop3A_554 = arith.index_cast %parallel_loop3A_553 : i32 to index
      %parallel_loop3A_555 = tpu.vector_load %arg9[%parallel_loop3A_554] {strides = array<i32>} : memref<20000xi32, #tpu.memory_space<vmem>>, vector<16xi32>,
      %parallel_loop3A_556 = arith.constant 4 : i32
      %parallel_loop3A_557 = vector.broadcast %parallel_loop3A_556 : i32 to vector<16xi32>
      %parallel_loop3A_558 = arith.shli %parallel_loop3A_555, %parallel_loop3A_557 : vector<16xi32>
      %parallel_loop3A_559 = arith.addi %parallel_loop3A_558, %iota3A : vector<16xi32>
      %parallel_loop3A_560 = tpu.vector_load_idx %arg6[%parallel_loop3A_559] : memref<2048xf32, #tpu.memory_space<vmem>>[vector<16xi32>], vector<16xf32>,
      %parallel_loop3A_561 = arith.addf %parallel_loop3A_521, %parallel_loop3A_560 : vector<16xf32>
      %parallel_loop3A_562 = arith.constant 80 : i32
      %parallel_loop3A_563 = arith.addi %parallel_loop3A_491, %parallel_loop3A_562 : i32
      %parallel_loop3A_564 = arith.index_cast %parallel_loop3A_563 : i32 to index
      %parallel_loop3A_565 = tpu.vector_load %arg9[%parallel_loop3A_564] {strides = array<i32>} : memref<20000xi32, #tpu.memory_space<vmem>>, vector<16xi32>,
      %parallel_loop3A_566 = arith.constant 4 : i32
      %parallel_loop3A_567 = vector.broadcast %parallel_loop3A_566 : i32 to vector<16xi32>
      %parallel_loop3A_568 = arith.shli %parallel_loop3A_565, %parallel_loop3A_567 : vector<16xi32>
      %parallel_loop3A_569 = arith.addi %parallel_loop3A_568, %iota3A : vector<16xi32>
      %parallel_loop3A_570 = tpu.vector_load_idx %arg6[%parallel_loop3A_569] : memref<2048xf32, #tpu.memory_space<vmem>>[vector<16xi32>], vector<16xf32>,
      %parallel_loop3A_571 = arith.addf %parallel_loop3A_531, %parallel_loop3A_570 : vector<16xf32>
      %parallel_loop3A_572 = arith.constant 96 : i32
      %parallel_loop3A_573 = arith.addi %parallel_loop3A_491, %parallel_loop3A_572 : i32
      %parallel_loop3A_574 = arith.index_cast %parallel_loop3A_573 : i32 to index
      %parallel_loop3A_575 = tpu.vector_load %arg9[%parallel_loop3A_574] {strides = array<i32>} : memref<20000xi32, #tpu.memory_space<vmem>>, vector<16xi32>,
      %parallel_loop3A_576 = arith.constant 4 : i32
      %parallel_loop3A_577 = vector.broadcast %parallel_loop3A_576 : i32 to vector<16xi32>
      %parallel_loop3A_578 = arith.shli %parallel_loop3A_575, %parallel_loop3A_577 : vector<16xi32>
      %parallel_loop3A_579 = arith.addi %parallel_loop3A_578, %iota3A : vector<16xi32>
      %parallel_loop3A_580 = tpu.vector_load_idx %arg6[%parallel_loop3A_579] : memref<2048xf32, #tpu.memory_space<vmem>>[vector<16xi32>], vector<16xf32>,
      %parallel_loop3A_581 = arith.addf %parallel_loop3A_541, %parallel_loop3A_580 : vector<16xf32>
      %parallel_loop3A_582 = arith.constant 112 : i32
      %parallel_loop3A_583 = arith.addi %parallel_loop3A_491, %parallel_loop3A_582 : i32
      %parallel_loop3A_584 = arith.index_cast %parallel_loop3A_583 : i32 to index
      %parallel_loop3A_585 = tpu.vector_load %arg9[%parallel_loop3A_584] {strides = array<i32>} : memref<20000xi32, #tpu.memory_space<vmem>>, vector<16xi32>,
      %parallel_loop3A_586 = arith.constant 4 : i32
      %parallel_loop3A_587 = vector.broadcast %parallel_loop3A_586 : i32 to vector<16xi32>
      %parallel_loop3A_588 = arith.shli %parallel_loop3A_585, %parallel_loop3A_587 : vector<16xi32>
      %parallel_loop3A_589 = arith.addi %parallel_loop3A_588, %iota3A : vector<16xi32>
      %parallel_loop3A_590 = tpu.vector_load_idx %arg6[%parallel_loop3A_589] : memref<2048xf32, #tpu.memory_space<vmem>>[vector<16xi32>], vector<16xf32>,
      %parallel_loop3A_591 = arith.addf %parallel_loop3A_551, %parallel_loop3A_590 : vector<16xf32>
      %parallel_loop3A_592 = arith.constant 128 : i32
      %parallel_loop3A_593 = arith.addi %parallel_loop3A_491, %parallel_loop3A_592 : i32
      %parallel_loop3A_594 = arith.index_cast %parallel_loop3A_593 : i32 to index
      %parallel_loop3A_595 = tpu.vector_load %arg9[%parallel_loop3A_594] {strides = array<i32>} : memref<20000xi32, #tpu.memory_space<vmem>>, vector<16xi32>,
      %parallel_loop3A_596 = arith.constant 4 : i32
      %parallel_loop3A_597 = vector.broadcast %parallel_loop3A_596 : i32 to vector<16xi32>
      %parallel_loop3A_598 = arith.shli %parallel_loop3A_595, %parallel_loop3A_597 : vector<16xi32>
      %parallel_loop3A_599 = arith.addi %parallel_loop3A_598, %iota3A : vector<16xi32>
      %parallel_loop3A_600 = tpu.vector_load_idx %arg6[%parallel_loop3A_599] : memref<2048xf32, #tpu.memory_space<vmem>>[vector<16xi32>], vector<16xf32>,
      %parallel_loop3A_601 = arith.addf %parallel_loop3A_561, %parallel_loop3A_600 : vector<16xf32>
      %parallel_loop3A_602 = arith.constant 144 : i32
      %parallel_loop3A_603 = arith.addi %parallel_loop3A_491, %parallel_loop3A_602 : i32
      %parallel_loop3A_604 = arith.index_cast %parallel_loop3A_603 : i32 to index
      %parallel_loop3A_605 = tpu.vector_load %arg9[%parallel_loop3A_604] {strides = array<i32>} : memref<20000xi32, #tpu.memory_space<vmem>>, vector<16xi32>,
      %parallel_loop3A_606 = arith.constant 4 : i32
      %parallel_loop3A_607 = vector.broadcast %parallel_loop3A_606 : i32 to vector<16xi32>
      %parallel_loop3A_608 = arith.shli %parallel_loop3A_605, %parallel_loop3A_607 : vector<16xi32>
      %parallel_loop3A_609 = arith.addi %parallel_loop3A_608, %iota3A : vector<16xi32>
      %parallel_loop3A_610 = tpu.vector_load_idx %arg6[%parallel_loop3A_609] : memref<2048xf32, #tpu.memory_space<vmem>>[vector<16xi32>], vector<16xf32>,
      %parallel_loop3A_611 = arith.addf %parallel_loop3A_571, %parallel_loop3A_610 : vector<16xf32>
      %parallel_loop3A_612 = arith.addf %parallel_loop3A_601, %parallel_loop3A_611 : vector<16xf32>
      %parallel_loop3A_613 = arith.addf %parallel_loop3A_612, %parallel_loop3A_581 : vector<16xf32>
      %parallel_loop3A_614 = arith.addf %parallel_loop3A_613, %parallel_loop3A_591 : vector<16xf32>
      %parallel_loop3A_615 = arith.constant true
      %parallel_loop3A_616 = vector.broadcast %parallel_loop3A_615 : i1 to vector<16xi1>
      %parallel_loop3A_617 = tpu.scan <sum>, %parallel_loop3A_614 masked %parallel_loop3A_616 : vector<16xf32>, vector<16xi1> -> vector<16xf32>
      tpu.vector_store_idx %arg11[%parallel_loop3A_499], %parallel_loop3A_617 masked %parallel_loop3A_511 {add = true} : memref<4096xf32, #tpu.memory_space<vmem>>[vector<16xi32>], vector<16xf32>, vector<16xi1>
    } {sc.loop_unroll_factor = 1 : i64, sc.parallel_access}
    %scan3A_87 = arith.constant 0 : i32
    %scan3A_88 = arith.constant 8 : i32
    %scan3A_89 = arith.addi %scan3A_87, %scan3A_88 : i32
    %scan3A_90 = arith.constant 1 : i32
    scf.for %scan3A_489 = %scan3A_87 to %scan3A_89 step %scan3A_90  : i32 {
      %mul3A_490 = arith.constant 16 : i32
      %mul3A_491 = arith.muli %scan3A_489, %mul3A_490 : i32
      %add3A_492 = vector.broadcast %mul3A_491 : i32 to vector<16xi32>
      %add3A_493 = arith.addi %add3A_492, %iota3A : vector<16xi32>
      %min3A_494 = arith.constant 124 : i32
      %min3A_495 = vector.broadcast %min3A_494 : i32 to vector<16xi32>
      %min3A_496 = arith.minsi %add3A_493, %min3A_495 : vector<16xi32>
      %add3A_497 = vector.broadcast %mul3A_491 : i32 to vector<16xi32>
      %add3A_498 = arith.addi %add3A_497, %iota3A : vector<16xi32>
      %lt3A = arith.constant 125 : i32
      %lt3A_499 = vector.broadcast %lt3A : i32 to vector<16xi32>
      %lt3A_500 = arith.cmpi slt, %add3A_498, %lt3A_499 : vector<16xi32>
      %mul3A_501 = arith.constant 160 : i32
      %mul3A_502 = vector.broadcast %mul3A_501 : i32 to vector<16xi32>
      %mul3A_503 = arith.muli %min3A_496, %mul3A_502 : vector<16xi32>
      %gather3A = tpu.vector_load_idx %arg10[%mul3A_503] : memref<20000xi32, #tpu.memory_space<vmem>>[vector<16xi32>], vector<16xi32>,
      %add3A_504 = arith.constant 159 : i32
      %add3A_505 = vector.broadcast %add3A_504 : i32 to vector<16xi32>
      %add3A_506 = arith.addi %mul3A_503, %add3A_505 : vector<16xi32>
      %gather3A_507 = tpu.vector_load_idx %arg10[%add3A_506] : memref<20000xi32, #tpu.memory_space<vmem>>[vector<16xi32>], vector<16xi32>,
      %ne3A = arith.cmpi ne, %gather3A, %gather3A_507 : vector<16xi32>
      %and3A = arith.andi %ne3A, %lt3A_500 : vector<16xi1>
      %while3A = scf.while (%while3A_508 = %and3A) : (vector<16xi1>) -> vector<16xi1> {
        %reduce_or3A = arith.constant 1.000000e+00 : f32
        %reduce_or3A_509 = arith.constant 0.000000e+00 : f32
        %reduce_or3A_510 = vector.broadcast %reduce_or3A : f32 to vector<16xf32>
        %reduce_or3A_511 = vector.broadcast %reduce_or3A_509 : f32 to vector<16xf32>
        %reduce_or3A_512 = arith.select %while3A_508, %reduce_or3A_510, %reduce_or3A_511 : vector<16xi1>, vector<16xf32>
        %reduce_or3A_513 = arith.constant true
        %reduce_or3A_514 = vector.broadcast %reduce_or3A_513 : i1 to vector<16xi1>
        %reduce_or3A_515 = tpu.scan <max>, %reduce_or3A_512 masked %reduce_or3A_514 : vector<16xf32>, vector<16xi1> -> vector<16xf32>
        %reduce_or3A_516 = vector.extract %reduce_or3A_515[15] : f32 from vector<16xf32>
        %reduce_or3A_517 = arith.constant 0.000000e+00 : f32
        %reduce_or3A_518 = arith.cmpf ogt, %reduce_or3A_516, %reduce_or3A_517 : f32
        scf.condition(%reduce_or3A_518) %while3A_508 : vector<16xi1>
      } do {
      ^bb0(%while3A_508: vector<16xi1>):
        %all_reduce_ffs3A = tpu.all_reduce %while3A_508 {dim = 0 : i64, kind = #tpu.reduction_kind<find_first_set>} : vector<16xi1> -> vector<16xi32>
        %slice3A = vector.extract_strided_slice %all_reduce_ffs3A {offsets = [0], sizes = [1], strides = [1]} : vector<16xi32> to vector<1xi32>
        %squeeze3A = vector.extract %slice3A[0] : i32 from vector<1xi32>
        %add3A_509 = arith.addi %mul3A_491, %squeeze3A : i32
        %parallel_loop3A_510 = arith.constant 0 : i32
        %parallel_loop3A_511 = arith.constant 10 : i32
        %parallel_loop3A_512 = arith.constant 1 : i32
        scf.for %parallel_loop3A_516 = %parallel_loop3A_510 to %parallel_loop3A_511 step %parallel_loop3A_512  : i32 {
          %parallel_loop3A_517 = arith.constant 160 : i32
          %parallel_loop3A_518 = arith.muli %add3A_509, %parallel_loop3A_517 : i32
          %parallel_loop3A_519 = arith.constant 16 : i32
          %parallel_loop3A_520 = arith.muli %parallel_loop3A_516, %parallel_loop3A_519 : i32
          %parallel_loop3A_521 = arith.addi %parallel_loop3A_518, %parallel_loop3A_520 : i32
          %parallel_loop3A_522 = arith.index_cast %parallel_loop3A_521 : i32 to index
          %parallel_loop3A_523 = tpu.vector_load %arg9[%parallel_loop3A_522] {strides = array<i32>} : memref<20000xi32, #tpu.memory_space<vmem>>, vector<16xi32>,
          %parallel_loop3A_524 = arith.index_cast %parallel_loop3A_521 : i32 to index
          %parallel_loop3A_525 = tpu.vector_load %arg10[%parallel_loop3A_524] {strides = array<i32>} : memref<20000xi32, #tpu.memory_space<vmem>>, vector<16xi32>,
          %parallel_loop3A_526 = arith.constant 4 : i32
          %parallel_loop3A_527 = vector.broadcast %parallel_loop3A_526 : i32 to vector<16xi32>
          %parallel_loop3A_528 = arith.shli %parallel_loop3A_523, %parallel_loop3A_527 : vector<16xi32>
          %parallel_loop3A_529 = arith.addi %parallel_loop3A_528, %iota3A : vector<16xi32>
          %parallel_loop3A_530 = tpu.vector_load_idx %arg6[%parallel_loop3A_529] : memref<2048xf32, #tpu.memory_space<vmem>>[vector<16xi32>], vector<16xf32>,
          %parallel_loop3A_531 = arith.constant true
          %parallel_loop3A_532 = vector.broadcast %parallel_loop3A_531 : i1 to vector<16xi1>
          %parallel_loop3A_533 = tpu.scan <sum>, %parallel_loop3A_530 masked %parallel_loop3A_532 : vector<16xf32>, vector<16xi1> -> vector<16xf32>
          %parallel_loop3A_534 = arith.constant 0 : i32
          %parallel_loop3A_535 = vector.broadcast %parallel_loop3A_534 : i32 to vector<16xi32>
          %parallel_loop3A_536 = arith.cmpi slt, %min3A_25, %parallel_loop3A_535 : vector<16xi32>
          %parallel_loop3A_537 = arith.constant 16 : i32
          %parallel_loop3A_538 = vector.broadcast %parallel_loop3A_537 : i32 to vector<16xi32>
          %parallel_loop3A_539 = arith.addi %min3A_25, %parallel_loop3A_538 : vector<16xi32>
          %parallel_loop3A_540 = arith.select %parallel_loop3A_536, %parallel_loop3A_539, %min3A_25 : vector<16xi1>, vector<16xi32>
          %parallel_loop3A_541 = vector.shape_cast %parallel_loop3A_540 : vector<16xi32> to vector<16x1xi32>
          %parallel_loop3A_542 = vector.shape_cast %parallel_loop3A_541 : vector<16x1xi32> to vector<16xi32>
          %parallel_loop3A_543 = tpu.dynamic_gather %parallel_loop3A_525[%parallel_loop3A_542] in [0] : vector<16xi32>, vector<16xi32> -> vector<16xi32>
          %parallel_loop3A_544 = arith.cmpi ne, %parallel_loop3A_525, %parallel_loop3A_543 : vector<16xi32>
          %parallel_loop3A_545 = arith.ori %parallel_loop3A_544, %eq3A_27 : vector<16xi1>
          tpu.vector_store_idx %arg11[%parallel_loop3A_525], %parallel_loop3A_533 masked %parallel_loop3A_545 {add = true} : memref<4096xf32, #tpu.memory_space<vmem>>[vector<16xi32>], vector<16xf32>, vector<16xi1>
          %parallel_loop3A_546 = arith.constant 0.000000e+00 : f32
          %parallel_loop3A_547 = vector.broadcast %parallel_loop3A_546 : f32 to vector<16xf32>
          %parallel_loop3A_548 = arith.subf %parallel_loop3A_547, %parallel_loop3A_533 : vector<16xf32>
          tpu.vector_store_idx %arg11[%parallel_loop3A_543], %parallel_loop3A_548 masked %parallel_loop3A_544 {add = true} : memref<4096xf32, #tpu.memory_space<vmem>>[vector<16xi32>], vector<16xf32>, vector<16xi1>
        } {sc.loop_unroll_factor = 1 : i64, sc.parallel_access}
        %ne3A_513 = vector.broadcast %squeeze3A : i32 to vector<16xi32>
        %ne3A_514 = arith.cmpi ne, %iota3A, %ne3A_513 : vector<16xi32>
        %and3A_515 = arith.andi %while3A_508, %ne3A_514 : vector<16xi1>
        scf.yield %and3A_515 : vector<16xi1>
      }
    }
    %scan3A_91 = arith.constant 8 : i32
    %add3A_92 = arith.constant 100000 : i32
    %add3A_93 = arith.addi %mul3A_2, %add3A_92 : i32
    %dma_start3A_94 = tpu.memref_slice %arg2[%add3A_93] : memref<6400000xi32, #tpu.memory_space<hbm>> -> memref<20000xi32, #tpu.memory_space<hbm>>
    %dma_start3A_95 = tpu.memref_slice %arg2[%add3A_93] : memref<6400000xi32, #tpu.memory_space<hbm>> -> memref<20000xi32, #tpu.memory_space<hbm>>
    tpu.enqueue_dma source(%dma_start3A_95 : memref<20000xi32, #tpu.memory_space<hbm>>) target(%arg9 : memref<20000xi32, #tpu.memory_space<vmem>>) target_semaphore(%arg17 : memref<!tpu.dma_semaphore, #tpu.memory_space<semaphore_mem>>)
    %dma_start3A_96 = tpu.memref_slice %arg3[%add3A_93] : memref<6400000xi32, #tpu.memory_space<hbm>> -> memref<20000xi32, #tpu.memory_space<hbm>>
    %dma_start3A_97 = tpu.memref_slice %arg3[%add3A_93] : memref<6400000xi32, #tpu.memory_space<hbm>> -> memref<20000xi32, #tpu.memory_space<hbm>>
    tpu.enqueue_dma source(%dma_start3A_97 : memref<20000xi32, #tpu.memory_space<hbm>>) target(%arg10 : memref<20000xi32, #tpu.memory_space<vmem>>) target_semaphore(%arg18 : memref<!tpu.dma_semaphore, #tpu.memory_space<semaphore_mem>>)
    %dma_wait3A_98 = tpu.memref_slice %arg2[%add3A_75] : memref<6400000xi32, #tpu.memory_space<hbm>> -> memref<20000xi32, #tpu.memory_space<hbm>>
    %dma_wait3A_99 = tpu.memref_slice %arg2[%add3A_75] : memref<6400000xi32, #tpu.memory_space<hbm>> -> memref<20000xi32, #tpu.memory_space<hbm>>
    tpu.wait_dma2 semaphore(%arg15 : memref<!tpu.dma_semaphore, #tpu.memory_space<semaphore_mem>>) src(%dma_wait3A_99 : memref<20000xi32, #tpu.memory_space<hbm>>) dst(%arg7 : memref<20000xi32, #tpu.memory_space<vmem>>)
    %dma_wait3A_100 = tpu.memref_slice %arg3[%add3A_75] : memref<6400000xi32, #tpu.memory_space<hbm>> -> memref<20000xi32, #tpu.memory_space<hbm>>
    %dma_wait3A_101 = tpu.memref_slice %arg3[%add3A_75] : memref<6400000xi32, #tpu.memory_space<hbm>> -> memref<20000xi32, #tpu.memory_space<hbm>>
    tpu.wait_dma2 semaphore(%arg16 : memref<!tpu.dma_semaphore, #tpu.memory_space<semaphore_mem>>) src(%dma_wait3A_101 : memref<20000xi32, #tpu.memory_space<hbm>>) dst(%arg8 : memref<20000xi32, #tpu.memory_space<vmem>>)
    %parallel_loop3A_102 = arith.constant 0 : i32
    %parallel_loop3A_103 = arith.constant 125 : i32
    %parallel_loop3A_104 = arith.constant 1 : i32
    scf.for %parallel_loop3A_489 = %parallel_loop3A_102 to %parallel_loop3A_103 step %parallel_loop3A_104  : i32 {
      %parallel_loop3A_490 = arith.constant 160 : i32
      %parallel_loop3A_491 = arith.muli %parallel_loop3A_489, %parallel_loop3A_490 : i32
      %parallel_loop3A_492 = arith.index_cast %parallel_loop3A_491 : i32 to index
      %parallel_loop3A_493 = tpu.vector_load %arg8[%parallel_loop3A_492] {strides = array<i32>} : memref<20000xi32, #tpu.memory_space<vmem>>, vector<16xi32>,
      %parallel_loop3A_494 = arith.constant 160 : i32
      %parallel_loop3A_495 = arith.addi %parallel_loop3A_491, %parallel_loop3A_494 : i32
      %parallel_loop3A_496 = arith.constant 16 : i32
      %parallel_loop3A_497 = arith.subi %parallel_loop3A_495, %parallel_loop3A_496 : i32
      %parallel_loop3A_498 = arith.index_cast %parallel_loop3A_497 : i32 to index
      %parallel_loop3A_499 = tpu.vector_load %arg8[%parallel_loop3A_498] {strides = array<i32>} : memref<20000xi32, #tpu.memory_space<vmem>>, vector<16xi32>,
      %parallel_loop3A_500 = arith.constant 0 : i32
      %parallel_loop3A_501 = vector.broadcast %parallel_loop3A_500 : i32 to vector<16xi32>
      %parallel_loop3A_502 = arith.cmpi slt, %broadcast_in_dim3A_20, %parallel_loop3A_501 : vector<16xi32>
      %parallel_loop3A_503 = arith.constant 16 : i32
      %parallel_loop3A_504 = vector.broadcast %parallel_loop3A_503 : i32 to vector<16xi32>
      %parallel_loop3A_505 = arith.addi %broadcast_in_dim3A_20, %parallel_loop3A_504 : vector<16xi32>
      %parallel_loop3A_506 = arith.select %parallel_loop3A_502, %parallel_loop3A_505, %broadcast_in_dim3A_20 : vector<16xi1>, vector<16xi32>
      %parallel_loop3A_507 = vector.shape_cast %parallel_loop3A_506 : vector<16xi32> to vector<16x1xi32>
      %parallel_loop3A_508 = vector.shape_cast %parallel_loop3A_507 : vector<16x1xi32> to vector<16xi32>
      %parallel_loop3A_509 = tpu.dynamic_gather %parallel_loop3A_493[%parallel_loop3A_508] in [0] : vector<16xi32>, vector<16xi32> -> vector<16xi32>
      %parallel_loop3A_510 = arith.cmpi eq, %parallel_loop3A_509, %parallel_loop3A_499 : vector<16xi32>
      %parallel_loop3A_511 = arith.andi %eq3A_27, %parallel_loop3A_510 : vector<16xi1>
      %parallel_loop3A_512 = arith.constant 0 : i32
      %parallel_loop3A_513 = arith.addi %parallel_loop3A_491, %parallel_loop3A_512 : i32
      %parallel_loop3A_514 = arith.index_cast %parallel_loop3A_513 : i32 to index
      %parallel_loop3A_515 = tpu.vector_load %arg7[%parallel_loop3A_514] {strides = array<i32>} : memref<20000xi32, #tpu.memory_space<vmem>>, vector<16xi32>,
      %parallel_loop3A_516 = arith.constant 4 : i32
      %parallel_loop3A_517 = vector.broadcast %parallel_loop3A_516 : i32 to vector<16xi32>
      %parallel_loop3A_518 = arith.shli %parallel_loop3A_515, %parallel_loop3A_517 : vector<16xi32>
      %parallel_loop3A_519 = arith.addi %parallel_loop3A_518, %iota3A : vector<16xi32>
      %parallel_loop3A_520 = tpu.vector_load_idx %arg6[%parallel_loop3A_519] : memref<2048xf32, #tpu.memory_space<vmem>>[vector<16xi32>], vector<16xf32>,
      %parallel_loop3A_521 = arith.addf %broadcast_in_dim3A_14, %parallel_loop3A_520 : vector<16xf32>
      %parallel_loop3A_522 = arith.constant 16 : i32
      %parallel_loop3A_523 = arith.addi %parallel_loop3A_491, %parallel_loop3A_522 : i32
      %parallel_loop3A_524 = arith.index_cast %parallel_loop3A_523 : i32 to index
      %parallel_loop3A_525 = tpu.vector_load %arg7[%parallel_loop3A_524] {strides = array<i32>} : memref<20000xi32, #tpu.memory_space<vmem>>, vector<16xi32>,
      %parallel_loop3A_526 = arith.constant 4 : i32
      %parallel_loop3A_527 = vector.broadcast %parallel_loop3A_526 : i32 to vector<16xi32>
      %parallel_loop3A_528 = arith.shli %parallel_loop3A_525, %parallel_loop3A_527 : vector<16xi32>
      %parallel_loop3A_529 = arith.addi %parallel_loop3A_528, %iota3A : vector<16xi32>
      %parallel_loop3A_530 = tpu.vector_load_idx %arg6[%parallel_loop3A_529] : memref<2048xf32, #tpu.memory_space<vmem>>[vector<16xi32>], vector<16xf32>,
      %parallel_loop3A_531 = arith.addf %broadcast_in_dim3A_14, %parallel_loop3A_530 : vector<16xf32>
      %parallel_loop3A_532 = arith.constant 32 : i32
      %parallel_loop3A_533 = arith.addi %parallel_loop3A_491, %parallel_loop3A_532 : i32
      %parallel_loop3A_534 = arith.index_cast %parallel_loop3A_533 : i32 to index
      %parallel_loop3A_535 = tpu.vector_load %arg7[%parallel_loop3A_534] {strides = array<i32>} : memref<20000xi32, #tpu.memory_space<vmem>>, vector<16xi32>,
      %parallel_loop3A_536 = arith.constant 4 : i32
      %parallel_loop3A_537 = vector.broadcast %parallel_loop3A_536 : i32 to vector<16xi32>
      %parallel_loop3A_538 = arith.shli %parallel_loop3A_535, %parallel_loop3A_537 : vector<16xi32>
      %parallel_loop3A_539 = arith.addi %parallel_loop3A_538, %iota3A : vector<16xi32>
      %parallel_loop3A_540 = tpu.vector_load_idx %arg6[%parallel_loop3A_539] : memref<2048xf32, #tpu.memory_space<vmem>>[vector<16xi32>], vector<16xf32>,
      %parallel_loop3A_541 = arith.addf %broadcast_in_dim3A_14, %parallel_loop3A_540 : vector<16xf32>
      %parallel_loop3A_542 = arith.constant 48 : i32
      %parallel_loop3A_543 = arith.addi %parallel_loop3A_491, %parallel_loop3A_542 : i32
      %parallel_loop3A_544 = arith.index_cast %parallel_loop3A_543 : i32 to index
      %parallel_loop3A_545 = tpu.vector_load %arg7[%parallel_loop3A_544] {strides = array<i32>} : memref<20000xi32, #tpu.memory_space<vmem>>, vector<16xi32>,
      %parallel_loop3A_546 = arith.constant 4 : i32
      %parallel_loop3A_547 = vector.broadcast %parallel_loop3A_546 : i32 to vector<16xi32>
      %parallel_loop3A_548 = arith.shli %parallel_loop3A_545, %parallel_loop3A_547 : vector<16xi32>
      %parallel_loop3A_549 = arith.addi %parallel_loop3A_548, %iota3A : vector<16xi32>
      %parallel_loop3A_550 = tpu.vector_load_idx %arg6[%parallel_loop3A_549] : memref<2048xf32, #tpu.memory_space<vmem>>[vector<16xi32>], vector<16xf32>,
      %parallel_loop3A_551 = arith.addf %broadcast_in_dim3A_14, %parallel_loop3A_550 : vector<16xf32>
      %parallel_loop3A_552 = arith.constant 64 : i32
      %parallel_loop3A_553 = arith.addi %parallel_loop3A_491, %parallel_loop3A_552 : i32
      %parallel_loop3A_554 = arith.index_cast %parallel_loop3A_553 : i32 to index
      %parallel_loop3A_555 = tpu.vector_load %arg7[%parallel_loop3A_554] {strides = array<i32>} : memref<20000xi32, #tpu.memory_space<vmem>>, vector<16xi32>,
      %parallel_loop3A_556 = arith.constant 4 : i32
      %parallel_loop3A_557 = vector.broadcast %parallel_loop3A_556 : i32 to vector<16xi32>
      %parallel_loop3A_558 = arith.shli %parallel_loop3A_555, %parallel_loop3A_557 : vector<16xi32>
      %parallel_loop3A_559 = arith.addi %parallel_loop3A_558, %iota3A : vector<16xi32>
      %parallel_loop3A_560 = tpu.vector_load_idx %arg6[%parallel_loop3A_559] : memref<2048xf32, #tpu.memory_space<vmem>>[vector<16xi32>], vector<16xf32>,
      %parallel_loop3A_561 = arith.addf %parallel_loop3A_521, %parallel_loop3A_560 : vector<16xf32>
      %parallel_loop3A_562 = arith.constant 80 : i32
      %parallel_loop3A_563 = arith.addi %parallel_loop3A_491, %parallel_loop3A_562 : i32
      %parallel_loop3A_564 = arith.index_cast %parallel_loop3A_563 : i32 to index
      %parallel_loop3A_565 = tpu.vector_load %arg7[%parallel_loop3A_564] {strides = array<i32>} : memref<20000xi32, #tpu.memory_space<vmem>>, vector<16xi32>,
      %parallel_loop3A_566 = arith.constant 4 : i32
      %parallel_loop3A_567 = vector.broadcast %parallel_loop3A_566 : i32 to vector<16xi32>
      %parallel_loop3A_568 = arith.shli %parallel_loop3A_565, %parallel_loop3A_567 : vector<16xi32>
      %parallel_loop3A_569 = arith.addi %parallel_loop3A_568, %iota3A : vector<16xi32>
      %parallel_loop3A_570 = tpu.vector_load_idx %arg6[%parallel_loop3A_569] : memref<2048xf32, #tpu.memory_space<vmem>>[vector<16xi32>], vector<16xf32>,
      %parallel_loop3A_571 = arith.addf %parallel_loop3A_531, %parallel_loop3A_570 : vector<16xf32>
      %parallel_loop3A_572 = arith.constant 96 : i32
      %parallel_loop3A_573 = arith.addi %parallel_loop3A_491, %parallel_loop3A_572 : i32
      %parallel_loop3A_574 = arith.index_cast %parallel_loop3A_573 : i32 to index
      %parallel_loop3A_575 = tpu.vector_load %arg7[%parallel_loop3A_574] {strides = array<i32>} : memref<20000xi32, #tpu.memory_space<vmem>>, vector<16xi32>,
      %parallel_loop3A_576 = arith.constant 4 : i32
      %parallel_loop3A_577 = vector.broadcast %parallel_loop3A_576 : i32 to vector<16xi32>
      %parallel_loop3A_578 = arith.shli %parallel_loop3A_575, %parallel_loop3A_577 : vector<16xi32>
      %parallel_loop3A_579 = arith.addi %parallel_loop3A_578, %iota3A : vector<16xi32>
      %parallel_loop3A_580 = tpu.vector_load_idx %arg6[%parallel_loop3A_579] : memref<2048xf32, #tpu.memory_space<vmem>>[vector<16xi32>], vector<16xf32>,
      %parallel_loop3A_581 = arith.addf %parallel_loop3A_541, %parallel_loop3A_580 : vector<16xf32>
      %parallel_loop3A_582 = arith.constant 112 : i32
      %parallel_loop3A_583 = arith.addi %parallel_loop3A_491, %parallel_loop3A_582 : i32
      %parallel_loop3A_584 = arith.index_cast %parallel_loop3A_583 : i32 to index
      %parallel_loop3A_585 = tpu.vector_load %arg7[%parallel_loop3A_584] {strides = array<i32>} : memref<20000xi32, #tpu.memory_space<vmem>>, vector<16xi32>,
      %parallel_loop3A_586 = arith.constant 4 : i32
      %parallel_loop3A_587 = vector.broadcast %parallel_loop3A_586 : i32 to vector<16xi32>
      %parallel_loop3A_588 = arith.shli %parallel_loop3A_585, %parallel_loop3A_587 : vector<16xi32>
      %parallel_loop3A_589 = arith.addi %parallel_loop3A_588, %iota3A : vector<16xi32>
      %parallel_loop3A_590 = tpu.vector_load_idx %arg6[%parallel_loop3A_589] : memref<2048xf32, #tpu.memory_space<vmem>>[vector<16xi32>], vector<16xf32>,
      %parallel_loop3A_591 = arith.addf %parallel_loop3A_551, %parallel_loop3A_590 : vector<16xf32>
      %parallel_loop3A_592 = arith.constant 128 : i32
      %parallel_loop3A_593 = arith.addi %parallel_loop3A_491, %parallel_loop3A_592 : i32
      %parallel_loop3A_594 = arith.index_cast %parallel_loop3A_593 : i32 to index
      %parallel_loop3A_595 = tpu.vector_load %arg7[%parallel_loop3A_594] {strides = array<i32>} : memref<20000xi32, #tpu.memory_space<vmem>>, vector<16xi32>,
      %parallel_loop3A_596 = arith.constant 4 : i32
      %parallel_loop3A_597 = vector.broadcast %parallel_loop3A_596 : i32 to vector<16xi32>
      %parallel_loop3A_598 = arith.shli %parallel_loop3A_595, %parallel_loop3A_597 : vector<16xi32>
      %parallel_loop3A_599 = arith.addi %parallel_loop3A_598, %iota3A : vector<16xi32>
      %parallel_loop3A_600 = tpu.vector_load_idx %arg6[%parallel_loop3A_599] : memref<2048xf32, #tpu.memory_space<vmem>>[vector<16xi32>], vector<16xf32>,
      %parallel_loop3A_601 = arith.addf %parallel_loop3A_561, %parallel_loop3A_600 : vector<16xf32>
      %parallel_loop3A_602 = arith.constant 144 : i32
      %parallel_loop3A_603 = arith.addi %parallel_loop3A_491, %parallel_loop3A_602 : i32
      %parallel_loop3A_604 = arith.index_cast %parallel_loop3A_603 : i32 to index
      %parallel_loop3A_605 = tpu.vector_load %arg7[%parallel_loop3A_604] {strides = array<i32>} : memref<20000xi32, #tpu.memory_space<vmem>>, vector<16xi32>,
      %parallel_loop3A_606 = arith.constant 4 : i32
      %parallel_loop3A_607 = vector.broadcast %parallel_loop3A_606 : i32 to vector<16xi32>
      %parallel_loop3A_608 = arith.shli %parallel_loop3A_605, %parallel_loop3A_607 : vector<16xi32>
      %parallel_loop3A_609 = arith.addi %parallel_loop3A_608, %iota3A : vector<16xi32>
      %parallel_loop3A_610 = tpu.vector_load_idx %arg6[%parallel_loop3A_609] : memref<2048xf32, #tpu.memory_space<vmem>>[vector<16xi32>], vector<16xf32>,
      %parallel_loop3A_611 = arith.addf %parallel_loop3A_571, %parallel_loop3A_610 : vector<16xf32>
      %parallel_loop3A_612 = arith.addf %parallel_loop3A_601, %parallel_loop3A_611 : vector<16xf32>
      %parallel_loop3A_613 = arith.addf %parallel_loop3A_612, %parallel_loop3A_581 : vector<16xf32>
      %parallel_loop3A_614 = arith.addf %parallel_loop3A_613, %parallel_loop3A_591 : vector<16xf32>
      %parallel_loop3A_615 = arith.constant true
      %parallel_loop3A_616 = vector.broadcast %parallel_loop3A_615 : i1 to vector<16xi1>
      %parallel_loop3A_617 = tpu.scan <sum>, %parallel_loop3A_614 masked %parallel_loop3A_616 : vector<16xf32>, vector<16xi1> -> vector<16xf32>
      tpu.vector_store_idx %arg11[%parallel_loop3A_499], %parallel_loop3A_617 masked %parallel_loop3A_511 {add = true} : memref<4096xf32, #tpu.memory_space<vmem>>[vector<16xi32>], vector<16xf32>, vector<16xi1>
    } {sc.loop_unroll_factor = 1 : i64, sc.parallel_access}
    %scan3A_105 = arith.constant 0 : i32
    %scan3A_106 = arith.constant 8 : i32
    %scan3A_107 = arith.addi %scan3A_105, %scan3A_106 : i32
    %scan3A_108 = arith.constant 1 : i32
    scf.for %scan3A_489 = %scan3A_105 to %scan3A_107 step %scan3A_108  : i32 {
      %mul3A_490 = arith.constant 16 : i32
      %mul3A_491 = arith.muli %scan3A_489, %mul3A_490 : i32
      %add3A_492 = vector.broadcast %mul3A_491 : i32 to vector<16xi32>
      %add3A_493 = arith.addi %add3A_492, %iota3A : vector<16xi32>
      %min3A_494 = arith.constant 124 : i32
      %min3A_495 = vector.broadcast %min3A_494 : i32 to vector<16xi32>
      %min3A_496 = arith.minsi %add3A_493, %min3A_495 : vector<16xi32>
      %add3A_497 = vector.broadcast %mul3A_491 : i32 to vector<16xi32>
      %add3A_498 = arith.addi %add3A_497, %iota3A : vector<16xi32>
      %lt3A = arith.constant 125 : i32
      %lt3A_499 = vector.broadcast %lt3A : i32 to vector<16xi32>
      %lt3A_500 = arith.cmpi slt, %add3A_498, %lt3A_499 : vector<16xi32>
      %mul3A_501 = arith.constant 160 : i32
      %mul3A_502 = vector.broadcast %mul3A_501 : i32 to vector<16xi32>
      %mul3A_503 = arith.muli %min3A_496, %mul3A_502 : vector<16xi32>
      %gather3A = tpu.vector_load_idx %arg8[%mul3A_503] : memref<20000xi32, #tpu.memory_space<vmem>>[vector<16xi32>], vector<16xi32>,
      %add3A_504 = arith.constant 159 : i32
      %add3A_505 = vector.broadcast %add3A_504 : i32 to vector<16xi32>
      %add3A_506 = arith.addi %mul3A_503, %add3A_505 : vector<16xi32>
      %gather3A_507 = tpu.vector_load_idx %arg8[%add3A_506] : memref<20000xi32, #tpu.memory_space<vmem>>[vector<16xi32>], vector<16xi32>,
      %ne3A = arith.cmpi ne, %gather3A, %gather3A_507 : vector<16xi32>
      %and3A = arith.andi %ne3A, %lt3A_500 : vector<16xi1>
      %while3A = scf.while (%while3A_508 = %and3A) : (vector<16xi1>) -> vector<16xi1> {
        %reduce_or3A = arith.constant 1.000000e+00 : f32
        %reduce_or3A_509 = arith.constant 0.000000e+00 : f32
        %reduce_or3A_510 = vector.broadcast %reduce_or3A : f32 to vector<16xf32>
        %reduce_or3A_511 = vector.broadcast %reduce_or3A_509 : f32 to vector<16xf32>
        %reduce_or3A_512 = arith.select %while3A_508, %reduce_or3A_510, %reduce_or3A_511 : vector<16xi1>, vector<16xf32>
        %reduce_or3A_513 = arith.constant true
        %reduce_or3A_514 = vector.broadcast %reduce_or3A_513 : i1 to vector<16xi1>
        %reduce_or3A_515 = tpu.scan <max>, %reduce_or3A_512 masked %reduce_or3A_514 : vector<16xf32>, vector<16xi1> -> vector<16xf32>
        %reduce_or3A_516 = vector.extract %reduce_or3A_515[15] : f32 from vector<16xf32>
        %reduce_or3A_517 = arith.constant 0.000000e+00 : f32
        %reduce_or3A_518 = arith.cmpf ogt, %reduce_or3A_516, %reduce_or3A_517 : f32
        scf.condition(%reduce_or3A_518) %while3A_508 : vector<16xi1>
      } do {
      ^bb0(%while3A_508: vector<16xi1>):
        %all_reduce_ffs3A = tpu.all_reduce %while3A_508 {dim = 0 : i64, kind = #tpu.reduction_kind<find_first_set>} : vector<16xi1> -> vector<16xi32>
        %slice3A = vector.extract_strided_slice %all_reduce_ffs3A {offsets = [0], sizes = [1], strides = [1]} : vector<16xi32> to vector<1xi32>
        %squeeze3A = vector.extract %slice3A[0] : i32 from vector<1xi32>
        %add3A_509 = arith.addi %mul3A_491, %squeeze3A : i32
        %parallel_loop3A_510 = arith.constant 0 : i32
        %parallel_loop3A_511 = arith.constant 10 : i32
        %parallel_loop3A_512 = arith.constant 1 : i32
        scf.for %parallel_loop3A_516 = %parallel_loop3A_510 to %parallel_loop3A_511 step %parallel_loop3A_512  : i32 {
          %parallel_loop3A_517 = arith.constant 160 : i32
          %parallel_loop3A_518 = arith.muli %add3A_509, %parallel_loop3A_517 : i32
          %parallel_loop3A_519 = arith.constant 16 : i32
          %parallel_loop3A_520 = arith.muli %parallel_loop3A_516, %parallel_loop3A_519 : i32
          %parallel_loop3A_521 = arith.addi %parallel_loop3A_518, %parallel_loop3A_520 : i32
          %parallel_loop3A_522 = arith.index_cast %parallel_loop3A_521 : i32 to index
          %parallel_loop3A_523 = tpu.vector_load %arg7[%parallel_loop3A_522] {strides = array<i32>} : memref<20000xi32, #tpu.memory_space<vmem>>, vector<16xi32>,
          %parallel_loop3A_524 = arith.index_cast %parallel_loop3A_521 : i32 to index
          %parallel_loop3A_525 = tpu.vector_load %arg8[%parallel_loop3A_524] {strides = array<i32>} : memref<20000xi32, #tpu.memory_space<vmem>>, vector<16xi32>,
          %parallel_loop3A_526 = arith.constant 4 : i32
          %parallel_loop3A_527 = vector.broadcast %parallel_loop3A_526 : i32 to vector<16xi32>
          %parallel_loop3A_528 = arith.shli %parallel_loop3A_523, %parallel_loop3A_527 : vector<16xi32>
          %parallel_loop3A_529 = arith.addi %parallel_loop3A_528, %iota3A : vector<16xi32>
          %parallel_loop3A_530 = tpu.vector_load_idx %arg6[%parallel_loop3A_529] : memref<2048xf32, #tpu.memory_space<vmem>>[vector<16xi32>], vector<16xf32>,
          %parallel_loop3A_531 = arith.constant true
          %parallel_loop3A_532 = vector.broadcast %parallel_loop3A_531 : i1 to vector<16xi1>
          %parallel_loop3A_533 = tpu.scan <sum>, %parallel_loop3A_530 masked %parallel_loop3A_532 : vector<16xf32>, vector<16xi1> -> vector<16xf32>
          %parallel_loop3A_534 = arith.constant 0 : i32
          %parallel_loop3A_535 = vector.broadcast %parallel_loop3A_534 : i32 to vector<16xi32>
          %parallel_loop3A_536 = arith.cmpi slt, %min3A_25, %parallel_loop3A_535 : vector<16xi32>
          %parallel_loop3A_537 = arith.constant 16 : i32
          %parallel_loop3A_538 = vector.broadcast %parallel_loop3A_537 : i32 to vector<16xi32>
          %parallel_loop3A_539 = arith.addi %min3A_25, %parallel_loop3A_538 : vector<16xi32>
          %parallel_loop3A_540 = arith.select %parallel_loop3A_536, %parallel_loop3A_539, %min3A_25 : vector<16xi1>, vector<16xi32>
          %parallel_loop3A_541 = vector.shape_cast %parallel_loop3A_540 : vector<16xi32> to vector<16x1xi32>
          %parallel_loop3A_542 = vector.shape_cast %parallel_loop3A_541 : vector<16x1xi32> to vector<16xi32>
          %parallel_loop3A_543 = tpu.dynamic_gather %parallel_loop3A_525[%parallel_loop3A_542] in [0] : vector<16xi32>, vector<16xi32> -> vector<16xi32>
          %parallel_loop3A_544 = arith.cmpi ne, %parallel_loop3A_525, %parallel_loop3A_543 : vector<16xi32>
          %parallel_loop3A_545 = arith.ori %parallel_loop3A_544, %eq3A_27 : vector<16xi1>
          tpu.vector_store_idx %arg11[%parallel_loop3A_525], %parallel_loop3A_533 masked %parallel_loop3A_545 {add = true} : memref<4096xf32, #tpu.memory_space<vmem>>[vector<16xi32>], vector<16xf32>, vector<16xi1>
          %parallel_loop3A_546 = arith.constant 0.000000e+00 : f32
          %parallel_loop3A_547 = vector.broadcast %parallel_loop3A_546 : f32 to vector<16xf32>
          %parallel_loop3A_548 = arith.subf %parallel_loop3A_547, %parallel_loop3A_533 : vector<16xf32>
          tpu.vector_store_idx %arg11[%parallel_loop3A_543], %parallel_loop3A_548 masked %parallel_loop3A_544 {add = true} : memref<4096xf32, #tpu.memory_space<vmem>>[vector<16xi32>], vector<16xf32>, vector<16xi1>
        } {sc.loop_unroll_factor = 1 : i64, sc.parallel_access}
        %ne3A_513 = vector.broadcast %squeeze3A : i32 to vector<16xi32>
        %ne3A_514 = arith.cmpi ne, %iota3A, %ne3A_513 : vector<16xi32>
        %and3A_515 = arith.andi %while3A_508, %ne3A_514 : vector<16xi1>
        scf.yield %and3A_515 : vector<16xi1>
      }
    }
    %scan3A_109 = arith.constant 8 : i32
    %add3A_110 = arith.constant 120000 : i32
    %add3A_111 = arith.addi %mul3A_2, %add3A_110 : i32
    %dma_start3A_112 = tpu.memref_slice %arg2[%add3A_111] : memref<6400000xi32, #tpu.memory_space<hbm>> -> memref<20000xi32, #tpu.memory_space<hbm>>
    %dma_start3A_113 = tpu.memref_slice %arg2[%add3A_111] : memref<6400000xi32, #tpu.memory_space<hbm>> -> memref<20000xi32, #tpu.memory_space<hbm>>
    tpu.enqueue_dma source(%dma_start3A_113 : memref<20000xi32, #tpu.memory_space<hbm>>) target(%arg7 : memref<20000xi32, #tpu.memory_space<vmem>>) target_semaphore(%arg15 : memref<!tpu.dma_semaphore, #tpu.memory_space<semaphore_mem>>)
    %dma_start3A_114 = tpu.memref_slice %arg3[%add3A_111] : memref<6400000xi32, #tpu.memory_space<hbm>> -> memref<20000xi32, #tpu.memory_space<hbm>>
    %dma_start3A_115 = tpu.memref_slice %arg3[%add3A_111] : memref<6400000xi32, #tpu.memory_space<hbm>> -> memref<20000xi32, #tpu.memory_space<hbm>>
    tpu.enqueue_dma source(%dma_start3A_115 : memref<20000xi32, #tpu.memory_space<hbm>>) target(%arg8 : memref<20000xi32, #tpu.memory_space<vmem>>) target_semaphore(%arg16 : memref<!tpu.dma_semaphore, #tpu.memory_space<semaphore_mem>>)
    %dma_wait3A_116 = tpu.memref_slice %arg2[%add3A_93] : memref<6400000xi32, #tpu.memory_space<hbm>> -> memref<20000xi32, #tpu.memory_space<hbm>>
    %dma_wait3A_117 = tpu.memref_slice %arg2[%add3A_93] : memref<6400000xi32, #tpu.memory_space<hbm>> -> memref<20000xi32, #tpu.memory_space<hbm>>
    tpu.wait_dma2 semaphore(%arg17 : memref<!tpu.dma_semaphore, #tpu.memory_space<semaphore_mem>>) src(%dma_wait3A_117 : memref<20000xi32, #tpu.memory_space<hbm>>) dst(%arg9 : memref<20000xi32, #tpu.memory_space<vmem>>)
    %dma_wait3A_118 = tpu.memref_slice %arg3[%add3A_93] : memref<6400000xi32, #tpu.memory_space<hbm>> -> memref<20000xi32, #tpu.memory_space<hbm>>
    %dma_wait3A_119 = tpu.memref_slice %arg3[%add3A_93] : memref<6400000xi32, #tpu.memory_space<hbm>> -> memref<20000xi32, #tpu.memory_space<hbm>>
    tpu.wait_dma2 semaphore(%arg18 : memref<!tpu.dma_semaphore, #tpu.memory_space<semaphore_mem>>) src(%dma_wait3A_119 : memref<20000xi32, #tpu.memory_space<hbm>>) dst(%arg10 : memref<20000xi32, #tpu.memory_space<vmem>>)
    %parallel_loop3A_120 = arith.constant 0 : i32
    %parallel_loop3A_121 = arith.constant 125 : i32
    %parallel_loop3A_122 = arith.constant 1 : i32
    scf.for %parallel_loop3A_489 = %parallel_loop3A_120 to %parallel_loop3A_121 step %parallel_loop3A_122  : i32 {
      %parallel_loop3A_490 = arith.constant 160 : i32
      %parallel_loop3A_491 = arith.muli %parallel_loop3A_489, %parallel_loop3A_490 : i32
      %parallel_loop3A_492 = arith.index_cast %parallel_loop3A_491 : i32 to index
      %parallel_loop3A_493 = tpu.vector_load %arg10[%parallel_loop3A_492] {strides = array<i32>} : memref<20000xi32, #tpu.memory_space<vmem>>, vector<16xi32>,
      %parallel_loop3A_494 = arith.constant 160 : i32
      %parallel_loop3A_495 = arith.addi %parallel_loop3A_491, %parallel_loop3A_494 : i32
      %parallel_loop3A_496 = arith.constant 16 : i32
      %parallel_loop3A_497 = arith.subi %parallel_loop3A_495, %parallel_loop3A_496 : i32
      %parallel_loop3A_498 = arith.index_cast %parallel_loop3A_497 : i32 to index
      %parallel_loop3A_499 = tpu.vector_load %arg10[%parallel_loop3A_498] {strides = array<i32>} : memref<20000xi32, #tpu.memory_space<vmem>>, vector<16xi32>,
      %parallel_loop3A_500 = arith.constant 0 : i32
      %parallel_loop3A_501 = vector.broadcast %parallel_loop3A_500 : i32 to vector<16xi32>
      %parallel_loop3A_502 = arith.cmpi slt, %broadcast_in_dim3A_20, %parallel_loop3A_501 : vector<16xi32>
      %parallel_loop3A_503 = arith.constant 16 : i32
      %parallel_loop3A_504 = vector.broadcast %parallel_loop3A_503 : i32 to vector<16xi32>
      %parallel_loop3A_505 = arith.addi %broadcast_in_dim3A_20, %parallel_loop3A_504 : vector<16xi32>
      %parallel_loop3A_506 = arith.select %parallel_loop3A_502, %parallel_loop3A_505, %broadcast_in_dim3A_20 : vector<16xi1>, vector<16xi32>
      %parallel_loop3A_507 = vector.shape_cast %parallel_loop3A_506 : vector<16xi32> to vector<16x1xi32>
      %parallel_loop3A_508 = vector.shape_cast %parallel_loop3A_507 : vector<16x1xi32> to vector<16xi32>
      %parallel_loop3A_509 = tpu.dynamic_gather %parallel_loop3A_493[%parallel_loop3A_508] in [0] : vector<16xi32>, vector<16xi32> -> vector<16xi32>
      %parallel_loop3A_510 = arith.cmpi eq, %parallel_loop3A_509, %parallel_loop3A_499 : vector<16xi32>
      %parallel_loop3A_511 = arith.andi %eq3A_27, %parallel_loop3A_510 : vector<16xi1>
      %parallel_loop3A_512 = arith.constant 0 : i32
      %parallel_loop3A_513 = arith.addi %parallel_loop3A_491, %parallel_loop3A_512 : i32
      %parallel_loop3A_514 = arith.index_cast %parallel_loop3A_513 : i32 to index
      %parallel_loop3A_515 = tpu.vector_load %arg9[%parallel_loop3A_514] {strides = array<i32>} : memref<20000xi32, #tpu.memory_space<vmem>>, vector<16xi32>,
      %parallel_loop3A_516 = arith.constant 4 : i32
      %parallel_loop3A_517 = vector.broadcast %parallel_loop3A_516 : i32 to vector<16xi32>
      %parallel_loop3A_518 = arith.shli %parallel_loop3A_515, %parallel_loop3A_517 : vector<16xi32>
      %parallel_loop3A_519 = arith.addi %parallel_loop3A_518, %iota3A : vector<16xi32>
      %parallel_loop3A_520 = tpu.vector_load_idx %arg6[%parallel_loop3A_519] : memref<2048xf32, #tpu.memory_space<vmem>>[vector<16xi32>], vector<16xf32>,
      %parallel_loop3A_521 = arith.addf %broadcast_in_dim3A_14, %parallel_loop3A_520 : vector<16xf32>
      %parallel_loop3A_522 = arith.constant 16 : i32
      %parallel_loop3A_523 = arith.addi %parallel_loop3A_491, %parallel_loop3A_522 : i32
      %parallel_loop3A_524 = arith.index_cast %parallel_loop3A_523 : i32 to index
      %parallel_loop3A_525 = tpu.vector_load %arg9[%parallel_loop3A_524] {strides = array<i32>} : memref<20000xi32, #tpu.memory_space<vmem>>, vector<16xi32>,
      %parallel_loop3A_526 = arith.constant 4 : i32
      %parallel_loop3A_527 = vector.broadcast %parallel_loop3A_526 : i32 to vector<16xi32>
      %parallel_loop3A_528 = arith.shli %parallel_loop3A_525, %parallel_loop3A_527 : vector<16xi32>
      %parallel_loop3A_529 = arith.addi %parallel_loop3A_528, %iota3A : vector<16xi32>
      %parallel_loop3A_530 = tpu.vector_load_idx %arg6[%parallel_loop3A_529] : memref<2048xf32, #tpu.memory_space<vmem>>[vector<16xi32>], vector<16xf32>,
      %parallel_loop3A_531 = arith.addf %broadcast_in_dim3A_14, %parallel_loop3A_530 : vector<16xf32>
      %parallel_loop3A_532 = arith.constant 32 : i32
      %parallel_loop3A_533 = arith.addi %parallel_loop3A_491, %parallel_loop3A_532 : i32
      %parallel_loop3A_534 = arith.index_cast %parallel_loop3A_533 : i32 to index
      %parallel_loop3A_535 = tpu.vector_load %arg9[%parallel_loop3A_534] {strides = array<i32>} : memref<20000xi32, #tpu.memory_space<vmem>>, vector<16xi32>,
      %parallel_loop3A_536 = arith.constant 4 : i32
      %parallel_loop3A_537 = vector.broadcast %parallel_loop3A_536 : i32 to vector<16xi32>
      %parallel_loop3A_538 = arith.shli %parallel_loop3A_535, %parallel_loop3A_537 : vector<16xi32>
      %parallel_loop3A_539 = arith.addi %parallel_loop3A_538, %iota3A : vector<16xi32>
      %parallel_loop3A_540 = tpu.vector_load_idx %arg6[%parallel_loop3A_539] : memref<2048xf32, #tpu.memory_space<vmem>>[vector<16xi32>], vector<16xf32>,
      %parallel_loop3A_541 = arith.addf %broadcast_in_dim3A_14, %parallel_loop3A_540 : vector<16xf32>
      %parallel_loop3A_542 = arith.constant 48 : i32
      %parallel_loop3A_543 = arith.addi %parallel_loop3A_491, %parallel_loop3A_542 : i32
      %parallel_loop3A_544 = arith.index_cast %parallel_loop3A_543 : i32 to index
      %parallel_loop3A_545 = tpu.vector_load %arg9[%parallel_loop3A_544] {strides = array<i32>} : memref<20000xi32, #tpu.memory_space<vmem>>, vector<16xi32>,
      %parallel_loop3A_546 = arith.constant 4 : i32
      %parallel_loop3A_547 = vector.broadcast %parallel_loop3A_546 : i32 to vector<16xi32>
      %parallel_loop3A_548 = arith.shli %parallel_loop3A_545, %parallel_loop3A_547 : vector<16xi32>
      %parallel_loop3A_549 = arith.addi %parallel_loop3A_548, %iota3A : vector<16xi32>
      %parallel_loop3A_550 = tpu.vector_load_idx %arg6[%parallel_loop3A_549] : memref<2048xf32, #tpu.memory_space<vmem>>[vector<16xi32>], vector<16xf32>,
      %parallel_loop3A_551 = arith.addf %broadcast_in_dim3A_14, %parallel_loop3A_550 : vector<16xf32>
      %parallel_loop3A_552 = arith.constant 64 : i32
      %parallel_loop3A_553 = arith.addi %parallel_loop3A_491, %parallel_loop3A_552 : i32
      %parallel_loop3A_554 = arith.index_cast %parallel_loop3A_553 : i32 to index
      %parallel_loop3A_555 = tpu.vector_load %arg9[%parallel_loop3A_554] {strides = array<i32>} : memref<20000xi32, #tpu.memory_space<vmem>>, vector<16xi32>,
      %parallel_loop3A_556 = arith.constant 4 : i32
      %parallel_loop3A_557 = vector.broadcast %parallel_loop3A_556 : i32 to vector<16xi32>
      %parallel_loop3A_558 = arith.shli %parallel_loop3A_555, %parallel_loop3A_557 : vector<16xi32>
      %parallel_loop3A_559 = arith.addi %parallel_loop3A_558, %iota3A : vector<16xi32>
      %parallel_loop3A_560 = tpu.vector_load_idx %arg6[%parallel_loop3A_559] : memref<2048xf32, #tpu.memory_space<vmem>>[vector<16xi32>], vector<16xf32>,
      %parallel_loop3A_561 = arith.addf %parallel_loop3A_521, %parallel_loop3A_560 : vector<16xf32>
      %parallel_loop3A_562 = arith.constant 80 : i32
      %parallel_loop3A_563 = arith.addi %parallel_loop3A_491, %parallel_loop3A_562 : i32
      %parallel_loop3A_564 = arith.index_cast %parallel_loop3A_563 : i32 to index
      %parallel_loop3A_565 = tpu.vector_load %arg9[%parallel_loop3A_564] {strides = array<i32>} : memref<20000xi32, #tpu.memory_space<vmem>>, vector<16xi32>,
      %parallel_loop3A_566 = arith.constant 4 : i32
      %parallel_loop3A_567 = vector.broadcast %parallel_loop3A_566 : i32 to vector<16xi32>
      %parallel_loop3A_568 = arith.shli %parallel_loop3A_565, %parallel_loop3A_567 : vector<16xi32>
      %parallel_loop3A_569 = arith.addi %parallel_loop3A_568, %iota3A : vector<16xi32>
      %parallel_loop3A_570 = tpu.vector_load_idx %arg6[%parallel_loop3A_569] : memref<2048xf32, #tpu.memory_space<vmem>>[vector<16xi32>], vector<16xf32>,
      %parallel_loop3A_571 = arith.addf %parallel_loop3A_531, %parallel_loop3A_570 : vector<16xf32>
      %parallel_loop3A_572 = arith.constant 96 : i32
      %parallel_loop3A_573 = arith.addi %parallel_loop3A_491, %parallel_loop3A_572 : i32
      %parallel_loop3A_574 = arith.index_cast %parallel_loop3A_573 : i32 to index
      %parallel_loop3A_575 = tpu.vector_load %arg9[%parallel_loop3A_574] {strides = array<i32>} : memref<20000xi32, #tpu.memory_space<vmem>>, vector<16xi32>,
      %parallel_loop3A_576 = arith.constant 4 : i32
      %parallel_loop3A_577 = vector.broadcast %parallel_loop3A_576 : i32 to vector<16xi32>
      %parallel_loop3A_578 = arith.shli %parallel_loop3A_575, %parallel_loop3A_577 : vector<16xi32>
      %parallel_loop3A_579 = arith.addi %parallel_loop3A_578, %iota3A : vector<16xi32>
      %parallel_loop3A_580 = tpu.vector_load_idx %arg6[%parallel_loop3A_579] : memref<2048xf32, #tpu.memory_space<vmem>>[vector<16xi32>], vector<16xf32>,
      %parallel_loop3A_581 = arith.addf %parallel_loop3A_541, %parallel_loop3A_580 : vector<16xf32>
      %parallel_loop3A_582 = arith.constant 112 : i32
      %parallel_loop3A_583 = arith.addi %parallel_loop3A_491, %parallel_loop3A_582 : i32
      %parallel_loop3A_584 = arith.index_cast %parallel_loop3A_583 : i32 to index
      %parallel_loop3A_585 = tpu.vector_load %arg9[%parallel_loop3A_584] {strides = array<i32>} : memref<20000xi32, #tpu.memory_space<vmem>>, vector<16xi32>,
      %parallel_loop3A_586 = arith.constant 4 : i32
      %parallel_loop3A_587 = vector.broadcast %parallel_loop3A_586 : i32 to vector<16xi32>
      %parallel_loop3A_588 = arith.shli %parallel_loop3A_585, %parallel_loop3A_587 : vector<16xi32>
      %parallel_loop3A_589 = arith.addi %parallel_loop3A_588, %iota3A : vector<16xi32>
      %parallel_loop3A_590 = tpu.vector_load_idx %arg6[%parallel_loop3A_589] : memref<2048xf32, #tpu.memory_space<vmem>>[vector<16xi32>], vector<16xf32>,
      %parallel_loop3A_591 = arith.addf %parallel_loop3A_551, %parallel_loop3A_590 : vector<16xf32>
      %parallel_loop3A_592 = arith.constant 128 : i32
      %parallel_loop3A_593 = arith.addi %parallel_loop3A_491, %parallel_loop3A_592 : i32
      %parallel_loop3A_594 = arith.index_cast %parallel_loop3A_593 : i32 to index
      %parallel_loop3A_595 = tpu.vector_load %arg9[%parallel_loop3A_594] {strides = array<i32>} : memref<20000xi32, #tpu.memory_space<vmem>>, vector<16xi32>,
      %parallel_loop3A_596 = arith.constant 4 : i32
      %parallel_loop3A_597 = vector.broadcast %parallel_loop3A_596 : i32 to vector<16xi32>
      %parallel_loop3A_598 = arith.shli %parallel_loop3A_595, %parallel_loop3A_597 : vector<16xi32>
      %parallel_loop3A_599 = arith.addi %parallel_loop3A_598, %iota3A : vector<16xi32>
      %parallel_loop3A_600 = tpu.vector_load_idx %arg6[%parallel_loop3A_599] : memref<2048xf32, #tpu.memory_space<vmem>>[vector<16xi32>], vector<16xf32>,
      %parallel_loop3A_601 = arith.addf %parallel_loop3A_561, %parallel_loop3A_600 : vector<16xf32>
      %parallel_loop3A_602 = arith.constant 144 : i32
      %parallel_loop3A_603 = arith.addi %parallel_loop3A_491, %parallel_loop3A_602 : i32
      %parallel_loop3A_604 = arith.index_cast %parallel_loop3A_603 : i32 to index
      %parallel_loop3A_605 = tpu.vector_load %arg9[%parallel_loop3A_604] {strides = array<i32>} : memref<20000xi32, #tpu.memory_space<vmem>>, vector<16xi32>,
      %parallel_loop3A_606 = arith.constant 4 : i32
      %parallel_loop3A_607 = vector.broadcast %parallel_loop3A_606 : i32 to vector<16xi32>
      %parallel_loop3A_608 = arith.shli %parallel_loop3A_605, %parallel_loop3A_607 : vector<16xi32>
      %parallel_loop3A_609 = arith.addi %parallel_loop3A_608, %iota3A : vector<16xi32>
      %parallel_loop3A_610 = tpu.vector_load_idx %arg6[%parallel_loop3A_609] : memref<2048xf32, #tpu.memory_space<vmem>>[vector<16xi32>], vector<16xf32>,
      %parallel_loop3A_611 = arith.addf %parallel_loop3A_571, %parallel_loop3A_610 : vector<16xf32>
      %parallel_loop3A_612 = arith.addf %parallel_loop3A_601, %parallel_loop3A_611 : vector<16xf32>
      %parallel_loop3A_613 = arith.addf %parallel_loop3A_612, %parallel_loop3A_581 : vector<16xf32>
      %parallel_loop3A_614 = arith.addf %parallel_loop3A_613, %parallel_loop3A_591 : vector<16xf32>
      %parallel_loop3A_615 = arith.constant true
      %parallel_loop3A_616 = vector.broadcast %parallel_loop3A_615 : i1 to vector<16xi1>
      %parallel_loop3A_617 = tpu.scan <sum>, %parallel_loop3A_614 masked %parallel_loop3A_616 : vector<16xf32>, vector<16xi1> -> vector<16xf32>
      tpu.vector_store_idx %arg11[%parallel_loop3A_499], %parallel_loop3A_617 masked %parallel_loop3A_511 {add = true} : memref<4096xf32, #tpu.memory_space<vmem>>[vector<16xi32>], vector<16xf32>, vector<16xi1>
    } {sc.loop_unroll_factor = 1 : i64, sc.parallel_access}
    %scan3A_123 = arith.constant 0 : i32
    %scan3A_124 = arith.constant 8 : i32
    %scan3A_125 = arith.addi %scan3A_123, %scan3A_124 : i32
    %scan3A_126 = arith.constant 1 : i32
    scf.for %scan3A_489 = %scan3A_123 to %scan3A_125 step %scan3A_126  : i32 {
      %mul3A_490 = arith.constant 16 : i32
      %mul3A_491 = arith.muli %scan3A_489, %mul3A_490 : i32
      %add3A_492 = vector.broadcast %mul3A_491 : i32 to vector<16xi32>
      %add3A_493 = arith.addi %add3A_492, %iota3A : vector<16xi32>
      %min3A_494 = arith.constant 124 : i32
      %min3A_495 = vector.broadcast %min3A_494 : i32 to vector<16xi32>
      %min3A_496 = arith.minsi %add3A_493, %min3A_495 : vector<16xi32>
      %add3A_497 = vector.broadcast %mul3A_491 : i32 to vector<16xi32>
      %add3A_498 = arith.addi %add3A_497, %iota3A : vector<16xi32>
      %lt3A = arith.constant 125 : i32
      %lt3A_499 = vector.broadcast %lt3A : i32 to vector<16xi32>
      %lt3A_500 = arith.cmpi slt, %add3A_498, %lt3A_499 : vector<16xi32>
      %mul3A_501 = arith.constant 160 : i32
      %mul3A_502 = vector.broadcast %mul3A_501 : i32 to vector<16xi32>
      %mul3A_503 = arith.muli %min3A_496, %mul3A_502 : vector<16xi32>
      %gather3A = tpu.vector_load_idx %arg10[%mul3A_503] : memref<20000xi32, #tpu.memory_space<vmem>>[vector<16xi32>], vector<16xi32>,
      %add3A_504 = arith.constant 159 : i32
      %add3A_505 = vector.broadcast %add3A_504 : i32 to vector<16xi32>
      %add3A_506 = arith.addi %mul3A_503, %add3A_505 : vector<16xi32>
      %gather3A_507 = tpu.vector_load_idx %arg10[%add3A_506] : memref<20000xi32, #tpu.memory_space<vmem>>[vector<16xi32>], vector<16xi32>,
      %ne3A = arith.cmpi ne, %gather3A, %gather3A_507 : vector<16xi32>
      %and3A = arith.andi %ne3A, %lt3A_500 : vector<16xi1>
      %while3A = scf.while (%while3A_508 = %and3A) : (vector<16xi1>) -> vector<16xi1> {
        %reduce_or3A = arith.constant 1.000000e+00 : f32
        %reduce_or3A_509 = arith.constant 0.000000e+00 : f32
        %reduce_or3A_510 = vector.broadcast %reduce_or3A : f32 to vector<16xf32>
        %reduce_or3A_511 = vector.broadcast %reduce_or3A_509 : f32 to vector<16xf32>
        %reduce_or3A_512 = arith.select %while3A_508, %reduce_or3A_510, %reduce_or3A_511 : vector<16xi1>, vector<16xf32>
        %reduce_or3A_513 = arith.constant true
        %reduce_or3A_514 = vector.broadcast %reduce_or3A_513 : i1 to vector<16xi1>
        %reduce_or3A_515 = tpu.scan <max>, %reduce_or3A_512 masked %reduce_or3A_514 : vector<16xf32>, vector<16xi1> -> vector<16xf32>
        %reduce_or3A_516 = vector.extract %reduce_or3A_515[15] : f32 from vector<16xf32>
        %reduce_or3A_517 = arith.constant 0.000000e+00 : f32
        %reduce_or3A_518 = arith.cmpf ogt, %reduce_or3A_516, %reduce_or3A_517 : f32
        scf.condition(%reduce_or3A_518) %while3A_508 : vector<16xi1>
      } do {
      ^bb0(%while3A_508: vector<16xi1>):
        %all_reduce_ffs3A = tpu.all_reduce %while3A_508 {dim = 0 : i64, kind = #tpu.reduction_kind<find_first_set>} : vector<16xi1> -> vector<16xi32>
        %slice3A = vector.extract_strided_slice %all_reduce_ffs3A {offsets = [0], sizes = [1], strides = [1]} : vector<16xi32> to vector<1xi32>
        %squeeze3A = vector.extract %slice3A[0] : i32 from vector<1xi32>
        %add3A_509 = arith.addi %mul3A_491, %squeeze3A : i32
        %parallel_loop3A_510 = arith.constant 0 : i32
        %parallel_loop3A_511 = arith.constant 10 : i32
        %parallel_loop3A_512 = arith.constant 1 : i32
        scf.for %parallel_loop3A_516 = %parallel_loop3A_510 to %parallel_loop3A_511 step %parallel_loop3A_512  : i32 {
          %parallel_loop3A_517 = arith.constant 160 : i32
          %parallel_loop3A_518 = arith.muli %add3A_509, %parallel_loop3A_517 : i32
          %parallel_loop3A_519 = arith.constant 16 : i32
          %parallel_loop3A_520 = arith.muli %parallel_loop3A_516, %parallel_loop3A_519 : i32
          %parallel_loop3A_521 = arith.addi %parallel_loop3A_518, %parallel_loop3A_520 : i32
          %parallel_loop3A_522 = arith.index_cast %parallel_loop3A_521 : i32 to index
          %parallel_loop3A_523 = tpu.vector_load %arg9[%parallel_loop3A_522] {strides = array<i32>} : memref<20000xi32, #tpu.memory_space<vmem>>, vector<16xi32>,
          %parallel_loop3A_524 = arith.index_cast %parallel_loop3A_521 : i32 to index
          %parallel_loop3A_525 = tpu.vector_load %arg10[%parallel_loop3A_524] {strides = array<i32>} : memref<20000xi32, #tpu.memory_space<vmem>>, vector<16xi32>,
          %parallel_loop3A_526 = arith.constant 4 : i32
          %parallel_loop3A_527 = vector.broadcast %parallel_loop3A_526 : i32 to vector<16xi32>
          %parallel_loop3A_528 = arith.shli %parallel_loop3A_523, %parallel_loop3A_527 : vector<16xi32>
          %parallel_loop3A_529 = arith.addi %parallel_loop3A_528, %iota3A : vector<16xi32>
          %parallel_loop3A_530 = tpu.vector_load_idx %arg6[%parallel_loop3A_529] : memref<2048xf32, #tpu.memory_space<vmem>>[vector<16xi32>], vector<16xf32>,
          %parallel_loop3A_531 = arith.constant true
          %parallel_loop3A_532 = vector.broadcast %parallel_loop3A_531 : i1 to vector<16xi1>
          %parallel_loop3A_533 = tpu.scan <sum>, %parallel_loop3A_530 masked %parallel_loop3A_532 : vector<16xf32>, vector<16xi1> -> vector<16xf32>
          %parallel_loop3A_534 = arith.constant 0 : i32
          %parallel_loop3A_535 = vector.broadcast %parallel_loop3A_534 : i32 to vector<16xi32>
          %parallel_loop3A_536 = arith.cmpi slt, %min3A_25, %parallel_loop3A_535 : vector<16xi32>
          %parallel_loop3A_537 = arith.constant 16 : i32
          %parallel_loop3A_538 = vector.broadcast %parallel_loop3A_537 : i32 to vector<16xi32>
          %parallel_loop3A_539 = arith.addi %min3A_25, %parallel_loop3A_538 : vector<16xi32>
          %parallel_loop3A_540 = arith.select %parallel_loop3A_536, %parallel_loop3A_539, %min3A_25 : vector<16xi1>, vector<16xi32>
          %parallel_loop3A_541 = vector.shape_cast %parallel_loop3A_540 : vector<16xi32> to vector<16x1xi32>
          %parallel_loop3A_542 = vector.shape_cast %parallel_loop3A_541 : vector<16x1xi32> to vector<16xi32>
          %parallel_loop3A_543 = tpu.dynamic_gather %parallel_loop3A_525[%parallel_loop3A_542] in [0] : vector<16xi32>, vector<16xi32> -> vector<16xi32>
          %parallel_loop3A_544 = arith.cmpi ne, %parallel_loop3A_525, %parallel_loop3A_543 : vector<16xi32>
          %parallel_loop3A_545 = arith.ori %parallel_loop3A_544, %eq3A_27 : vector<16xi1>
          tpu.vector_store_idx %arg11[%parallel_loop3A_525], %parallel_loop3A_533 masked %parallel_loop3A_545 {add = true} : memref<4096xf32, #tpu.memory_space<vmem>>[vector<16xi32>], vector<16xf32>, vector<16xi1>
          %parallel_loop3A_546 = arith.constant 0.000000e+00 : f32
          %parallel_loop3A_547 = vector.broadcast %parallel_loop3A_546 : f32 to vector<16xf32>
          %parallel_loop3A_548 = arith.subf %parallel_loop3A_547, %parallel_loop3A_533 : vector<16xf32>
          tpu.vector_store_idx %arg11[%parallel_loop3A_543], %parallel_loop3A_548 masked %parallel_loop3A_544 {add = true} : memref<4096xf32, #tpu.memory_space<vmem>>[vector<16xi32>], vector<16xf32>, vector<16xi1>
        } {sc.loop_unroll_factor = 1 : i64, sc.parallel_access}
        %ne3A_513 = vector.broadcast %squeeze3A : i32 to vector<16xi32>
        %ne3A_514 = arith.cmpi ne, %iota3A, %ne3A_513 : vector<16xi32>
        %and3A_515 = arith.andi %while3A_508, %ne3A_514 : vector<16xi1>
        scf.yield %and3A_515 : vector<16xi1>
      }
    }
    %scan3A_127 = arith.constant 8 : i32
    %add3A_128 = arith.constant 140000 : i32
    %add3A_129 = arith.addi %mul3A_2, %add3A_128 : i32
    %dma_start3A_130 = tpu.memref_slice %arg2[%add3A_129] : memref<6400000xi32, #tpu.memory_space<hbm>> -> memref<20000xi32, #tpu.memory_space<hbm>>
    %dma_start3A_131 = tpu.memref_slice %arg2[%add3A_129] : memref<6400000xi32, #tpu.memory_space<hbm>> -> memref<20000xi32, #tpu.memory_space<hbm>>
    tpu.enqueue_dma source(%dma_start3A_131 : memref<20000xi32, #tpu.memory_space<hbm>>) target(%arg9 : memref<20000xi32, #tpu.memory_space<vmem>>) target_semaphore(%arg17 : memref<!tpu.dma_semaphore, #tpu.memory_space<semaphore_mem>>)
    %dma_start3A_132 = tpu.memref_slice %arg3[%add3A_129] : memref<6400000xi32, #tpu.memory_space<hbm>> -> memref<20000xi32, #tpu.memory_space<hbm>>
    %dma_start3A_133 = tpu.memref_slice %arg3[%add3A_129] : memref<6400000xi32, #tpu.memory_space<hbm>> -> memref<20000xi32, #tpu.memory_space<hbm>>
    tpu.enqueue_dma source(%dma_start3A_133 : memref<20000xi32, #tpu.memory_space<hbm>>) target(%arg10 : memref<20000xi32, #tpu.memory_space<vmem>>) target_semaphore(%arg18 : memref<!tpu.dma_semaphore, #tpu.memory_space<semaphore_mem>>)
    %dma_wait3A_134 = tpu.memref_slice %arg2[%add3A_111] : memref<6400000xi32, #tpu.memory_space<hbm>> -> memref<20000xi32, #tpu.memory_space<hbm>>
    %dma_wait3A_135 = tpu.memref_slice %arg2[%add3A_111] : memref<6400000xi32, #tpu.memory_space<hbm>> -> memref<20000xi32, #tpu.memory_space<hbm>>
    tpu.wait_dma2 semaphore(%arg15 : memref<!tpu.dma_semaphore, #tpu.memory_space<semaphore_mem>>) src(%dma_wait3A_135 : memref<20000xi32, #tpu.memory_space<hbm>>) dst(%arg7 : memref<20000xi32, #tpu.memory_space<vmem>>)
    %dma_wait3A_136 = tpu.memref_slice %arg3[%add3A_111] : memref<6400000xi32, #tpu.memory_space<hbm>> -> memref<20000xi32, #tpu.memory_space<hbm>>
    %dma_wait3A_137 = tpu.memref_slice %arg3[%add3A_111] : memref<6400000xi32, #tpu.memory_space<hbm>> -> memref<20000xi32, #tpu.memory_space<hbm>>
    tpu.wait_dma2 semaphore(%arg16 : memref<!tpu.dma_semaphore, #tpu.memory_space<semaphore_mem>>) src(%dma_wait3A_137 : memref<20000xi32, #tpu.memory_space<hbm>>) dst(%arg8 : memref<20000xi32, #tpu.memory_space<vmem>>)
    %parallel_loop3A_138 = arith.constant 0 : i32
    %parallel_loop3A_139 = arith.constant 125 : i32
    %parallel_loop3A_140 = arith.constant 1 : i32
    scf.for %parallel_loop3A_489 = %parallel_loop3A_138 to %parallel_loop3A_139 step %parallel_loop3A_140  : i32 {
      %parallel_loop3A_490 = arith.constant 160 : i32
      %parallel_loop3A_491 = arith.muli %parallel_loop3A_489, %parallel_loop3A_490 : i32
      %parallel_loop3A_492 = arith.index_cast %parallel_loop3A_491 : i32 to index
      %parallel_loop3A_493 = tpu.vector_load %arg8[%parallel_loop3A_492] {strides = array<i32>} : memref<20000xi32, #tpu.memory_space<vmem>>, vector<16xi32>,
      %parallel_loop3A_494 = arith.constant 160 : i32
      %parallel_loop3A_495 = arith.addi %parallel_loop3A_491, %parallel_loop3A_494 : i32
      %parallel_loop3A_496 = arith.constant 16 : i32
      %parallel_loop3A_497 = arith.subi %parallel_loop3A_495, %parallel_loop3A_496 : i32
      %parallel_loop3A_498 = arith.index_cast %parallel_loop3A_497 : i32 to index
      %parallel_loop3A_499 = tpu.vector_load %arg8[%parallel_loop3A_498] {strides = array<i32>} : memref<20000xi32, #tpu.memory_space<vmem>>, vector<16xi32>,
      %parallel_loop3A_500 = arith.constant 0 : i32
      %parallel_loop3A_501 = vector.broadcast %parallel_loop3A_500 : i32 to vector<16xi32>
      %parallel_loop3A_502 = arith.cmpi slt, %broadcast_in_dim3A_20, %parallel_loop3A_501 : vector<16xi32>
      %parallel_loop3A_503 = arith.constant 16 : i32
      %parallel_loop3A_504 = vector.broadcast %parallel_loop3A_503 : i32 to vector<16xi32>
      %parallel_loop3A_505 = arith.addi %broadcast_in_dim3A_20, %parallel_loop3A_504 : vector<16xi32>
      %parallel_loop3A_506 = arith.select %parallel_loop3A_502, %parallel_loop3A_505, %broadcast_in_dim3A_20 : vector<16xi1>, vector<16xi32>
      %parallel_loop3A_507 = vector.shape_cast %parallel_loop3A_506 : vector<16xi32> to vector<16x1xi32>
      %parallel_loop3A_508 = vector.shape_cast %parallel_loop3A_507 : vector<16x1xi32> to vector<16xi32>
      %parallel_loop3A_509 = tpu.dynamic_gather %parallel_loop3A_493[%parallel_loop3A_508] in [0] : vector<16xi32>, vector<16xi32> -> vector<16xi32>
      %parallel_loop3A_510 = arith.cmpi eq, %parallel_loop3A_509, %parallel_loop3A_499 : vector<16xi32>
      %parallel_loop3A_511 = arith.andi %eq3A_27, %parallel_loop3A_510 : vector<16xi1>
      %parallel_loop3A_512 = arith.constant 0 : i32
      %parallel_loop3A_513 = arith.addi %parallel_loop3A_491, %parallel_loop3A_512 : i32
      %parallel_loop3A_514 = arith.index_cast %parallel_loop3A_513 : i32 to index
      %parallel_loop3A_515 = tpu.vector_load %arg7[%parallel_loop3A_514] {strides = array<i32>} : memref<20000xi32, #tpu.memory_space<vmem>>, vector<16xi32>,
      %parallel_loop3A_516 = arith.constant 4 : i32
      %parallel_loop3A_517 = vector.broadcast %parallel_loop3A_516 : i32 to vector<16xi32>
      %parallel_loop3A_518 = arith.shli %parallel_loop3A_515, %parallel_loop3A_517 : vector<16xi32>
      %parallel_loop3A_519 = arith.addi %parallel_loop3A_518, %iota3A : vector<16xi32>
      %parallel_loop3A_520 = tpu.vector_load_idx %arg6[%parallel_loop3A_519] : memref<2048xf32, #tpu.memory_space<vmem>>[vector<16xi32>], vector<16xf32>,
      %parallel_loop3A_521 = arith.addf %broadcast_in_dim3A_14, %parallel_loop3A_520 : vector<16xf32>
      %parallel_loop3A_522 = arith.constant 16 : i32
      %parallel_loop3A_523 = arith.addi %parallel_loop3A_491, %parallel_loop3A_522 : i32
      %parallel_loop3A_524 = arith.index_cast %parallel_loop3A_523 : i32 to index
      %parallel_loop3A_525 = tpu.vector_load %arg7[%parallel_loop3A_524] {strides = array<i32>} : memref<20000xi32, #tpu.memory_space<vmem>>, vector<16xi32>,
      %parallel_loop3A_526 = arith.constant 4 : i32
      %parallel_loop3A_527 = vector.broadcast %parallel_loop3A_526 : i32 to vector<16xi32>
      %parallel_loop3A_528 = arith.shli %parallel_loop3A_525, %parallel_loop3A_527 : vector<16xi32>
      %parallel_loop3A_529 = arith.addi %parallel_loop3A_528, %iota3A : vector<16xi32>
      %parallel_loop3A_530 = tpu.vector_load_idx %arg6[%parallel_loop3A_529] : memref<2048xf32, #tpu.memory_space<vmem>>[vector<16xi32>], vector<16xf32>,
      %parallel_loop3A_531 = arith.addf %broadcast_in_dim3A_14, %parallel_loop3A_530 : vector<16xf32>
      %parallel_loop3A_532 = arith.constant 32 : i32
      %parallel_loop3A_533 = arith.addi %parallel_loop3A_491, %parallel_loop3A_532 : i32
      %parallel_loop3A_534 = arith.index_cast %parallel_loop3A_533 : i32 to index
      %parallel_loop3A_535 = tpu.vector_load %arg7[%parallel_loop3A_534] {strides = array<i32>} : memref<20000xi32, #tpu.memory_space<vmem>>, vector<16xi32>,
      %parallel_loop3A_536 = arith.constant 4 : i32
      %parallel_loop3A_537 = vector.broadcast %parallel_loop3A_536 : i32 to vector<16xi32>
      %parallel_loop3A_538 = arith.shli %parallel_loop3A_535, %parallel_loop3A_537 : vector<16xi32>
      %parallel_loop3A_539 = arith.addi %parallel_loop3A_538, %iota3A : vector<16xi32>
      %parallel_loop3A_540 = tpu.vector_load_idx %arg6[%parallel_loop3A_539] : memref<2048xf32, #tpu.memory_space<vmem>>[vector<16xi32>], vector<16xf32>,
      %parallel_loop3A_541 = arith.addf %broadcast_in_dim3A_14, %parallel_loop3A_540 : vector<16xf32>
      %parallel_loop3A_542 = arith.constant 48 : i32
      %parallel_loop3A_543 = arith.addi %parallel_loop3A_491, %parallel_loop3A_542 : i32
      %parallel_loop3A_544 = arith.index_cast %parallel_loop3A_543 : i32 to index
      %parallel_loop3A_545 = tpu.vector_load %arg7[%parallel_loop3A_544] {strides = array<i32>} : memref<20000xi32, #tpu.memory_space<vmem>>, vector<16xi32>,
      %parallel_loop3A_546 = arith.constant 4 : i32
      %parallel_loop3A_547 = vector.broadcast %parallel_loop3A_546 : i32 to vector<16xi32>
      %parallel_loop3A_548 = arith.shli %parallel_loop3A_545, %parallel_loop3A_547 : vector<16xi32>
      %parallel_loop3A_549 = arith.addi %parallel_loop3A_548, %iota3A : vector<16xi32>
      %parallel_loop3A_550 = tpu.vector_load_idx %arg6[%parallel_loop3A_549] : memref<2048xf32, #tpu.memory_space<vmem>>[vector<16xi32>], vector<16xf32>,
      %parallel_loop3A_551 = arith.addf %broadcast_in_dim3A_14, %parallel_loop3A_550 : vector<16xf32>
      %parallel_loop3A_552 = arith.constant 64 : i32
      %parallel_loop3A_553 = arith.addi %parallel_loop3A_491, %parallel_loop3A_552 : i32
      %parallel_loop3A_554 = arith.index_cast %parallel_loop3A_553 : i32 to index
      %parallel_loop3A_555 = tpu.vector_load %arg7[%parallel_loop3A_554] {strides = array<i32>} : memref<20000xi32, #tpu.memory_space<vmem>>, vector<16xi32>,
      %parallel_loop3A_556 = arith.constant 4 : i32
      %parallel_loop3A_557 = vector.broadcast %parallel_loop3A_556 : i32 to vector<16xi32>
      %parallel_loop3A_558 = arith.shli %parallel_loop3A_555, %parallel_loop3A_557 : vector<16xi32>
      %parallel_loop3A_559 = arith.addi %parallel_loop3A_558, %iota3A : vector<16xi32>
      %parallel_loop3A_560 = tpu.vector_load_idx %arg6[%parallel_loop3A_559] : memref<2048xf32, #tpu.memory_space<vmem>>[vector<16xi32>], vector<16xf32>,
      %parallel_loop3A_561 = arith.addf %parallel_loop3A_521, %parallel_loop3A_560 : vector<16xf32>
      %parallel_loop3A_562 = arith.constant 80 : i32
      %parallel_loop3A_563 = arith.addi %parallel_loop3A_491, %parallel_loop3A_562 : i32
      %parallel_loop3A_564 = arith.index_cast %parallel_loop3A_563 : i32 to index
      %parallel_loop3A_565 = tpu.vector_load %arg7[%parallel_loop3A_564] {strides = array<i32>} : memref<20000xi32, #tpu.memory_space<vmem>>, vector<16xi32>,
      %parallel_loop3A_566 = arith.constant 4 : i32
      %parallel_loop3A_567 = vector.broadcast %parallel_loop3A_566 : i32 to vector<16xi32>
      %parallel_loop3A_568 = arith.shli %parallel_loop3A_565, %parallel_loop3A_567 : vector<16xi32>
      %parallel_loop3A_569 = arith.addi %parallel_loop3A_568, %iota3A : vector<16xi32>
      %parallel_loop3A_570 = tpu.vector_load_idx %arg6[%parallel_loop3A_569] : memref<2048xf32, #tpu.memory_space<vmem>>[vector<16xi32>], vector<16xf32>,
      %parallel_loop3A_571 = arith.addf %parallel_loop3A_531, %parallel_loop3A_570 : vector<16xf32>
      %parallel_loop3A_572 = arith.constant 96 : i32
      %parallel_loop3A_573 = arith.addi %parallel_loop3A_491, %parallel_loop3A_572 : i32
      %parallel_loop3A_574 = arith.index_cast %parallel_loop3A_573 : i32 to index
      %parallel_loop3A_575 = tpu.vector_load %arg7[%parallel_loop3A_574] {strides = array<i32>} : memref<20000xi32, #tpu.memory_space<vmem>>, vector<16xi32>,
      %parallel_loop3A_576 = arith.constant 4 : i32
      %parallel_loop3A_577 = vector.broadcast %parallel_loop3A_576 : i32 to vector<16xi32>
      %parallel_loop3A_578 = arith.shli %parallel_loop3A_575, %parallel_loop3A_577 : vector<16xi32>
      %parallel_loop3A_579 = arith.addi %parallel_loop3A_578, %iota3A : vector<16xi32>
      %parallel_loop3A_580 = tpu.vector_load_idx %arg6[%parallel_loop3A_579] : memref<2048xf32, #tpu.memory_space<vmem>>[vector<16xi32>], vector<16xf32>,
      %parallel_loop3A_581 = arith.addf %parallel_loop3A_541, %parallel_loop3A_580 : vector<16xf32>
      %parallel_loop3A_582 = arith.constant 112 : i32
      %parallel_loop3A_583 = arith.addi %parallel_loop3A_491, %parallel_loop3A_582 : i32
      %parallel_loop3A_584 = arith.index_cast %parallel_loop3A_583 : i32 to index
      %parallel_loop3A_585 = tpu.vector_load %arg7[%parallel_loop3A_584] {strides = array<i32>} : memref<20000xi32, #tpu.memory_space<vmem>>, vector<16xi32>,
      %parallel_loop3A_586 = arith.constant 4 : i32
      %parallel_loop3A_587 = vector.broadcast %parallel_loop3A_586 : i32 to vector<16xi32>
      %parallel_loop3A_588 = arith.shli %parallel_loop3A_585, %parallel_loop3A_587 : vector<16xi32>
      %parallel_loop3A_589 = arith.addi %parallel_loop3A_588, %iota3A : vector<16xi32>
      %parallel_loop3A_590 = tpu.vector_load_idx %arg6[%parallel_loop3A_589] : memref<2048xf32, #tpu.memory_space<vmem>>[vector<16xi32>], vector<16xf32>,
      %parallel_loop3A_591 = arith.addf %parallel_loop3A_551, %parallel_loop3A_590 : vector<16xf32>
      %parallel_loop3A_592 = arith.constant 128 : i32
      %parallel_loop3A_593 = arith.addi %parallel_loop3A_491, %parallel_loop3A_592 : i32
      %parallel_loop3A_594 = arith.index_cast %parallel_loop3A_593 : i32 to index
      %parallel_loop3A_595 = tpu.vector_load %arg7[%parallel_loop3A_594] {strides = array<i32>} : memref<20000xi32, #tpu.memory_space<vmem>>, vector<16xi32>,
      %parallel_loop3A_596 = arith.constant 4 : i32
      %parallel_loop3A_597 = vector.broadcast %parallel_loop3A_596 : i32 to vector<16xi32>
      %parallel_loop3A_598 = arith.shli %parallel_loop3A_595, %parallel_loop3A_597 : vector<16xi32>
      %parallel_loop3A_599 = arith.addi %parallel_loop3A_598, %iota3A : vector<16xi32>
      %parallel_loop3A_600 = tpu.vector_load_idx %arg6[%parallel_loop3A_599] : memref<2048xf32, #tpu.memory_space<vmem>>[vector<16xi32>], vector<16xf32>,
      %parallel_loop3A_601 = arith.addf %parallel_loop3A_561, %parallel_loop3A_600 : vector<16xf32>
      %parallel_loop3A_602 = arith.constant 144 : i32
      %parallel_loop3A_603 = arith.addi %parallel_loop3A_491, %parallel_loop3A_602 : i32
      %parallel_loop3A_604 = arith.index_cast %parallel_loop3A_603 : i32 to index
      %parallel_loop3A_605 = tpu.vector_load %arg7[%parallel_loop3A_604] {strides = array<i32>} : memref<20000xi32, #tpu.memory_space<vmem>>, vector<16xi32>,
      %parallel_loop3A_606 = arith.constant 4 : i32
      %parallel_loop3A_607 = vector.broadcast %parallel_loop3A_606 : i32 to vector<16xi32>
      %parallel_loop3A_608 = arith.shli %parallel_loop3A_605, %parallel_loop3A_607 : vector<16xi32>
      %parallel_loop3A_609 = arith.addi %parallel_loop3A_608, %iota3A : vector<16xi32>
      %parallel_loop3A_610 = tpu.vector_load_idx %arg6[%parallel_loop3A_609] : memref<2048xf32, #tpu.memory_space<vmem>>[vector<16xi32>], vector<16xf32>,
      %parallel_loop3A_611 = arith.addf %parallel_loop3A_571, %parallel_loop3A_610 : vector<16xf32>
      %parallel_loop3A_612 = arith.addf %parallel_loop3A_601, %parallel_loop3A_611 : vector<16xf32>
      %parallel_loop3A_613 = arith.addf %parallel_loop3A_612, %parallel_loop3A_581 : vector<16xf32>
      %parallel_loop3A_614 = arith.addf %parallel_loop3A_613, %parallel_loop3A_591 : vector<16xf32>
      %parallel_loop3A_615 = arith.constant true
      %parallel_loop3A_616 = vector.broadcast %parallel_loop3A_615 : i1 to vector<16xi1>
      %parallel_loop3A_617 = tpu.scan <sum>, %parallel_loop3A_614 masked %parallel_loop3A_616 : vector<16xf32>, vector<16xi1> -> vector<16xf32>
      tpu.vector_store_idx %arg11[%parallel_loop3A_499], %parallel_loop3A_617 masked %parallel_loop3A_511 {add = true} : memref<4096xf32, #tpu.memory_space<vmem>>[vector<16xi32>], vector<16xf32>, vector<16xi1>
    } {sc.loop_unroll_factor = 1 : i64, sc.parallel_access}
    %scan3A_141 = arith.constant 0 : i32
    %scan3A_142 = arith.constant 8 : i32
    %scan3A_143 = arith.addi %scan3A_141, %scan3A_142 : i32
    %scan3A_144 = arith.constant 1 : i32
    scf.for %scan3A_489 = %scan3A_141 to %scan3A_143 step %scan3A_144  : i32 {
      %mul3A_490 = arith.constant 16 : i32
      %mul3A_491 = arith.muli %scan3A_489, %mul3A_490 : i32
      %add3A_492 = vector.broadcast %mul3A_491 : i32 to vector<16xi32>
      %add3A_493 = arith.addi %add3A_492, %iota3A : vector<16xi32>
      %min3A_494 = arith.constant 124 : i32
      %min3A_495 = vector.broadcast %min3A_494 : i32 to vector<16xi32>
      %min3A_496 = arith.minsi %add3A_493, %min3A_495 : vector<16xi32>
      %add3A_497 = vector.broadcast %mul3A_491 : i32 to vector<16xi32>
      %add3A_498 = arith.addi %add3A_497, %iota3A : vector<16xi32>
      %lt3A = arith.constant 125 : i32
      %lt3A_499 = vector.broadcast %lt3A : i32 to vector<16xi32>
      %lt3A_500 = arith.cmpi slt, %add3A_498, %lt3A_499 : vector<16xi32>
      %mul3A_501 = arith.constant 160 : i32
      %mul3A_502 = vector.broadcast %mul3A_501 : i32 to vector<16xi32>
      %mul3A_503 = arith.muli %min3A_496, %mul3A_502 : vector<16xi32>
      %gather3A = tpu.vector_load_idx %arg8[%mul3A_503] : memref<20000xi32, #tpu.memory_space<vmem>>[vector<16xi32>], vector<16xi32>,
      %add3A_504 = arith.constant 159 : i32
      %add3A_505 = vector.broadcast %add3A_504 : i32 to vector<16xi32>
      %add3A_506 = arith.addi %mul3A_503, %add3A_505 : vector<16xi32>
      %gather3A_507 = tpu.vector_load_idx %arg8[%add3A_506] : memref<20000xi32, #tpu.memory_space<vmem>>[vector<16xi32>], vector<16xi32>,
      %ne3A = arith.cmpi ne, %gather3A, %gather3A_507 : vector<16xi32>
      %and3A = arith.andi %ne3A, %lt3A_500 : vector<16xi1>
      %while3A = scf.while (%while3A_508 = %and3A) : (vector<16xi1>) -> vector<16xi1> {
        %reduce_or3A = arith.constant 1.000000e+00 : f32
        %reduce_or3A_509 = arith.constant 0.000000e+00 : f32
        %reduce_or3A_510 = vector.broadcast %reduce_or3A : f32 to vector<16xf32>
        %reduce_or3A_511 = vector.broadcast %reduce_or3A_509 : f32 to vector<16xf32>
        %reduce_or3A_512 = arith.select %while3A_508, %reduce_or3A_510, %reduce_or3A_511 : vector<16xi1>, vector<16xf32>
        %reduce_or3A_513 = arith.constant true
        %reduce_or3A_514 = vector.broadcast %reduce_or3A_513 : i1 to vector<16xi1>
        %reduce_or3A_515 = tpu.scan <max>, %reduce_or3A_512 masked %reduce_or3A_514 : vector<16xf32>, vector<16xi1> -> vector<16xf32>
        %reduce_or3A_516 = vector.extract %reduce_or3A_515[15] : f32 from vector<16xf32>
        %reduce_or3A_517 = arith.constant 0.000000e+00 : f32
        %reduce_or3A_518 = arith.cmpf ogt, %reduce_or3A_516, %reduce_or3A_517 : f32
        scf.condition(%reduce_or3A_518) %while3A_508 : vector<16xi1>
      } do {
      ^bb0(%while3A_508: vector<16xi1>):
        %all_reduce_ffs3A = tpu.all_reduce %while3A_508 {dim = 0 : i64, kind = #tpu.reduction_kind<find_first_set>} : vector<16xi1> -> vector<16xi32>
        %slice3A = vector.extract_strided_slice %all_reduce_ffs3A {offsets = [0], sizes = [1], strides = [1]} : vector<16xi32> to vector<1xi32>
        %squeeze3A = vector.extract %slice3A[0] : i32 from vector<1xi32>
        %add3A_509 = arith.addi %mul3A_491, %squeeze3A : i32
        %parallel_loop3A_510 = arith.constant 0 : i32
        %parallel_loop3A_511 = arith.constant 10 : i32
        %parallel_loop3A_512 = arith.constant 1 : i32
        scf.for %parallel_loop3A_516 = %parallel_loop3A_510 to %parallel_loop3A_511 step %parallel_loop3A_512  : i32 {
          %parallel_loop3A_517 = arith.constant 160 : i32
          %parallel_loop3A_518 = arith.muli %add3A_509, %parallel_loop3A_517 : i32
          %parallel_loop3A_519 = arith.constant 16 : i32
          %parallel_loop3A_520 = arith.muli %parallel_loop3A_516, %parallel_loop3A_519 : i32
          %parallel_loop3A_521 = arith.addi %parallel_loop3A_518, %parallel_loop3A_520 : i32
          %parallel_loop3A_522 = arith.index_cast %parallel_loop3A_521 : i32 to index
          %parallel_loop3A_523 = tpu.vector_load %arg7[%parallel_loop3A_522] {strides = array<i32>} : memref<20000xi32, #tpu.memory_space<vmem>>, vector<16xi32>,
          %parallel_loop3A_524 = arith.index_cast %parallel_loop3A_521 : i32 to index
          %parallel_loop3A_525 = tpu.vector_load %arg8[%parallel_loop3A_524] {strides = array<i32>} : memref<20000xi32, #tpu.memory_space<vmem>>, vector<16xi32>,
          %parallel_loop3A_526 = arith.constant 4 : i32
          %parallel_loop3A_527 = vector.broadcast %parallel_loop3A_526 : i32 to vector<16xi32>
          %parallel_loop3A_528 = arith.shli %parallel_loop3A_523, %parallel_loop3A_527 : vector<16xi32>
          %parallel_loop3A_529 = arith.addi %parallel_loop3A_528, %iota3A : vector<16xi32>
          %parallel_loop3A_530 = tpu.vector_load_idx %arg6[%parallel_loop3A_529] : memref<2048xf32, #tpu.memory_space<vmem>>[vector<16xi32>], vector<16xf32>,
          %parallel_loop3A_531 = arith.constant true
          %parallel_loop3A_532 = vector.broadcast %parallel_loop3A_531 : i1 to vector<16xi1>
          %parallel_loop3A_533 = tpu.scan <sum>, %parallel_loop3A_530 masked %parallel_loop3A_532 : vector<16xf32>, vector<16xi1> -> vector<16xf32>
          %parallel_loop3A_534 = arith.constant 0 : i32
          %parallel_loop3A_535 = vector.broadcast %parallel_loop3A_534 : i32 to vector<16xi32>
          %parallel_loop3A_536 = arith.cmpi slt, %min3A_25, %parallel_loop3A_535 : vector<16xi32>
          %parallel_loop3A_537 = arith.constant 16 : i32
          %parallel_loop3A_538 = vector.broadcast %parallel_loop3A_537 : i32 to vector<16xi32>
          %parallel_loop3A_539 = arith.addi %min3A_25, %parallel_loop3A_538 : vector<16xi32>
          %parallel_loop3A_540 = arith.select %parallel_loop3A_536, %parallel_loop3A_539, %min3A_25 : vector<16xi1>, vector<16xi32>
          %parallel_loop3A_541 = vector.shape_cast %parallel_loop3A_540 : vector<16xi32> to vector<16x1xi32>
          %parallel_loop3A_542 = vector.shape_cast %parallel_loop3A_541 : vector<16x1xi32> to vector<16xi32>
          %parallel_loop3A_543 = tpu.dynamic_gather %parallel_loop3A_525[%parallel_loop3A_542] in [0] : vector<16xi32>, vector<16xi32> -> vector<16xi32>
          %parallel_loop3A_544 = arith.cmpi ne, %parallel_loop3A_525, %parallel_loop3A_543 : vector<16xi32>
          %parallel_loop3A_545 = arith.ori %parallel_loop3A_544, %eq3A_27 : vector<16xi1>
          tpu.vector_store_idx %arg11[%parallel_loop3A_525], %parallel_loop3A_533 masked %parallel_loop3A_545 {add = true} : memref<4096xf32, #tpu.memory_space<vmem>>[vector<16xi32>], vector<16xf32>, vector<16xi1>
          %parallel_loop3A_546 = arith.constant 0.000000e+00 : f32
          %parallel_loop3A_547 = vector.broadcast %parallel_loop3A_546 : f32 to vector<16xf32>
          %parallel_loop3A_548 = arith.subf %parallel_loop3A_547, %parallel_loop3A_533 : vector<16xf32>
          tpu.vector_store_idx %arg11[%parallel_loop3A_543], %parallel_loop3A_548 masked %parallel_loop3A_544 {add = true} : memref<4096xf32, #tpu.memory_space<vmem>>[vector<16xi32>], vector<16xf32>, vector<16xi1>
        } {sc.loop_unroll_factor = 1 : i64, sc.parallel_access}
        %ne3A_513 = vector.broadcast %squeeze3A : i32 to vector<16xi32>
        %ne3A_514 = arith.cmpi ne, %iota3A, %ne3A_513 : vector<16xi32>
        %and3A_515 = arith.andi %while3A_508, %ne3A_514 : vector<16xi1>
        scf.yield %and3A_515 : vector<16xi1>
      }
    }
    %scan3A_145 = arith.constant 8 : i32
    %add3A_146 = arith.constant 160000 : i32
    %add3A_147 = arith.addi %mul3A_2, %add3A_146 : i32
    %dma_start3A_148 = tpu.memref_slice %arg2[%add3A_147] : memref<6400000xi32, #tpu.memory_space<hbm>> -> memref<20000xi32, #tpu.memory_space<hbm>>
    %dma_start3A_149 = tpu.memref_slice %arg2[%add3A_147] : memref<6400000xi32, #tpu.memory_space<hbm>> -> memref<20000xi32, #tpu.memory_space<hbm>>
    tpu.enqueue_dma source(%dma_start3A_149 : memref<20000xi32, #tpu.memory_space<hbm>>) target(%arg7 : memref<20000xi32, #tpu.memory_space<vmem>>) target_semaphore(%arg15 : memref<!tpu.dma_semaphore, #tpu.memory_space<semaphore_mem>>)
    %dma_start3A_150 = tpu.memref_slice %arg3[%add3A_147] : memref<6400000xi32, #tpu.memory_space<hbm>> -> memref<20000xi32, #tpu.memory_space<hbm>>
    %dma_start3A_151 = tpu.memref_slice %arg3[%add3A_147] : memref<6400000xi32, #tpu.memory_space<hbm>> -> memref<20000xi32, #tpu.memory_space<hbm>>
    tpu.enqueue_dma source(%dma_start3A_151 : memref<20000xi32, #tpu.memory_space<hbm>>) target(%arg8 : memref<20000xi32, #tpu.memory_space<vmem>>) target_semaphore(%arg16 : memref<!tpu.dma_semaphore, #tpu.memory_space<semaphore_mem>>)
    %dma_wait3A_152 = tpu.memref_slice %arg2[%add3A_129] : memref<6400000xi32, #tpu.memory_space<hbm>> -> memref<20000xi32, #tpu.memory_space<hbm>>
    %dma_wait3A_153 = tpu.memref_slice %arg2[%add3A_129] : memref<6400000xi32, #tpu.memory_space<hbm>> -> memref<20000xi32, #tpu.memory_space<hbm>>
    tpu.wait_dma2 semaphore(%arg17 : memref<!tpu.dma_semaphore, #tpu.memory_space<semaphore_mem>>) src(%dma_wait3A_153 : memref<20000xi32, #tpu.memory_space<hbm>>) dst(%arg9 : memref<20000xi32, #tpu.memory_space<vmem>>)
    %dma_wait3A_154 = tpu.memref_slice %arg3[%add3A_129] : memref<6400000xi32, #tpu.memory_space<hbm>> -> memref<20000xi32, #tpu.memory_space<hbm>>
    %dma_wait3A_155 = tpu.memref_slice %arg3[%add3A_129] : memref<6400000xi32, #tpu.memory_space<hbm>> -> memref<20000xi32, #tpu.memory_space<hbm>>
    tpu.wait_dma2 semaphore(%arg18 : memref<!tpu.dma_semaphore, #tpu.memory_space<semaphore_mem>>) src(%dma_wait3A_155 : memref<20000xi32, #tpu.memory_space<hbm>>) dst(%arg10 : memref<20000xi32, #tpu.memory_space<vmem>>)
    %parallel_loop3A_156 = arith.constant 0 : i32
    %parallel_loop3A_157 = arith.constant 125 : i32
    %parallel_loop3A_158 = arith.constant 1 : i32
    scf.for %parallel_loop3A_489 = %parallel_loop3A_156 to %parallel_loop3A_157 step %parallel_loop3A_158  : i32 {
      %parallel_loop3A_490 = arith.constant 160 : i32
      %parallel_loop3A_491 = arith.muli %parallel_loop3A_489, %parallel_loop3A_490 : i32
      %parallel_loop3A_492 = arith.index_cast %parallel_loop3A_491 : i32 to index
      %parallel_loop3A_493 = tpu.vector_load %arg10[%parallel_loop3A_492] {strides = array<i32>} : memref<20000xi32, #tpu.memory_space<vmem>>, vector<16xi32>,
      %parallel_loop3A_494 = arith.constant 160 : i32
      %parallel_loop3A_495 = arith.addi %parallel_loop3A_491, %parallel_loop3A_494 : i32
      %parallel_loop3A_496 = arith.constant 16 : i32
      %parallel_loop3A_497 = arith.subi %parallel_loop3A_495, %parallel_loop3A_496 : i32
      %parallel_loop3A_498 = arith.index_cast %parallel_loop3A_497 : i32 to index
      %parallel_loop3A_499 = tpu.vector_load %arg10[%parallel_loop3A_498] {strides = array<i32>} : memref<20000xi32, #tpu.memory_space<vmem>>, vector<16xi32>,
      %parallel_loop3A_500 = arith.constant 0 : i32
      %parallel_loop3A_501 = vector.broadcast %parallel_loop3A_500 : i32 to vector<16xi32>
      %parallel_loop3A_502 = arith.cmpi slt, %broadcast_in_dim3A_20, %parallel_loop3A_501 : vector<16xi32>
      %parallel_loop3A_503 = arith.constant 16 : i32
      %parallel_loop3A_504 = vector.broadcast %parallel_loop3A_503 : i32 to vector<16xi32>
      %parallel_loop3A_505 = arith.addi %broadcast_in_dim3A_20, %parallel_loop3A_504 : vector<16xi32>
      %parallel_loop3A_506 = arith.select %parallel_loop3A_502, %parallel_loop3A_505, %broadcast_in_dim3A_20 : vector<16xi1>, vector<16xi32>
      %parallel_loop3A_507 = vector.shape_cast %parallel_loop3A_506 : vector<16xi32> to vector<16x1xi32>
      %parallel_loop3A_508 = vector.shape_cast %parallel_loop3A_507 : vector<16x1xi32> to vector<16xi32>
      %parallel_loop3A_509 = tpu.dynamic_gather %parallel_loop3A_493[%parallel_loop3A_508] in [0] : vector<16xi32>, vector<16xi32> -> vector<16xi32>
      %parallel_loop3A_510 = arith.cmpi eq, %parallel_loop3A_509, %parallel_loop3A_499 : vector<16xi32>
      %parallel_loop3A_511 = arith.andi %eq3A_27, %parallel_loop3A_510 : vector<16xi1>
      %parallel_loop3A_512 = arith.constant 0 : i32
      %parallel_loop3A_513 = arith.addi %parallel_loop3A_491, %parallel_loop3A_512 : i32
      %parallel_loop3A_514 = arith.index_cast %parallel_loop3A_513 : i32 to index
      %parallel_loop3A_515 = tpu.vector_load %arg9[%parallel_loop3A_514] {strides = array<i32>} : memref<20000xi32, #tpu.memory_space<vmem>>, vector<16xi32>,
      %parallel_loop3A_516 = arith.constant 4 : i32
      %parallel_loop3A_517 = vector.broadcast %parallel_loop3A_516 : i32 to vector<16xi32>
      %parallel_loop3A_518 = arith.shli %parallel_loop3A_515, %parallel_loop3A_517 : vector<16xi32>
      %parallel_loop3A_519 = arith.addi %parallel_loop3A_518, %iota3A : vector<16xi32>
      %parallel_loop3A_520 = tpu.vector_load_idx %arg6[%parallel_loop3A_519] : memref<2048xf32, #tpu.memory_space<vmem>>[vector<16xi32>], vector<16xf32>,
      %parallel_loop3A_521 = arith.addf %broadcast_in_dim3A_14, %parallel_loop3A_520 : vector<16xf32>
      %parallel_loop3A_522 = arith.constant 16 : i32
      %parallel_loop3A_523 = arith.addi %parallel_loop3A_491, %parallel_loop3A_522 : i32
      %parallel_loop3A_524 = arith.index_cast %parallel_loop3A_523 : i32 to index
      %parallel_loop3A_525 = tpu.vector_load %arg9[%parallel_loop3A_524] {strides = array<i32>} : memref<20000xi32, #tpu.memory_space<vmem>>, vector<16xi32>,
      %parallel_loop3A_526 = arith.constant 4 : i32
      %parallel_loop3A_527 = vector.broadcast %parallel_loop3A_526 : i32 to vector<16xi32>
      %parallel_loop3A_528 = arith.shli %parallel_loop3A_525, %parallel_loop3A_527 : vector<16xi32>
      %parallel_loop3A_529 = arith.addi %parallel_loop3A_528, %iota3A : vector<16xi32>
      %parallel_loop3A_530 = tpu.vector_load_idx %arg6[%parallel_loop3A_529] : memref<2048xf32, #tpu.memory_space<vmem>>[vector<16xi32>], vector<16xf32>,
      %parallel_loop3A_531 = arith.addf %broadcast_in_dim3A_14, %parallel_loop3A_530 : vector<16xf32>
      %parallel_loop3A_532 = arith.constant 32 : i32
      %parallel_loop3A_533 = arith.addi %parallel_loop3A_491, %parallel_loop3A_532 : i32
      %parallel_loop3A_534 = arith.index_cast %parallel_loop3A_533 : i32 to index
      %parallel_loop3A_535 = tpu.vector_load %arg9[%parallel_loop3A_534] {strides = array<i32>} : memref<20000xi32, #tpu.memory_space<vmem>>, vector<16xi32>,
      %parallel_loop3A_536 = arith.constant 4 : i32
      %parallel_loop3A_537 = vector.broadcast %parallel_loop3A_536 : i32 to vector<16xi32>
      %parallel_loop3A_538 = arith.shli %parallel_loop3A_535, %parallel_loop3A_537 : vector<16xi32>
      %parallel_loop3A_539 = arith.addi %parallel_loop3A_538, %iota3A : vector<16xi32>
      %parallel_loop3A_540 = tpu.vector_load_idx %arg6[%parallel_loop3A_539] : memref<2048xf32, #tpu.memory_space<vmem>>[vector<16xi32>], vector<16xf32>,
      %parallel_loop3A_541 = arith.addf %broadcast_in_dim3A_14, %parallel_loop3A_540 : vector<16xf32>
      %parallel_loop3A_542 = arith.constant 48 : i32
      %parallel_loop3A_543 = arith.addi %parallel_loop3A_491, %parallel_loop3A_542 : i32
      %parallel_loop3A_544 = arith.index_cast %parallel_loop3A_543 : i32 to index
      %parallel_loop3A_545 = tpu.vector_load %arg9[%parallel_loop3A_544] {strides = array<i32>} : memref<20000xi32, #tpu.memory_space<vmem>>, vector<16xi32>,
      %parallel_loop3A_546 = arith.constant 4 : i32
      %parallel_loop3A_547 = vector.broadcast %parallel_loop3A_546 : i32 to vector<16xi32>
      %parallel_loop3A_548 = arith.shli %parallel_loop3A_545, %parallel_loop3A_547 : vector<16xi32>
      %parallel_loop3A_549 = arith.addi %parallel_loop3A_548, %iota3A : vector<16xi32>
      %parallel_loop3A_550 = tpu.vector_load_idx %arg6[%parallel_loop3A_549] : memref<2048xf32, #tpu.memory_space<vmem>>[vector<16xi32>], vector<16xf32>,
      %parallel_loop3A_551 = arith.addf %broadcast_in_dim3A_14, %parallel_loop3A_550 : vector<16xf32>
      %parallel_loop3A_552 = arith.constant 64 : i32
      %parallel_loop3A_553 = arith.addi %parallel_loop3A_491, %parallel_loop3A_552 : i32
      %parallel_loop3A_554 = arith.index_cast %parallel_loop3A_553 : i32 to index
      %parallel_loop3A_555 = tpu.vector_load %arg9[%parallel_loop3A_554] {strides = array<i32>} : memref<20000xi32, #tpu.memory_space<vmem>>, vector<16xi32>,
      %parallel_loop3A_556 = arith.constant 4 : i32
      %parallel_loop3A_557 = vector.broadcast %parallel_loop3A_556 : i32 to vector<16xi32>
      %parallel_loop3A_558 = arith.shli %parallel_loop3A_555, %parallel_loop3A_557 : vector<16xi32>
      %parallel_loop3A_559 = arith.addi %parallel_loop3A_558, %iota3A : vector<16xi32>
      %parallel_loop3A_560 = tpu.vector_load_idx %arg6[%parallel_loop3A_559] : memref<2048xf32, #tpu.memory_space<vmem>>[vector<16xi32>], vector<16xf32>,
      %parallel_loop3A_561 = arith.addf %parallel_loop3A_521, %parallel_loop3A_560 : vector<16xf32>
      %parallel_loop3A_562 = arith.constant 80 : i32
      %parallel_loop3A_563 = arith.addi %parallel_loop3A_491, %parallel_loop3A_562 : i32
      %parallel_loop3A_564 = arith.index_cast %parallel_loop3A_563 : i32 to index
      %parallel_loop3A_565 = tpu.vector_load %arg9[%parallel_loop3A_564] {strides = array<i32>} : memref<20000xi32, #tpu.memory_space<vmem>>, vector<16xi32>,
      %parallel_loop3A_566 = arith.constant 4 : i32
      %parallel_loop3A_567 = vector.broadcast %parallel_loop3A_566 : i32 to vector<16xi32>
      %parallel_loop3A_568 = arith.shli %parallel_loop3A_565, %parallel_loop3A_567 : vector<16xi32>
      %parallel_loop3A_569 = arith.addi %parallel_loop3A_568, %iota3A : vector<16xi32>
      %parallel_loop3A_570 = tpu.vector_load_idx %arg6[%parallel_loop3A_569] : memref<2048xf32, #tpu.memory_space<vmem>>[vector<16xi32>], vector<16xf32>,
      %parallel_loop3A_571 = arith.addf %parallel_loop3A_531, %parallel_loop3A_570 : vector<16xf32>
      %parallel_loop3A_572 = arith.constant 96 : i32
      %parallel_loop3A_573 = arith.addi %parallel_loop3A_491, %parallel_loop3A_572 : i32
      %parallel_loop3A_574 = arith.index_cast %parallel_loop3A_573 : i32 to index
      %parallel_loop3A_575 = tpu.vector_load %arg9[%parallel_loop3A_574] {strides = array<i32>} : memref<20000xi32, #tpu.memory_space<vmem>>, vector<16xi32>,
      %parallel_loop3A_576 = arith.constant 4 : i32
      %parallel_loop3A_577 = vector.broadcast %parallel_loop3A_576 : i32 to vector<16xi32>
      %parallel_loop3A_578 = arith.shli %parallel_loop3A_575, %parallel_loop3A_577 : vector<16xi32>
      %parallel_loop3A_579 = arith.addi %parallel_loop3A_578, %iota3A : vector<16xi32>
      %parallel_loop3A_580 = tpu.vector_load_idx %arg6[%parallel_loop3A_579] : memref<2048xf32, #tpu.memory_space<vmem>>[vector<16xi32>], vector<16xf32>,
      %parallel_loop3A_581 = arith.addf %parallel_loop3A_541, %parallel_loop3A_580 : vector<16xf32>
      %parallel_loop3A_582 = arith.constant 112 : i32
      %parallel_loop3A_583 = arith.addi %parallel_loop3A_491, %parallel_loop3A_582 : i32
      %parallel_loop3A_584 = arith.index_cast %parallel_loop3A_583 : i32 to index
      %parallel_loop3A_585 = tpu.vector_load %arg9[%parallel_loop3A_584] {strides = array<i32>} : memref<20000xi32, #tpu.memory_space<vmem>>, vector<16xi32>,
      %parallel_loop3A_586 = arith.constant 4 : i32
      %parallel_loop3A_587 = vector.broadcast %parallel_loop3A_586 : i32 to vector<16xi32>
      %parallel_loop3A_588 = arith.shli %parallel_loop3A_585, %parallel_loop3A_587 : vector<16xi32>
      %parallel_loop3A_589 = arith.addi %parallel_loop3A_588, %iota3A : vector<16xi32>
      %parallel_loop3A_590 = tpu.vector_load_idx %arg6[%parallel_loop3A_589] : memref<2048xf32, #tpu.memory_space<vmem>>[vector<16xi32>], vector<16xf32>,
      %parallel_loop3A_591 = arith.addf %parallel_loop3A_551, %parallel_loop3A_590 : vector<16xf32>
      %parallel_loop3A_592 = arith.constant 128 : i32
      %parallel_loop3A_593 = arith.addi %parallel_loop3A_491, %parallel_loop3A_592 : i32
      %parallel_loop3A_594 = arith.index_cast %parallel_loop3A_593 : i32 to index
      %parallel_loop3A_595 = tpu.vector_load %arg9[%parallel_loop3A_594] {strides = array<i32>} : memref<20000xi32, #tpu.memory_space<vmem>>, vector<16xi32>,
      %parallel_loop3A_596 = arith.constant 4 : i32
      %parallel_loop3A_597 = vector.broadcast %parallel_loop3A_596 : i32 to vector<16xi32>
      %parallel_loop3A_598 = arith.shli %parallel_loop3A_595, %parallel_loop3A_597 : vector<16xi32>
      %parallel_loop3A_599 = arith.addi %parallel_loop3A_598, %iota3A : vector<16xi32>
      %parallel_loop3A_600 = tpu.vector_load_idx %arg6[%parallel_loop3A_599] : memref<2048xf32, #tpu.memory_space<vmem>>[vector<16xi32>], vector<16xf32>,
      %parallel_loop3A_601 = arith.addf %parallel_loop3A_561, %parallel_loop3A_600 : vector<16xf32>
      %parallel_loop3A_602 = arith.constant 144 : i32
      %parallel_loop3A_603 = arith.addi %parallel_loop3A_491, %parallel_loop3A_602 : i32
      %parallel_loop3A_604 = arith.index_cast %parallel_loop3A_603 : i32 to index
      %parallel_loop3A_605 = tpu.vector_load %arg9[%parallel_loop3A_604] {strides = array<i32>} : memref<20000xi32, #tpu.memory_space<vmem>>, vector<16xi32>,
      %parallel_loop3A_606 = arith.constant 4 : i32
      %parallel_loop3A_607 = vector.broadcast %parallel_loop3A_606 : i32 to vector<16xi32>
      %parallel_loop3A_608 = arith.shli %parallel_loop3A_605, %parallel_loop3A_607 : vector<16xi32>
      %parallel_loop3A_609 = arith.addi %parallel_loop3A_608, %iota3A : vector<16xi32>
      %parallel_loop3A_610 = tpu.vector_load_idx %arg6[%parallel_loop3A_609] : memref<2048xf32, #tpu.memory_space<vmem>>[vector<16xi32>], vector<16xf32>,
      %parallel_loop3A_611 = arith.addf %parallel_loop3A_571, %parallel_loop3A_610 : vector<16xf32>
      %parallel_loop3A_612 = arith.addf %parallel_loop3A_601, %parallel_loop3A_611 : vector<16xf32>
      %parallel_loop3A_613 = arith.addf %parallel_loop3A_612, %parallel_loop3A_581 : vector<16xf32>
      %parallel_loop3A_614 = arith.addf %parallel_loop3A_613, %parallel_loop3A_591 : vector<16xf32>
      %parallel_loop3A_615 = arith.constant true
      %parallel_loop3A_616 = vector.broadcast %parallel_loop3A_615 : i1 to vector<16xi1>
      %parallel_loop3A_617 = tpu.scan <sum>, %parallel_loop3A_614 masked %parallel_loop3A_616 : vector<16xf32>, vector<16xi1> -> vector<16xf32>
      tpu.vector_store_idx %arg11[%parallel_loop3A_499], %parallel_loop3A_617 masked %parallel_loop3A_511 {add = true} : memref<4096xf32, #tpu.memory_space<vmem>>[vector<16xi32>], vector<16xf32>, vector<16xi1>
    } {sc.loop_unroll_factor = 1 : i64, sc.parallel_access}
    %scan3A_159 = arith.constant 0 : i32
    %scan3A_160 = arith.constant 8 : i32
    %scan3A_161 = arith.addi %scan3A_159, %scan3A_160 : i32
    %scan3A_162 = arith.constant 1 : i32
    scf.for %scan3A_489 = %scan3A_159 to %scan3A_161 step %scan3A_162  : i32 {
      %mul3A_490 = arith.constant 16 : i32
      %mul3A_491 = arith.muli %scan3A_489, %mul3A_490 : i32
      %add3A_492 = vector.broadcast %mul3A_491 : i32 to vector<16xi32>
      %add3A_493 = arith.addi %add3A_492, %iota3A : vector<16xi32>
      %min3A_494 = arith.constant 124 : i32
      %min3A_495 = vector.broadcast %min3A_494 : i32 to vector<16xi32>
      %min3A_496 = arith.minsi %add3A_493, %min3A_495 : vector<16xi32>
      %add3A_497 = vector.broadcast %mul3A_491 : i32 to vector<16xi32>
      %add3A_498 = arith.addi %add3A_497, %iota3A : vector<16xi32>
      %lt3A = arith.constant 125 : i32
      %lt3A_499 = vector.broadcast %lt3A : i32 to vector<16xi32>
      %lt3A_500 = arith.cmpi slt, %add3A_498, %lt3A_499 : vector<16xi32>
      %mul3A_501 = arith.constant 160 : i32
      %mul3A_502 = vector.broadcast %mul3A_501 : i32 to vector<16xi32>
      %mul3A_503 = arith.muli %min3A_496, %mul3A_502 : vector<16xi32>
      %gather3A = tpu.vector_load_idx %arg10[%mul3A_503] : memref<20000xi32, #tpu.memory_space<vmem>>[vector<16xi32>], vector<16xi32>,
      %add3A_504 = arith.constant 159 : i32
      %add3A_505 = vector.broadcast %add3A_504 : i32 to vector<16xi32>
      %add3A_506 = arith.addi %mul3A_503, %add3A_505 : vector<16xi32>
      %gather3A_507 = tpu.vector_load_idx %arg10[%add3A_506] : memref<20000xi32, #tpu.memory_space<vmem>>[vector<16xi32>], vector<16xi32>,
      %ne3A = arith.cmpi ne, %gather3A, %gather3A_507 : vector<16xi32>
      %and3A = arith.andi %ne3A, %lt3A_500 : vector<16xi1>
      %while3A = scf.while (%while3A_508 = %and3A) : (vector<16xi1>) -> vector<16xi1> {
        %reduce_or3A = arith.constant 1.000000e+00 : f32
        %reduce_or3A_509 = arith.constant 0.000000e+00 : f32
        %reduce_or3A_510 = vector.broadcast %reduce_or3A : f32 to vector<16xf32>
        %reduce_or3A_511 = vector.broadcast %reduce_or3A_509 : f32 to vector<16xf32>
        %reduce_or3A_512 = arith.select %while3A_508, %reduce_or3A_510, %reduce_or3A_511 : vector<16xi1>, vector<16xf32>
        %reduce_or3A_513 = arith.constant true
        %reduce_or3A_514 = vector.broadcast %reduce_or3A_513 : i1 to vector<16xi1>
        %reduce_or3A_515 = tpu.scan <max>, %reduce_or3A_512 masked %reduce_or3A_514 : vector<16xf32>, vector<16xi1> -> vector<16xf32>
        %reduce_or3A_516 = vector.extract %reduce_or3A_515[15] : f32 from vector<16xf32>
        %reduce_or3A_517 = arith.constant 0.000000e+00 : f32
        %reduce_or3A_518 = arith.cmpf ogt, %reduce_or3A_516, %reduce_or3A_517 : f32
        scf.condition(%reduce_or3A_518) %while3A_508 : vector<16xi1>
      } do {
      ^bb0(%while3A_508: vector<16xi1>):
        %all_reduce_ffs3A = tpu.all_reduce %while3A_508 {dim = 0 : i64, kind = #tpu.reduction_kind<find_first_set>} : vector<16xi1> -> vector<16xi32>
        %slice3A = vector.extract_strided_slice %all_reduce_ffs3A {offsets = [0], sizes = [1], strides = [1]} : vector<16xi32> to vector<1xi32>
        %squeeze3A = vector.extract %slice3A[0] : i32 from vector<1xi32>
        %add3A_509 = arith.addi %mul3A_491, %squeeze3A : i32
        %parallel_loop3A_510 = arith.constant 0 : i32
        %parallel_loop3A_511 = arith.constant 10 : i32
        %parallel_loop3A_512 = arith.constant 1 : i32
        scf.for %parallel_loop3A_516 = %parallel_loop3A_510 to %parallel_loop3A_511 step %parallel_loop3A_512  : i32 {
          %parallel_loop3A_517 = arith.constant 160 : i32
          %parallel_loop3A_518 = arith.muli %add3A_509, %parallel_loop3A_517 : i32
          %parallel_loop3A_519 = arith.constant 16 : i32
          %parallel_loop3A_520 = arith.muli %parallel_loop3A_516, %parallel_loop3A_519 : i32
          %parallel_loop3A_521 = arith.addi %parallel_loop3A_518, %parallel_loop3A_520 : i32
          %parallel_loop3A_522 = arith.index_cast %parallel_loop3A_521 : i32 to index
          %parallel_loop3A_523 = tpu.vector_load %arg9[%parallel_loop3A_522] {strides = array<i32>} : memref<20000xi32, #tpu.memory_space<vmem>>, vector<16xi32>,
          %parallel_loop3A_524 = arith.index_cast %parallel_loop3A_521 : i32 to index
          %parallel_loop3A_525 = tpu.vector_load %arg10[%parallel_loop3A_524] {strides = array<i32>} : memref<20000xi32, #tpu.memory_space<vmem>>, vector<16xi32>,
          %parallel_loop3A_526 = arith.constant 4 : i32
          %parallel_loop3A_527 = vector.broadcast %parallel_loop3A_526 : i32 to vector<16xi32>
          %parallel_loop3A_528 = arith.shli %parallel_loop3A_523, %parallel_loop3A_527 : vector<16xi32>
          %parallel_loop3A_529 = arith.addi %parallel_loop3A_528, %iota3A : vector<16xi32>
          %parallel_loop3A_530 = tpu.vector_load_idx %arg6[%parallel_loop3A_529] : memref<2048xf32, #tpu.memory_space<vmem>>[vector<16xi32>], vector<16xf32>,
          %parallel_loop3A_531 = arith.constant true
          %parallel_loop3A_532 = vector.broadcast %parallel_loop3A_531 : i1 to vector<16xi1>
          %parallel_loop3A_533 = tpu.scan <sum>, %parallel_loop3A_530 masked %parallel_loop3A_532 : vector<16xf32>, vector<16xi1> -> vector<16xf32>
          %parallel_loop3A_534 = arith.constant 0 : i32
          %parallel_loop3A_535 = vector.broadcast %parallel_loop3A_534 : i32 to vector<16xi32>
          %parallel_loop3A_536 = arith.cmpi slt, %min3A_25, %parallel_loop3A_535 : vector<16xi32>
          %parallel_loop3A_537 = arith.constant 16 : i32
          %parallel_loop3A_538 = vector.broadcast %parallel_loop3A_537 : i32 to vector<16xi32>
          %parallel_loop3A_539 = arith.addi %min3A_25, %parallel_loop3A_538 : vector<16xi32>
          %parallel_loop3A_540 = arith.select %parallel_loop3A_536, %parallel_loop3A_539, %min3A_25 : vector<16xi1>, vector<16xi32>
          %parallel_loop3A_541 = vector.shape_cast %parallel_loop3A_540 : vector<16xi32> to vector<16x1xi32>
          %parallel_loop3A_542 = vector.shape_cast %parallel_loop3A_541 : vector<16x1xi32> to vector<16xi32>
          %parallel_loop3A_543 = tpu.dynamic_gather %parallel_loop3A_525[%parallel_loop3A_542] in [0] : vector<16xi32>, vector<16xi32> -> vector<16xi32>
          %parallel_loop3A_544 = arith.cmpi ne, %parallel_loop3A_525, %parallel_loop3A_543 : vector<16xi32>
          %parallel_loop3A_545 = arith.ori %parallel_loop3A_544, %eq3A_27 : vector<16xi1>
          tpu.vector_store_idx %arg11[%parallel_loop3A_525], %parallel_loop3A_533 masked %parallel_loop3A_545 {add = true} : memref<4096xf32, #tpu.memory_space<vmem>>[vector<16xi32>], vector<16xf32>, vector<16xi1>
          %parallel_loop3A_546 = arith.constant 0.000000e+00 : f32
          %parallel_loop3A_547 = vector.broadcast %parallel_loop3A_546 : f32 to vector<16xf32>
          %parallel_loop3A_548 = arith.subf %parallel_loop3A_547, %parallel_loop3A_533 : vector<16xf32>
          tpu.vector_store_idx %arg11[%parallel_loop3A_543], %parallel_loop3A_548 masked %parallel_loop3A_544 {add = true} : memref<4096xf32, #tpu.memory_space<vmem>>[vector<16xi32>], vector<16xf32>, vector<16xi1>
        } {sc.loop_unroll_factor = 1 : i64, sc.parallel_access}
        %ne3A_513 = vector.broadcast %squeeze3A : i32 to vector<16xi32>
        %ne3A_514 = arith.cmpi ne, %iota3A, %ne3A_513 : vector<16xi32>
        %and3A_515 = arith.andi %while3A_508, %ne3A_514 : vector<16xi1>
        scf.yield %and3A_515 : vector<16xi1>
      }
    }
    %scan3A_163 = arith.constant 8 : i32
    %add3A_164 = arith.constant 180000 : i32
    %add3A_165 = arith.addi %mul3A_2, %add3A_164 : i32
    %dma_start3A_166 = tpu.memref_slice %arg2[%add3A_165] : memref<6400000xi32, #tpu.memory_space<hbm>> -> memref<20000xi32, #tpu.memory_space<hbm>>
    %dma_start3A_167 = tpu.memref_slice %arg2[%add3A_165] : memref<6400000xi32, #tpu.memory_space<hbm>> -> memref<20000xi32, #tpu.memory_space<hbm>>
    tpu.enqueue_dma source(%dma_start3A_167 : memref<20000xi32, #tpu.memory_space<hbm>>) target(%arg9 : memref<20000xi32, #tpu.memory_space<vmem>>) target_semaphore(%arg17 : memref<!tpu.dma_semaphore, #tpu.memory_space<semaphore_mem>>)
    %dma_start3A_168 = tpu.memref_slice %arg3[%add3A_165] : memref<6400000xi32, #tpu.memory_space<hbm>> -> memref<20000xi32, #tpu.memory_space<hbm>>
    %dma_start3A_169 = tpu.memref_slice %arg3[%add3A_165] : memref<6400000xi32, #tpu.memory_space<hbm>> -> memref<20000xi32, #tpu.memory_space<hbm>>
    tpu.enqueue_dma source(%dma_start3A_169 : memref<20000xi32, #tpu.memory_space<hbm>>) target(%arg10 : memref<20000xi32, #tpu.memory_space<vmem>>) target_semaphore(%arg18 : memref<!tpu.dma_semaphore, #tpu.memory_space<semaphore_mem>>)
    %dma_wait3A_170 = tpu.memref_slice %arg2[%add3A_147] : memref<6400000xi32, #tpu.memory_space<hbm>> -> memref<20000xi32, #tpu.memory_space<hbm>>
    %dma_wait3A_171 = tpu.memref_slice %arg2[%add3A_147] : memref<6400000xi32, #tpu.memory_space<hbm>> -> memref<20000xi32, #tpu.memory_space<hbm>>
    tpu.wait_dma2 semaphore(%arg15 : memref<!tpu.dma_semaphore, #tpu.memory_space<semaphore_mem>>) src(%dma_wait3A_171 : memref<20000xi32, #tpu.memory_space<hbm>>) dst(%arg7 : memref<20000xi32, #tpu.memory_space<vmem>>)
    %dma_wait3A_172 = tpu.memref_slice %arg3[%add3A_147] : memref<6400000xi32, #tpu.memory_space<hbm>> -> memref<20000xi32, #tpu.memory_space<hbm>>
    %dma_wait3A_173 = tpu.memref_slice %arg3[%add3A_147] : memref<6400000xi32, #tpu.memory_space<hbm>> -> memref<20000xi32, #tpu.memory_space<hbm>>
    tpu.wait_dma2 semaphore(%arg16 : memref<!tpu.dma_semaphore, #tpu.memory_space<semaphore_mem>>) src(%dma_wait3A_173 : memref<20000xi32, #tpu.memory_space<hbm>>) dst(%arg8 : memref<20000xi32, #tpu.memory_space<vmem>>)
    %parallel_loop3A_174 = arith.constant 0 : i32
    %parallel_loop3A_175 = arith.constant 125 : i32
    %parallel_loop3A_176 = arith.constant 1 : i32
    scf.for %parallel_loop3A_489 = %parallel_loop3A_174 to %parallel_loop3A_175 step %parallel_loop3A_176  : i32 {
      %parallel_loop3A_490 = arith.constant 160 : i32
      %parallel_loop3A_491 = arith.muli %parallel_loop3A_489, %parallel_loop3A_490 : i32
      %parallel_loop3A_492 = arith.index_cast %parallel_loop3A_491 : i32 to index
      %parallel_loop3A_493 = tpu.vector_load %arg8[%parallel_loop3A_492] {strides = array<i32>} : memref<20000xi32, #tpu.memory_space<vmem>>, vector<16xi32>,
      %parallel_loop3A_494 = arith.constant 160 : i32
      %parallel_loop3A_495 = arith.addi %parallel_loop3A_491, %parallel_loop3A_494 : i32
      %parallel_loop3A_496 = arith.constant 16 : i32
      %parallel_loop3A_497 = arith.subi %parallel_loop3A_495, %parallel_loop3A_496 : i32
      %parallel_loop3A_498 = arith.index_cast %parallel_loop3A_497 : i32 to index
      %parallel_loop3A_499 = tpu.vector_load %arg8[%parallel_loop3A_498] {strides = array<i32>} : memref<20000xi32, #tpu.memory_space<vmem>>, vector<16xi32>,
      %parallel_loop3A_500 = arith.constant 0 : i32
      %parallel_loop3A_501 = vector.broadcast %parallel_loop3A_500 : i32 to vector<16xi32>
      %parallel_loop3A_502 = arith.cmpi slt, %broadcast_in_dim3A_20, %parallel_loop3A_501 : vector<16xi32>
      %parallel_loop3A_503 = arith.constant 16 : i32
      %parallel_loop3A_504 = vector.broadcast %parallel_loop3A_503 : i32 to vector<16xi32>
      %parallel_loop3A_505 = arith.addi %broadcast_in_dim3A_20, %parallel_loop3A_504 : vector<16xi32>
      %parallel_loop3A_506 = arith.select %parallel_loop3A_502, %parallel_loop3A_505, %broadcast_in_dim3A_20 : vector<16xi1>, vector<16xi32>
      %parallel_loop3A_507 = vector.shape_cast %parallel_loop3A_506 : vector<16xi32> to vector<16x1xi32>
      %parallel_loop3A_508 = vector.shape_cast %parallel_loop3A_507 : vector<16x1xi32> to vector<16xi32>
      %parallel_loop3A_509 = tpu.dynamic_gather %parallel_loop3A_493[%parallel_loop3A_508] in [0] : vector<16xi32>, vector<16xi32> -> vector<16xi32>
      %parallel_loop3A_510 = arith.cmpi eq, %parallel_loop3A_509, %parallel_loop3A_499 : vector<16xi32>
      %parallel_loop3A_511 = arith.andi %eq3A_27, %parallel_loop3A_510 : vector<16xi1>
      %parallel_loop3A_512 = arith.constant 0 : i32
      %parallel_loop3A_513 = arith.addi %parallel_loop3A_491, %parallel_loop3A_512 : i32
      %parallel_loop3A_514 = arith.index_cast %parallel_loop3A_513 : i32 to index
      %parallel_loop3A_515 = tpu.vector_load %arg7[%parallel_loop3A_514] {strides = array<i32>} : memref<20000xi32, #tpu.memory_space<vmem>>, vector<16xi32>,
      %parallel_loop3A_516 = arith.constant 4 : i32
      %parallel_loop3A_517 = vector.broadcast %parallel_loop3A_516 : i32 to vector<16xi32>
      %parallel_loop3A_518 = arith.shli %parallel_loop3A_515, %parallel_loop3A_517 : vector<16xi32>
      %parallel_loop3A_519 = arith.addi %parallel_loop3A_518, %iota3A : vector<16xi32>
      %parallel_loop3A_520 = tpu.vector_load_idx %arg6[%parallel_loop3A_519] : memref<2048xf32, #tpu.memory_space<vmem>>[vector<16xi32>], vector<16xf32>,
      %parallel_loop3A_521 = arith.addf %broadcast_in_dim3A_14, %parallel_loop3A_520 : vector<16xf32>
      %parallel_loop3A_522 = arith.constant 16 : i32
      %parallel_loop3A_523 = arith.addi %parallel_loop3A_491, %parallel_loop3A_522 : i32
      %parallel_loop3A_524 = arith.index_cast %parallel_loop3A_523 : i32 to index
      %parallel_loop3A_525 = tpu.vector_load %arg7[%parallel_loop3A_524] {strides = array<i32>} : memref<20000xi32, #tpu.memory_space<vmem>>, vector<16xi32>,
      %parallel_loop3A_526 = arith.constant 4 : i32
      %parallel_loop3A_527 = vector.broadcast %parallel_loop3A_526 : i32 to vector<16xi32>
      %parallel_loop3A_528 = arith.shli %parallel_loop3A_525, %parallel_loop3A_527 : vector<16xi32>
      %parallel_loop3A_529 = arith.addi %parallel_loop3A_528, %iota3A : vector<16xi32>
      %parallel_loop3A_530 = tpu.vector_load_idx %arg6[%parallel_loop3A_529] : memref<2048xf32, #tpu.memory_space<vmem>>[vector<16xi32>], vector<16xf32>,
      %parallel_loop3A_531 = arith.addf %broadcast_in_dim3A_14, %parallel_loop3A_530 : vector<16xf32>
      %parallel_loop3A_532 = arith.constant 32 : i32
      %parallel_loop3A_533 = arith.addi %parallel_loop3A_491, %parallel_loop3A_532 : i32
      %parallel_loop3A_534 = arith.index_cast %parallel_loop3A_533 : i32 to index
      %parallel_loop3A_535 = tpu.vector_load %arg7[%parallel_loop3A_534] {strides = array<i32>} : memref<20000xi32, #tpu.memory_space<vmem>>, vector<16xi32>,
      %parallel_loop3A_536 = arith.constant 4 : i32
      %parallel_loop3A_537 = vector.broadcast %parallel_loop3A_536 : i32 to vector<16xi32>
      %parallel_loop3A_538 = arith.shli %parallel_loop3A_535, %parallel_loop3A_537 : vector<16xi32>
      %parallel_loop3A_539 = arith.addi %parallel_loop3A_538, %iota3A : vector<16xi32>
      %parallel_loop3A_540 = tpu.vector_load_idx %arg6[%parallel_loop3A_539] : memref<2048xf32, #tpu.memory_space<vmem>>[vector<16xi32>], vector<16xf32>,
      %parallel_loop3A_541 = arith.addf %broadcast_in_dim3A_14, %parallel_loop3A_540 : vector<16xf32>
      %parallel_loop3A_542 = arith.constant 48 : i32
      %parallel_loop3A_543 = arith.addi %parallel_loop3A_491, %parallel_loop3A_542 : i32
      %parallel_loop3A_544 = arith.index_cast %parallel_loop3A_543 : i32 to index
      %parallel_loop3A_545 = tpu.vector_load %arg7[%parallel_loop3A_544] {strides = array<i32>} : memref<20000xi32, #tpu.memory_space<vmem>>, vector<16xi32>,
      %parallel_loop3A_546 = arith.constant 4 : i32
      %parallel_loop3A_547 = vector.broadcast %parallel_loop3A_546 : i32 to vector<16xi32>
      %parallel_loop3A_548 = arith.shli %parallel_loop3A_545, %parallel_loop3A_547 : vector<16xi32>
      %parallel_loop3A_549 = arith.addi %parallel_loop3A_548, %iota3A : vector<16xi32>
      %parallel_loop3A_550 = tpu.vector_load_idx %arg6[%parallel_loop3A_549] : memref<2048xf32, #tpu.memory_space<vmem>>[vector<16xi32>], vector<16xf32>,
      %parallel_loop3A_551 = arith.addf %broadcast_in_dim3A_14, %parallel_loop3A_550 : vector<16xf32>
      %parallel_loop3A_552 = arith.constant 64 : i32
      %parallel_loop3A_553 = arith.addi %parallel_loop3A_491, %parallel_loop3A_552 : i32
      %parallel_loop3A_554 = arith.index_cast %parallel_loop3A_553 : i32 to index
      %parallel_loop3A_555 = tpu.vector_load %arg7[%parallel_loop3A_554] {strides = array<i32>} : memref<20000xi32, #tpu.memory_space<vmem>>, vector<16xi32>,
      %parallel_loop3A_556 = arith.constant 4 : i32
      %parallel_loop3A_557 = vector.broadcast %parallel_loop3A_556 : i32 to vector<16xi32>
      %parallel_loop3A_558 = arith.shli %parallel_loop3A_555, %parallel_loop3A_557 : vector<16xi32>
      %parallel_loop3A_559 = arith.addi %parallel_loop3A_558, %iota3A : vector<16xi32>
      %parallel_loop3A_560 = tpu.vector_load_idx %arg6[%parallel_loop3A_559] : memref<2048xf32, #tpu.memory_space<vmem>>[vector<16xi32>], vector<16xf32>,
      %parallel_loop3A_561 = arith.addf %parallel_loop3A_521, %parallel_loop3A_560 : vector<16xf32>
      %parallel_loop3A_562 = arith.constant 80 : i32
      %parallel_loop3A_563 = arith.addi %parallel_loop3A_491, %parallel_loop3A_562 : i32
      %parallel_loop3A_564 = arith.index_cast %parallel_loop3A_563 : i32 to index
      %parallel_loop3A_565 = tpu.vector_load %arg7[%parallel_loop3A_564] {strides = array<i32>} : memref<20000xi32, #tpu.memory_space<vmem>>, vector<16xi32>,
      %parallel_loop3A_566 = arith.constant 4 : i32
      %parallel_loop3A_567 = vector.broadcast %parallel_loop3A_566 : i32 to vector<16xi32>
      %parallel_loop3A_568 = arith.shli %parallel_loop3A_565, %parallel_loop3A_567 : vector<16xi32>
      %parallel_loop3A_569 = arith.addi %parallel_loop3A_568, %iota3A : vector<16xi32>
      %parallel_loop3A_570 = tpu.vector_load_idx %arg6[%parallel_loop3A_569] : memref<2048xf32, #tpu.memory_space<vmem>>[vector<16xi32>], vector<16xf32>,
      %parallel_loop3A_571 = arith.addf %parallel_loop3A_531, %parallel_loop3A_570 : vector<16xf32>
      %parallel_loop3A_572 = arith.constant 96 : i32
      %parallel_loop3A_573 = arith.addi %parallel_loop3A_491, %parallel_loop3A_572 : i32
      %parallel_loop3A_574 = arith.index_cast %parallel_loop3A_573 : i32 to index
      %parallel_loop3A_575 = tpu.vector_load %arg7[%parallel_loop3A_574] {strides = array<i32>} : memref<20000xi32, #tpu.memory_space<vmem>>, vector<16xi32>,
      %parallel_loop3A_576 = arith.constant 4 : i32
      %parallel_loop3A_577 = vector.broadcast %parallel_loop3A_576 : i32 to vector<16xi32>
      %parallel_loop3A_578 = arith.shli %parallel_loop3A_575, %parallel_loop3A_577 : vector<16xi32>
      %parallel_loop3A_579 = arith.addi %parallel_loop3A_578, %iota3A : vector<16xi32>
      %parallel_loop3A_580 = tpu.vector_load_idx %arg6[%parallel_loop3A_579] : memref<2048xf32, #tpu.memory_space<vmem>>[vector<16xi32>], vector<16xf32>,
      %parallel_loop3A_581 = arith.addf %parallel_loop3A_541, %parallel_loop3A_580 : vector<16xf32>
      %parallel_loop3A_582 = arith.constant 112 : i32
      %parallel_loop3A_583 = arith.addi %parallel_loop3A_491, %parallel_loop3A_582 : i32
      %parallel_loop3A_584 = arith.index_cast %parallel_loop3A_583 : i32 to index
      %parallel_loop3A_585 = tpu.vector_load %arg7[%parallel_loop3A_584] {strides = array<i32>} : memref<20000xi32, #tpu.memory_space<vmem>>, vector<16xi32>,
      %parallel_loop3A_586 = arith.constant 4 : i32
      %parallel_loop3A_587 = vector.broadcast %parallel_loop3A_586 : i32 to vector<16xi32>
      %parallel_loop3A_588 = arith.shli %parallel_loop3A_585, %parallel_loop3A_587 : vector<16xi32>
      %parallel_loop3A_589 = arith.addi %parallel_loop3A_588, %iota3A : vector<16xi32>
      %parallel_loop3A_590 = tpu.vector_load_idx %arg6[%parallel_loop3A_589] : memref<2048xf32, #tpu.memory_space<vmem>>[vector<16xi32>], vector<16xf32>,
      %parallel_loop3A_591 = arith.addf %parallel_loop3A_551, %parallel_loop3A_590 : vector<16xf32>
      %parallel_loop3A_592 = arith.constant 128 : i32
      %parallel_loop3A_593 = arith.addi %parallel_loop3A_491, %parallel_loop3A_592 : i32
      %parallel_loop3A_594 = arith.index_cast %parallel_loop3A_593 : i32 to index
      %parallel_loop3A_595 = tpu.vector_load %arg7[%parallel_loop3A_594] {strides = array<i32>} : memref<20000xi32, #tpu.memory_space<vmem>>, vector<16xi32>,
      %parallel_loop3A_596 = arith.constant 4 : i32
      %parallel_loop3A_597 = vector.broadcast %parallel_loop3A_596 : i32 to vector<16xi32>
      %parallel_loop3A_598 = arith.shli %parallel_loop3A_595, %parallel_loop3A_597 : vector<16xi32>
      %parallel_loop3A_599 = arith.addi %parallel_loop3A_598, %iota3A : vector<16xi32>
      %parallel_loop3A_600 = tpu.vector_load_idx %arg6[%parallel_loop3A_599] : memref<2048xf32, #tpu.memory_space<vmem>>[vector<16xi32>], vector<16xf32>,
      %parallel_loop3A_601 = arith.addf %parallel_loop3A_561, %parallel_loop3A_600 : vector<16xf32>
      %parallel_loop3A_602 = arith.constant 144 : i32
      %parallel_loop3A_603 = arith.addi %parallel_loop3A_491, %parallel_loop3A_602 : i32
      %parallel_loop3A_604 = arith.index_cast %parallel_loop3A_603 : i32 to index
      %parallel_loop3A_605 = tpu.vector_load %arg7[%parallel_loop3A_604] {strides = array<i32>} : memref<20000xi32, #tpu.memory_space<vmem>>, vector<16xi32>,
      %parallel_loop3A_606 = arith.constant 4 : i32
      %parallel_loop3A_607 = vector.broadcast %parallel_loop3A_606 : i32 to vector<16xi32>
      %parallel_loop3A_608 = arith.shli %parallel_loop3A_605, %parallel_loop3A_607 : vector<16xi32>
      %parallel_loop3A_609 = arith.addi %parallel_loop3A_608, %iota3A : vector<16xi32>
      %parallel_loop3A_610 = tpu.vector_load_idx %arg6[%parallel_loop3A_609] : memref<2048xf32, #tpu.memory_space<vmem>>[vector<16xi32>], vector<16xf32>,
      %parallel_loop3A_611 = arith.addf %parallel_loop3A_571, %parallel_loop3A_610 : vector<16xf32>
      %parallel_loop3A_612 = arith.addf %parallel_loop3A_601, %parallel_loop3A_611 : vector<16xf32>
      %parallel_loop3A_613 = arith.addf %parallel_loop3A_612, %parallel_loop3A_581 : vector<16xf32>
      %parallel_loop3A_614 = arith.addf %parallel_loop3A_613, %parallel_loop3A_591 : vector<16xf32>
      %parallel_loop3A_615 = arith.constant true
      %parallel_loop3A_616 = vector.broadcast %parallel_loop3A_615 : i1 to vector<16xi1>
      %parallel_loop3A_617 = tpu.scan <sum>, %parallel_loop3A_614 masked %parallel_loop3A_616 : vector<16xf32>, vector<16xi1> -> vector<16xf32>
      tpu.vector_store_idx %arg11[%parallel_loop3A_499], %parallel_loop3A_617 masked %parallel_loop3A_511 {add = true} : memref<4096xf32, #tpu.memory_space<vmem>>[vector<16xi32>], vector<16xf32>, vector<16xi1>
    } {sc.loop_unroll_factor = 1 : i64, sc.parallel_access}
    %scan3A_177 = arith.constant 0 : i32
    %scan3A_178 = arith.constant 8 : i32
    %scan3A_179 = arith.addi %scan3A_177, %scan3A_178 : i32
    %scan3A_180 = arith.constant 1 : i32
    scf.for %scan3A_489 = %scan3A_177 to %scan3A_179 step %scan3A_180  : i32 {
      %mul3A_490 = arith.constant 16 : i32
      %mul3A_491 = arith.muli %scan3A_489, %mul3A_490 : i32
      %add3A_492 = vector.broadcast %mul3A_491 : i32 to vector<16xi32>
      %add3A_493 = arith.addi %add3A_492, %iota3A : vector<16xi32>
      %min3A_494 = arith.constant 124 : i32
      %min3A_495 = vector.broadcast %min3A_494 : i32 to vector<16xi32>
      %min3A_496 = arith.minsi %add3A_493, %min3A_495 : vector<16xi32>
      %add3A_497 = vector.broadcast %mul3A_491 : i32 to vector<16xi32>
      %add3A_498 = arith.addi %add3A_497, %iota3A : vector<16xi32>
      %lt3A = arith.constant 125 : i32
      %lt3A_499 = vector.broadcast %lt3A : i32 to vector<16xi32>
      %lt3A_500 = arith.cmpi slt, %add3A_498, %lt3A_499 : vector<16xi32>
      %mul3A_501 = arith.constant 160 : i32
      %mul3A_502 = vector.broadcast %mul3A_501 : i32 to vector<16xi32>
      %mul3A_503 = arith.muli %min3A_496, %mul3A_502 : vector<16xi32>
      %gather3A = tpu.vector_load_idx %arg8[%mul3A_503] : memref<20000xi32, #tpu.memory_space<vmem>>[vector<16xi32>], vector<16xi32>,
      %add3A_504 = arith.constant 159 : i32
      %add3A_505 = vector.broadcast %add3A_504 : i32 to vector<16xi32>
      %add3A_506 = arith.addi %mul3A_503, %add3A_505 : vector<16xi32>
      %gather3A_507 = tpu.vector_load_idx %arg8[%add3A_506] : memref<20000xi32, #tpu.memory_space<vmem>>[vector<16xi32>], vector<16xi32>,
      %ne3A = arith.cmpi ne, %gather3A, %gather3A_507 : vector<16xi32>
      %and3A = arith.andi %ne3A, %lt3A_500 : vector<16xi1>
      %while3A = scf.while (%while3A_508 = %and3A) : (vector<16xi1>) -> vector<16xi1> {
        %reduce_or3A = arith.constant 1.000000e+00 : f32
        %reduce_or3A_509 = arith.constant 0.000000e+00 : f32
        %reduce_or3A_510 = vector.broadcast %reduce_or3A : f32 to vector<16xf32>
        %reduce_or3A_511 = vector.broadcast %reduce_or3A_509 : f32 to vector<16xf32>
        %reduce_or3A_512 = arith.select %while3A_508, %reduce_or3A_510, %reduce_or3A_511 : vector<16xi1>, vector<16xf32>
        %reduce_or3A_513 = arith.constant true
        %reduce_or3A_514 = vector.broadcast %reduce_or3A_513 : i1 to vector<16xi1>
        %reduce_or3A_515 = tpu.scan <max>, %reduce_or3A_512 masked %reduce_or3A_514 : vector<16xf32>, vector<16xi1> -> vector<16xf32>
        %reduce_or3A_516 = vector.extract %reduce_or3A_515[15] : f32 from vector<16xf32>
        %reduce_or3A_517 = arith.constant 0.000000e+00 : f32
        %reduce_or3A_518 = arith.cmpf ogt, %reduce_or3A_516, %reduce_or3A_517 : f32
        scf.condition(%reduce_or3A_518) %while3A_508 : vector<16xi1>
      } do {
      ^bb0(%while3A_508: vector<16xi1>):
        %all_reduce_ffs3A = tpu.all_reduce %while3A_508 {dim = 0 : i64, kind = #tpu.reduction_kind<find_first_set>} : vector<16xi1> -> vector<16xi32>
        %slice3A = vector.extract_strided_slice %all_reduce_ffs3A {offsets = [0], sizes = [1], strides = [1]} : vector<16xi32> to vector<1xi32>
        %squeeze3A = vector.extract %slice3A[0] : i32 from vector<1xi32>
        %add3A_509 = arith.addi %mul3A_491, %squeeze3A : i32
        %parallel_loop3A_510 = arith.constant 0 : i32
        %parallel_loop3A_511 = arith.constant 10 : i32
        %parallel_loop3A_512 = arith.constant 1 : i32
        scf.for %parallel_loop3A_516 = %parallel_loop3A_510 to %parallel_loop3A_511 step %parallel_loop3A_512  : i32 {
          %parallel_loop3A_517 = arith.constant 160 : i32
          %parallel_loop3A_518 = arith.muli %add3A_509, %parallel_loop3A_517 : i32
          %parallel_loop3A_519 = arith.constant 16 : i32
          %parallel_loop3A_520 = arith.muli %parallel_loop3A_516, %parallel_loop3A_519 : i32
          %parallel_loop3A_521 = arith.addi %parallel_loop3A_518, %parallel_loop3A_520 : i32
          %parallel_loop3A_522 = arith.index_cast %parallel_loop3A_521 : i32 to index
          %parallel_loop3A_523 = tpu.vector_load %arg7[%parallel_loop3A_522] {strides = array<i32>} : memref<20000xi32, #tpu.memory_space<vmem>>, vector<16xi32>,
          %parallel_loop3A_524 = arith.index_cast %parallel_loop3A_521 : i32 to index
          %parallel_loop3A_525 = tpu.vector_load %arg8[%parallel_loop3A_524] {strides = array<i32>} : memref<20000xi32, #tpu.memory_space<vmem>>, vector<16xi32>,
          %parallel_loop3A_526 = arith.constant 4 : i32
          %parallel_loop3A_527 = vector.broadcast %parallel_loop3A_526 : i32 to vector<16xi32>
          %parallel_loop3A_528 = arith.shli %parallel_loop3A_523, %parallel_loop3A_527 : vector<16xi32>
          %parallel_loop3A_529 = arith.addi %parallel_loop3A_528, %iota3A : vector<16xi32>
          %parallel_loop3A_530 = tpu.vector_load_idx %arg6[%parallel_loop3A_529] : memref<2048xf32, #tpu.memory_space<vmem>>[vector<16xi32>], vector<16xf32>,
          %parallel_loop3A_531 = arith.constant true
          %parallel_loop3A_532 = vector.broadcast %parallel_loop3A_531 : i1 to vector<16xi1>
          %parallel_loop3A_533 = tpu.scan <sum>, %parallel_loop3A_530 masked %parallel_loop3A_532 : vector<16xf32>, vector<16xi1> -> vector<16xf32>
          %parallel_loop3A_534 = arith.constant 0 : i32
          %parallel_loop3A_535 = vector.broadcast %parallel_loop3A_534 : i32 to vector<16xi32>
          %parallel_loop3A_536 = arith.cmpi slt, %min3A_25, %parallel_loop3A_535 : vector<16xi32>
          %parallel_loop3A_537 = arith.constant 16 : i32
          %parallel_loop3A_538 = vector.broadcast %parallel_loop3A_537 : i32 to vector<16xi32>
          %parallel_loop3A_539 = arith.addi %min3A_25, %parallel_loop3A_538 : vector<16xi32>
          %parallel_loop3A_540 = arith.select %parallel_loop3A_536, %parallel_loop3A_539, %min3A_25 : vector<16xi1>, vector<16xi32>
          %parallel_loop3A_541 = vector.shape_cast %parallel_loop3A_540 : vector<16xi32> to vector<16x1xi32>
          %parallel_loop3A_542 = vector.shape_cast %parallel_loop3A_541 : vector<16x1xi32> to vector<16xi32>
          %parallel_loop3A_543 = tpu.dynamic_gather %parallel_loop3A_525[%parallel_loop3A_542] in [0] : vector<16xi32>, vector<16xi32> -> vector<16xi32>
          %parallel_loop3A_544 = arith.cmpi ne, %parallel_loop3A_525, %parallel_loop3A_543 : vector<16xi32>
          %parallel_loop3A_545 = arith.ori %parallel_loop3A_544, %eq3A_27 : vector<16xi1>
          tpu.vector_store_idx %arg11[%parallel_loop3A_525], %parallel_loop3A_533 masked %parallel_loop3A_545 {add = true} : memref<4096xf32, #tpu.memory_space<vmem>>[vector<16xi32>], vector<16xf32>, vector<16xi1>
          %parallel_loop3A_546 = arith.constant 0.000000e+00 : f32
          %parallel_loop3A_547 = vector.broadcast %parallel_loop3A_546 : f32 to vector<16xf32>
          %parallel_loop3A_548 = arith.subf %parallel_loop3A_547, %parallel_loop3A_533 : vector<16xf32>
          tpu.vector_store_idx %arg11[%parallel_loop3A_543], %parallel_loop3A_548 masked %parallel_loop3A_544 {add = true} : memref<4096xf32, #tpu.memory_space<vmem>>[vector<16xi32>], vector<16xf32>, vector<16xi1>
        } {sc.loop_unroll_factor = 1 : i64, sc.parallel_access}
        %ne3A_513 = vector.broadcast %squeeze3A : i32 to vector<16xi32>
        %ne3A_514 = arith.cmpi ne, %iota3A, %ne3A_513 : vector<16xi32>
        %and3A_515 = arith.andi %while3A_508, %ne3A_514 : vector<16xi1>
        scf.yield %and3A_515 : vector<16xi1>
      }
    }
    %scan3A_181 = arith.constant 8 : i32
    %dma_wait3A_182 = tpu.memref_slice %arg2[%add3A_165] : memref<6400000xi32, #tpu.memory_space<hbm>> -> memref<20000xi32, #tpu.memory_space<hbm>>
    %dma_wait3A_183 = tpu.memref_slice %arg2[%add3A_165] : memref<6400000xi32, #tpu.memory_space<hbm>> -> memref<20000xi32, #tpu.memory_space<hbm>>
    tpu.wait_dma2 semaphore(%arg17 : memref<!tpu.dma_semaphore, #tpu.memory_space<semaphore_mem>>) src(%dma_wait3A_183 : memref<20000xi32, #tpu.memory_space<hbm>>) dst(%arg9 : memref<20000xi32, #tpu.memory_space<vmem>>)
    %dma_wait3A_184 = tpu.memref_slice %arg3[%add3A_165] : memref<6400000xi32, #tpu.memory_space<hbm>> -> memref<20000xi32, #tpu.memory_space<hbm>>
    %dma_wait3A_185 = tpu.memref_slice %arg3[%add3A_165] : memref<6400000xi32, #tpu.memory_space<hbm>> -> memref<20000xi32, #tpu.memory_space<hbm>>
    tpu.wait_dma2 semaphore(%arg18 : memref<!tpu.dma_semaphore, #tpu.memory_space<semaphore_mem>>) src(%dma_wait3A_185 : memref<20000xi32, #tpu.memory_space<hbm>>) dst(%arg10 : memref<20000xi32, #tpu.memory_space<vmem>>)
    %parallel_loop3A_186 = arith.constant 0 : i32
    %parallel_loop3A_187 = arith.constant 125 : i32
    %parallel_loop3A_188 = arith.constant 1 : i32
    scf.for %parallel_loop3A_489 = %parallel_loop3A_186 to %parallel_loop3A_187 step %parallel_loop3A_188  : i32 {
      %parallel_loop3A_490 = arith.constant 160 : i32
      %parallel_loop3A_491 = arith.muli %parallel_loop3A_489, %parallel_loop3A_490 : i32
      %parallel_loop3A_492 = arith.index_cast %parallel_loop3A_491 : i32 to index
      %parallel_loop3A_493 = tpu.vector_load %arg10[%parallel_loop3A_492] {strides = array<i32>} : memref<20000xi32, #tpu.memory_space<vmem>>, vector<16xi32>,
      %parallel_loop3A_494 = arith.constant 160 : i32
      %parallel_loop3A_495 = arith.addi %parallel_loop3A_491, %parallel_loop3A_494 : i32
      %parallel_loop3A_496 = arith.constant 16 : i32
      %parallel_loop3A_497 = arith.subi %parallel_loop3A_495, %parallel_loop3A_496 : i32
      %parallel_loop3A_498 = arith.index_cast %parallel_loop3A_497 : i32 to index
      %parallel_loop3A_499 = tpu.vector_load %arg10[%parallel_loop3A_498] {strides = array<i32>} : memref<20000xi32, #tpu.memory_space<vmem>>, vector<16xi32>,
      %parallel_loop3A_500 = arith.constant 0 : i32
      %parallel_loop3A_501 = vector.broadcast %parallel_loop3A_500 : i32 to vector<16xi32>
      %parallel_loop3A_502 = arith.cmpi slt, %broadcast_in_dim3A_20, %parallel_loop3A_501 : vector<16xi32>
      %parallel_loop3A_503 = arith.constant 16 : i32
      %parallel_loop3A_504 = vector.broadcast %parallel_loop3A_503 : i32 to vector<16xi32>
      %parallel_loop3A_505 = arith.addi %broadcast_in_dim3A_20, %parallel_loop3A_504 : vector<16xi32>
      %parallel_loop3A_506 = arith.select %parallel_loop3A_502, %parallel_loop3A_505, %broadcast_in_dim3A_20 : vector<16xi1>, vector<16xi32>
      %parallel_loop3A_507 = vector.shape_cast %parallel_loop3A_506 : vector<16xi32> to vector<16x1xi32>
      %parallel_loop3A_508 = vector.shape_cast %parallel_loop3A_507 : vector<16x1xi32> to vector<16xi32>
      %parallel_loop3A_509 = tpu.dynamic_gather %parallel_loop3A_493[%parallel_loop3A_508] in [0] : vector<16xi32>, vector<16xi32> -> vector<16xi32>
      %parallel_loop3A_510 = arith.cmpi eq, %parallel_loop3A_509, %parallel_loop3A_499 : vector<16xi32>
      %parallel_loop3A_511 = arith.andi %eq3A_27, %parallel_loop3A_510 : vector<16xi1>
      %parallel_loop3A_512 = arith.constant 0 : i32
      %parallel_loop3A_513 = arith.addi %parallel_loop3A_491, %parallel_loop3A_512 : i32
      %parallel_loop3A_514 = arith.index_cast %parallel_loop3A_513 : i32 to index
      %parallel_loop3A_515 = tpu.vector_load %arg9[%parallel_loop3A_514] {strides = array<i32>} : memref<20000xi32, #tpu.memory_space<vmem>>, vector<16xi32>,
      %parallel_loop3A_516 = arith.constant 4 : i32
      %parallel_loop3A_517 = vector.broadcast %parallel_loop3A_516 : i32 to vector<16xi32>
      %parallel_loop3A_518 = arith.shli %parallel_loop3A_515, %parallel_loop3A_517 : vector<16xi32>
      %parallel_loop3A_519 = arith.addi %parallel_loop3A_518, %iota3A : vector<16xi32>
      %parallel_loop3A_520 = tpu.vector_load_idx %arg6[%parallel_loop3A_519] : memref<2048xf32, #tpu.memory_space<vmem>>[vector<16xi32>], vector<16xf32>,
      %parallel_loop3A_521 = arith.addf %broadcast_in_dim3A_14, %parallel_loop3A_520 : vector<16xf32>
      %parallel_loop3A_522 = arith.constant 16 : i32
      %parallel_loop3A_523 = arith.addi %parallel_loop3A_491, %parallel_loop3A_522 : i32
      %parallel_loop3A_524 = arith.index_cast %parallel_loop3A_523 : i32 to index
      %parallel_loop3A_525 = tpu.vector_load %arg9[%parallel_loop3A_524] {strides = array<i32>} : memref<20000xi32, #tpu.memory_space<vmem>>, vector<16xi32>,
      %parallel_loop3A_526 = arith.constant 4 : i32
      %parallel_loop3A_527 = vector.broadcast %parallel_loop3A_526 : i32 to vector<16xi32>
      %parallel_loop3A_528 = arith.shli %parallel_loop3A_525, %parallel_loop3A_527 : vector<16xi32>
      %parallel_loop3A_529 = arith.addi %parallel_loop3A_528, %iota3A : vector<16xi32>
      %parallel_loop3A_530 = tpu.vector_load_idx %arg6[%parallel_loop3A_529] : memref<2048xf32, #tpu.memory_space<vmem>>[vector<16xi32>], vector<16xf32>,
      %parallel_loop3A_531 = arith.addf %broadcast_in_dim3A_14, %parallel_loop3A_530 : vector<16xf32>
      %parallel_loop3A_532 = arith.constant 32 : i32
      %parallel_loop3A_533 = arith.addi %parallel_loop3A_491, %parallel_loop3A_532 : i32
      %parallel_loop3A_534 = arith.index_cast %parallel_loop3A_533 : i32 to index
      %parallel_loop3A_535 = tpu.vector_load %arg9[%parallel_loop3A_534] {strides = array<i32>} : memref<20000xi32, #tpu.memory_space<vmem>>, vector<16xi32>,
      %parallel_loop3A_536 = arith.constant 4 : i32
      %parallel_loop3A_537 = vector.broadcast %parallel_loop3A_536 : i32 to vector<16xi32>
      %parallel_loop3A_538 = arith.shli %parallel_loop3A_535, %parallel_loop3A_537 : vector<16xi32>
      %parallel_loop3A_539 = arith.addi %parallel_loop3A_538, %iota3A : vector<16xi32>
      %parallel_loop3A_540 = tpu.vector_load_idx %arg6[%parallel_loop3A_539] : memref<2048xf32, #tpu.memory_space<vmem>>[vector<16xi32>], vector<16xf32>,
      %parallel_loop3A_541 = arith.addf %broadcast_in_dim3A_14, %parallel_loop3A_540 : vector<16xf32>
      %parallel_loop3A_542 = arith.constant 48 : i32
      %parallel_loop3A_543 = arith.addi %parallel_loop3A_491, %parallel_loop3A_542 : i32
      %parallel_loop3A_544 = arith.index_cast %parallel_loop3A_543 : i32 to index
      %parallel_loop3A_545 = tpu.vector_load %arg9[%parallel_loop3A_544] {strides = array<i32>} : memref<20000xi32, #tpu.memory_space<vmem>>, vector<16xi32>,
      %parallel_loop3A_546 = arith.constant 4 : i32
      %parallel_loop3A_547 = vector.broadcast %parallel_loop3A_546 : i32 to vector<16xi32>
      %parallel_loop3A_548 = arith.shli %parallel_loop3A_545, %parallel_loop3A_547 : vector<16xi32>
      %parallel_loop3A_549 = arith.addi %parallel_loop3A_548, %iota3A : vector<16xi32>
      %parallel_loop3A_550 = tpu.vector_load_idx %arg6[%parallel_loop3A_549] : memref<2048xf32, #tpu.memory_space<vmem>>[vector<16xi32>], vector<16xf32>,
      %parallel_loop3A_551 = arith.addf %broadcast_in_dim3A_14, %parallel_loop3A_550 : vector<16xf32>
      %parallel_loop3A_552 = arith.constant 64 : i32
      %parallel_loop3A_553 = arith.addi %parallel_loop3A_491, %parallel_loop3A_552 : i32
      %parallel_loop3A_554 = arith.index_cast %parallel_loop3A_553 : i32 to index
      %parallel_loop3A_555 = tpu.vector_load %arg9[%parallel_loop3A_554] {strides = array<i32>} : memref<20000xi32, #tpu.memory_space<vmem>>, vector<16xi32>,
      %parallel_loop3A_556 = arith.constant 4 : i32
      %parallel_loop3A_557 = vector.broadcast %parallel_loop3A_556 : i32 to vector<16xi32>
      %parallel_loop3A_558 = arith.shli %parallel_loop3A_555, %parallel_loop3A_557 : vector<16xi32>
      %parallel_loop3A_559 = arith.addi %parallel_loop3A_558, %iota3A : vector<16xi32>
      %parallel_loop3A_560 = tpu.vector_load_idx %arg6[%parallel_loop3A_559] : memref<2048xf32, #tpu.memory_space<vmem>>[vector<16xi32>], vector<16xf32>,
      %parallel_loop3A_561 = arith.addf %parallel_loop3A_521, %parallel_loop3A_560 : vector<16xf32>
      %parallel_loop3A_562 = arith.constant 80 : i32
      %parallel_loop3A_563 = arith.addi %parallel_loop3A_491, %parallel_loop3A_562 : i32
      %parallel_loop3A_564 = arith.index_cast %parallel_loop3A_563 : i32 to index
      %parallel_loop3A_565 = tpu.vector_load %arg9[%parallel_loop3A_564] {strides = array<i32>} : memref<20000xi32, #tpu.memory_space<vmem>>, vector<16xi32>,
      %parallel_loop3A_566 = arith.constant 4 : i32
      %parallel_loop3A_567 = vector.broadcast %parallel_loop3A_566 : i32 to vector<16xi32>
      %parallel_loop3A_568 = arith.shli %parallel_loop3A_565, %parallel_loop3A_567 : vector<16xi32>
      %parallel_loop3A_569 = arith.addi %parallel_loop3A_568, %iota3A : vector<16xi32>
      %parallel_loop3A_570 = tpu.vector_load_idx %arg6[%parallel_loop3A_569] : memref<2048xf32, #tpu.memory_space<vmem>>[vector<16xi32>], vector<16xf32>,
      %parallel_loop3A_571 = arith.addf %parallel_loop3A_531, %parallel_loop3A_570 : vector<16xf32>
      %parallel_loop3A_572 = arith.constant 96 : i32
      %parallel_loop3A_573 = arith.addi %parallel_loop3A_491, %parallel_loop3A_572 : i32
      %parallel_loop3A_574 = arith.index_cast %parallel_loop3A_573 : i32 to index
      %parallel_loop3A_575 = tpu.vector_load %arg9[%parallel_loop3A_574] {strides = array<i32>} : memref<20000xi32, #tpu.memory_space<vmem>>, vector<16xi32>,
      %parallel_loop3A_576 = arith.constant 4 : i32
      %parallel_loop3A_577 = vector.broadcast %parallel_loop3A_576 : i32 to vector<16xi32>
      %parallel_loop3A_578 = arith.shli %parallel_loop3A_575, %parallel_loop3A_577 : vector<16xi32>
      %parallel_loop3A_579 = arith.addi %parallel_loop3A_578, %iota3A : vector<16xi32>
      %parallel_loop3A_580 = tpu.vector_load_idx %arg6[%parallel_loop3A_579] : memref<2048xf32, #tpu.memory_space<vmem>>[vector<16xi32>], vector<16xf32>,
      %parallel_loop3A_581 = arith.addf %parallel_loop3A_541, %parallel_loop3A_580 : vector<16xf32>
      %parallel_loop3A_582 = arith.constant 112 : i32
      %parallel_loop3A_583 = arith.addi %parallel_loop3A_491, %parallel_loop3A_582 : i32
      %parallel_loop3A_584 = arith.index_cast %parallel_loop3A_583 : i32 to index
      %parallel_loop3A_585 = tpu.vector_load %arg9[%parallel_loop3A_584] {strides = array<i32>} : memref<20000xi32, #tpu.memory_space<vmem>>, vector<16xi32>,
      %parallel_loop3A_586 = arith.constant 4 : i32
      %parallel_loop3A_587 = vector.broadcast %parallel_loop3A_586 : i32 to vector<16xi32>
      %parallel_loop3A_588 = arith.shli %parallel_loop3A_585, %parallel_loop3A_587 : vector<16xi32>
      %parallel_loop3A_589 = arith.addi %parallel_loop3A_588, %iota3A : vector<16xi32>
      %parallel_loop3A_590 = tpu.vector_load_idx %arg6[%parallel_loop3A_589] : memref<2048xf32, #tpu.memory_space<vmem>>[vector<16xi32>], vector<16xf32>,
      %parallel_loop3A_591 = arith.addf %parallel_loop3A_551, %parallel_loop3A_590 : vector<16xf32>
      %parallel_loop3A_592 = arith.constant 128 : i32
      %parallel_loop3A_593 = arith.addi %parallel_loop3A_491, %parallel_loop3A_592 : i32
      %parallel_loop3A_594 = arith.index_cast %parallel_loop3A_593 : i32 to index
      %parallel_loop3A_595 = tpu.vector_load %arg9[%parallel_loop3A_594] {strides = array<i32>} : memref<20000xi32, #tpu.memory_space<vmem>>, vector<16xi32>,
      %parallel_loop3A_596 = arith.constant 4 : i32
      %parallel_loop3A_597 = vector.broadcast %parallel_loop3A_596 : i32 to vector<16xi32>
      %parallel_loop3A_598 = arith.shli %parallel_loop3A_595, %parallel_loop3A_597 : vector<16xi32>
      %parallel_loop3A_599 = arith.addi %parallel_loop3A_598, %iota3A : vector<16xi32>
      %parallel_loop3A_600 = tpu.vector_load_idx %arg6[%parallel_loop3A_599] : memref<2048xf32, #tpu.memory_space<vmem>>[vector<16xi32>], vector<16xf32>,
      %parallel_loop3A_601 = arith.addf %parallel_loop3A_561, %parallel_loop3A_600 : vector<16xf32>
      %parallel_loop3A_602 = arith.constant 144 : i32
      %parallel_loop3A_603 = arith.addi %parallel_loop3A_491, %parallel_loop3A_602 : i32
      %parallel_loop3A_604 = arith.index_cast %parallel_loop3A_603 : i32 to index
      %parallel_loop3A_605 = tpu.vector_load %arg9[%parallel_loop3A_604] {strides = array<i32>} : memref<20000xi32, #tpu.memory_space<vmem>>, vector<16xi32>,
      %parallel_loop3A_606 = arith.constant 4 : i32
      %parallel_loop3A_607 = vector.broadcast %parallel_loop3A_606 : i32 to vector<16xi32>
      %parallel_loop3A_608 = arith.shli %parallel_loop3A_605, %parallel_loop3A_607 : vector<16xi32>
      %parallel_loop3A_609 = arith.addi %parallel_loop3A_608, %iota3A : vector<16xi32>
      %parallel_loop3A_610 = tpu.vector_load_idx %arg6[%parallel_loop3A_609] : memref<2048xf32, #tpu.memory_space<vmem>>[vector<16xi32>], vector<16xf32>,
      %parallel_loop3A_611 = arith.addf %parallel_loop3A_571, %parallel_loop3A_610 : vector<16xf32>
      %parallel_loop3A_612 = arith.addf %parallel_loop3A_601, %parallel_loop3A_611 : vector<16xf32>
      %parallel_loop3A_613 = arith.addf %parallel_loop3A_612, %parallel_loop3A_581 : vector<16xf32>
      %parallel_loop3A_614 = arith.addf %parallel_loop3A_613, %parallel_loop3A_591 : vector<16xf32>
      %parallel_loop3A_615 = arith.constant true
      %parallel_loop3A_616 = vector.broadcast %parallel_loop3A_615 : i1 to vector<16xi1>
      %parallel_loop3A_617 = tpu.scan <sum>, %parallel_loop3A_614 masked %parallel_loop3A_616 : vector<16xf32>, vector<16xi1> -> vector<16xf32>
      tpu.vector_store_idx %arg11[%parallel_loop3A_499], %parallel_loop3A_617 masked %parallel_loop3A_511 {add = true} : memref<4096xf32, #tpu.memory_space<vmem>>[vector<16xi32>], vector<16xf32>, vector<16xi1>
    } {sc.loop_unroll_factor = 1 : i64, sc.parallel_access}
    %scan3A_189 = arith.constant 0 : i32
    %scan3A_190 = arith.constant 8 : i32
    %scan3A_191 = arith.addi %scan3A_189, %scan3A_190 : i32
    %scan3A_192 = arith.constant 1 : i32
    scf.for %scan3A_489 = %scan3A_189 to %scan3A_191 step %scan3A_192  : i32 {
      %mul3A_490 = arith.constant 16 : i32
      %mul3A_491 = arith.muli %scan3A_489, %mul3A_490 : i32
      %add3A_492 = vector.broadcast %mul3A_491 : i32 to vector<16xi32>
      %add3A_493 = arith.addi %add3A_492, %iota3A : vector<16xi32>
      %min3A_494 = arith.constant 124 : i32
      %min3A_495 = vector.broadcast %min3A_494 : i32 to vector<16xi32>
      %min3A_496 = arith.minsi %add3A_493, %min3A_495 : vector<16xi32>
      %add3A_497 = vector.broadcast %mul3A_491 : i32 to vector<16xi32>
      %add3A_498 = arith.addi %add3A_497, %iota3A : vector<16xi32>
      %lt3A = arith.constant 125 : i32
      %lt3A_499 = vector.broadcast %lt3A : i32 to vector<16xi32>
      %lt3A_500 = arith.cmpi slt, %add3A_498, %lt3A_499 : vector<16xi32>
      %mul3A_501 = arith.constant 160 : i32
      %mul3A_502 = vector.broadcast %mul3A_501 : i32 to vector<16xi32>
      %mul3A_503 = arith.muli %min3A_496, %mul3A_502 : vector<16xi32>
      %gather3A = tpu.vector_load_idx %arg10[%mul3A_503] : memref<20000xi32, #tpu.memory_space<vmem>>[vector<16xi32>], vector<16xi32>,
      %add3A_504 = arith.constant 159 : i32
      %add3A_505 = vector.broadcast %add3A_504 : i32 to vector<16xi32>
      %add3A_506 = arith.addi %mul3A_503, %add3A_505 : vector<16xi32>
      %gather3A_507 = tpu.vector_load_idx %arg10[%add3A_506] : memref<20000xi32, #tpu.memory_space<vmem>>[vector<16xi32>], vector<16xi32>,
      %ne3A = arith.cmpi ne, %gather3A, %gather3A_507 : vector<16xi32>
      %and3A = arith.andi %ne3A, %lt3A_500 : vector<16xi1>
      %while3A = scf.while (%while3A_508 = %and3A) : (vector<16xi1>) -> vector<16xi1> {
        %reduce_or3A = arith.constant 1.000000e+00 : f32
        %reduce_or3A_509 = arith.constant 0.000000e+00 : f32
        %reduce_or3A_510 = vector.broadcast %reduce_or3A : f32 to vector<16xf32>
        %reduce_or3A_511 = vector.broadcast %reduce_or3A_509 : f32 to vector<16xf32>
        %reduce_or3A_512 = arith.select %while3A_508, %reduce_or3A_510, %reduce_or3A_511 : vector<16xi1>, vector<16xf32>
        %reduce_or3A_513 = arith.constant true
        %reduce_or3A_514 = vector.broadcast %reduce_or3A_513 : i1 to vector<16xi1>
        %reduce_or3A_515 = tpu.scan <max>, %reduce_or3A_512 masked %reduce_or3A_514 : vector<16xf32>, vector<16xi1> -> vector<16xf32>
        %reduce_or3A_516 = vector.extract %reduce_or3A_515[15] : f32 from vector<16xf32>
        %reduce_or3A_517 = arith.constant 0.000000e+00 : f32
        %reduce_or3A_518 = arith.cmpf ogt, %reduce_or3A_516, %reduce_or3A_517 : f32
        scf.condition(%reduce_or3A_518) %while3A_508 : vector<16xi1>
      } do {
      ^bb0(%while3A_508: vector<16xi1>):
        %all_reduce_ffs3A = tpu.all_reduce %while3A_508 {dim = 0 : i64, kind = #tpu.reduction_kind<find_first_set>} : vector<16xi1> -> vector<16xi32>
        %slice3A = vector.extract_strided_slice %all_reduce_ffs3A {offsets = [0], sizes = [1], strides = [1]} : vector<16xi32> to vector<1xi32>
        %squeeze3A = vector.extract %slice3A[0] : i32 from vector<1xi32>
        %add3A_509 = arith.addi %mul3A_491, %squeeze3A : i32
        %parallel_loop3A_510 = arith.constant 0 : i32
        %parallel_loop3A_511 = arith.constant 10 : i32
        %parallel_loop3A_512 = arith.constant 1 : i32
        scf.for %parallel_loop3A_516 = %parallel_loop3A_510 to %parallel_loop3A_511 step %parallel_loop3A_512  : i32 {
          %parallel_loop3A_517 = arith.constant 160 : i32
          %parallel_loop3A_518 = arith.muli %add3A_509, %parallel_loop3A_517 : i32
          %parallel_loop3A_519 = arith.constant 16 : i32
          %parallel_loop3A_520 = arith.muli %parallel_loop3A_516, %parallel_loop3A_519 : i32
          %parallel_loop3A_521 = arith.addi %parallel_loop3A_518, %parallel_loop3A_520 : i32
          %parallel_loop3A_522 = arith.index_cast %parallel_loop3A_521 : i32 to index
          %parallel_loop3A_523 = tpu.vector_load %arg9[%parallel_loop3A_522] {strides = array<i32>} : memref<20000xi32, #tpu.memory_space<vmem>>, vector<16xi32>,
          %parallel_loop3A_524 = arith.index_cast %parallel_loop3A_521 : i32 to index
          %parallel_loop3A_525 = tpu.vector_load %arg10[%parallel_loop3A_524] {strides = array<i32>} : memref<20000xi32, #tpu.memory_space<vmem>>, vector<16xi32>,
          %parallel_loop3A_526 = arith.constant 4 : i32
          %parallel_loop3A_527 = vector.broadcast %parallel_loop3A_526 : i32 to vector<16xi32>
          %parallel_loop3A_528 = arith.shli %parallel_loop3A_523, %parallel_loop3A_527 : vector<16xi32>
          %parallel_loop3A_529 = arith.addi %parallel_loop3A_528, %iota3A : vector<16xi32>
          %parallel_loop3A_530 = tpu.vector_load_idx %arg6[%parallel_loop3A_529] : memref<2048xf32, #tpu.memory_space<vmem>>[vector<16xi32>], vector<16xf32>,
          %parallel_loop3A_531 = arith.constant true
          %parallel_loop3A_532 = vector.broadcast %parallel_loop3A_531 : i1 to vector<16xi1>
          %parallel_loop3A_533 = tpu.scan <sum>, %parallel_loop3A_530 masked %parallel_loop3A_532 : vector<16xf32>, vector<16xi1> -> vector<16xf32>
          %parallel_loop3A_534 = arith.constant 0 : i32
          %parallel_loop3A_535 = vector.broadcast %parallel_loop3A_534 : i32 to vector<16xi32>
          %parallel_loop3A_536 = arith.cmpi slt, %min3A_25, %parallel_loop3A_535 : vector<16xi32>
          %parallel_loop3A_537 = arith.constant 16 : i32
          %parallel_loop3A_538 = vector.broadcast %parallel_loop3A_537 : i32 to vector<16xi32>
          %parallel_loop3A_539 = arith.addi %min3A_25, %parallel_loop3A_538 : vector<16xi32>
          %parallel_loop3A_540 = arith.select %parallel_loop3A_536, %parallel_loop3A_539, %min3A_25 : vector<16xi1>, vector<16xi32>
          %parallel_loop3A_541 = vector.shape_cast %parallel_loop3A_540 : vector<16xi32> to vector<16x1xi32>
          %parallel_loop3A_542 = vector.shape_cast %parallel_loop3A_541 : vector<16x1xi32> to vector<16xi32>
          %parallel_loop3A_543 = tpu.dynamic_gather %parallel_loop3A_525[%parallel_loop3A_542] in [0] : vector<16xi32>, vector<16xi32> -> vector<16xi32>
          %parallel_loop3A_544 = arith.cmpi ne, %parallel_loop3A_525, %parallel_loop3A_543 : vector<16xi32>
          %parallel_loop3A_545 = arith.ori %parallel_loop3A_544, %eq3A_27 : vector<16xi1>
          tpu.vector_store_idx %arg11[%parallel_loop3A_525], %parallel_loop3A_533 masked %parallel_loop3A_545 {add = true} : memref<4096xf32, #tpu.memory_space<vmem>>[vector<16xi32>], vector<16xf32>, vector<16xi1>
          %parallel_loop3A_546 = arith.constant 0.000000e+00 : f32
          %parallel_loop3A_547 = vector.broadcast %parallel_loop3A_546 : f32 to vector<16xf32>
          %parallel_loop3A_548 = arith.subf %parallel_loop3A_547, %parallel_loop3A_533 : vector<16xf32>
          tpu.vector_store_idx %arg11[%parallel_loop3A_543], %parallel_loop3A_548 masked %parallel_loop3A_544 {add = true} : memref<4096xf32, #tpu.memory_space<vmem>>[vector<16xi32>], vector<16xf32>, vector<16xi1>
        } {sc.loop_unroll_factor = 1 : i64, sc.parallel_access}
        %ne3A_513 = vector.broadcast %squeeze3A : i32 to vector<16xi32>
        %ne3A_514 = arith.cmpi ne, %iota3A, %ne3A_513 : vector<16xi32>
        %and3A_515 = arith.andi %while3A_508, %ne3A_514 : vector<16xi1>
        scf.yield %and3A_515 : vector<16xi1>
      }
    }
    %scan3A_193 = arith.constant 8 : i32
    "tpu.region"() ({
      %run_scoped3A = tpu.sem_alloc : memref<!tpu.dma_semaphore, #tpu.memory_space<semaphore_mem>>
      %dma_start3A_489 = arith.constant 0 : i32
      %dma_start3A_490 = tpu.memref_slice %arg14[%arg1, %dma_start3A_489] : memref<16x4096xf32, #tpu.memory_space<vmem_shared>> -> memref<1x4096xf32, #tpu.memory_space<vmem_shared>>
      %dma_start3A_491 = tpu.memref_squeeze %dma_start3A_490 : memref<1x4096xf32, #tpu.memory_space<vmem_shared>> -> memref<4096xf32, #tpu.memory_space<vmem_shared>>
      %dma_start3A_492 = arith.constant 0 : i32
      %dma_start3A_493 = tpu.memref_slice %arg14[%arg1, %dma_start3A_492] : memref<16x4096xf32, #tpu.memory_space<vmem_shared>> -> memref<1x4096xf32, #tpu.memory_space<vmem_shared>>
      %dma_start3A_494 = tpu.memref_squeeze %dma_start3A_493 : memref<1x4096xf32, #tpu.memory_space<vmem_shared>> -> memref<4096xf32, #tpu.memory_space<vmem_shared>>
      tpu.enqueue_dma source(%arg11 : memref<4096xf32, #tpu.memory_space<vmem>>) target(%dma_start3A_494 : memref<4096xf32, #tpu.memory_space<vmem_shared>>) target_semaphore(%run_scoped3A : memref<!tpu.dma_semaphore, #tpu.memory_space<semaphore_mem>>)
      %dma_wait3A_495 = arith.constant 0 : i32
      %dma_wait3A_496 = tpu.memref_slice %arg14[%arg1, %dma_wait3A_495] : memref<16x4096xf32, #tpu.memory_space<vmem_shared>> -> memref<1x4096xf32, #tpu.memory_space<vmem_shared>>
      %dma_wait3A_497 = tpu.memref_squeeze %dma_wait3A_496 : memref<1x4096xf32, #tpu.memory_space<vmem_shared>> -> memref<4096xf32, #tpu.memory_space<vmem_shared>>
      %dma_wait3A_498 = arith.constant 0 : i32
      %dma_wait3A_499 = tpu.memref_slice %arg14[%arg1, %dma_wait3A_498] : memref<16x4096xf32, #tpu.memory_space<vmem_shared>> -> memref<1x4096xf32, #tpu.memory_space<vmem_shared>>
      %dma_wait3A_500 = tpu.memref_squeeze %dma_wait3A_499 : memref<1x4096xf32, #tpu.memory_space<vmem_shared>> -> memref<4096xf32, #tpu.memory_space<vmem_shared>>
      tpu.wait_dma2 semaphore(%run_scoped3A : memref<!tpu.dma_semaphore, #tpu.memory_space<semaphore_mem>>) src(%arg11 : memref<4096xf32, #tpu.memory_space<vmem>>) dst(%dma_wait3A_500 : memref<4096xf32, #tpu.memory_space<vmem_shared>>)
      tpu.yield
    }) : () -> ()
    %barrier3A = arith.constant 0 : index
    tpu.barrier barrier_id(%barrier3A)
    %mul3A_194 = arith.constant 256 : i32
    %mul3A_195 = arith.muli %arg1, %mul3A_194 : i32
    %dma_start3A_196 = arith.constant 0 : i32
    %dma_start3A_197 = arith.constant 0 : i32
    %dma_start3A_198 = tpu.memref_slice %arg12[%dma_start3A_197] : memref<4096xf32, #tpu.memory_space<vmem>> -> memref<256xf32, #tpu.memory_space<vmem>>
    %dma_start3A_199 = tpu.memref_slice %arg14[%dma_start3A_196, %mul3A_195] : memref<16x4096xf32, #tpu.memory_space<vmem_shared>> -> memref<1x256xf32, #tpu.memory_space<vmem_shared>>
    %dma_start3A_200 = tpu.memref_squeeze %dma_start3A_199 : memref<1x256xf32, #tpu.memory_space<vmem_shared>> -> memref<256xf32, #tpu.memory_space<vmem_shared>>
    %dma_start3A_201 = arith.constant 0 : i32
    %dma_start3A_202 = tpu.memref_slice %arg12[%dma_start3A_201] : memref<4096xf32, #tpu.memory_space<vmem>> -> memref<256xf32, #tpu.memory_space<vmem>>
    %dma_start3A_203 = tpu.memref_slice %arg14[%dma_start3A_196, %mul3A_195] : memref<16x4096xf32, #tpu.memory_space<vmem_shared>> -> memref<1x256xf32, #tpu.memory_space<vmem_shared>>
    %dma_start3A_204 = tpu.memref_squeeze %dma_start3A_203 : memref<1x256xf32, #tpu.memory_space<vmem_shared>> -> memref<256xf32, #tpu.memory_space<vmem_shared>>
    tpu.enqueue_dma source(%dma_start3A_204 : memref<256xf32, #tpu.memory_space<vmem_shared>>) target(%dma_start3A_202 : memref<256xf32, #tpu.memory_space<vmem>>) target_semaphore(%arg15 : memref<!tpu.dma_semaphore, #tpu.memory_space<semaphore_mem>>)
    %dma_start3A_205 = arith.constant 1 : i32
    %dma_start3A_206 = arith.constant 256 : i32
    %dma_start3A_207 = tpu.memref_slice %arg12[%dma_start3A_206] : memref<4096xf32, #tpu.memory_space<vmem>> -> memref<256xf32, #tpu.memory_space<vmem>>
    %dma_start3A_208 = tpu.memref_slice %arg14[%dma_start3A_205, %mul3A_195] : memref<16x4096xf32, #tpu.memory_space<vmem_shared>> -> memref<1x256xf32, #tpu.memory_space<vmem_shared>>
    %dma_start3A_209 = tpu.memref_squeeze %dma_start3A_208 : memref<1x256xf32, #tpu.memory_space<vmem_shared>> -> memref<256xf32, #tpu.memory_space<vmem_shared>>
    %dma_start3A_210 = arith.constant 256 : i32
    %dma_start3A_211 = tpu.memref_slice %arg12[%dma_start3A_210] : memref<4096xf32, #tpu.memory_space<vmem>> -> memref<256xf32, #tpu.memory_space<vmem>>
    %dma_start3A_212 = tpu.memref_slice %arg14[%dma_start3A_205, %mul3A_195] : memref<16x4096xf32, #tpu.memory_space<vmem_shared>> -> memref<1x256xf32, #tpu.memory_space<vmem_shared>>
    %dma_start3A_213 = tpu.memref_squeeze %dma_start3A_212 : memref<1x256xf32, #tpu.memory_space<vmem_shared>> -> memref<256xf32, #tpu.memory_space<vmem_shared>>
    tpu.enqueue_dma source(%dma_start3A_213 : memref<256xf32, #tpu.memory_space<vmem_shared>>) target(%dma_start3A_211 : memref<256xf32, #tpu.memory_space<vmem>>) target_semaphore(%arg15 : memref<!tpu.dma_semaphore, #tpu.memory_space<semaphore_mem>>)
    %dma_start3A_214 = arith.constant 2 : i32
    %dma_start3A_215 = arith.constant 512 : i32
    %dma_start3A_216 = tpu.memref_slice %arg12[%dma_start3A_215] : memref<4096xf32, #tpu.memory_space<vmem>> -> memref<256xf32, #tpu.memory_space<vmem>>
    %dma_start3A_217 = tpu.memref_slice %arg14[%dma_start3A_214, %mul3A_195] : memref<16x4096xf32, #tpu.memory_space<vmem_shared>> -> memref<1x256xf32, #tpu.memory_space<vmem_shared>>
    %dma_start3A_218 = tpu.memref_squeeze %dma_start3A_217 : memref<1x256xf32, #tpu.memory_space<vmem_shared>> -> memref<256xf32, #tpu.memory_space<vmem_shared>>
    %dma_start3A_219 = arith.constant 512 : i32
    %dma_start3A_220 = tpu.memref_slice %arg12[%dma_start3A_219] : memref<4096xf32, #tpu.memory_space<vmem>> -> memref<256xf32, #tpu.memory_space<vmem>>
    %dma_start3A_221 = tpu.memref_slice %arg14[%dma_start3A_214, %mul3A_195] : memref<16x4096xf32, #tpu.memory_space<vmem_shared>> -> memref<1x256xf32, #tpu.memory_space<vmem_shared>>
    %dma_start3A_222 = tpu.memref_squeeze %dma_start3A_221 : memref<1x256xf32, #tpu.memory_space<vmem_shared>> -> memref<256xf32, #tpu.memory_space<vmem_shared>>
    tpu.enqueue_dma source(%dma_start3A_222 : memref<256xf32, #tpu.memory_space<vmem_shared>>) target(%dma_start3A_220 : memref<256xf32, #tpu.memory_space<vmem>>) target_semaphore(%arg15 : memref<!tpu.dma_semaphore, #tpu.memory_space<semaphore_mem>>)
    %dma_start3A_223 = arith.constant 3 : i32
    %dma_start3A_224 = arith.constant 768 : i32
    %dma_start3A_225 = tpu.memref_slice %arg12[%dma_start3A_224] : memref<4096xf32, #tpu.memory_space<vmem>> -> memref<256xf32, #tpu.memory_space<vmem>>
    %dma_start3A_226 = tpu.memref_slice %arg14[%dma_start3A_223, %mul3A_195] : memref<16x4096xf32, #tpu.memory_space<vmem_shared>> -> memref<1x256xf32, #tpu.memory_space<vmem_shared>>
    %dma_start3A_227 = tpu.memref_squeeze %dma_start3A_226 : memref<1x256xf32, #tpu.memory_space<vmem_shared>> -> memref<256xf32, #tpu.memory_space<vmem_shared>>
    %dma_start3A_228 = arith.constant 768 : i32
    %dma_start3A_229 = tpu.memref_slice %arg12[%dma_start3A_228] : memref<4096xf32, #tpu.memory_space<vmem>> -> memref<256xf32, #tpu.memory_space<vmem>>
    %dma_start3A_230 = tpu.memref_slice %arg14[%dma_start3A_223, %mul3A_195] : memref<16x4096xf32, #tpu.memory_space<vmem_shared>> -> memref<1x256xf32, #tpu.memory_space<vmem_shared>>
    %dma_start3A_231 = tpu.memref_squeeze %dma_start3A_230 : memref<1x256xf32, #tpu.memory_space<vmem_shared>> -> memref<256xf32, #tpu.memory_space<vmem_shared>>
    tpu.enqueue_dma source(%dma_start3A_231 : memref<256xf32, #tpu.memory_space<vmem_shared>>) target(%dma_start3A_229 : memref<256xf32, #tpu.memory_space<vmem>>) target_semaphore(%arg15 : memref<!tpu.dma_semaphore, #tpu.memory_space<semaphore_mem>>)
    %dma_start3A_232 = arith.constant 4 : i32
    %dma_start3A_233 = arith.constant 1024 : i32
    %dma_start3A_234 = tpu.memref_slice %arg12[%dma_start3A_233] : memref<4096xf32, #tpu.memory_space<vmem>> -> memref<256xf32, #tpu.memory_space<vmem>>
    %dma_start3A_235 = tpu.memref_slice %arg14[%dma_start3A_232, %mul3A_195] : memref<16x4096xf32, #tpu.memory_space<vmem_shared>> -> memref<1x256xf32, #tpu.memory_space<vmem_shared>>
    %dma_start3A_236 = tpu.memref_squeeze %dma_start3A_235 : memref<1x256xf32, #tpu.memory_space<vmem_shared>> -> memref<256xf32, #tpu.memory_space<vmem_shared>>
    %dma_start3A_237 = arith.constant 1024 : i32
    %dma_start3A_238 = tpu.memref_slice %arg12[%dma_start3A_237] : memref<4096xf32, #tpu.memory_space<vmem>> -> memref<256xf32, #tpu.memory_space<vmem>>
    %dma_start3A_239 = tpu.memref_slice %arg14[%dma_start3A_232, %mul3A_195] : memref<16x4096xf32, #tpu.memory_space<vmem_shared>> -> memref<1x256xf32, #tpu.memory_space<vmem_shared>>
    %dma_start3A_240 = tpu.memref_squeeze %dma_start3A_239 : memref<1x256xf32, #tpu.memory_space<vmem_shared>> -> memref<256xf32, #tpu.memory_space<vmem_shared>>
    tpu.enqueue_dma source(%dma_start3A_240 : memref<256xf32, #tpu.memory_space<vmem_shared>>) target(%dma_start3A_238 : memref<256xf32, #tpu.memory_space<vmem>>) target_semaphore(%arg15 : memref<!tpu.dma_semaphore, #tpu.memory_space<semaphore_mem>>)
    %dma_start3A_241 = arith.constant 5 : i32
    %dma_start3A_242 = arith.constant 1280 : i32
    %dma_start3A_243 = tpu.memref_slice %arg12[%dma_start3A_242] : memref<4096xf32, #tpu.memory_space<vmem>> -> memref<256xf32, #tpu.memory_space<vmem>>
    %dma_start3A_244 = tpu.memref_slice %arg14[%dma_start3A_241, %mul3A_195] : memref<16x4096xf32, #tpu.memory_space<vmem_shared>> -> memref<1x256xf32, #tpu.memory_space<vmem_shared>>
    %dma_start3A_245 = tpu.memref_squeeze %dma_start3A_244 : memref<1x256xf32, #tpu.memory_space<vmem_shared>> -> memref<256xf32, #tpu.memory_space<vmem_shared>>
    %dma_start3A_246 = arith.constant 1280 : i32
    %dma_start3A_247 = tpu.memref_slice %arg12[%dma_start3A_246] : memref<4096xf32, #tpu.memory_space<vmem>> -> memref<256xf32, #tpu.memory_space<vmem>>
    %dma_start3A_248 = tpu.memref_slice %arg14[%dma_start3A_241, %mul3A_195] : memref<16x4096xf32, #tpu.memory_space<vmem_shared>> -> memref<1x256xf32, #tpu.memory_space<vmem_shared>>
    %dma_start3A_249 = tpu.memref_squeeze %dma_start3A_248 : memref<1x256xf32, #tpu.memory_space<vmem_shared>> -> memref<256xf32, #tpu.memory_space<vmem_shared>>
    tpu.enqueue_dma source(%dma_start3A_249 : memref<256xf32, #tpu.memory_space<vmem_shared>>) target(%dma_start3A_247 : memref<256xf32, #tpu.memory_space<vmem>>) target_semaphore(%arg15 : memref<!tpu.dma_semaphore, #tpu.memory_space<semaphore_mem>>)
    %dma_start3A_250 = arith.constant 6 : i32
    %dma_start3A_251 = arith.constant 1536 : i32
    %dma_start3A_252 = tpu.memref_slice %arg12[%dma_start3A_251] : memref<4096xf32, #tpu.memory_space<vmem>> -> memref<256xf32, #tpu.memory_space<vmem>>
    %dma_start3A_253 = tpu.memref_slice %arg14[%dma_start3A_250, %mul3A_195] : memref<16x4096xf32, #tpu.memory_space<vmem_shared>> -> memref<1x256xf32, #tpu.memory_space<vmem_shared>>
    %dma_start3A_254 = tpu.memref_squeeze %dma_start3A_253 : memref<1x256xf32, #tpu.memory_space<vmem_shared>> -> memref<256xf32, #tpu.memory_space<vmem_shared>>
    %dma_start3A_255 = arith.constant 1536 : i32
    %dma_start3A_256 = tpu.memref_slice %arg12[%dma_start3A_255] : memref<4096xf32, #tpu.memory_space<vmem>> -> memref<256xf32, #tpu.memory_space<vmem>>
    %dma_start3A_257 = tpu.memref_slice %arg14[%dma_start3A_250, %mul3A_195] : memref<16x4096xf32, #tpu.memory_space<vmem_shared>> -> memref<1x256xf32, #tpu.memory_space<vmem_shared>>
    %dma_start3A_258 = tpu.memref_squeeze %dma_start3A_257 : memref<1x256xf32, #tpu.memory_space<vmem_shared>> -> memref<256xf32, #tpu.memory_space<vmem_shared>>
    tpu.enqueue_dma source(%dma_start3A_258 : memref<256xf32, #tpu.memory_space<vmem_shared>>) target(%dma_start3A_256 : memref<256xf32, #tpu.memory_space<vmem>>) target_semaphore(%arg15 : memref<!tpu.dma_semaphore, #tpu.memory_space<semaphore_mem>>)
    %dma_start3A_259 = arith.constant 7 : i32
    %dma_start3A_260 = arith.constant 1792 : i32
    %dma_start3A_261 = tpu.memref_slice %arg12[%dma_start3A_260] : memref<4096xf32, #tpu.memory_space<vmem>> -> memref<256xf32, #tpu.memory_space<vmem>>
    %dma_start3A_262 = tpu.memref_slice %arg14[%dma_start3A_259, %mul3A_195] : memref<16x4096xf32, #tpu.memory_space<vmem_shared>> -> memref<1x256xf32, #tpu.memory_space<vmem_shared>>
    %dma_start3A_263 = tpu.memref_squeeze %dma_start3A_262 : memref<1x256xf32, #tpu.memory_space<vmem_shared>> -> memref<256xf32, #tpu.memory_space<vmem_shared>>
    %dma_start3A_264 = arith.constant 1792 : i32
    %dma_start3A_265 = tpu.memref_slice %arg12[%dma_start3A_264] : memref<4096xf32, #tpu.memory_space<vmem>> -> memref<256xf32, #tpu.memory_space<vmem>>
    %dma_start3A_266 = tpu.memref_slice %arg14[%dma_start3A_259, %mul3A_195] : memref<16x4096xf32, #tpu.memory_space<vmem_shared>> -> memref<1x256xf32, #tpu.memory_space<vmem_shared>>
    %dma_start3A_267 = tpu.memref_squeeze %dma_start3A_266 : memref<1x256xf32, #tpu.memory_space<vmem_shared>> -> memref<256xf32, #tpu.memory_space<vmem_shared>>
    tpu.enqueue_dma source(%dma_start3A_267 : memref<256xf32, #tpu.memory_space<vmem_shared>>) target(%dma_start3A_265 : memref<256xf32, #tpu.memory_space<vmem>>) target_semaphore(%arg15 : memref<!tpu.dma_semaphore, #tpu.memory_space<semaphore_mem>>)
    %dma_start3A_268 = arith.constant 8 : i32
    %dma_start3A_269 = arith.constant 2048 : i32
    %dma_start3A_270 = tpu.memref_slice %arg12[%dma_start3A_269] : memref<4096xf32, #tpu.memory_space<vmem>> -> memref<256xf32, #tpu.memory_space<vmem>>
    %dma_start3A_271 = tpu.memref_slice %arg14[%dma_start3A_268, %mul3A_195] : memref<16x4096xf32, #tpu.memory_space<vmem_shared>> -> memref<1x256xf32, #tpu.memory_space<vmem_shared>>
    %dma_start3A_272 = tpu.memref_squeeze %dma_start3A_271 : memref<1x256xf32, #tpu.memory_space<vmem_shared>> -> memref<256xf32, #tpu.memory_space<vmem_shared>>
    %dma_start3A_273 = arith.constant 2048 : i32
    %dma_start3A_274 = tpu.memref_slice %arg12[%dma_start3A_273] : memref<4096xf32, #tpu.memory_space<vmem>> -> memref<256xf32, #tpu.memory_space<vmem>>
    %dma_start3A_275 = tpu.memref_slice %arg14[%dma_start3A_268, %mul3A_195] : memref<16x4096xf32, #tpu.memory_space<vmem_shared>> -> memref<1x256xf32, #tpu.memory_space<vmem_shared>>
    %dma_start3A_276 = tpu.memref_squeeze %dma_start3A_275 : memref<1x256xf32, #tpu.memory_space<vmem_shared>> -> memref<256xf32, #tpu.memory_space<vmem_shared>>
    tpu.enqueue_dma source(%dma_start3A_276 : memref<256xf32, #tpu.memory_space<vmem_shared>>) target(%dma_start3A_274 : memref<256xf32, #tpu.memory_space<vmem>>) target_semaphore(%arg15 : memref<!tpu.dma_semaphore, #tpu.memory_space<semaphore_mem>>)
    %dma_start3A_277 = arith.constant 9 : i32
    %dma_start3A_278 = arith.constant 2304 : i32
    %dma_start3A_279 = tpu.memref_slice %arg12[%dma_start3A_278] : memref<4096xf32, #tpu.memory_space<vmem>> -> memref<256xf32, #tpu.memory_space<vmem>>
    %dma_start3A_280 = tpu.memref_slice %arg14[%dma_start3A_277, %mul3A_195] : memref<16x4096xf32, #tpu.memory_space<vmem_shared>> -> memref<1x256xf32, #tpu.memory_space<vmem_shared>>
    %dma_start3A_281 = tpu.memref_squeeze %dma_start3A_280 : memref<1x256xf32, #tpu.memory_space<vmem_shared>> -> memref<256xf32, #tpu.memory_space<vmem_shared>>
    %dma_start3A_282 = arith.constant 2304 : i32
    %dma_start3A_283 = tpu.memref_slice %arg12[%dma_start3A_282] : memref<4096xf32, #tpu.memory_space<vmem>> -> memref<256xf32, #tpu.memory_space<vmem>>
    %dma_start3A_284 = tpu.memref_slice %arg14[%dma_start3A_277, %mul3A_195] : memref<16x4096xf32, #tpu.memory_space<vmem_shared>> -> memref<1x256xf32, #tpu.memory_space<vmem_shared>>
    %dma_start3A_285 = tpu.memref_squeeze %dma_start3A_284 : memref<1x256xf32, #tpu.memory_space<vmem_shared>> -> memref<256xf32, #tpu.memory_space<vmem_shared>>
    tpu.enqueue_dma source(%dma_start3A_285 : memref<256xf32, #tpu.memory_space<vmem_shared>>) target(%dma_start3A_283 : memref<256xf32, #tpu.memory_space<vmem>>) target_semaphore(%arg15 : memref<!tpu.dma_semaphore, #tpu.memory_space<semaphore_mem>>)
    %dma_start3A_286 = arith.constant 10 : i32
    %dma_start3A_287 = arith.constant 2560 : i32
    %dma_start3A_288 = tpu.memref_slice %arg12[%dma_start3A_287] : memref<4096xf32, #tpu.memory_space<vmem>> -> memref<256xf32, #tpu.memory_space<vmem>>
    %dma_start3A_289 = tpu.memref_slice %arg14[%dma_start3A_286, %mul3A_195] : memref<16x4096xf32, #tpu.memory_space<vmem_shared>> -> memref<1x256xf32, #tpu.memory_space<vmem_shared>>
    %dma_start3A_290 = tpu.memref_squeeze %dma_start3A_289 : memref<1x256xf32, #tpu.memory_space<vmem_shared>> -> memref<256xf32, #tpu.memory_space<vmem_shared>>
    %dma_start3A_291 = arith.constant 2560 : i32
    %dma_start3A_292 = tpu.memref_slice %arg12[%dma_start3A_291] : memref<4096xf32, #tpu.memory_space<vmem>> -> memref<256xf32, #tpu.memory_space<vmem>>
    %dma_start3A_293 = tpu.memref_slice %arg14[%dma_start3A_286, %mul3A_195] : memref<16x4096xf32, #tpu.memory_space<vmem_shared>> -> memref<1x256xf32, #tpu.memory_space<vmem_shared>>
    %dma_start3A_294 = tpu.memref_squeeze %dma_start3A_293 : memref<1x256xf32, #tpu.memory_space<vmem_shared>> -> memref<256xf32, #tpu.memory_space<vmem_shared>>
    tpu.enqueue_dma source(%dma_start3A_294 : memref<256xf32, #tpu.memory_space<vmem_shared>>) target(%dma_start3A_292 : memref<256xf32, #tpu.memory_space<vmem>>) target_semaphore(%arg15 : memref<!tpu.dma_semaphore, #tpu.memory_space<semaphore_mem>>)
    %dma_start3A_295 = arith.constant 11 : i32
    %dma_start3A_296 = arith.constant 2816 : i32
    %dma_start3A_297 = tpu.memref_slice %arg12[%dma_start3A_296] : memref<4096xf32, #tpu.memory_space<vmem>> -> memref<256xf32, #tpu.memory_space<vmem>>
    %dma_start3A_298 = tpu.memref_slice %arg14[%dma_start3A_295, %mul3A_195] : memref<16x4096xf32, #tpu.memory_space<vmem_shared>> -> memref<1x256xf32, #tpu.memory_space<vmem_shared>>
    %dma_start3A_299 = tpu.memref_squeeze %dma_start3A_298 : memref<1x256xf32, #tpu.memory_space<vmem_shared>> -> memref<256xf32, #tpu.memory_space<vmem_shared>>
    %dma_start3A_300 = arith.constant 2816 : i32
    %dma_start3A_301 = tpu.memref_slice %arg12[%dma_start3A_300] : memref<4096xf32, #tpu.memory_space<vmem>> -> memref<256xf32, #tpu.memory_space<vmem>>
    %dma_start3A_302 = tpu.memref_slice %arg14[%dma_start3A_295, %mul3A_195] : memref<16x4096xf32, #tpu.memory_space<vmem_shared>> -> memref<1x256xf32, #tpu.memory_space<vmem_shared>>
    %dma_start3A_303 = tpu.memref_squeeze %dma_start3A_302 : memref<1x256xf32, #tpu.memory_space<vmem_shared>> -> memref<256xf32, #tpu.memory_space<vmem_shared>>
    tpu.enqueue_dma source(%dma_start3A_303 : memref<256xf32, #tpu.memory_space<vmem_shared>>) target(%dma_start3A_301 : memref<256xf32, #tpu.memory_space<vmem>>) target_semaphore(%arg15 : memref<!tpu.dma_semaphore, #tpu.memory_space<semaphore_mem>>)
    %dma_start3A_304 = arith.constant 12 : i32
    %dma_start3A_305 = arith.constant 3072 : i32
    %dma_start3A_306 = tpu.memref_slice %arg12[%dma_start3A_305] : memref<4096xf32, #tpu.memory_space<vmem>> -> memref<256xf32, #tpu.memory_space<vmem>>
    %dma_start3A_307 = tpu.memref_slice %arg14[%dma_start3A_304, %mul3A_195] : memref<16x4096xf32, #tpu.memory_space<vmem_shared>> -> memref<1x256xf32, #tpu.memory_space<vmem_shared>>
    %dma_start3A_308 = tpu.memref_squeeze %dma_start3A_307 : memref<1x256xf32, #tpu.memory_space<vmem_shared>> -> memref<256xf32, #tpu.memory_space<vmem_shared>>
    %dma_start3A_309 = arith.constant 3072 : i32
    %dma_start3A_310 = tpu.memref_slice %arg12[%dma_start3A_309] : memref<4096xf32, #tpu.memory_space<vmem>> -> memref<256xf32, #tpu.memory_space<vmem>>
    %dma_start3A_311 = tpu.memref_slice %arg14[%dma_start3A_304, %mul3A_195] : memref<16x4096xf32, #tpu.memory_space<vmem_shared>> -> memref<1x256xf32, #tpu.memory_space<vmem_shared>>
    %dma_start3A_312 = tpu.memref_squeeze %dma_start3A_311 : memref<1x256xf32, #tpu.memory_space<vmem_shared>> -> memref<256xf32, #tpu.memory_space<vmem_shared>>
    tpu.enqueue_dma source(%dma_start3A_312 : memref<256xf32, #tpu.memory_space<vmem_shared>>) target(%dma_start3A_310 : memref<256xf32, #tpu.memory_space<vmem>>) target_semaphore(%arg15 : memref<!tpu.dma_semaphore, #tpu.memory_space<semaphore_mem>>)
    %dma_start3A_313 = arith.constant 13 : i32
    %dma_start3A_314 = arith.constant 3328 : i32
    %dma_start3A_315 = tpu.memref_slice %arg12[%dma_start3A_314] : memref<4096xf32, #tpu.memory_space<vmem>> -> memref<256xf32, #tpu.memory_space<vmem>>
    %dma_start3A_316 = tpu.memref_slice %arg14[%dma_start3A_313, %mul3A_195] : memref<16x4096xf32, #tpu.memory_space<vmem_shared>> -> memref<1x256xf32, #tpu.memory_space<vmem_shared>>
    %dma_start3A_317 = tpu.memref_squeeze %dma_start3A_316 : memref<1x256xf32, #tpu.memory_space<vmem_shared>> -> memref<256xf32, #tpu.memory_space<vmem_shared>>
    %dma_start3A_318 = arith.constant 3328 : i32
    %dma_start3A_319 = tpu.memref_slice %arg12[%dma_start3A_318] : memref<4096xf32, #tpu.memory_space<vmem>> -> memref<256xf32, #tpu.memory_space<vmem>>
    %dma_start3A_320 = tpu.memref_slice %arg14[%dma_start3A_313, %mul3A_195] : memref<16x4096xf32, #tpu.memory_space<vmem_shared>> -> memref<1x256xf32, #tpu.memory_space<vmem_shared>>
    %dma_start3A_321 = tpu.memref_squeeze %dma_start3A_320 : memref<1x256xf32, #tpu.memory_space<vmem_shared>> -> memref<256xf32, #tpu.memory_space<vmem_shared>>
    tpu.enqueue_dma source(%dma_start3A_321 : memref<256xf32, #tpu.memory_space<vmem_shared>>) target(%dma_start3A_319 : memref<256xf32, #tpu.memory_space<vmem>>) target_semaphore(%arg15 : memref<!tpu.dma_semaphore, #tpu.memory_space<semaphore_mem>>)
    %dma_start3A_322 = arith.constant 14 : i32
    %dma_start3A_323 = arith.constant 3584 : i32
    %dma_start3A_324 = tpu.memref_slice %arg12[%dma_start3A_323] : memref<4096xf32, #tpu.memory_space<vmem>> -> memref<256xf32, #tpu.memory_space<vmem>>
    %dma_start3A_325 = tpu.memref_slice %arg14[%dma_start3A_322, %mul3A_195] : memref<16x4096xf32, #tpu.memory_space<vmem_shared>> -> memref<1x256xf32, #tpu.memory_space<vmem_shared>>
    %dma_start3A_326 = tpu.memref_squeeze %dma_start3A_325 : memref<1x256xf32, #tpu.memory_space<vmem_shared>> -> memref<256xf32, #tpu.memory_space<vmem_shared>>
    %dma_start3A_327 = arith.constant 3584 : i32
    %dma_start3A_328 = tpu.memref_slice %arg12[%dma_start3A_327] : memref<4096xf32, #tpu.memory_space<vmem>> -> memref<256xf32, #tpu.memory_space<vmem>>
    %dma_start3A_329 = tpu.memref_slice %arg14[%dma_start3A_322, %mul3A_195] : memref<16x4096xf32, #tpu.memory_space<vmem_shared>> -> memref<1x256xf32, #tpu.memory_space<vmem_shared>>
    %dma_start3A_330 = tpu.memref_squeeze %dma_start3A_329 : memref<1x256xf32, #tpu.memory_space<vmem_shared>> -> memref<256xf32, #tpu.memory_space<vmem_shared>>
    tpu.enqueue_dma source(%dma_start3A_330 : memref<256xf32, #tpu.memory_space<vmem_shared>>) target(%dma_start3A_328 : memref<256xf32, #tpu.memory_space<vmem>>) target_semaphore(%arg15 : memref<!tpu.dma_semaphore, #tpu.memory_space<semaphore_mem>>)
    %dma_start3A_331 = arith.constant 15 : i32
    %dma_start3A_332 = arith.constant 3840 : i32
    %dma_start3A_333 = tpu.memref_slice %arg12[%dma_start3A_332] : memref<4096xf32, #tpu.memory_space<vmem>> -> memref<256xf32, #tpu.memory_space<vmem>>
    %dma_start3A_334 = tpu.memref_slice %arg14[%dma_start3A_331, %mul3A_195] : memref<16x4096xf32, #tpu.memory_space<vmem_shared>> -> memref<1x256xf32, #tpu.memory_space<vmem_shared>>
    %dma_start3A_335 = tpu.memref_squeeze %dma_start3A_334 : memref<1x256xf32, #tpu.memory_space<vmem_shared>> -> memref<256xf32, #tpu.memory_space<vmem_shared>>
    %dma_start3A_336 = arith.constant 3840 : i32
    %dma_start3A_337 = tpu.memref_slice %arg12[%dma_start3A_336] : memref<4096xf32, #tpu.memory_space<vmem>> -> memref<256xf32, #tpu.memory_space<vmem>>
    %dma_start3A_338 = tpu.memref_slice %arg14[%dma_start3A_331, %mul3A_195] : memref<16x4096xf32, #tpu.memory_space<vmem_shared>> -> memref<1x256xf32, #tpu.memory_space<vmem_shared>>
    %dma_start3A_339 = tpu.memref_squeeze %dma_start3A_338 : memref<1x256xf32, #tpu.memory_space<vmem_shared>> -> memref<256xf32, #tpu.memory_space<vmem_shared>>
    tpu.enqueue_dma source(%dma_start3A_339 : memref<256xf32, #tpu.memory_space<vmem_shared>>) target(%dma_start3A_337 : memref<256xf32, #tpu.memory_space<vmem>>) target_semaphore(%arg15 : memref<!tpu.dma_semaphore, #tpu.memory_space<semaphore_mem>>)
    %dma_wait3A_340 = arith.constant 0 : i32
    %dma_wait3A_341 = arith.constant 0 : i32
    %dma_wait3A_342 = tpu.memref_slice %arg12[%dma_wait3A_341] : memref<4096xf32, #tpu.memory_space<vmem>> -> memref<256xf32, #tpu.memory_space<vmem>>
    %dma_wait3A_343 = tpu.memref_slice %arg14[%dma_wait3A_340, %mul3A_195] : memref<16x4096xf32, #tpu.memory_space<vmem_shared>> -> memref<1x256xf32, #tpu.memory_space<vmem_shared>>
    %dma_wait3A_344 = tpu.memref_squeeze %dma_wait3A_343 : memref<1x256xf32, #tpu.memory_space<vmem_shared>> -> memref<256xf32, #tpu.memory_space<vmem_shared>>
    %dma_wait3A_345 = arith.constant 0 : i32
    %dma_wait3A_346 = tpu.memref_slice %arg12[%dma_wait3A_345] : memref<4096xf32, #tpu.memory_space<vmem>> -> memref<256xf32, #tpu.memory_space<vmem>>
    %dma_wait3A_347 = tpu.memref_slice %arg14[%dma_wait3A_340, %mul3A_195] : memref<16x4096xf32, #tpu.memory_space<vmem_shared>> -> memref<1x256xf32, #tpu.memory_space<vmem_shared>>
    %dma_wait3A_348 = tpu.memref_squeeze %dma_wait3A_347 : memref<1x256xf32, #tpu.memory_space<vmem_shared>> -> memref<256xf32, #tpu.memory_space<vmem_shared>>
    tpu.wait_dma2 semaphore(%arg15 : memref<!tpu.dma_semaphore, #tpu.memory_space<semaphore_mem>>) src(%dma_wait3A_348 : memref<256xf32, #tpu.memory_space<vmem_shared>>) dst(%dma_wait3A_346 : memref<256xf32, #tpu.memory_space<vmem>>)
    %dma_wait3A_349 = arith.constant 1 : i32
    %dma_wait3A_350 = arith.constant 256 : i32
    %dma_wait3A_351 = tpu.memref_slice %arg12[%dma_wait3A_350] : memref<4096xf32, #tpu.memory_space<vmem>> -> memref<256xf32, #tpu.memory_space<vmem>>
    %dma_wait3A_352 = tpu.memref_slice %arg14[%dma_wait3A_349, %mul3A_195] : memref<16x4096xf32, #tpu.memory_space<vmem_shared>> -> memref<1x256xf32, #tpu.memory_space<vmem_shared>>
    %dma_wait3A_353 = tpu.memref_squeeze %dma_wait3A_352 : memref<1x256xf32, #tpu.memory_space<vmem_shared>> -> memref<256xf32, #tpu.memory_space<vmem_shared>>
    %dma_wait3A_354 = arith.constant 256 : i32
    %dma_wait3A_355 = tpu.memref_slice %arg12[%dma_wait3A_354] : memref<4096xf32, #tpu.memory_space<vmem>> -> memref<256xf32, #tpu.memory_space<vmem>>
    %dma_wait3A_356 = tpu.memref_slice %arg14[%dma_wait3A_349, %mul3A_195] : memref<16x4096xf32, #tpu.memory_space<vmem_shared>> -> memref<1x256xf32, #tpu.memory_space<vmem_shared>>
    %dma_wait3A_357 = tpu.memref_squeeze %dma_wait3A_356 : memref<1x256xf32, #tpu.memory_space<vmem_shared>> -> memref<256xf32, #tpu.memory_space<vmem_shared>>
    tpu.wait_dma2 semaphore(%arg15 : memref<!tpu.dma_semaphore, #tpu.memory_space<semaphore_mem>>) src(%dma_wait3A_357 : memref<256xf32, #tpu.memory_space<vmem_shared>>) dst(%dma_wait3A_355 : memref<256xf32, #tpu.memory_space<vmem>>)
    %dma_wait3A_358 = arith.constant 2 : i32
    %dma_wait3A_359 = arith.constant 512 : i32
    %dma_wait3A_360 = tpu.memref_slice %arg12[%dma_wait3A_359] : memref<4096xf32, #tpu.memory_space<vmem>> -> memref<256xf32, #tpu.memory_space<vmem>>
    %dma_wait3A_361 = tpu.memref_slice %arg14[%dma_wait3A_358, %mul3A_195] : memref<16x4096xf32, #tpu.memory_space<vmem_shared>> -> memref<1x256xf32, #tpu.memory_space<vmem_shared>>
    %dma_wait3A_362 = tpu.memref_squeeze %dma_wait3A_361 : memref<1x256xf32, #tpu.memory_space<vmem_shared>> -> memref<256xf32, #tpu.memory_space<vmem_shared>>
    %dma_wait3A_363 = arith.constant 512 : i32
    %dma_wait3A_364 = tpu.memref_slice %arg12[%dma_wait3A_363] : memref<4096xf32, #tpu.memory_space<vmem>> -> memref<256xf32, #tpu.memory_space<vmem>>
    %dma_wait3A_365 = tpu.memref_slice %arg14[%dma_wait3A_358, %mul3A_195] : memref<16x4096xf32, #tpu.memory_space<vmem_shared>> -> memref<1x256xf32, #tpu.memory_space<vmem_shared>>
    %dma_wait3A_366 = tpu.memref_squeeze %dma_wait3A_365 : memref<1x256xf32, #tpu.memory_space<vmem_shared>> -> memref<256xf32, #tpu.memory_space<vmem_shared>>
    tpu.wait_dma2 semaphore(%arg15 : memref<!tpu.dma_semaphore, #tpu.memory_space<semaphore_mem>>) src(%dma_wait3A_366 : memref<256xf32, #tpu.memory_space<vmem_shared>>) dst(%dma_wait3A_364 : memref<256xf32, #tpu.memory_space<vmem>>)
    %dma_wait3A_367 = arith.constant 3 : i32
    %dma_wait3A_368 = arith.constant 768 : i32
    %dma_wait3A_369 = tpu.memref_slice %arg12[%dma_wait3A_368] : memref<4096xf32, #tpu.memory_space<vmem>> -> memref<256xf32, #tpu.memory_space<vmem>>
    %dma_wait3A_370 = tpu.memref_slice %arg14[%dma_wait3A_367, %mul3A_195] : memref<16x4096xf32, #tpu.memory_space<vmem_shared>> -> memref<1x256xf32, #tpu.memory_space<vmem_shared>>
    %dma_wait3A_371 = tpu.memref_squeeze %dma_wait3A_370 : memref<1x256xf32, #tpu.memory_space<vmem_shared>> -> memref<256xf32, #tpu.memory_space<vmem_shared>>
    %dma_wait3A_372 = arith.constant 768 : i32
    %dma_wait3A_373 = tpu.memref_slice %arg12[%dma_wait3A_372] : memref<4096xf32, #tpu.memory_space<vmem>> -> memref<256xf32, #tpu.memory_space<vmem>>
    %dma_wait3A_374 = tpu.memref_slice %arg14[%dma_wait3A_367, %mul3A_195] : memref<16x4096xf32, #tpu.memory_space<vmem_shared>> -> memref<1x256xf32, #tpu.memory_space<vmem_shared>>
    %dma_wait3A_375 = tpu.memref_squeeze %dma_wait3A_374 : memref<1x256xf32, #tpu.memory_space<vmem_shared>> -> memref<256xf32, #tpu.memory_space<vmem_shared>>
    tpu.wait_dma2 semaphore(%arg15 : memref<!tpu.dma_semaphore, #tpu.memory_space<semaphore_mem>>) src(%dma_wait3A_375 : memref<256xf32, #tpu.memory_space<vmem_shared>>) dst(%dma_wait3A_373 : memref<256xf32, #tpu.memory_space<vmem>>)
    %dma_wait3A_376 = arith.constant 4 : i32
    %dma_wait3A_377 = arith.constant 1024 : i32
    %dma_wait3A_378 = tpu.memref_slice %arg12[%dma_wait3A_377] : memref<4096xf32, #tpu.memory_space<vmem>> -> memref<256xf32, #tpu.memory_space<vmem>>
    %dma_wait3A_379 = tpu.memref_slice %arg14[%dma_wait3A_376, %mul3A_195] : memref<16x4096xf32, #tpu.memory_space<vmem_shared>> -> memref<1x256xf32, #tpu.memory_space<vmem_shared>>
    %dma_wait3A_380 = tpu.memref_squeeze %dma_wait3A_379 : memref<1x256xf32, #tpu.memory_space<vmem_shared>> -> memref<256xf32, #tpu.memory_space<vmem_shared>>
    %dma_wait3A_381 = arith.constant 1024 : i32
    %dma_wait3A_382 = tpu.memref_slice %arg12[%dma_wait3A_381] : memref<4096xf32, #tpu.memory_space<vmem>> -> memref<256xf32, #tpu.memory_space<vmem>>
    %dma_wait3A_383 = tpu.memref_slice %arg14[%dma_wait3A_376, %mul3A_195] : memref<16x4096xf32, #tpu.memory_space<vmem_shared>> -> memref<1x256xf32, #tpu.memory_space<vmem_shared>>
    %dma_wait3A_384 = tpu.memref_squeeze %dma_wait3A_383 : memref<1x256xf32, #tpu.memory_space<vmem_shared>> -> memref<256xf32, #tpu.memory_space<vmem_shared>>
    tpu.wait_dma2 semaphore(%arg15 : memref<!tpu.dma_semaphore, #tpu.memory_space<semaphore_mem>>) src(%dma_wait3A_384 : memref<256xf32, #tpu.memory_space<vmem_shared>>) dst(%dma_wait3A_382 : memref<256xf32, #tpu.memory_space<vmem>>)
    %dma_wait3A_385 = arith.constant 5 : i32
    %dma_wait3A_386 = arith.constant 1280 : i32
    %dma_wait3A_387 = tpu.memref_slice %arg12[%dma_wait3A_386] : memref<4096xf32, #tpu.memory_space<vmem>> -> memref<256xf32, #tpu.memory_space<vmem>>
    %dma_wait3A_388 = tpu.memref_slice %arg14[%dma_wait3A_385, %mul3A_195] : memref<16x4096xf32, #tpu.memory_space<vmem_shared>> -> memref<1x256xf32, #tpu.memory_space<vmem_shared>>
    %dma_wait3A_389 = tpu.memref_squeeze %dma_wait3A_388 : memref<1x256xf32, #tpu.memory_space<vmem_shared>> -> memref<256xf32, #tpu.memory_space<vmem_shared>>
    %dma_wait3A_390 = arith.constant 1280 : i32
    %dma_wait3A_391 = tpu.memref_slice %arg12[%dma_wait3A_390] : memref<4096xf32, #tpu.memory_space<vmem>> -> memref<256xf32, #tpu.memory_space<vmem>>
    %dma_wait3A_392 = tpu.memref_slice %arg14[%dma_wait3A_385, %mul3A_195] : memref<16x4096xf32, #tpu.memory_space<vmem_shared>> -> memref<1x256xf32, #tpu.memory_space<vmem_shared>>
    %dma_wait3A_393 = tpu.memref_squeeze %dma_wait3A_392 : memref<1x256xf32, #tpu.memory_space<vmem_shared>> -> memref<256xf32, #tpu.memory_space<vmem_shared>>
    tpu.wait_dma2 semaphore(%arg15 : memref<!tpu.dma_semaphore, #tpu.memory_space<semaphore_mem>>) src(%dma_wait3A_393 : memref<256xf32, #tpu.memory_space<vmem_shared>>) dst(%dma_wait3A_391 : memref<256xf32, #tpu.memory_space<vmem>>)
    %dma_wait3A_394 = arith.constant 6 : i32
    %dma_wait3A_395 = arith.constant 1536 : i32
    %dma_wait3A_396 = tpu.memref_slice %arg12[%dma_wait3A_395] : memref<4096xf32, #tpu.memory_space<vmem>> -> memref<256xf32, #tpu.memory_space<vmem>>
    %dma_wait3A_397 = tpu.memref_slice %arg14[%dma_wait3A_394, %mul3A_195] : memref<16x4096xf32, #tpu.memory_space<vmem_shared>> -> memref<1x256xf32, #tpu.memory_space<vmem_shared>>
    %dma_wait3A_398 = tpu.memref_squeeze %dma_wait3A_397 : memref<1x256xf32, #tpu.memory_space<vmem_shared>> -> memref<256xf32, #tpu.memory_space<vmem_shared>>
    %dma_wait3A_399 = arith.constant 1536 : i32
    %dma_wait3A_400 = tpu.memref_slice %arg12[%dma_wait3A_399] : memref<4096xf32, #tpu.memory_space<vmem>> -> memref<256xf32, #tpu.memory_space<vmem>>
    %dma_wait3A_401 = tpu.memref_slice %arg14[%dma_wait3A_394, %mul3A_195] : memref<16x4096xf32, #tpu.memory_space<vmem_shared>> -> memref<1x256xf32, #tpu.memory_space<vmem_shared>>
    %dma_wait3A_402 = tpu.memref_squeeze %dma_wait3A_401 : memref<1x256xf32, #tpu.memory_space<vmem_shared>> -> memref<256xf32, #tpu.memory_space<vmem_shared>>
    tpu.wait_dma2 semaphore(%arg15 : memref<!tpu.dma_semaphore, #tpu.memory_space<semaphore_mem>>) src(%dma_wait3A_402 : memref<256xf32, #tpu.memory_space<vmem_shared>>) dst(%dma_wait3A_400 : memref<256xf32, #tpu.memory_space<vmem>>)
    %dma_wait3A_403 = arith.constant 7 : i32
    %dma_wait3A_404 = arith.constant 1792 : i32
    %dma_wait3A_405 = tpu.memref_slice %arg12[%dma_wait3A_404] : memref<4096xf32, #tpu.memory_space<vmem>> -> memref<256xf32, #tpu.memory_space<vmem>>
    %dma_wait3A_406 = tpu.memref_slice %arg14[%dma_wait3A_403, %mul3A_195] : memref<16x4096xf32, #tpu.memory_space<vmem_shared>> -> memref<1x256xf32, #tpu.memory_space<vmem_shared>>
    %dma_wait3A_407 = tpu.memref_squeeze %dma_wait3A_406 : memref<1x256xf32, #tpu.memory_space<vmem_shared>> -> memref<256xf32, #tpu.memory_space<vmem_shared>>
    %dma_wait3A_408 = arith.constant 1792 : i32
    %dma_wait3A_409 = tpu.memref_slice %arg12[%dma_wait3A_408] : memref<4096xf32, #tpu.memory_space<vmem>> -> memref<256xf32, #tpu.memory_space<vmem>>
    %dma_wait3A_410 = tpu.memref_slice %arg14[%dma_wait3A_403, %mul3A_195] : memref<16x4096xf32, #tpu.memory_space<vmem_shared>> -> memref<1x256xf32, #tpu.memory_space<vmem_shared>>
    %dma_wait3A_411 = tpu.memref_squeeze %dma_wait3A_410 : memref<1x256xf32, #tpu.memory_space<vmem_shared>> -> memref<256xf32, #tpu.memory_space<vmem_shared>>
    tpu.wait_dma2 semaphore(%arg15 : memref<!tpu.dma_semaphore, #tpu.memory_space<semaphore_mem>>) src(%dma_wait3A_411 : memref<256xf32, #tpu.memory_space<vmem_shared>>) dst(%dma_wait3A_409 : memref<256xf32, #tpu.memory_space<vmem>>)
    %dma_wait3A_412 = arith.constant 8 : i32
    %dma_wait3A_413 = arith.constant 2048 : i32
    %dma_wait3A_414 = tpu.memref_slice %arg12[%dma_wait3A_413] : memref<4096xf32, #tpu.memory_space<vmem>> -> memref<256xf32, #tpu.memory_space<vmem>>
    %dma_wait3A_415 = tpu.memref_slice %arg14[%dma_wait3A_412, %mul3A_195] : memref<16x4096xf32, #tpu.memory_space<vmem_shared>> -> memref<1x256xf32, #tpu.memory_space<vmem_shared>>
    %dma_wait3A_416 = tpu.memref_squeeze %dma_wait3A_415 : memref<1x256xf32, #tpu.memory_space<vmem_shared>> -> memref<256xf32, #tpu.memory_space<vmem_shared>>
    %dma_wait3A_417 = arith.constant 2048 : i32
    %dma_wait3A_418 = tpu.memref_slice %arg12[%dma_wait3A_417] : memref<4096xf32, #tpu.memory_space<vmem>> -> memref<256xf32, #tpu.memory_space<vmem>>
    %dma_wait3A_419 = tpu.memref_slice %arg14[%dma_wait3A_412, %mul3A_195] : memref<16x4096xf32, #tpu.memory_space<vmem_shared>> -> memref<1x256xf32, #tpu.memory_space<vmem_shared>>
    %dma_wait3A_420 = tpu.memref_squeeze %dma_wait3A_419 : memref<1x256xf32, #tpu.memory_space<vmem_shared>> -> memref<256xf32, #tpu.memory_space<vmem_shared>>
    tpu.wait_dma2 semaphore(%arg15 : memref<!tpu.dma_semaphore, #tpu.memory_space<semaphore_mem>>) src(%dma_wait3A_420 : memref<256xf32, #tpu.memory_space<vmem_shared>>) dst(%dma_wait3A_418 : memref<256xf32, #tpu.memory_space<vmem>>)
    %dma_wait3A_421 = arith.constant 9 : i32
    %dma_wait3A_422 = arith.constant 2304 : i32
    %dma_wait3A_423 = tpu.memref_slice %arg12[%dma_wait3A_422] : memref<4096xf32, #tpu.memory_space<vmem>> -> memref<256xf32, #tpu.memory_space<vmem>>
    %dma_wait3A_424 = tpu.memref_slice %arg14[%dma_wait3A_421, %mul3A_195] : memref<16x4096xf32, #tpu.memory_space<vmem_shared>> -> memref<1x256xf32, #tpu.memory_space<vmem_shared>>
    %dma_wait3A_425 = tpu.memref_squeeze %dma_wait3A_424 : memref<1x256xf32, #tpu.memory_space<vmem_shared>> -> memref<256xf32, #tpu.memory_space<vmem_shared>>
    %dma_wait3A_426 = arith.constant 2304 : i32
    %dma_wait3A_427 = tpu.memref_slice %arg12[%dma_wait3A_426] : memref<4096xf32, #tpu.memory_space<vmem>> -> memref<256xf32, #tpu.memory_space<vmem>>
    %dma_wait3A_428 = tpu.memref_slice %arg14[%dma_wait3A_421, %mul3A_195] : memref<16x4096xf32, #tpu.memory_space<vmem_shared>> -> memref<1x256xf32, #tpu.memory_space<vmem_shared>>
    %dma_wait3A_429 = tpu.memref_squeeze %dma_wait3A_428 : memref<1x256xf32, #tpu.memory_space<vmem_shared>> -> memref<256xf32, #tpu.memory_space<vmem_shared>>
    tpu.wait_dma2 semaphore(%arg15 : memref<!tpu.dma_semaphore, #tpu.memory_space<semaphore_mem>>) src(%dma_wait3A_429 : memref<256xf32, #tpu.memory_space<vmem_shared>>) dst(%dma_wait3A_427 : memref<256xf32, #tpu.memory_space<vmem>>)
    %dma_wait3A_430 = arith.constant 10 : i32
    %dma_wait3A_431 = arith.constant 2560 : i32
    %dma_wait3A_432 = tpu.memref_slice %arg12[%dma_wait3A_431] : memref<4096xf32, #tpu.memory_space<vmem>> -> memref<256xf32, #tpu.memory_space<vmem>>
    %dma_wait3A_433 = tpu.memref_slice %arg14[%dma_wait3A_430, %mul3A_195] : memref<16x4096xf32, #tpu.memory_space<vmem_shared>> -> memref<1x256xf32, #tpu.memory_space<vmem_shared>>
    %dma_wait3A_434 = tpu.memref_squeeze %dma_wait3A_433 : memref<1x256xf32, #tpu.memory_space<vmem_shared>> -> memref<256xf32, #tpu.memory_space<vmem_shared>>
    %dma_wait3A_435 = arith.constant 2560 : i32
    %dma_wait3A_436 = tpu.memref_slice %arg12[%dma_wait3A_435] : memref<4096xf32, #tpu.memory_space<vmem>> -> memref<256xf32, #tpu.memory_space<vmem>>
    %dma_wait3A_437 = tpu.memref_slice %arg14[%dma_wait3A_430, %mul3A_195] : memref<16x4096xf32, #tpu.memory_space<vmem_shared>> -> memref<1x256xf32, #tpu.memory_space<vmem_shared>>
    %dma_wait3A_438 = tpu.memref_squeeze %dma_wait3A_437 : memref<1x256xf32, #tpu.memory_space<vmem_shared>> -> memref<256xf32, #tpu.memory_space<vmem_shared>>
    tpu.wait_dma2 semaphore(%arg15 : memref<!tpu.dma_semaphore, #tpu.memory_space<semaphore_mem>>) src(%dma_wait3A_438 : memref<256xf32, #tpu.memory_space<vmem_shared>>) dst(%dma_wait3A_436 : memref<256xf32, #tpu.memory_space<vmem>>)
    %dma_wait3A_439 = arith.constant 11 : i32
    %dma_wait3A_440 = arith.constant 2816 : i32
    %dma_wait3A_441 = tpu.memref_slice %arg12[%dma_wait3A_440] : memref<4096xf32, #tpu.memory_space<vmem>> -> memref<256xf32, #tpu.memory_space<vmem>>
    %dma_wait3A_442 = tpu.memref_slice %arg14[%dma_wait3A_439, %mul3A_195] : memref<16x4096xf32, #tpu.memory_space<vmem_shared>> -> memref<1x256xf32, #tpu.memory_space<vmem_shared>>
    %dma_wait3A_443 = tpu.memref_squeeze %dma_wait3A_442 : memref<1x256xf32, #tpu.memory_space<vmem_shared>> -> memref<256xf32, #tpu.memory_space<vmem_shared>>
    %dma_wait3A_444 = arith.constant 2816 : i32
    %dma_wait3A_445 = tpu.memref_slice %arg12[%dma_wait3A_444] : memref<4096xf32, #tpu.memory_space<vmem>> -> memref<256xf32, #tpu.memory_space<vmem>>
    %dma_wait3A_446 = tpu.memref_slice %arg14[%dma_wait3A_439, %mul3A_195] : memref<16x4096xf32, #tpu.memory_space<vmem_shared>> -> memref<1x256xf32, #tpu.memory_space<vmem_shared>>
    %dma_wait3A_447 = tpu.memref_squeeze %dma_wait3A_446 : memref<1x256xf32, #tpu.memory_space<vmem_shared>> -> memref<256xf32, #tpu.memory_space<vmem_shared>>
    tpu.wait_dma2 semaphore(%arg15 : memref<!tpu.dma_semaphore, #tpu.memory_space<semaphore_mem>>) src(%dma_wait3A_447 : memref<256xf32, #tpu.memory_space<vmem_shared>>) dst(%dma_wait3A_445 : memref<256xf32, #tpu.memory_space<vmem>>)
    %dma_wait3A_448 = arith.constant 12 : i32
    %dma_wait3A_449 = arith.constant 3072 : i32
    %dma_wait3A_450 = tpu.memref_slice %arg12[%dma_wait3A_449] : memref<4096xf32, #tpu.memory_space<vmem>> -> memref<256xf32, #tpu.memory_space<vmem>>
    %dma_wait3A_451 = tpu.memref_slice %arg14[%dma_wait3A_448, %mul3A_195] : memref<16x4096xf32, #tpu.memory_space<vmem_shared>> -> memref<1x256xf32, #tpu.memory_space<vmem_shared>>
    %dma_wait3A_452 = tpu.memref_squeeze %dma_wait3A_451 : memref<1x256xf32, #tpu.memory_space<vmem_shared>> -> memref<256xf32, #tpu.memory_space<vmem_shared>>
    %dma_wait3A_453 = arith.constant 3072 : i32
    %dma_wait3A_454 = tpu.memref_slice %arg12[%dma_wait3A_453] : memref<4096xf32, #tpu.memory_space<vmem>> -> memref<256xf32, #tpu.memory_space<vmem>>
    %dma_wait3A_455 = tpu.memref_slice %arg14[%dma_wait3A_448, %mul3A_195] : memref<16x4096xf32, #tpu.memory_space<vmem_shared>> -> memref<1x256xf32, #tpu.memory_space<vmem_shared>>
    %dma_wait3A_456 = tpu.memref_squeeze %dma_wait3A_455 : memref<1x256xf32, #tpu.memory_space<vmem_shared>> -> memref<256xf32, #tpu.memory_space<vmem_shared>>
    tpu.wait_dma2 semaphore(%arg15 : memref<!tpu.dma_semaphore, #tpu.memory_space<semaphore_mem>>) src(%dma_wait3A_456 : memref<256xf32, #tpu.memory_space<vmem_shared>>) dst(%dma_wait3A_454 : memref<256xf32, #tpu.memory_space<vmem>>)
    %dma_wait3A_457 = arith.constant 13 : i32
    %dma_wait3A_458 = arith.constant 3328 : i32
    %dma_wait3A_459 = tpu.memref_slice %arg12[%dma_wait3A_458] : memref<4096xf32, #tpu.memory_space<vmem>> -> memref<256xf32, #tpu.memory_space<vmem>>
    %dma_wait3A_460 = tpu.memref_slice %arg14[%dma_wait3A_457, %mul3A_195] : memref<16x4096xf32, #tpu.memory_space<vmem_shared>> -> memref<1x256xf32, #tpu.memory_space<vmem_shared>>
    %dma_wait3A_461 = tpu.memref_squeeze %dma_wait3A_460 : memref<1x256xf32, #tpu.memory_space<vmem_shared>> -> memref<256xf32, #tpu.memory_space<vmem_shared>>
    %dma_wait3A_462 = arith.constant 3328 : i32
    %dma_wait3A_463 = tpu.memref_slice %arg12[%dma_wait3A_462] : memref<4096xf32, #tpu.memory_space<vmem>> -> memref<256xf32, #tpu.memory_space<vmem>>
    %dma_wait3A_464 = tpu.memref_slice %arg14[%dma_wait3A_457, %mul3A_195] : memref<16x4096xf32, #tpu.memory_space<vmem_shared>> -> memref<1x256xf32, #tpu.memory_space<vmem_shared>>
    %dma_wait3A_465 = tpu.memref_squeeze %dma_wait3A_464 : memref<1x256xf32, #tpu.memory_space<vmem_shared>> -> memref<256xf32, #tpu.memory_space<vmem_shared>>
    tpu.wait_dma2 semaphore(%arg15 : memref<!tpu.dma_semaphore, #tpu.memory_space<semaphore_mem>>) src(%dma_wait3A_465 : memref<256xf32, #tpu.memory_space<vmem_shared>>) dst(%dma_wait3A_463 : memref<256xf32, #tpu.memory_space<vmem>>)
    %dma_wait3A_466 = arith.constant 14 : i32
    %dma_wait3A_467 = arith.constant 3584 : i32
    %dma_wait3A_468 = tpu.memref_slice %arg12[%dma_wait3A_467] : memref<4096xf32, #tpu.memory_space<vmem>> -> memref<256xf32, #tpu.memory_space<vmem>>
    %dma_wait3A_469 = tpu.memref_slice %arg14[%dma_wait3A_466, %mul3A_195] : memref<16x4096xf32, #tpu.memory_space<vmem_shared>> -> memref<1x256xf32, #tpu.memory_space<vmem_shared>>
    %dma_wait3A_470 = tpu.memref_squeeze %dma_wait3A_469 : memref<1x256xf32, #tpu.memory_space<vmem_shared>> -> memref<256xf32, #tpu.memory_space<vmem_shared>>
    %dma_wait3A_471 = arith.constant 3584 : i32
    %dma_wait3A_472 = tpu.memref_slice %arg12[%dma_wait3A_471] : memref<4096xf32, #tpu.memory_space<vmem>> -> memref<256xf32, #tpu.memory_space<vmem>>
    %dma_wait3A_473 = tpu.memref_slice %arg14[%dma_wait3A_466, %mul3A_195] : memref<16x4096xf32, #tpu.memory_space<vmem_shared>> -> memref<1x256xf32, #tpu.memory_space<vmem_shared>>
    %dma_wait3A_474 = tpu.memref_squeeze %dma_wait3A_473 : memref<1x256xf32, #tpu.memory_space<vmem_shared>> -> memref<256xf32, #tpu.memory_space<vmem_shared>>
    tpu.wait_dma2 semaphore(%arg15 : memref<!tpu.dma_semaphore, #tpu.memory_space<semaphore_mem>>) src(%dma_wait3A_474 : memref<256xf32, #tpu.memory_space<vmem_shared>>) dst(%dma_wait3A_472 : memref<256xf32, #tpu.memory_space<vmem>>)
    %dma_wait3A_475 = arith.constant 15 : i32
    %dma_wait3A_476 = arith.constant 3840 : i32
    %dma_wait3A_477 = tpu.memref_slice %arg12[%dma_wait3A_476] : memref<4096xf32, #tpu.memory_space<vmem>> -> memref<256xf32, #tpu.memory_space<vmem>>
    %dma_wait3A_478 = tpu.memref_slice %arg14[%dma_wait3A_475, %mul3A_195] : memref<16x4096xf32, #tpu.memory_space<vmem_shared>> -> memref<1x256xf32, #tpu.memory_space<vmem_shared>>
    %dma_wait3A_479 = tpu.memref_squeeze %dma_wait3A_478 : memref<1x256xf32, #tpu.memory_space<vmem_shared>> -> memref<256xf32, #tpu.memory_space<vmem_shared>>
    %dma_wait3A_480 = arith.constant 3840 : i32
    %dma_wait3A_481 = tpu.memref_slice %arg12[%dma_wait3A_480] : memref<4096xf32, #tpu.memory_space<vmem>> -> memref<256xf32, #tpu.memory_space<vmem>>
    %dma_wait3A_482 = tpu.memref_slice %arg14[%dma_wait3A_475, %mul3A_195] : memref<16x4096xf32, #tpu.memory_space<vmem_shared>> -> memref<1x256xf32, #tpu.memory_space<vmem_shared>>
    %dma_wait3A_483 = tpu.memref_squeeze %dma_wait3A_482 : memref<1x256xf32, #tpu.memory_space<vmem_shared>> -> memref<256xf32, #tpu.memory_space<vmem_shared>>
    tpu.wait_dma2 semaphore(%arg15 : memref<!tpu.dma_semaphore, #tpu.memory_space<semaphore_mem>>) src(%dma_wait3A_483 : memref<256xf32, #tpu.memory_space<vmem_shared>>) dst(%dma_wait3A_481 : memref<256xf32, #tpu.memory_space<vmem>>)
    %scan3A_484 = arith.constant 0 : i32
    %scan3A_485 = arith.constant 16 : i32
    %scan3A_486 = arith.addi %scan3A_484, %scan3A_485 : i32
    %scan3A_487 = arith.constant 1 : i32
    scf.for %scan3A_489 = %scan3A_484 to %scan3A_486 step %scan3A_487  : i32 {
      %broadcast_in_dim3A_490 = arith.constant 0.000000e+00 : f32
      %broadcast_in_dim3A_491 = vector.broadcast %broadcast_in_dim3A_490 : f32 to vector<16xf32>
      %mul3A_492 = arith.constant 16 : i32
      %mul3A_493 = arith.muli %scan3A_489, %mul3A_492 : i32
      %add3A_494 = arith.constant 0 : i32
      %add3A_495 = arith.addi %add3A_494, %mul3A_493 : i32
      %get3A = arith.index_cast %add3A_495 : i32 to index
      %get3A_496 = tpu.vector_load %arg12[%get3A] {strides = array<i32>} : memref<4096xf32, #tpu.memory_space<vmem>>, vector<16xf32>,
      %add3A_497 = arith.addf %broadcast_in_dim3A_491, %get3A_496 : vector<16xf32>
      %mul3A_498 = arith.constant 16 : i32
      %mul3A_499 = arith.muli %scan3A_489, %mul3A_498 : i32
      %add3A_500 = arith.constant 256 : i32
      %add3A_501 = arith.addi %add3A_500, %mul3A_499 : i32
      %get3A_502 = arith.index_cast %add3A_501 : i32 to index
      %get3A_503 = tpu.vector_load %arg12[%get3A_502] {strides = array<i32>} : memref<4096xf32, #tpu.memory_space<vmem>>, vector<16xf32>,
      %add3A_504 = arith.addf %add3A_497, %get3A_503 : vector<16xf32>
      %mul3A_505 = arith.constant 16 : i32
      %mul3A_506 = arith.muli %scan3A_489, %mul3A_505 : i32
      %add3A_507 = arith.constant 512 : i32
      %add3A_508 = arith.addi %add3A_507, %mul3A_506 : i32
      %get3A_509 = arith.index_cast %add3A_508 : i32 to index
      %get3A_510 = tpu.vector_load %arg12[%get3A_509] {strides = array<i32>} : memref<4096xf32, #tpu.memory_space<vmem>>, vector<16xf32>,
      %add3A_511 = arith.addf %add3A_504, %get3A_510 : vector<16xf32>
      %mul3A_512 = arith.constant 16 : i32
      %mul3A_513 = arith.muli %scan3A_489, %mul3A_512 : i32
      %add3A_514 = arith.constant 768 : i32
      %add3A_515 = arith.addi %add3A_514, %mul3A_513 : i32
      %get3A_516 = arith.index_cast %add3A_515 : i32 to index
      %get3A_517 = tpu.vector_load %arg12[%get3A_516] {strides = array<i32>} : memref<4096xf32, #tpu.memory_space<vmem>>, vector<16xf32>,
      %add3A_518 = arith.addf %add3A_511, %get3A_517 : vector<16xf32>
      %mul3A_519 = arith.constant 16 : i32
      %mul3A_520 = arith.muli %scan3A_489, %mul3A_519 : i32
      %add3A_521 = arith.constant 1024 : i32
      %add3A_522 = arith.addi %add3A_521, %mul3A_520 : i32
      %get3A_523 = arith.index_cast %add3A_522 : i32 to index
      %get3A_524 = tpu.vector_load %arg12[%get3A_523] {strides = array<i32>} : memref<4096xf32, #tpu.memory_space<vmem>>, vector<16xf32>,
      %add3A_525 = arith.addf %add3A_518, %get3A_524 : vector<16xf32>
      %mul3A_526 = arith.constant 16 : i32
      %mul3A_527 = arith.muli %scan3A_489, %mul3A_526 : i32
      %add3A_528 = arith.constant 1280 : i32
      %add3A_529 = arith.addi %add3A_528, %mul3A_527 : i32
      %get3A_530 = arith.index_cast %add3A_529 : i32 to index
      %get3A_531 = tpu.vector_load %arg12[%get3A_530] {strides = array<i32>} : memref<4096xf32, #tpu.memory_space<vmem>>, vector<16xf32>,
      %add3A_532 = arith.addf %add3A_525, %get3A_531 : vector<16xf32>
      %mul3A_533 = arith.constant 16 : i32
      %mul3A_534 = arith.muli %scan3A_489, %mul3A_533 : i32
      %add3A_535 = arith.constant 1536 : i32
      %add3A_536 = arith.addi %add3A_535, %mul3A_534 : i32
      %get3A_537 = arith.index_cast %add3A_536 : i32 to index
      %get3A_538 = tpu.vector_load %arg12[%get3A_537] {strides = array<i32>} : memref<4096xf32, #tpu.memory_space<vmem>>, vector<16xf32>,
      %add3A_539 = arith.addf %add3A_532, %get3A_538 : vector<16xf32>
      %mul3A_540 = arith.constant 16 : i32
      %mul3A_541 = arith.muli %scan3A_489, %mul3A_540 : i32
      %add3A_542 = arith.constant 1792 : i32
      %add3A_543 = arith.addi %add3A_542, %mul3A_541 : i32
      %get3A_544 = arith.index_cast %add3A_543 : i32 to index
      %get3A_545 = tpu.vector_load %arg12[%get3A_544] {strides = array<i32>} : memref<4096xf32, #tpu.memory_space<vmem>>, vector<16xf32>,
      %add3A_546 = arith.addf %add3A_539, %get3A_545 : vector<16xf32>
      %mul3A_547 = arith.constant 16 : i32
      %mul3A_548 = arith.muli %scan3A_489, %mul3A_547 : i32
      %add3A_549 = arith.constant 2048 : i32
      %add3A_550 = arith.addi %add3A_549, %mul3A_548 : i32
      %get3A_551 = arith.index_cast %add3A_550 : i32 to index
      %get3A_552 = tpu.vector_load %arg12[%get3A_551] {strides = array<i32>} : memref<4096xf32, #tpu.memory_space<vmem>>, vector<16xf32>,
      %add3A_553 = arith.addf %add3A_546, %get3A_552 : vector<16xf32>
      %mul3A_554 = arith.constant 16 : i32
      %mul3A_555 = arith.muli %scan3A_489, %mul3A_554 : i32
      %add3A_556 = arith.constant 2304 : i32
      %add3A_557 = arith.addi %add3A_556, %mul3A_555 : i32
      %get3A_558 = arith.index_cast %add3A_557 : i32 to index
      %get3A_559 = tpu.vector_load %arg12[%get3A_558] {strides = array<i32>} : memref<4096xf32, #tpu.memory_space<vmem>>, vector<16xf32>,
      %add3A_560 = arith.addf %add3A_553, %get3A_559 : vector<16xf32>
      %mul3A_561 = arith.constant 16 : i32
      %mul3A_562 = arith.muli %scan3A_489, %mul3A_561 : i32
      %add3A_563 = arith.constant 2560 : i32
      %add3A_564 = arith.addi %add3A_563, %mul3A_562 : i32
      %get3A_565 = arith.index_cast %add3A_564 : i32 to index
      %get3A_566 = tpu.vector_load %arg12[%get3A_565] {strides = array<i32>} : memref<4096xf32, #tpu.memory_space<vmem>>, vector<16xf32>,
      %add3A_567 = arith.addf %add3A_560, %get3A_566 : vector<16xf32>
      %mul3A_568 = arith.constant 16 : i32
      %mul3A_569 = arith.muli %scan3A_489, %mul3A_568 : i32
      %add3A_570 = arith.constant 2816 : i32
      %add3A_571 = arith.addi %add3A_570, %mul3A_569 : i32
      %get3A_572 = arith.index_cast %add3A_571 : i32 to index
      %get3A_573 = tpu.vector_load %arg12[%get3A_572] {strides = array<i32>} : memref<4096xf32, #tpu.memory_space<vmem>>, vector<16xf32>,
      %add3A_574 = arith.addf %add3A_567, %get3A_573 : vector<16xf32>
      %mul3A_575 = arith.constant 16 : i32
      %mul3A_576 = arith.muli %scan3A_489, %mul3A_575 : i32
      %add3A_577 = arith.constant 3072 : i32
      %add3A_578 = arith.addi %add3A_577, %mul3A_576 : i32
      %get3A_579 = arith.index_cast %add3A_578 : i32 to index
      %get3A_580 = tpu.vector_load %arg12[%get3A_579] {strides = array<i32>} : memref<4096xf32, #tpu.memory_space<vmem>>, vector<16xf32>,
      %add3A_581 = arith.addf %add3A_574, %get3A_580 : vector<16xf32>
      %mul3A_582 = arith.constant 16 : i32
      %mul3A_583 = arith.muli %scan3A_489, %mul3A_582 : i32
      %add3A_584 = arith.constant 3328 : i32
      %add3A_585 = arith.addi %add3A_584, %mul3A_583 : i32
      %get3A_586 = arith.index_cast %add3A_585 : i32 to index
      %get3A_587 = tpu.vector_load %arg12[%get3A_586] {strides = array<i32>} : memref<4096xf32, #tpu.memory_space<vmem>>, vector<16xf32>,
      %add3A_588 = arith.addf %add3A_581, %get3A_587 : vector<16xf32>
      %mul3A_589 = arith.constant 16 : i32
      %mul3A_590 = arith.muli %scan3A_489, %mul3A_589 : i32
      %add3A_591 = arith.constant 3584 : i32
      %add3A_592 = arith.addi %add3A_591, %mul3A_590 : i32
      %get3A_593 = arith.index_cast %add3A_592 : i32 to index
      %get3A_594 = tpu.vector_load %arg12[%get3A_593] {strides = array<i32>} : memref<4096xf32, #tpu.memory_space<vmem>>, vector<16xf32>,
      %add3A_595 = arith.addf %add3A_588, %get3A_594 : vector<16xf32>
      %mul3A_596 = arith.constant 16 : i32
      %mul3A_597 = arith.muli %scan3A_489, %mul3A_596 : i32
      %add3A_598 = arith.constant 3840 : i32
      %add3A_599 = arith.addi %add3A_598, %mul3A_597 : i32
      %get3A_600 = arith.index_cast %add3A_599 : i32 to index
      %get3A_601 = tpu.vector_load %arg12[%get3A_600] {strides = array<i32>} : memref<4096xf32, #tpu.memory_space<vmem>>, vector<16xf32>,
      %add3A_602 = arith.addf %add3A_595, %get3A_601 : vector<16xf32>
      %mul3A_603 = arith.constant 16 : i32
      %mul3A_604 = arith.muli %scan3A_489, %mul3A_603 : i32
      %swap3A = arith.index_cast %mul3A_604 : i32 to index
      %swap3A_605 = tpu.vector_load %arg13[%swap3A] {strides = array<i32>} : memref<256xf32, #tpu.memory_space<vmem>>, vector<16xf32>,
      tpu.vector_store %arg13[%swap3A], %add3A_602 {strides = array<i32>} : memref<256xf32, #tpu.memory_space<vmem>>, vector<16xf32>,
    }
    %scan3A_488 = arith.constant 16 : i32
    "tpu.region"() ({
      %run_scoped3A = tpu.sem_alloc : memref<!tpu.dma_semaphore, #tpu.memory_space<semaphore_mem>>
      %dma_start3A_489 = tpu.memref_slice %arg5[%arg0, %mul3A_195] : memref<2x4096xf32, #tpu.memory_space<hbm>> -> memref<1x256xf32, #tpu.memory_space<hbm>>
      %dma_start3A_490 = tpu.memref_squeeze %dma_start3A_489 : memref<1x256xf32, #tpu.memory_space<hbm>> -> memref<256xf32, #tpu.memory_space<hbm>>
      %dma_start3A_491 = tpu.memref_slice %arg5[%arg0, %mul3A_195] : memref<2x4096xf32, #tpu.memory_space<hbm>> -> memref<1x256xf32, #tpu.memory_space<hbm>>
      %dma_start3A_492 = tpu.memref_squeeze %dma_start3A_491 : memref<1x256xf32, #tpu.memory_space<hbm>> -> memref<256xf32, #tpu.memory_space<hbm>>
      tpu.enqueue_dma source(%arg13 : memref<256xf32, #tpu.memory_space<vmem>>) target(%dma_start3A_492 : memref<256xf32, #tpu.memory_space<hbm>>) target_semaphore(%run_scoped3A : memref<!tpu.dma_semaphore, #tpu.memory_space<semaphore_mem>>)
      %dma_wait3A_493 = tpu.memref_slice %arg5[%arg0, %mul3A_195] : memref<2x4096xf32, #tpu.memory_space<hbm>> -> memref<1x256xf32, #tpu.memory_space<hbm>>
      %dma_wait3A_494 = tpu.memref_squeeze %dma_wait3A_493 : memref<1x256xf32, #tpu.memory_space<hbm>> -> memref<256xf32, #tpu.memory_space<hbm>>
      %dma_wait3A_495 = tpu.memref_slice %arg5[%arg0, %mul3A_195] : memref<2x4096xf32, #tpu.memory_space<hbm>> -> memref<1x256xf32, #tpu.memory_space<hbm>>
      %dma_wait3A_496 = tpu.memref_squeeze %dma_wait3A_495 : memref<1x256xf32, #tpu.memory_space<hbm>> -> memref<256xf32, #tpu.memory_space<hbm>>
      tpu.wait_dma2 semaphore(%run_scoped3A : memref<!tpu.dma_semaphore, #tpu.memory_space<semaphore_mem>>) src(%arg13 : memref<256xf32, #tpu.memory_space<vmem>>) dst(%dma_wait3A_496 : memref<256xf32, #tpu.memory_space<hbm>>)
      tpu.yield
    }) : () -> ()
    return
  }
}

</mosaic_0001>

<sc_bundles>
// kernel: _sc_segsum.3.cloned.1.call-start
scs
__scs_entry_jumppad:
0x0: {  	(pc) =	sbr.rel $0x88, $3  }
0x1: {  	(tag) =	ssettag $0x0;
	lr =	simm.s32 $0x1  }
0x2: {  	[smem:$0x3F9E] =	sst lr;
	_ =	strace $0xD0000000  }
0x3: {  	_ = 	snop  }
0x4: {  	_ = 	snop  }
0x5: {  	_ = 	snop  }
0x6: {  	_ = 	snop  }
0x7: {  	_ = 	snop  }
__scs_overlays_trampoline_lowered:
0x8: {  	[smem:$0x3FAD] =	sst s0  }
0x9: {  	[smem:$0x3FAE] =	sst s1  }
0xa: {  	[smem:$0x3FAF] =	sst s2  }
0xb: {  	[smem:$0x3FB0] =	sst s3  }
0xc: {  	[smem:$0x3FB1] =	sst s4  }
0xd: {  	[smem:$0x3FB2] =	sst s5  }
0xe: {  	[smem:$0x3FB3] =	sst s6  }
0xf: {  	[smem:$0x3FB4] =	sst s7  }
0x10: {  	[smem:$0x3FB5] =	sst s8  }
0x11: {  	[smem:$0x3FB6] =	sst s9;
	s0 =	simm.s32 @!p0 $0x0  }
0x12: {  	s1 =	sld [smem:$0x3F9C];
	s0 =	simm.s32 @p0 $0x1  }
0x13: {  	[smem:$0x3FB7] =	sst s0;
	s0 =	simm.s32 @!p1 $0x0  }
0x14: {  	s2 =	sld [smem:$0x3F9B];
	s0 =	simm.s32 @p1 $0x1  }
0x15: {  	[smem:$0x3FB8] =	sst s0;
	s0 =	simm.s32 @!p2 $0x0  }
0x16: {  	s3 =	sld [smem:$0x3FDB];
	s0 =	simm.s32 @p2 $0x1  }
0x17: {  	s4 =	simm.s32 $0x1BF5;
	[smem:$0x3FBA] =	sst s0  }
0x18: {  	s0 =	sld [smem:$0x3F9D];
	_ =	swait.ge [sflag:s4], $0x0  }
0x19: {  	s7 =	sld [smem:$0x3F9E]  }
0x1a: {  	s8 =	sadd.s32 $0xFFFFE003, lr  }
0x1b: {  	s9 =	sadd.s32 $0xFFFFFEF7, lr;
	s5 =	simm.s32 $0xFFFFFFFF;
	p2 =	slt.u32 s8, $0xFFFFF086  }
0x1c: {  	p1 =	slt.u32 s9, $0xF7A;
	s5 =	simm.s32 @!p2 $0x0  }
0x1d: {  	s5 =	simm.s32 @p1 $0x1;
	p0 =	seq.s32 s7, s2  }
0x1e: {  	s7 =	smul.u32 @!p0 $0xF7A, s2;
	p2 =	seq.s32 @!p0 s5, $0x0  }
0x1f: {  	s9 =	smul.u32 $0xF7A, s1;
	s8 =	simm.s32 @!p0 $0x1BF5;
	p2 =	por !p2, p0  }
0x20: {  	[sflag:s8] =	ssyncset.s32 @!p0 $0xFFFFF086;
	s6 =	sadd.s32 @!p0 s3, s7;
	s7 =	simm.s32 @!p0 $0x108  }
0x21: {  	s3 =	sadd.s32 s3, s9;
	s6 =	sadd.s32 @!p0 $0x88, s6;
	s7 =	simm.s32 @p2 $0x1082  }
0x22: {  	[simem:s7], [sflag:s8] =	dma.local @!p0 [hbm:s6], $0xF7A  }
0x23: {  	s9 =	sor.u32 $0xD0000000, s2;
	s6 =	simm.s32 $0x108;
	_ =	swait.ge @!p0 [sflag:s8], $0x0  }
0x24: {  	s3 =	sadd.s32 $0x88, s3;
	s6 =	simm.s32 @!p1 $0x1082;
	[sflag:s4] =	ssyncset.s32 $0xFFFFF086  }
0x25: {  	[simem:s6], [sflag:s4] =	dma.local [hbm:s3], $0xF7A  }
0x26: {  	[smem:$0x3F9E] =	sst s1;
	(tag) =	ssettag s2;
	_ =	strace s9  }
0x27: {  	s1 =	sld [smem:$0x3FAE]  }
0x28: {  	s2 =	sld [smem:$0x3FAF]  }
0x29: {  	s4 =	sld [smem:$0x3FB1]  }
0x2a: {  	p0 =	seq.s32 s5, $0x0;
	s5 =	sld [smem:$0x3FB2]  }
0x2b: {  	s6 =	sld [smem:$0x3FB3]  }
0x2c: {  	s7 =	sld [smem:$0x3FB4]  }
0x2d: {  	s3 =	simm.s32 $0x108;
	s8 =	sld [smem:$0x3FB5]  }
0x2e: {  	s3 =	simm.s32 @!p0 $0x1082;
	s9 =	sld [smem:$0x3FB6]  }
0x2f: {  	lr =	sadd.s32 s0, s3;
	s0 =	sld [smem:$0x3FAD]  }
0x30: {  	s3 =	sld [smem:$0x3FB0]  }
0x31: {  	[smem:$0x3FB9] =	sst s10  }
0x32: {  	s10 =	sld [smem:$0x3FB7];
	_ =	sdelay $0x3  }
0x33: {  	p0 =	seq.s32 s10, $0x1;
	s10 =	sld [smem:$0x3FB9];
	_ =	sdelay $0x3  }
0x34: {  	[smem:$0x3FB9] =	sst s10  }
0x35: {  	s10 =	sld [smem:$0x3FB8];
	_ =	sdelay $0x3  }
0x36: {  	p1 =	seq.s32 s10, $0x1;
	s10 =	sld [smem:$0x3FB9];
	_ =	sdelay $0x3  }
0x37: {  	[smem:$0x3FB9] =	sst s10  }
0x38: {  	s10 =	sld [smem:$0x3FBA]  }
0x39: {  	_ = 	snop;
	(pc) =	sbr.ind lr, $3  }
0x3a: {  	_ = 	snop  }
0x3b: {  	_ = 	snop  }
0x3c: {  	p2 =	seq.s32 s10, $0x1;
	s10 =	sld [smem:$0x3FB9]  }
0x3d: {  	_ =	shalt  }
0x3e: {  	_ =	shalt  }
0x3f: {  	_ =	shalt  }
0x40: {  	_ =	shalt  }
0x41: {  	_ =	shalt  }
0x42: {  	_ =	shalt  }
0x43: {  	_ =	shalt  }
0x44: {  	_ =	shalt  }
0x45: {  	_ =	shalt  }
0x46: {  	_ =	shalt  }
0x47: {  	_ =	shalt  }
0x48: {  	_ =	shalt  }
0x49: {  	_ =	shalt  }
0x4a: {  	_ =	shalt  }
0x4b: {  	_ =	shalt  }
0x4c: {  	_ =	shalt  }
0x4d: {  	_ =	shalt  }
0x4e: {  	_ =	shalt  }
0x4f: {  	_ =	shalt  }
0x50: {  	_ =	shalt  }
0x51: {  	_ =	shalt  }
0x52: {  	_ =	shalt  }
0x53: {  	_ =	shalt  }
0x54: {  	_ =	shalt  }
0x55: {  	_ =	shalt  }
0x56: {  	_ =	shalt  }
0x57: {  	_ =	shalt  }
0x58: {  	_ =	shalt  }
0x59: {  	_ =	shalt  }
0x5a: {  	_ =	shalt  }
0x5b: {  	_ =	shalt  }
0x5c: {  	_ =	shalt  }
0x5d: {  	_ =	shalt  }
0x5e: {  	_ =	shalt  }
0x5f: {  	_ =	shalt  }
0x60: {  	_ =	shalt  }
0x61: {  	_ =	shalt  }
0x62: {  	_ =	shalt  }
0x63: {  	_ =	shalt  }
0x64: {  	_ =	shalt  }
0x65: {  	_ =	shalt  }
0x66: {  	_ =	shalt  }
0x67: {  	_ =	shalt  }
0x68: {  	_ =	shalt  }
0x69: {  	_ =	shalt  }
0x6a: {  	_ =	shalt  }
0x6b: {  	_ =	shalt  }
0x6c: {  	_ =	shalt  }
0x6d: {  	_ =	shalt  }
0x6e: {  	_ =	shalt  }
0x6f: {  	_ =	shalt  }
0x70: {  	_ =	shalt  }
0x71: {  	_ =	shalt  }
0x72: {  	_ =	shalt  }
0x73: {  	_ =	shalt  }
0x74: {  	_ =	shalt  }
0x75: {  	_ =	shalt  }
0x76: {  	_ =	shalt  }
0x77: {  	_ =	shalt  }
0x78: {  	_ =	shalt  }
0x79: {  	_ =	shalt  }
0x7a: {  	_ =	shalt  }
0x7b: {  	_ =	shalt  }
0x7c: {  	_ =	shalt  }
0x7d: {  	_ =	shalt  }
0x7e: {  	_ =	shalt  }
0x7f: {  	_ =	shalt  }
0x80: {  	_ =	shalt  }
0x81: {  	_ =	shalt  }
0x82: {  	_ =	shalt  }
0x83: {  	_ =	shalt  }
0x84: {  	_ =	shalt  }
0x85: {  	_ =	shalt  }
0x86: {  	_ =	shalt  }
0x87: {  	_ =	shalt  }
.Lfunc_end0:
.L_simem_size_0:
called_computation_lowered:
.L_overlay_start_0:
0x88: {  	s2 =	sld [smem:$0x3FD9]  }
0x89: {  	s3 =	sld [smem:$0x3FFE];
	_ =	sdelay $0x1  }
0x8a: {  	s1 =	srdreg.scid  }
0x8b: {  	s0 =	sand.u32 $0x1, s1  }
0x8c: {  	s18 =	sshll.u32 s0, $0xA;
	s2 =	sadd.s32 s3, s2  }
0x8d: {  	s2 =	sadd.s32 s2, s18  }
0x8e: {  	[smem:$0x3FC5] =	sst s2  }
0x8f: {  	_ = 	snop  }
0x90: {  	s2 =	sld [smem:$0x3FC9]  }
0x91: {  	s19 =	sld [smem:$0x3FC8]  }
0x92: {  	s4 =	sld [smem:$0x3FC7]  }
0x93: {  	s5 =	sld [smem:$0x3FD0];
	(tm) =	ssettm $0x1  }
0x94: {  	s6 =	sld [smem:$0x3FFB];
	_ =	sdelay $0x3  }
0x95: {  	_ =	strace s6  }
0x96: {  	s6 =	sld [smem:$0x3FFC];
	_ =	sdelay $0x3  }
0x97: {  	_ =	strace s6  }
0x98: {  	s6 =	sld [smem:$0x3FFD];
	_ =	sdelay $0x3  }
0x99: {  	_ =	strace s6  }
0x9a: {  	_ =	strace $0x8FFFFFFF  }
0x9b: {  	s20 =	sld [smem:$0x3FDB];
	_ =	sdelay $0x1  }
0x9c: {  	s7 =	simm.s32 $_scs_section_size  }
0x9d: {  	s8 =	simm.s32 $_size__tile_overlayer_lowered;
	s9 =	simm.s32 $_tile_overlayer_lowered  }
0x9e: {  	s23 =	simm.s32 $0x1BFF;
	s22 =	sshll.u32 s9, $0x1;
	s6 =	sadd.s32 s7, s20  }
0x9f: {  	s10 =	simm.s32 $0x0;
	s21 =	sshll.u32 s8, $0x1;
	s8 =	sadd.s32 s22, s6  }
0xa0: {  	[timem:s10], [sflag:s23] =	dma.local [hbm:s8], s21  }
0xa1: {  	_ =	swait.ge [sflag:s23], s21  }
0xa2: {  	s7 =	ssub.s32 $0x0, s21;
	[sflag:s23] =	ssyncset.done $0x0  }
0xa3: {  	[sflag:s23] =	ssyncadd.s32 s7;
	_ =	sdelay $0x1  }
0xa4: {  	s24 =	simm.s32 $0x1B8B  }
0xa5: {  	_ =	swait.ge [sflag:s24], $0x1  }
0xa6: {  	[sflag:s24] =	ssyncset.done $0x0  }
0xa7: {  	s25 =	simm.s32 $0x1B8E;
	[sflag:s24] =	ssyncadd.s32 $0xFFFFFFFF  }
0xa8: {  	s26 =	simm.s32 $execute0_lowered;
	[smem:$0x3FD2] =	sst s25  }
0xa9: {  	s7 =	sshll.u32 s26, $0x1;
	_ =	strace $0x80000046;
	[dreg:$0x1] =	wrdreg $0xFFFFFFFF  }
0xaa: {  	s28 =	simm.s32 $_size_execute0_lowered;
	s6 =	sadd.s32 s6, s7;
	[dreg:$0x0] =	wrdreg $0x0  }
0xab: {  	s7 =	sshll.u32 s28, $0x1;
	[dreg:$0x2] =	wrdreg s6  }
0xac: {  	[dreg:$0x3] =	wrdreg s7  }
0xad: {  	[dreg:$0x4] =	wrdreg $0xC0  }
0xae: {  	_ =	task [dreg:s10], $0x5FFFF  }
0xaf: {  	[dreg:$0x1] =	wrdreg $0xFFFFFFFF  }
0xb0: {  	[dreg:$0x0] =	wrdreg $0x60  }
0xb1: {  	[dreg:$0x2] =	wrdreg s2  }
0xb2: {  	[dreg:$0x3] =	wrdreg s19  }
0xb3: {  	[dreg:$0x4] =	wrdreg s4  }
0xb4: {  	[dreg:$0x5] =	wrdreg s5  }
0xb5: {  	[dreg:$0x6] =	wrdreg $0x163000  }
0xb6: {  	[dreg:$0x7] =	wrdreg $0x9  }
0xb7: {  	_ =	task.clear_ibuf [dreg:s10], $0x8FFFF;
	_ =	strace $0x90000046  }
0xb8: {  	s29 =	simm.s32 $0x9;
	_ =	strace $0x80000048  }
0xb9: {  	_ =	swait.ge [sflag:s29], $0x1  }
0xba: {  	[sflag:s29] =	ssyncadd.s32 $0xFFFFFFFF  }
0xbb: {  	_ =	strace $0x90000048  }
0xbc: {  	_ =	sfence  }
0xbd: {  	s30 =	sld [smem:$0x0];
	_ =	sdelay $0x2  }
0xbe: {  	s31 =	sshll.u32 s1, $0xD;
	s1 =	sshrl.u32 s1, $0x2  }
0xbf: {  	s3 =	sand.u32 $0x4000, s31;
	s1 =	sadd.s32 s1, s30  }
0xc0: {  	s0 =	sor.u32 s3, s0;
	s1 =	sshll.u32 s1, $0x11  }
0xc1: {  	s0 =	sor.u32 s1, s0  }
0xc2: {  	s0 =	sadd.s32 $0x8F2B, s0  }
0xc3: {  	[sflag:s0] =	ssyncadd.remote.s32 $0x1  }
0xc4: {  	_ =	sfence.sel $0xFFFF  }
0xc5: {  	[dreg:$0x0] =	wrdreg $0xFFFFFFFF;
	(pc) =	sbr.abs _section_cstart, $3  }
0xc6: {  	[dreg:$0x1] =	wrdreg $0xFFFFFFFF  }
0xc7: {  	_ =	task.clear_ibuf [dreg:s10], $0x2FFFF;
	_ =	strace $0x9FFFFFFF  }
0xc8: {  	(tm) =	ssettm $0x7FFFFFFF  }
0xc9: {  	_ =	shalt  }
tec
execute0_lowered:
.L_overlay_start_1:
0x0: {  	(tag) =	ssettag $0x1  }
0x1: {  	s0 =	srdreg.scid  }
0x2: {  	s0 =	sand.u32 $0x1, s0  }
0x3: {  	s8 =	stileid.u32;
	s2 =	sshll.u32 s0, $0x4  }
0x4: {  	s1 =	sor.u32 s8, s2  }
0x5: {  	s4 =	smul.u32 $0x30D40, s1  }
0x6: {  	s3 =	rddreg [dreg:$0x0]  }
0x7: {  	s5 =	rddreg [dreg:$0x1];
	s1 =	simm.s32 $0x0;
	s4 =	sshrl.u32 s4, $0x3  }
0x8: {  	[smem:$0x7FF] =	sst s1;
	s7 =	sadd.s32 s3, s4  }
0x9: {  	s0 =	ssub.s32 $0x2, s0;
	s22 =	sadd.s32 s5, s4;
	[dreg:$0x6] =	wrdreg s7  }
0xa: {  	s6 =	sshrl.u32 s0, $0x1;
	s21 =	sadd.s32 $0x9C4, s4;
	[dreg:$0x7] =	wrdreg s22  }
0xb: {  	s0 =	ssub.s32 s0, s6;
	s23 =	sadd.s32 s3, s21;
	s22 =	rddreg [dreg:$0x4]  }
0xc: {  	s24 =	sadd.s32 $0x1388, s4;
	s6 =	sadd.s32 s5, s21;
	[dreg:$0x8] =	wrdreg s23  }
0xd: {  	s25 =	sadd.s32 $0x1D4C, s4;
	s9 =	sadd.s32 s3, s24;
	[dreg:$0x9] =	wrdreg s6  }
0xe: {  	s26 =	sadd.s32 s3, s25;
	[dreg:$0xa] =	wrdreg s9  }
0xf: {  	s29 =	sadd.s32 $0x2710, s4;
	s28 =	sadd.s32 s5, s25;
	[dreg:$0xc] =	wrdreg s26  }
0x10: {  	s30 =	sadd.s32 $0x30D4, s4;
	s31 =	sadd.s32 s3, s29;
	[dreg:$0xd] =	wrdreg s28  }
0x11: {  	s20 =	sshll.u32 s8, $0xC;
	s10 =	sadd.s32 s3, s30;
	[dreg:$0xe] =	wrdreg s31  }
0x12: {  	s12 =	sadd.s32 $0x3A98, s4;
	s11 =	sadd.s32 s5, s30;
	[dreg:$0x10] =	wrdreg s10  }
0x13: {  	s13 =	sadd.s32 $0x445C, s4;
	s14 =	sadd.s32 s3, s12;
	[dreg:$0x11] =	wrdreg s11  }
0x14: {  	s0 =	smax.u32 s0, $0x1;
	s15 =	sadd.s32 s3, s13;
	[dreg:$0x12] =	wrdreg s14  }
0x15: {  	s17 =	sadd.s32 $0x4E20, s4;
	s16 =	sadd.s32 s5, s13;
	[dreg:$0x14] =	wrdreg s15  }
0x16: {  	s4 =	sadd.s32 $0x57E4, s4;
	s18 =	sadd.s32 s3, s17;
	[dreg:$0x15] =	wrdreg s16  }
0x17: {  	s3 =	sadd.s32 s3, s4;
	s19 =	sadd.s32 s5, s4;
	[dreg:$0x16] =	wrdreg s18  }
0x18: {  	s21 =	sshll.u32 s8, $0x7;
	s13 =	simm.s32 $0xA500;
	[dreg:$0x18] =	wrdreg s3  }
0x19: {  	s6 =	sadd.s32 s5, s24;
	[dreg:$0x19] =	wrdreg s19;
	s3 =	sand.u32 $0x8000, s20  }
0x1a: {  	s4 =	sand.u32 $0x380, s21;
	s23 =	sshll.u32 s8, $0xB;
	s24 =	rddreg [dreg:$0x3]  }
0x1b: {  	s26 =	sshll.u32 s8, $0x6;
	s11 =	simm.s32 $0x800;
	s14 =	simm.s32 $0xF380  }
0x1c: {  	s15 =	simm.s32 $0x5;
	s16 =	simm.s32 $0x1;
	s18 =	simm.s32 $0x14200  }
0x1d: {  	s19 =	simm.s32 $0x3;
	s20 =	simm.s32 $0x4;
	s21 =	simm.s32 $0x80  }
0x1e: {  	[dreg:$0xb] =	wrdreg s6;
	s6 =	sadd.s32 s5, s29;
	s3 =	sadd.s32 s3, s22  }
0x1f: {  	s25 =	sadd.s32 s23, s22;
	s2 =	sadd.s32 s24, s2;
	s24 =	simm.s32 $0x400  }
0x20: {  	[dreg:$0xf] =	wrdreg s6;
	s6 =	sadd.s32 s5, s12;
	s3 =	sadd.s32 s4, s3  }
0x21: {  	s2 =	sadd.s32 s26, s2;
	s28 =	sadd.s32 $0x80, s25;
	s29 =	sadd.s32 $0x100, s25  }
0x22: {  	s30 =	sadd.s32 $0x180, s25;
	s31 =	sadd.s32 $0x200, s25;
	[dreg:$0x13] =	wrdreg s6  }
0x23: {  	s23 =	sadd.s32 $0x300, s25;
	s4 =	sadd.s32 $0x8080, s25;
	[dreg:$0x1a] =	wrdreg s3  }
0x24: {  	s7 =	sadd.s32 $0x8200, s25;
	s6 =	sadd.s32 s5, s17;
	[dreg:$0x1b] =	wrdreg s2  }
0x25: {  	v0 =	vimm.s32 $0xFFEDCBA9;
	v1 =	vimm.s32 $0x87654321;
	s8 =	sadd.s32 $0x8280, s25;
	s9 =	sadd.s32 $0x8300, s25;
	[dreg:$0x17] =	wrdreg s6  }
0x26: {  	v0 =	vunpack.c.l.s4.s8 v0;
	v1 =	vunpack.c.l.s4.s8 v1;
	s10 =	sadd.s32 $0x8380, s25;
	_ =	strace $0x80000047;
	[dreg:$0x1c] =	wrdreg s0  }
0x27: {  	s12 =	simm.s32 $0x5680;
	s26 =	simm.s32 $0x0;
	[dreg:$0x1d] =	wrdreg s28  }
0x28: {  	v3 =	vunpack.c.0.s8.s32 v0;
	v4 =	vunpack.c.0.s8.s32 v1;
	s2 =	sadd.s32 $0x380, s25;
	s3 =	sadd.s32 $0x8000, s25;
	[dreg:$0x1e] =	wrdreg s29  }
0x29: {  	vm0 =	vcmask $0x3F3C;
	v2 =	vlaneseq.u32;
	s5 =	sadd.s32 $0x8100, s25;
	s17 =	simm.s32 $0x2;
	[dreg:$0x1f] =	wrdreg s30  }
0x2a: {  	v0 =	vimm.f32 $0.0e+00;
	v1 =	vimm.s32 $0x0;
	v3 =	vcombine.low v4, v3;
	s6 =	sadd.s32 $0x8180, s25;
	[smem:$0x7FD] =	sst s31;
	s0 =	sadd.s32 $0x280, s25  }
.LBB2_1:
0x2b: {  	s22 =	rddreg [dreg:$0x6]  }
0x2c: {  	[tilespmem:s11], [sflag:$0x1] =	stream.linear.gather [hbm4b:s22+s1], $0x4E20, $0x38;
	[tilespmem:$0x17300] =	vst v63  }
0x2d: {  	s31 =	rddreg [dreg:$0x7]  }
0x2e: {  	[tilespmem:s12], [sflag:$0x2] =	stream.linear.gather [hbm4b:s31+s1], $0x4E20, $0x38;
	[tilespmem:$0x17300] =	vst v63  }
0x2f: {  	s29 =	rddreg [dreg:$0x8]  }
0x30: {  	[tilespmem:s13], [sflag:$0x3] =	stream.linear.gather [hbm4b:s29+s1], $0x4E20, $0x38;
	[tilespmem:$0x17300] =	vst v63  }
0x31: {  	s30 =	rddreg [dreg:$0x9]  }
0x32: {  	[tilespmem:s14], [sflag:$0x4] =	stream.linear.gather [hbm4b:s30+s1], $0x4E20, $0x38;
	[tilespmem:$0x17300] =	vst v63  }
0x33: {  	s31 =	rddreg [dreg:$0x2]  }
0x34: {  	[tilespmem:s1], [sflag:$0x5] =	stream.linear.gather [hbm4b:s31+s1], $0x800, $0x38;
	[tilespmem:$0x17300] =	vst v63  }
0x35: {  	_ =	swait.ge [sflag:s15], $0x800  }
0x36: {  	[sflag:s15] =	ssyncset.done $0x0  }
0x37: {  	s28 =	simm.s32 $0x0;
	s22 =	simm.s32 $0x40;
	[sflag:s15] =	ssyncadd.s32 $0xFFFFF800  }
.LBB2_2:
0x38: {  	p0 =	sne.s32 s22, $0x3FC0;
	[tilespmem:s28+$0x14200] =	vst v0;
	s28 =	smov.u32 s22;
	s22 =	sadd.s32 $0x40, s22  }
.Ltmp0:
0x39: {  	(pc) =	sbr.rel @p0 .LBB2_2-.Ltmp0, $2  }
0x3a: {  	_ =	sdelay $0x2  }
0x3b: {  	s28 =	sshra.s32 s28, $0x2  }
0x3c: {  	[tilespmem:s28+$0x14200] =	vst v0  }
0x3d: {  	_ =	swait.ge [sflag:s16], $0x4E20  }
0x3e: {  	[sflag:s16] =	ssyncset.done $0x0  }
0x3f: {  	[sflag:s16] =	ssyncadd.s32 $0xFFFFB1E0  }
0x40: {  	_ =	swait.ge [sflag:s17], $0x4E20  }
0x41: {  	s28 =	simm.s32 $0x0;
	[sflag:s17] =	ssyncset.done $0x0  }
0x42: {  	s22 =	sand.u32 $0x7FE0, s28;
	[sflag:s17] =	ssyncadd.s32 $0xFFFFB1E0  }
0x43: {  	s30 =	simm.s32 $0x850;
	v4 =	vld [tilespmem:s22+$0x880]  }
0x44: {  	v5 =	vld [tilespmem:s30+$0xFFFFFFE0]  }
0x45: {  	v6 =	vld [tilespmem:s30+$0xFFFFFFB0]  }
0x46: {  	v7 =	vld [tilespmem:s30+$0xFFFFFFC0];
	_ =	sdelay $0x1  }
0x47: {  	v8 =	vld [tilespmem:s30+$0xFFFFFFF0]  }
0x48: {  	v9 =	vld [tilespmem:s30+$0x0];
	v4 =	vshll.u32 v4, $0x4  }
0x49: {  	v10 =	vld [tilespmem:s30+$0xFFFFFFD0];
	v5 =	vshll.u32 v5, $0x4;
	v11 =	vor.u32 v2, v4  }
0x4a: {  	v7 =	vshll.u32 v7, $0x4;
	v4 =	vshll.u32 v6, $0x4;
	v5 =	vor.u32 v2, v5;
	v6 =	vld [tilespmem:s30+$0x40]  }
0x4b: {  	v13 =	vld [tilespmem:s30+$0x10];
	v7 =	vor.u32 v2, v7  }
0x4c: {  	s29 =	simm.s32 $0x5710;
	v14 =	vld [tilespmem:s30+$0x20];
	v8 =	vshll.u32 v8, $0x4;
	v12 =	vor.u32 v2, v4  }
0x4d: {  	v9 =	vshll.u32 v9, $0x4;
	v8 =	vor.u32 v2, v8;
	v4 =	vld [tilespmem:s29+$0x0]  }
0x4e: {  	v10 =	vshll.u32 v10, $0x4;
	v9 =	vor.u32 v2, v9;
	v11 =	vld.idx.msk [tilespmem:v11+s28+$0x0], $0xffff  }
0x4f: {  	v10 =	vor.u32 v2, v10;
	v15 =	vld.idx.msk [tilespmem:v5+s28+$0x0], $0xffff;
	v5 =	vshll.u32 v6, $0x4  }
0x50: {  	v7 =	vld.idx.msk [tilespmem:v7+s28+$0x0], $0xffff;
	v5 =	vor.u32 v2, v5  }
0x51: {  	v6 =	vld.idx.msk [tilespmem:v12+s28+$0x0], $0xffff;
	v12 =	vshll.u32 v13, $0x4  }
0x52: {  	v8 =	vld.idx.msk [tilespmem:v8+s28+$0x0], $0xffff;
	v12 =	vor.u32 v2, v12  }
0x53: {  	v9 =	vld.idx.msk [tilespmem:v9+s28+$0x0], $0xffff;
	v13 =	vshll.u32 v14, $0x4  }
0x54: {  	v10 =	vld.idx.msk [tilespmem:v10+s28+$0x0], $0xffff;
	v13 =	vor.u32 v2, v13  }
0x55: {  	v14 =	vld.idx.msk [tilespmem:v5+s28+$0x0], $0xffff  }
0x56: {  	s22 =	simm.s32 $0xA0;
	v7 =	vadd.f32 $0.0e+00, v7;
	v6 =	vadd.f32 $0.0e+00, v6;
	v5 =	vld [tilespmem:s29+$0xFFFFFF70]  }
0x57: {  	s22 =	sand.u32 $0x7FE0, s22;
	v16 =	vld.idx.msk [tilespmem:v12+s28+$0x0], $0xffff  }
0x58: {  	v7 =	vadd.f32 v9, v7;
	v12 =	vld [tilespmem:s22+$0x880];
	v8 =	vadd.f32 v8, v6  }
0x59: {  	s30 =	simm.s32 $0x8F0;
	v9 =	vadd.f32 $0.0e+00, v10;
	v6 =	vld.idx.msk [tilespmem:v13+s28+$0x0], $0xffff  }
0x5a: {  	v10 =	vld [tilespmem:s30+$0xFFFFFFE0];
	v17 =	vadd.f32 v11, v8;
	v14 =	vadd.f32 v14, v7  }
0x5b: {  	v13 =	vld [tilespmem:s30+$0xFFFFFFB0];
	v7 =	vadd.f32 $0.0e+00, v15  }
0x5c: {  	s31 =	simm.s32 $0x140;
	v11 =	vld [tilespmem:s30+$0xFFFFFFC0];
	v8 =	vadd.f32 v16, v9;
	v9 =	vadd.f32 v14, v17  }
.LBB2_4:
0x5d: {  	p0 =	sne.s32 s31, $0x4D80;
	v14 =	vld [tilespmem:s30+$0xFFFFFFF0]  }
0x5e: {  	v6 =	vadd.f32 v6, v7;
	v15 =	vld [tilespmem:s30+$0x0];
	v12 =	vshll.u32 v12, $0x4;
	v7 =	vadd.f32 v9, v8  }
0x5f: {  	v8 =	vld [tilespmem:s30+$0xFFFFFFD0];
	v9 =	vshll.u32 v10, $0x4;
	v10 =	vor.u32 v2, v12  }
0x60: {  	v12 =	vshll.u32 v13, $0x4;
	v9 =	vor.u32 v2, v9;
	v13 =	vld [tilespmem:s30+$0x40];
	v6 =	vadd.f32 v7, v6  }
0x61: {  	s29 =	sadd.s32 $0xA0, s29;
	v7 =	vor.u32 v2, v12;
	v11 =	vshll.u32 v11, $0x4;
	v12 =	vld [tilespmem:s30+$0x10]  }
0x62: {  	v16 =	vld [tilespmem:s29+$0x0];
	v11 =	vor.u32 v2, v11;
	v14 =	vshll.u32 v14, $0x4;
	(xrf2) =	vadd.scan.msk.f32 $0xffff, v6  }
0x63: {  	v6 =	vor.u32 v2, v14;
	v14 =	vshll.u32 v15, $0x4;
	v15 =	vld [tilespmem:s30+$0x20]  }
0x64: {  	v5 =	vperm.xlane v5, v1;
	v8 =	vshll.u32 v8, $0x4;
	v14 =	vor.u32 v2, v14;
	v17 =	vld.idx.msk [tilespmem:v10+s28+$0x0], $0xffff  }
0x65: {  	v8 =	vor.u32 v2, v8;
	v9 =	vld.idx.msk [tilespmem:v9+s28+$0x0], $0xffff;
	v10 =	vshll.u32 v13, $0x4  }
0x66: {  	vm1 =	veq.s32 v5, v4;
	v7 =	vld.idx.msk [tilespmem:v7+s28+$0x0], $0xffff;
	v12 =	vshll.u32 v12, $0x4;
	v10 =	vor.u32 v2, v10  }
0x67: {  	vm1 =	vmand vm1, vm0;
	v5 =	vld.idx.msk [tilespmem:v11+s28+$0x0], $0xffff;
	v11 =	vor.u32 v2, v12  }
0x68: {  	v6 =	vld.idx.msk [tilespmem:v6+s28+$0x0], $0xffff  }
0x69: {  	v13 =	vshll.u32 v15, $0x4;
	v12 =	vld.idx.msk [tilespmem:v14+s28+$0x0], $0xffff  }
0x6a: {  	v13 =	vor.u32 v2, v13;
	v8 =	vld.idx.msk [tilespmem:v8+s28+$0x0], $0xffff  }
0x6b: {  	v14 =	vld.idx.msk [tilespmem:v10+s28+$0x0], $0xffff  }
0x6c: {  	v15 =	vld.idx.msk [tilespmem:v11+s28+$0x0], $0xffff;
	v10, _, _ =	vpop (xrf2)  }
0x6d: {  	v7 =	vadd.f32 $0.0e+00, v7;
	v11 =	vadd.f32 $0.0e+00, v5;
	[tilespmem:v4+s18+$0x0] =	vst.idx.add.f32.msk vm1, v10;
	v4 =	vmov v16  }
0x6e: {  	v5 =	vld [tilespmem:s29+$0xFFFFFF70]  }
.Ltmp1:
0x6f: {  	s22 =	sand.u32 $0x7FE0, s31;
	v7 =	vadd.f32 v6, v7;
	v11 =	vadd.f32 v12, v11;
	v6 =	vld.idx.msk [tilespmem:v13+s28+$0x0], $0xffff;
	(pc) =	sbr.rel @p0 .LBB2_4-.Ltmp1, $4  }
0x70: {  	s30 =	sadd.s32 $0xA0, s30;
	v8 =	vadd.f32 $0.0e+00, v8;
	v12 =	vld [tilespmem:s22+$0x880]  }
0x71: {  	v16 =	vadd.f32 v17, v7;
	v14 =	vadd.f32 v14, v11;
	v10 =	vld [tilespmem:s30+$0xFFFFFFE0]  }
0x72: {  	v7 =	vadd.f32 $0.0e+00, v9;
	v13 =	vld [tilespmem:s30+$0xFFFFFFB0]  }
0x73: {  	s31 =	sadd.s32 $0xA0, s31;
	v8 =	vadd.f32 v15, v8;
	v9 =	vadd.f32 v14, v16;
	v11 =	vld [tilespmem:s30+$0xFFFFFFC0]  }
0x74: {  	v14 =	vld [tilespmem:s30+$0xFFFFFFF0]  }
0x75: {  	v15 =	vld [tilespmem:s30+$0x0]  }
0x76: {  	v16 =	vld [tilespmem:s30+$0xFFFFFFD0];
	v12 =	vshll.u32 v12, $0x4  }
0x77: {  	v17 =	vld [tilespmem:s30+$0x40];
	v12 =	vor.u32 v2, v12;
	v13 =	vshll.u32 v13, $0x4  }
0x78: {  	v13 =	vor.u32 v2, v13;
	v11 =	vshll.u32 v11, $0x4  }
0x79: {  	v18 =	vld [tilespmem:s30+$0x10];
	v11 =	vor.u32 v2, v11;
	v14 =	vshll.u32 v14, $0x4  }
0x7a: {  	v15 =	vshll.u32 v15, $0x4;
	v14 =	vor.u32 v2, v14  }
0x7b: {  	v19 =	vld [tilespmem:s30+$0x20];
	v16 =	vshll.u32 v16, $0x4;
	v15 =	vor.u32 v2, v15  }
0x7c: {  	v17 =	vshll.u32 v17, $0x4;
	v16 =	vor.u32 v2, v16;
	v12 =	vld.idx.msk [tilespmem:v12+s28+$0x0], $0xffff  }
0x7d: {  	v10 =	vshll.u32 v10, $0x4;
	v17 =	vor.u32 v2, v17;
	v13 =	vld.idx.msk [tilespmem:v13+s28+$0x0], $0xffff  }
0x7e: {  	v10 =	vor.u32 v2, v10;
	v18 =	vshll.u32 v18, $0x4;
	v11 =	vld.idx.msk [tilespmem:v11+s28+$0x0], $0xffff  }
0x7f: {  	v18 =	vor.u32 v2, v18;
	v14 =	vld.idx.msk [tilespmem:v14+s28+$0x0], $0xffff  }
0x80: {  	v19 =	vshll.u32 v19, $0x4;
	v15 =	vld.idx.msk [tilespmem:v15+s28+$0x0], $0xffff  }
0x81: {  	v19 =	vor.u32 v2, v19;
	v16 =	vld.idx.msk [tilespmem:v16+s28+$0x0], $0xffff  }
0x82: {  	v17 =	vld.idx.msk [tilespmem:v17+s28+$0x0], $0xffff  }
0x83: {  	v10 =	vld.idx.msk [tilespmem:v10+s28+$0x0], $0xffff;
	v13 =	vadd.f32 $0.0e+00, v13;
	v11 =	vadd.f32 $0.0e+00, v11  }
0x84: {  	v55 =	vld.idx.msk [tilespmem:v18+s28+$0x0], $0xffff  }
0x85: {  	v13 =	vadd.f32 v14, v13;
	v11 =	vadd.f32 v15, v11  }
0x86: {  	v56 =	vld.idx.msk [tilespmem:v19+s28+$0x0], $0xffff;
	v57 =	vadd.f32 $0.0e+00, v16  }
0x87: {  	v12 =	vadd.f32 v12, v13;
	v11 =	vadd.f32 v17, v11  }
0x88: {  	v10 =	vadd.f32 $0.0e+00, v10  }
0x89: {  	v14 =	vadd.f32 v55, v57;
	v11 =	vadd.f32 v11, v12  }
0x8a: {  	v6 =	vadd.f32 v6, v7;
	v58 =	vadd.f32 v9, v8  }
0x8b: {  	s22 =	sadd.s32 $0xA0, s29;
	v59 =	vadd.f32 v56, v10;
	v60 =	vadd.f32 v11, v14  }
0x8c: {  	v61 =	vld [tilespmem:s22+$0xFFFFFF70];
	v6 =	vadd.f32 v58, v6  }
0x8d: {  	v8 =	vadd.f32 v60, v59  }
0x8e: {  	v62 =	vld [tilespmem:s22+$0x0];
	(xrf2) =	vadd.scan.msk.f32 $0xffff, v6  }
0x8f: {  	(xrf2) =	vadd.scan.msk.f32 $0xffff, v8  }
0x90: {  	v5 =	vperm.xlane v5, v1  }
0x91: {  	v63 =	vperm.xlane v61, v1  }
0x92: {  	vm1 =	veq.s32 v5, v4  }
0x93: {  	vm1 =	vmand vm1, vm0;
	vm2 =	veq.s32 v63, v62  }
0x94: {  	vm2 =	vmand vm2, vm0;
	_ =	sdelay $0x1  }
.Ltmp2:
0x95: {  	_ = 	snop;
	(pc) =	sbr.rel .LBB2_6-.Ltmp2, $4  }
0x96: {  	_ = 	snop  }
0x97: {  	v5, _, _ =	vpop (xrf2)  }
0x98: {  	[tilespmem:v4+s18+$0x0] =	vst.idx.add.f32.msk vm1, v5;
	v4, _, _ =	vpop (xrf2)  }
0x99: {  	s29 =	simm.s32 $0x0;
	[tilespmem:v62+s18+$0x0] =	vst.idx.add.f32.msk vm2, v4  }
.LBB2_10:
0x9a: {  	s29 =	sadd.s32 $0x1, s29  }
0x9b: {  	p0 =	sne.s32 s29, $0x8  }
.Ltmp3:
0x9c: {  	_ = 	snop;
	(pc) =	sbr.rel @!p0 .LBB2_11-.Ltmp3, $2  }
0x9d: {  	_ =	sdelay $0x2  }
0x9e: {  	s28 =	sadd.s32 $0x10, s28  }
.LBB2_6:
0x9f: {  	s22 =	sshll.u32 s29, $0x4  }
0xa0: {  	v4 =	vor.u32 s22, v2  }
0xa1: {  	v5 =	vmin.u32 v4, $0x7C  }
0xa2: {  	v5 =	vmul.u32 $0xA0, v5;
	_ =	sdelay $0x1  }
0xa3: {  	v6 =	vadd.s32 $0x9F, v5;
	_ =	sdelay $0x3  }
0xa4: {  	v5 =	vld.idx.msk [tilespmem:v5+s12+$0x0], $0xffff  }
0xa5: {  	v6 =	vld.idx.msk [tilespmem:v6+s12+$0x0], $0xffff;
	_ =	sdelay $0x4  }
0xa6: {  	vm1 =	vlt.u32 v4, $0x7D;
	vm2 =	vne.s32 v5, v6  }
0xa7: {  	vm1 =	vmand vm1, vm2  }
0xa8: {  	v4 =	vsel vm1, $0x3F800000, v0  }
0xa9: {  	(xrf0) =	vmax.scan.msk.f32 $0xffff, v4;
	_ =	sdelay $0x5  }
0xaa: {  	v4, _, _ =	vpop (xrf0)  }
0xab: {  	(v2sf) =	vpush v4, $0xF;
	_ =	sdelay $0xe  }
0xac: {  	s31 =	spop (v2sf)  }
0xad: {  	p0 =	sgt.f32 s31, $0.0e+00  }
.Ltmp4:
0xae: {  	_ = 	snop;
	(pc) =	sbr.rel @!p0 .LBB2_10-.Ltmp4, $1  }
0xaf: {  	_ =	sdelay $0x3  }
.LBB2_7:
0xb0: {  	v8 =	vmctz.xlane vm1;
	_ =	sdelay $0x1  }
0xb1: {  	(v2sf) =	vpush v8, $0x0;
	_ =	sdelay $0xe  }
0xb2: {  	s22 =	spop (v2sf)  }
0xb3: {  	s22 =	sadd.s32 s22, s28  }
0xb4: {  	s22 =	smul.u32 $0x280, s22;
	_ =	sdelay $0x1  }
0xb5: {  	s22 =	sshra.s32 s22, $0x2  }
0xb6: {  	s30 =	sadd.s32 $0x800, s22  }
0xb7: {  	v9 =	vmov s30;
	_ =	sdelay $0x3  }
0xb8: {  	s30 =	simm.s32 $0x0  }
0xb9: {  	v4 =	vld.idx.msk [tilespmem:v9+s30+$0x0 ss:$0x1], $0xffff;
	_ =	sdelay $0x4  }
0xba: {  	v4 =	vshll.u32 v4, $0x4  }
0xbb: {  	s31 =	simm.s32 $0x10;
	v7 =	vor.u32 v2, v4  }
0xbc: {  	v5 =	vld.idx.msk [tilespmem:v9+s31+$0x0 ss:$0x1], $0xffff  }
0xbd: {  	s22 =	sadd.s32 $0x5680, s22  }
0xbe: {  	v6 =	vmov s22;
	_ =	sdelay $0x1  }
0xbf: {  	v7 =	vld.idx.msk [tilespmem:v7+s1+$0x0], $0xffff  }
0xc0: {  	v5 =	vshll.u32 v5, $0x4  }
0xc1: {  	v10 =	vor.u32 v2, v5  }
0xc2: {  	v4 =	vld.idx.msk [tilespmem:v6+s30+$0x0 ss:$0x1], $0xffff;
	s30 =	simm.s32 $0x20  }
0xc3: {  	v11 =	vld.idx.msk [tilespmem:v9+s30+$0x0 ss:$0x1], $0xffff  }
0xc4: {  	(xrf2) =	vadd.scan.msk.f32 $0xffff, v7;
	_ =	sdelay $0x1  }
0xc5: {  	v10 =	vld.idx.msk [tilespmem:v10+s1+$0x0], $0xffff  }
0xc6: {  	v5 =	vperm.xlane v4, v3;
	v7 =	vld.idx.msk [tilespmem:v6+s31+$0x0 ss:$0x1], $0xffff  }
0xc7: {  	v11 =	vshll.u32 v11, $0x4  }
0xc8: {  	s22 =	simm.s32 $0x100;
	v11 =	vor.u32 v2, v11;
	vm2 =	vne.s32 v4, v5;
	s31 =	simm.s32 $0x30  }
.LBB2_8:
0xc9: {  	p0 =	sne.s32 s22, $0x240;
	v12 =	vld.idx.msk [tilespmem:v9+s31+$0x0 ss:$0x1], $0xffff;
	vm3 =	vmor vm2, vm0;
	_ =	sdelay $0x1  }
0xca: {  	(xrf2) =	vadd.scan.msk.f32 $0xffff, v10;
	v13 =	vmov v7  }
.Ltmp5:
0xcb: {  	(pc) =	sbr.rel @p0 .LBB2_8-.Ltmp5, $4  }
0xcc: {  	v10 =	vld.idx.msk [tilespmem:v11+s1+$0x0], $0xffff;
	v11, _, _ =	vpop (xrf2)  }
0xcd: {  	v14 =	vperm.xlane v13, v3;
	v7 =	vld.idx.msk [tilespmem:v6+s30+$0x0 ss:$0x1], $0xffff;
	v15 =	vsub.f32 $0.0e+00, v11;
	s30 =	smov.u32 s31  }
0xce: {  	v12 =	vshll.u32 v12, $0x4;
	[tilespmem:v4+s18+$0x0] =	vst.idx.add.f32.msk vm3, v11;
	v4 =	vmov v13  }
0xcf: {  	s31 =	sshra.s32 s22, $0x2;
	s22 =	sadd.s32 $0x40, s22;
	v11 =	vor.u32 v2, v12;
	[tilespmem:v5+s18+$0x0] =	vst.idx.add.f32.msk vm2, v15;
	vm2 =	vne.s32 v4, v14;
	v5 =	vmov v14  }
0xd0: {  	v8 =	vbroadcast v8, $0x0;
	_ =	sdelay $0x1  }
0xd1: {  	vm3 =	vne.s32 v8, v2  }
0xd2: {  	vm1 =	vmand vm1, vm3  }
0xd3: {  	v9 =	vld.idx.msk [tilespmem:v9+s31+$0x0 ss:$0x1], $0xffff;
	v55 =	vsel vm1, $0x3F800000, v0  }
0xd4: {  	(xrf0) =	vmax.scan.msk.f32 $0xffff, v55;
	_ =	sdelay $0x3  }
0xd5: {  	v56 =	vshll.u32 v9, $0x4  }
0xd6: {  	v8 =	vor.u32 v2, v56  }
0xd7: {  	v58, _, _ =	vpop (xrf0)  }
0xd8: {  	(v2sf) =	vpush v58, $0xF  }
0xd9: {  	v57 =	vld.idx.msk [tilespmem:v11+s1+$0x0], $0xffff;
	_ =	sdelay $0x1  }
0xda: {  	v8 =	vld.idx.msk [tilespmem:v8+s1+$0x0], $0xffff  }
0xdb: {  	v59 =	vld.idx.msk [tilespmem:v6+s30+$0x0 ss:$0x1], $0xffff;
	(xrf2) =	vadd.scan.msk.f32 $0xffff, v10;
	_ =	sdelay $0x1  }
0xdc: {  	v60 =	vld.idx.msk [tilespmem:v6+s31+$0x0 ss:$0x1], $0xffff;
	(xrf2) =	vadd.scan.msk.f32 $0xffff, v57  }
0xdd: {  	v61 =	vperm.xlane v7, v3  }
0xde: {  	vm3 =	vmor vm2, vm0;
	(xrf2) =	vadd.scan.msk.f32 $0xffff, v8  }
0xdf: {  	vm4 =	vne.s32 v7, v61;
	v62 =	vperm.xlane v59, v3  }
0xe0: {  	vm5 =	vmor vm4, vm0  }
0xe1: {  	v63 =	vperm.xlane v60, v3;
	vm6 =	vne.s32 v59, v62  }
0xe2: {  	v12, _, _ =	vpop (xrf2);
	vm7 =	vmor vm6, vm0  }
0xe3: {  	v13 =	vsub.f32 $0.0e+00, v12;
	vm8 =	vne.s32 v60, v63  }
0xe4: {  	[tilespmem:v4+s18+$0x0] =	vst.idx.add.f32.msk vm3, v12;
	vm3 =	vmor vm8, vm0;
	v14, _, _ =	vpop (xrf2)  }
0xe5: {  	[tilespmem:v5+s18+$0x0] =	vst.idx.add.f32.msk vm2, v13;
	v4 =	vsub.f32 $0.0e+00, v14;
	s22 =	spop (v2sf)  }
0xe6: {  	[tilespmem:v7+s18+$0x0] =	vst.idx.add.f32.msk vm5, v14;
	v5, _, _ =	vpop (xrf2);
	p0 =	sgt.f32 s22, $0.0e+00  }
.Ltmp6:
0xe7: {  	[tilespmem:v61+s18+$0x0] =	vst.idx.add.f32.msk vm4, v4;
	v4 =	vsub.f32 $0.0e+00, v5;
	(pc) =	sbr.rel @p0 .LBB2_7-.Ltmp6, $4  }
.Ltmp7:
0xe8: {  	[tilespmem:v59+s18+$0x0] =	vst.idx.add.f32.msk vm7, v5;
	v5, _, _ =	vpop (xrf2);
	(pc) =	sbr.rel @!p0 .LBB2_10-.Ltmp7, $4  }
0xe9: {  	[tilespmem:v62+s18+$0x0] =	vst.idx.add.f32.msk vm6, v4;
	v4 =	vsub.f32 $0.0e+00, v5  }
0xea: {  	[tilespmem:v60+s18+$0x0] =	vst.idx.add.f32.msk vm3, v5  }
0xeb: {  	[tilespmem:v63+s18+$0x0] =	vst.idx.add.f32.msk vm8, v4  }
0xec: {  	_ = 	snop  }
.LBB2_11:
0xed: {  	s28 =	simm.s32 $0x0;
	s22 =	rddreg [dreg:$0xa]  }
0xee: {  	[tilespmem:s11], [sflag:$0x1] =	stream.linear.gather [hbm4b:s22+s28], $0x4E20, $0x38;
	[tilespmem:$0x17300] =	vst v63  }
0xef: {  	s22 =	rddreg [dreg:$0xb]  }
0xf0: {  	[tilespmem:s12], [sflag:$0x2] =	stream.linear.gather [hbm4b:s22+s28], $0x4E20, $0x38;
	[tilespmem:$0x17300] =	vst v63  }
0xf1: {  	_ =	swait.ge [sflag:s19], $0x4E20  }
0xf2: {  	[sflag:s19] =	ssyncset.done $0x0  }
0xf3: {  	[sflag:s19] =	ssyncadd.s32 $0xFFFFB1E0  }
0xf4: {  	_ =	swait.ge [sflag:s20], $0x4E20  }
0xf5: {  	[sflag:s20] =	ssyncset.done $0x0  }
0xf6: {  	s22 =	sand.u32 $0x7FE0, s28;
	[sflag:s20] =	ssyncadd.s32 $0xFFFFB1E0  }
0xf7: {  	s30 =	simm.s32 $0xA550;
	v4 =	vld [tilespmem:s22+$0xA580]  }
0xf8: {  	v5 =	vld [tilespmem:s30+$0xFFFFFFE0]  }
0xf9: {  	v6 =	vld [tilespmem:s30+$0xFFFFFFB0]  }
0xfa: {  	v7 =	vld [tilespmem:s30+$0xFFFFFFC0];
	_ =	sdelay $0x1  }
0xfb: {  	v8 =	vld [tilespmem:s30+$0xFFFFFFF0]  }
0xfc: {  	v9 =	vld [tilespmem:s30+$0x0];
	v4 =	vshll.u32 v4, $0x4  }
0xfd: {  	v10 =	vld [tilespmem:s30+$0xFFFFFFD0];
	v5 =	vshll.u32 v5, $0x4;
	v11 =	vor.u32 v2, v4  }
0xfe: {  	v7 =	vshll.u32 v7, $0x4;
	v4 =	vshll.u32 v6, $0x4;
	v5 =	vor.u32 v2, v5;
	v6 =	vld [tilespmem:s30+$0x40]  }
0xff: {  	v13 =	vld [tilespmem:s30+$0x10];
	v7 =	vor.u32 v2, v7  }
0x100: {  	s29 =	simm.s32 $0xF410;
	v14 =	vld [tilespmem:s30+$0x20];
	v8 =	vshll.u32 v8, $0x4;
	v12 =	vor.u32 v2, v4  }
0x101: {  	v9 =	vshll.u32 v9, $0x4;
	v8 =	vor.u32 v2, v8;
	v4 =	vld [tilespmem:s29+$0x0]  }
0x102: {  	v10 =	vshll.u32 v10, $0x4;
	v9 =	vor.u32 v2, v9;
	v11 =	vld.idx.msk [tilespmem:v11+s28+$0x0], $0xffff  }
0x103: {  	v10 =	vor.u32 v2, v10;
	v15 =	vld.idx.msk [tilespmem:v5+s28+$0x0], $0xffff;
	v5 =	vshll.u32 v6, $0x4  }
0x104: {  	v7 =	vld.idx.msk [tilespmem:v7+s28+$0x0], $0xffff;
	v5 =	vor.u32 v2, v5  }
0x105: {  	v6 =	vld.idx.msk [tilespmem:v12+s28+$0x0], $0xffff;
	v12 =	vshll.u32 v13, $0x4  }
0x106: {  	v8 =	vld.idx.msk [tilespmem:v8+s28+$0x0], $0xffff;
	v12 =	vor.u32 v2, v12  }
0x107: {  	v9 =	vld.idx.msk [tilespmem:v9+s28+$0x0], $0xffff;
	v13 =	vshll.u32 v14, $0x4  }
0x108: {  	v10 =	vld.idx.msk [tilespmem:v10+s28+$0x0], $0xffff;
	v13 =	vor.u32 v2, v13  }
0x109: {  	v14 =	vld.idx.msk [tilespmem:v5+s28+$0x0], $0xffff  }
0x10a: {  	s22 =	simm.s32 $0xA0;
	v7 =	vadd.f32 $0.0e+00, v7;
	v6 =	vadd.f32 $0.0e+00, v6;
	v5 =	vld [tilespmem:s29+$0xFFFFFF70]  }
0x10b: {  	s22 =	sand.u32 $0x7FE0, s22;
	v16 =	vld.idx.msk [tilespmem:v12+s28+$0x0], $0xffff  }
0x10c: {  	v7 =	vadd.f32 v9, v7;
	v12 =	vld [tilespmem:s22+$0xA580];
	v8 =	vadd.f32 v8, v6  }
0x10d: {  	s30 =	simm.s32 $0xA5F0;
	v9 =	vadd.f32 $0.0e+00, v10;
	v6 =	vld.idx.msk [tilespmem:v13+s28+$0x0], $0xffff  }
0x10e: {  	v10 =	vld [tilespmem:s30+$0xFFFFFFE0];
	v17 =	vadd.f32 v11, v8;
	v14 =	vadd.f32 v14, v7  }
0x10f: {  	v13 =	vld [tilespmem:s30+$0xFFFFFFB0];
	v7 =	vadd.f32 $0.0e+00, v15  }
0x110: {  	s31 =	simm.s32 $0x140;
	v11 =	vld [tilespmem:s30+$0xFFFFFFC0];
	v8 =	vadd.f32 v16, v9;
	v9 =	vadd.f32 v14, v17  }
.LBB2_12:
0x111: {  	p0 =	sne.s32 s31, $0x4D80;
	v14 =	vld [tilespmem:s30+$0xFFFFFFF0]  }
0x112: {  	v6 =	vadd.f32 v6, v7;
	v15 =	vld [tilespmem:s30+$0x0];
	v12 =	vshll.u32 v12, $0x4;
	v7 =	vadd.f32 v9, v8  }
0x113: {  	v8 =	vld [tilespmem:s30+$0xFFFFFFD0];
	v9 =	vshll.u32 v10, $0x4;
	v10 =	vor.u32 v2, v12  }
0x114: {  	v12 =	vshll.u32 v13, $0x4;
	v9 =	vor.u32 v2, v9;
	v13 =	vld [tilespmem:s30+$0x40];
	v6 =	vadd.f32 v7, v6  }
0x115: {  	s29 =	sadd.s32 $0xA0, s29;
	v7 =	vor.u32 v2, v12;
	v11 =	vshll.u32 v11, $0x4;
	v12 =	vld [tilespmem:s30+$0x10]  }
0x116: {  	v16 =	vld [tilespmem:s29+$0x0];
	v11 =	vor.u32 v2, v11;
	v14 =	vshll.u32 v14, $0x4;
	(xrf2) =	vadd.scan.msk.f32 $0xffff, v6  }
0x117: {  	v6 =	vor.u32 v2, v14;
	v14 =	vshll.u32 v15, $0x4;
	v15 =	vld [tilespmem:s30+$0x20]  }
0x118: {  	v5 =	vperm.xlane v5, v1;
	v8 =	vshll.u32 v8, $0x4;
	v14 =	vor.u32 v2, v14;
	v17 =	vld.idx.msk [tilespmem:v10+s28+$0x0], $0xffff  }
0x119: {  	v8 =	vor.u32 v2, v8;
	v9 =	vld.idx.msk [tilespmem:v9+s28+$0x0], $0xffff;
	v10 =	vshll.u32 v13, $0x4  }
0x11a: {  	vm1 =	veq.s32 v5, v4;
	v7 =	vld.idx.msk [tilespmem:v7+s28+$0x0], $0xffff;
	v12 =	vshll.u32 v12, $0x4;
	v10 =	vor.u32 v2, v10  }
0x11b: {  	vm1 =	vmand vm1, vm0;
	v5 =	vld.idx.msk [tilespmem:v11+s28+$0x0], $0xffff;
	v11 =	vor.u32 v2, v12  }
0x11c: {  	v6 =	vld.idx.msk [tilespmem:v6+s28+$0x0], $0xffff  }
0x11d: {  	v13 =	vshll.u32 v15, $0x4;
	v12 =	vld.idx.msk [tilespmem:v14+s28+$0x0], $0xffff  }
0x11e: {  	v13 =	vor.u32 v2, v13;
	v8 =	vld.idx.msk [tilespmem:v8+s28+$0x0], $0xffff  }
0x11f: {  	v14 =	vld.idx.msk [tilespmem:v10+s28+$0x0], $0xffff  }
0x120: {  	v15 =	vld.idx.msk [tilespmem:v11+s28+$0x0], $0xffff;
	v10, _, _ =	vpop (xrf2)  }
0x121: {  	v7 =	vadd.f32 $0.0e+00, v7;
	v11 =	vadd.f32 $0.0e+00, v5;
	[tilespmem:v4+s18+$0x0] =	vst.idx.add.f32.msk vm1, v10;
	v4 =	vmov v16  }
0x122: {  	v5 =	vld [tilespmem:s29+$0xFFFFFF70]  }
.Ltmp8:
0x123: {  	s22 =	sand.u32 $0x7FE0, s31;
	v7 =	vadd.f32 v6, v7;
	v11 =	vadd.f32 v12, v11;
	v6 =	vld.idx.msk [tilespmem:v13+s28+$0x0], $0xffff;
	(pc) =	sbr.rel @p0 .LBB2_12-.Ltmp8, $4  }
0x124: {  	s30 =	sadd.s32 $0xA0, s30;
	v8 =	vadd.f32 $0.0e+00, v8;
	v12 =	vld [tilespmem:s22+$0xA580]  }
0x125: {  	v16 =	vadd.f32 v17, v7;
	v14 =	vadd.f32 v14, v11;
	v10 =	vld [tilespmem:s30+$0xFFFFFFE0]  }
0x126: {  	v7 =	vadd.f32 $0.0e+00, v9;
	v13 =	vld [tilespmem:s30+$0xFFFFFFB0]  }
0x127: {  	s31 =	sadd.s32 $0xA0, s31;
	v8 =	vadd.f32 v15, v8;
	v9 =	vadd.f32 v14, v16;
	v11 =	vld [tilespmem:s30+$0xFFFFFFC0]  }
0x128: {  	v14 =	vld [tilespmem:s30+$0xFFFFFFF0]  }
0x129: {  	v15 =	vld [tilespmem:s30+$0x0]  }
0x12a: {  	v16 =	vld [tilespmem:s30+$0xFFFFFFD0];
	v12 =	vshll.u32 v12, $0x4  }
0x12b: {  	v17 =	vld [tilespmem:s30+$0x40];
	v12 =	vor.u32 v2, v12;
	v13 =	vshll.u32 v13, $0x4  }
0x12c: {  	v13 =	vor.u32 v2, v13;
	v11 =	vshll.u32 v11, $0x4  }
0x12d: {  	v18 =	vld [tilespmem:s30+$0x10];
	v11 =	vor.u32 v2, v11;
	v14 =	vshll.u32 v14, $0x4  }
0x12e: {  	v15 =	vshll.u32 v15, $0x4;
	v14 =	vor.u32 v2, v14  }
0x12f: {  	v19 =	vld [tilespmem:s30+$0x20];
	v16 =	vshll.u32 v16, $0x4;
	v15 =	vor.u32 v2, v15  }
0x130: {  	v17 =	vshll.u32 v17, $0x4;
	v16 =	vor.u32 v2, v16;
	v12 =	vld.idx.msk [tilespmem:v12+s28+$0x0], $0xffff  }
0x131: {  	v10 =	vshll.u32 v10, $0x4;
	v17 =	vor.u32 v2, v17;
	v13 =	vld.idx.msk [tilespmem:v13+s28+$0x0], $0xffff  }
0x132: {  	v10 =	vor.u32 v2, v10;
	v18 =	vshll.u32 v18, $0x4;
	v11 =	vld.idx.msk [tilespmem:v11+s28+$0x0], $0xffff  }
0x133: {  	v18 =	vor.u32 v2, v18;
	v14 =	vld.idx.msk [tilespmem:v14+s28+$0x0], $0xffff  }
0x134: {  	v19 =	vshll.u32 v19, $0x4;
	v15 =	vld.idx.msk [tilespmem:v15+s28+$0x0], $0xffff  }
0x135: {  	v19 =	vor.u32 v2, v19;
	v16 =	vld.idx.msk [tilespmem:v16+s28+$0x0], $0xffff  }
0x136: {  	v17 =	vld.idx.msk [tilespmem:v17+s28+$0x0], $0xffff  }
0x137: {  	v10 =	vld.idx.msk [tilespmem:v10+s28+$0x0], $0xffff;
	v13 =	vadd.f32 $0.0e+00, v13;
	v11 =	vadd.f32 $0.0e+00, v11  }
0x138: {  	v55 =	vld.idx.msk [tilespmem:v18+s28+$0x0], $0xffff  }
0x139: {  	v13 =	vadd.f32 v14, v13;
	v11 =	vadd.f32 v15, v11  }
0x13a: {  	v56 =	vld.idx.msk [tilespmem:v19+s28+$0x0], $0xffff;
	v57 =	vadd.f32 $0.0e+00, v16  }
0x13b: {  	v12 =	vadd.f32 v12, v13;
	v11 =	vadd.f32 v17, v11  }
0x13c: {  	v10 =	vadd.f32 $0.0e+00, v10  }
0x13d: {  	v14 =	vadd.f32 v55, v57;
	v11 =	vadd.f32 v11, v12  }
0x13e: {  	v6 =	vadd.f32 v6, v7;
	v58 =	vadd.f32 v9, v8  }
0x13f: {  	s22 =	sadd.s32 $0xA0, s29;
	v59 =	vadd.f32 v56, v10;
	v60 =	vadd.f32 v11, v14  }
0x140: {  	v61 =	vld [tilespmem:s22+$0xFFFFFF70];
	v6 =	vadd.f32 v58, v6  }
0x141: {  	v8 =	vadd.f32 v60, v59  }
0x142: {  	v62 =	vld [tilespmem:s22+$0x0];
	(xrf2) =	vadd.scan.msk.f32 $0xffff, v6  }
0x143: {  	(xrf2) =	vadd.scan.msk.f32 $0xffff, v8  }
0x144: {  	v5 =	vperm.xlane v5, v1  }
0x145: {  	v63 =	vperm.xlane v61, v1  }
0x146: {  	vm1 =	veq.s32 v5, v4  }
0x147: {  	vm1 =	vmand vm1, vm0;
	vm2 =	veq.s32 v63, v62  }
0x148: {  	vm2 =	vmand vm2, vm0;
	_ =	sdelay $0x1  }
.Ltmp9:
0x149: {  	_ = 	snop;
	(pc) =	sbr.rel .LBB2_14-.Ltmp9, $4  }
0x14a: {  	_ = 	snop  }
0x14b: {  	v5, _, _ =	vpop (xrf2)  }
0x14c: {  	[tilespmem:v4+s18+$0x0] =	vst.idx.add.f32.msk vm1, v5;
	v4, _, _ =	vpop (xrf2)  }
0x14d: {  	s29 =	simm.s32 $0x0;
	[tilespmem:v62+s18+$0x0] =	vst.idx.add.f32.msk vm2, v4  }
.LBB2_18:
0x14e: {  	s29 =	sadd.s32 $0x1, s29  }
0x14f: {  	p0 =	sne.s32 s29, $0x8  }
.Ltmp10:
0x150: {  	_ = 	snop;
	(pc) =	sbr.rel @!p0 .LBB2_19-.Ltmp10, $2  }
0x151: {  	_ =	sdelay $0x2  }
0x152: {  	s28 =	sadd.s32 $0x10, s28  }
.LBB2_14:
0x153: {  	s22 =	sshll.u32 s29, $0x4  }
0x154: {  	v4 =	vor.u32 s22, v2  }
0x155: {  	v5 =	vmin.u32 v4, $0x7C  }
0x156: {  	v5 =	vmul.u32 $0xA0, v5;
	_ =	sdelay $0x1  }
0x157: {  	v6 =	vadd.s32 $0x9F, v5;
	_ =	sdelay $0x3  }
0x158: {  	v5 =	vld.idx.msk [tilespmem:v5+s14+$0x0], $0xffff  }
0x159: {  	v6 =	vld.idx.msk [tilespmem:v6+s14+$0x0], $0xffff;
	_ =	sdelay $0x4  }
0x15a: {  	vm1 =	vlt.u32 v4, $0x7D;
	vm2 =	vne.s32 v5, v6  }
0x15b: {  	vm1 =	vmand vm1, vm2  }
0x15c: {  	v4 =	vsel vm1, $0x3F800000, v0  }
0x15d: {  	(xrf0) =	vmax.scan.msk.f32 $0xffff, v4;
	_ =	sdelay $0x5  }
0x15e: {  	v4, _, _ =	vpop (xrf0)  }
0x15f: {  	(v2sf) =	vpush v4, $0xF;
	_ =	sdelay $0xe  }
0x160: {  	s31 =	spop (v2sf)  }
0x161: {  	p0 =	sgt.f32 s31, $0.0e+00  }
.Ltmp11:
0x162: {  	_ = 	snop;
	(pc) =	sbr.rel @!p0 .LBB2_18-.Ltmp11, $1  }
0x163: {  	_ =	sdelay $0x3  }
.LBB2_15:
0x164: {  	v8 =	vmctz.xlane vm1;
	_ =	sdelay $0x1  }
0x165: {  	(v2sf) =	vpush v8, $0x0;
	_ =	sdelay $0xe  }
0x166: {  	s22 =	spop (v2sf)  }
0x167: {  	s22 =	sadd.s32 s22, s28  }
0x168: {  	s22 =	smul.u32 $0x280, s22;
	_ =	sdelay $0x1  }
0x169: {  	s22 =	sshra.s32 s22, $0x2  }
0x16a: {  	s30 =	sadd.s32 $0xA500, s22  }
0x16b: {  	v9 =	vmov s30;
	_ =	sdelay $0x3  }
0x16c: {  	s30 =	simm.s32 $0x0  }
0x16d: {  	v4 =	vld.idx.msk [tilespmem:v9+s30+$0x0 ss:$0x1], $0xffff;
	_ =	sdelay $0x4  }
0x16e: {  	v4 =	vshll.u32 v4, $0x4  }
0x16f: {  	s31 =	simm.s32 $0x10;
	v7 =	vor.u32 v2, v4  }
0x170: {  	v5 =	vld.idx.msk [tilespmem:v9+s31+$0x0 ss:$0x1], $0xffff  }
0x171: {  	s22 =	sadd.s32 $0xF380, s22  }
0x172: {  	v6 =	vmov s22;
	_ =	sdelay $0x1  }
0x173: {  	v7 =	vld.idx.msk [tilespmem:v7+s1+$0x0], $0xffff  }
0x174: {  	v5 =	vshll.u32 v5, $0x4  }
0x175: {  	v10 =	vor.u32 v2, v5  }
0x176: {  	v4 =	vld.idx.msk [tilespmem:v6+s30+$0x0 ss:$0x1], $0xffff;
	s30 =	simm.s32 $0x20  }
0x177: {  	v11 =	vld.idx.msk [tilespmem:v9+s30+$0x0 ss:$0x1], $0xffff  }
0x178: {  	(xrf2) =	vadd.scan.msk.f32 $0xffff, v7;
	_ =	sdelay $0x1  }
0x179: {  	v10 =	vld.idx.msk [tilespmem:v10+s1+$0x0], $0xffff  }
0x17a: {  	v5 =	vperm.xlane v4, v3;
	v7 =	vld.idx.msk [tilespmem:v6+s31+$0x0 ss:$0x1], $0xffff  }
0x17b: {  	v11 =	vshll.u32 v11, $0x4  }
0x17c: {  	s22 =	simm.s32 $0x100;
	v11 =	vor.u32 v2, v11;
	vm2 =	vne.s32 v4, v5;
	s31 =	simm.s32 $0x30  }
.LBB2_16:
0x17d: {  	p0 =	sne.s32 s22, $0x240;
	v12 =	vld.idx.msk [tilespmem:v9+s31+$0x0 ss:$0x1], $0xffff;
	vm3 =	vmor vm2, vm0;
	_ =	sdelay $0x1  }
0x17e: {  	(xrf2) =	vadd.scan.msk.f32 $0xffff, v10;
	v13 =	vmov v7  }
.Ltmp12:
0x17f: {  	(pc) =	sbr.rel @p0 .LBB2_16-.Ltmp12, $4  }
0x180: {  	v10 =	vld.idx.msk [tilespmem:v11+s1+$0x0], $0xffff;
	v11, _, _ =	vpop (xrf2)  }
0x181: {  	v14 =	vperm.xlane v13, v3;
	v7 =	vld.idx.msk [tilespmem:v6+s30+$0x0 ss:$0x1], $0xffff;
	v15 =	vsub.f32 $0.0e+00, v11;
	s30 =	smov.u32 s31  }
0x182: {  	v12 =	vshll.u32 v12, $0x4;
	[tilespmem:v4+s18+$0x0] =	vst.idx.add.f32.msk vm3, v11;
	v4 =	vmov v13  }
0x183: {  	s31 =	sshra.s32 s22, $0x2;
	s22 =	sadd.s32 $0x40, s22;
	v11 =	vor.u32 v2, v12;
	[tilespmem:v5+s18+$0x0] =	vst.idx.add.f32.msk vm2, v15;
	vm2 =	vne.s32 v4, v14;
	v5 =	vmov v14  }
0x184: {  	v8 =	vbroadcast v8, $0x0;
	_ =	sdelay $0x1  }
0x185: {  	vm3 =	vne.s32 v8, v2  }
0x186: {  	vm1 =	vmand vm1, vm3  }
0x187: {  	v9 =	vld.idx.msk [tilespmem:v9+s31+$0x0 ss:$0x1], $0xffff;
	v55 =	vsel vm1, $0x3F800000, v0  }
0x188: {  	(xrf0) =	vmax.scan.msk.f32 $0xffff, v55;
	_ =	sdelay $0x3  }
0x189: {  	v56 =	vshll.u32 v9, $0x4  }
0x18a: {  	v8 =	vor.u32 v2, v56  }
0x18b: {  	v58, _, _ =	vpop (xrf0)  }
0x18c: {  	(v2sf) =	vpush v58, $0xF  }
0x18d: {  	v57 =	vld.idx.msk [tilespmem:v11+s1+$0x0], $0xffff;
	_ =	sdelay $0x1  }
0x18e: {  	v8 =	vld.idx.msk [tilespmem:v8+s1+$0x0], $0xffff  }
0x18f: {  	v59 =	vld.idx.msk [tilespmem:v6+s30+$0x0 ss:$0x1], $0xffff;
	(xrf2) =	vadd.scan.msk.f32 $0xffff, v10;
	_ =	sdelay $0x1  }
0x190: {  	v60 =	vld.idx.msk [tilespmem:v6+s31+$0x0 ss:$0x1], $0xffff;
	(xrf2) =	vadd.scan.msk.f32 $0xffff, v57  }
0x191: {  	v61 =	vperm.xlane v7, v3  }
0x192: {  	vm3 =	vmor vm2, vm0;
	(xrf2) =	vadd.scan.msk.f32 $0xffff, v8  }
0x193: {  	vm4 =	vne.s32 v7, v61;
	v62 =	vperm.xlane v59, v3  }
0x194: {  	vm5 =	vmor vm4, vm0  }
0x195: {  	v63 =	vperm.xlane v60, v3;
	vm6 =	vne.s32 v59, v62  }
0x196: {  	v12, _, _ =	vpop (xrf2);
	vm7 =	vmor vm6, vm0  }
0x197: {  	v13 =	vsub.f32 $0.0e+00, v12;
	vm8 =	vne.s32 v60, v63  }
0x198: {  	[tilespmem:v4+s18+$0x0] =	vst.idx.add.f32.msk vm3, v12;
	vm3 =	vmor vm8, vm0;
	v14, _, _ =	vpop (xrf2)  }
0x199: {  	[tilespmem:v5+s18+$0x0] =	vst.idx.add.f32.msk vm2, v13;
	v4 =	vsub.f32 $0.0e+00, v14;
	s22 =	spop (v2sf)  }
0x19a: {  	[tilespmem:v7+s18+$0x0] =	vst.idx.add.f32.msk vm5, v14;
	v5, _, _ =	vpop (xrf2);
	p0 =	sgt.f32 s22, $0.0e+00  }
.Ltmp13:
0x19b: {  	[tilespmem:v61+s18+$0x0] =	vst.idx.add.f32.msk vm4, v4;
	v4 =	vsub.f32 $0.0e+00, v5;
	(pc) =	sbr.rel @p0 .LBB2_15-.Ltmp13, $4  }
.Ltmp14:
0x19c: {  	[tilespmem:v59+s18+$0x0] =	vst.idx.add.f32.msk vm7, v5;
	v5, _, _ =	vpop (xrf2);
	(pc) =	sbr.rel @!p0 .LBB2_18-.Ltmp14, $4  }
0x19d: {  	[tilespmem:v62+s18+$0x0] =	vst.idx.add.f32.msk vm6, v4;
	v4 =	vsub.f32 $0.0e+00, v5  }
0x19e: {  	[tilespmem:v60+s18+$0x0] =	vst.idx.add.f32.msk vm3, v5  }
0x19f: {  	[tilespmem:v63+s18+$0x0] =	vst.idx.add.f32.msk vm8, v4  }
0x1a0: {  	_ = 	snop  }
.LBB2_19:
0x1a1: {  	s28 =	simm.s32 $0x0;
	s22 =	rddreg [dreg:$0xc]  }
0x1a2: {  	[tilespmem:s13], [sflag:$0x3] =	stream.linear.gather [hbm4b:s22+s28], $0x4E20, $0x38;
	[tilespmem:$0x17300] =	vst v63  }
0x1a3: {  	s22 =	rddreg [dreg:$0xd]  }
0x1a4: {  	[tilespmem:s14], [sflag:$0x4] =	stream.linear.gather [hbm4b:s22+s28], $0x4E20, $0x38;
	[tilespmem:$0x17300] =	vst v63  }
0x1a5: {  	_ =	swait.ge [sflag:s16], $0x4E20  }
0x1a6: {  	[sflag:s16] =	ssyncset.done $0x0  }
0x1a7: {  	[sflag:s16] =	ssyncadd.s32 $0xFFFFB1E0  }
0x1a8: {  	_ =	swait.ge [sflag:s17], $0x4E20  }
0x1a9: {  	[sflag:s17] =	ssyncset.done $0x0  }
0x1aa: {  	s22 =	sand.u32 $0x7FE0, s28;
	[sflag:s17] =	ssyncadd.s32 $0xFFFFB1E0  }
0x1ab: {  	s30 =	simm.s32 $0x850;
	v4 =	vld [tilespmem:s22+$0x880]  }
0x1ac: {  	v5 =	vld [tilespmem:s30+$0xFFFFFFE0]  }
0x1ad: {  	v6 =	vld [tilespmem:s30+$0xFFFFFFB0]  }
0x1ae: {  	v7 =	vld [tilespmem:s30+$0xFFFFFFC0];
	_ =	sdelay $0x1  }
0x1af: {  	v8 =	vld [tilespmem:s30+$0xFFFFFFF0]  }
0x1b0: {  	v9 =	vld [tilespmem:s30+$0x0];
	v4 =	vshll.u32 v4, $0x4  }
0x1b1: {  	v10 =	vld [tilespmem:s30+$0xFFFFFFD0];
	v5 =	vshll.u32 v5, $0x4;
	v11 =	vor.u32 v2, v4  }
0x1b2: {  	v7 =	vshll.u32 v7, $0x4;
	v4 =	vshll.u32 v6, $0x4;
	v5 =	vor.u32 v2, v5;
	v6 =	vld [tilespmem:s30+$0x40]  }
0x1b3: {  	v13 =	vld [tilespmem:s30+$0x10];
	v7 =	vor.u32 v2, v7  }
0x1b4: {  	s29 =	simm.s32 $0x5710;
	v14 =	vld [tilespmem:s30+$0x20];
	v8 =	vshll.u32 v8, $0x4;
	v12 =	vor.u32 v2, v4  }
0x1b5: {  	v9 =	vshll.u32 v9, $0x4;
	v8 =	vor.u32 v2, v8;
	v4 =	vld [tilespmem:s29+$0x0]  }
0x1b6: {  	v10 =	vshll.u32 v10, $0x4;
	v9 =	vor.u32 v2, v9;
	v11 =	vld.idx.msk [tilespmem:v11+s28+$0x0], $0xffff  }
0x1b7: {  	v10 =	vor.u32 v2, v10;
	v15 =	vld.idx.msk [tilespmem:v5+s28+$0x0], $0xffff;
	v5 =	vshll.u32 v6, $0x4  }
0x1b8: {  	v7 =	vld.idx.msk [tilespmem:v7+s28+$0x0], $0xffff;
	v5 =	vor.u32 v2, v5  }
0x1b9: {  	v6 =	vld.idx.msk [tilespmem:v12+s28+$0x0], $0xffff;
	v12 =	vshll.u32 v13, $0x4  }
0x1ba: {  	v8 =	vld.idx.msk [tilespmem:v8+s28+$0x0], $0xffff;
	v12 =	vor.u32 v2, v12  }
0x1bb: {  	v9 =	vld.idx.msk [tilespmem:v9+s28+$0x0], $0xffff;
	v13 =	vshll.u32 v14, $0x4  }
0x1bc: {  	v10 =	vld.idx.msk [tilespmem:v10+s28+$0x0], $0xffff;
	v13 =	vor.u32 v2, v13  }
0x1bd: {  	v14 =	vld.idx.msk [tilespmem:v5+s28+$0x0], $0xffff  }
0x1be: {  	s22 =	simm.s32 $0xA0;
	v7 =	vadd.f32 $0.0e+00, v7;
	v6 =	vadd.f32 $0.0e+00, v6;
	v5 =	vld [tilespmem:s29+$0xFFFFFF70]  }
0x1bf: {  	s22 =	sand.u32 $0x7FE0, s22;
	v16 =	vld.idx.msk [tilespmem:v12+s28+$0x0], $0xffff  }
0x1c0: {  	v7 =	vadd.f32 v9, v7;
	v12 =	vld [tilespmem:s22+$0x880];
	v8 =	vadd.f32 v8, v6  }
0x1c1: {  	s30 =	simm.s32 $0x8F0;
	v9 =	vadd.f32 $0.0e+00, v10;
	v6 =	vld.idx.msk [tilespmem:v13+s28+$0x0], $0xffff  }
0x1c2: {  	v10 =	vld [tilespmem:s30+$0xFFFFFFE0];
	v17 =	vadd.f32 v11, v8;
	v14 =	vadd.f32 v14, v7  }
0x1c3: {  	v13 =	vld [tilespmem:s30+$0xFFFFFFB0];
	v7 =	vadd.f32 $0.0e+00, v15  }
0x1c4: {  	s31 =	simm.s32 $0x140;
	v11 =	vld [tilespmem:s30+$0xFFFFFFC0];
	v8 =	vadd.f32 v16, v9;
	v9 =	vadd.f32 v14, v17  }
.LBB2_20:
0x1c5: {  	p0 =	sne.s32 s31, $0x4D80;
	v14 =	vld [tilespmem:s30+$0xFFFFFFF0]  }
0x1c6: {  	v6 =	vadd.f32 v6, v7;
	v15 =	vld [tilespmem:s30+$0x0];
	v12 =	vshll.u32 v12, $0x4;
	v7 =	vadd.f32 v9, v8  }
0x1c7: {  	v8 =	vld [tilespmem:s30+$0xFFFFFFD0];
	v9 =	vshll.u32 v10, $0x4;
	v10 =	vor.u32 v2, v12  }
0x1c8: {  	v12 =	vshll.u32 v13, $0x4;
	v9 =	vor.u32 v2, v9;
	v13 =	vld [tilespmem:s30+$0x40];
	v6 =	vadd.f32 v7, v6  }
0x1c9: {  	s29 =	sadd.s32 $0xA0, s29;
	v7 =	vor.u32 v2, v12;
	v11 =	vshll.u32 v11, $0x4;
	v12 =	vld [tilespmem:s30+$0x10]  }
0x1ca: {  	v16 =	vld [tilespmem:s29+$0x0];
	v11 =	vor.u32 v2, v11;
	v14 =	vshll.u32 v14, $0x4;
	(xrf2) =	vadd.scan.msk.f32 $0xffff, v6  }
0x1cb: {  	v6 =	vor.u32 v2, v14;
	v14 =	vshll.u32 v15, $0x4;
	v15 =	vld [tilespmem:s30+$0x20]  }
0x1cc: {  	v5 =	vperm.xlane v5, v1;
	v8 =	vshll.u32 v8, $0x4;
	v14 =	vor.u32 v2, v14;
	v17 =	vld.idx.msk [tilespmem:v10+s28+$0x0], $0xffff  }
0x1cd: {  	v8 =	vor.u32 v2, v8;
	v9 =	vld.idx.msk [tilespmem:v9+s28+$0x0], $0xffff;
	v10 =	vshll.u32 v13, $0x4  }
0x1ce: {  	vm1 =	veq.s32 v5, v4;
	v7 =	vld.idx.msk [tilespmem:v7+s28+$0x0], $0xffff;
	v12 =	vshll.u32 v12, $0x4;
	v10 =	vor.u32 v2, v10  }
0x1cf: {  	vm1 =	vmand vm1, vm0;
	v5 =	vld.idx.msk [tilespmem:v11+s28+$0x0], $0xffff;
	v11 =	vor.u32 v2, v12  }
0x1d0: {  	v6 =	vld.idx.msk [tilespmem:v6+s28+$0x0], $0xffff  }
0x1d1: {  	v13 =	vshll.u32 v15, $0x4;
	v12 =	vld.idx.msk [tilespmem:v14+s28+$0x0], $0xffff  }
0x1d2: {  	v13 =	vor.u32 v2, v13;
	v8 =	vld.idx.msk [tilespmem:v8+s28+$0x0], $0xffff  }
0x1d3: {  	v14 =	vld.idx.msk [tilespmem:v10+s28+$0x0], $0xffff  }
0x1d4: {  	v15 =	vld.idx.msk [tilespmem:v11+s28+$0x0], $0xffff;
	v10, _, _ =	vpop (xrf2)  }
0x1d5: {  	v7 =	vadd.f32 $0.0e+00, v7;
	v11 =	vadd.f32 $0.0e+00, v5;
	[tilespmem:v4+s18+$0x0] =	vst.idx.add.f32.msk vm1, v10;
	v4 =	vmov v16  }
0x1d6: {  	v5 =	vld [tilespmem:s29+$0xFFFFFF70]  }
.Ltmp15:
0x1d7: {  	s22 =	sand.u32 $0x7FE0, s31;
	v7 =	vadd.f32 v6, v7;
	v11 =	vadd.f32 v12, v11;
	v6 =	vld.idx.msk [tilespmem:v13+s28+$0x0], $0xffff;
	(pc) =	sbr.rel @p0 .LBB2_20-.Ltmp15, $4  }
0x1d8: {  	s30 =	sadd.s32 $0xA0, s30;
	v8 =	vadd.f32 $0.0e+00, v8;
	v12 =	vld [tilespmem:s22+$0x880]  }
0x1d9: {  	v16 =	vadd.f32 v17, v7;
	v14 =	vadd.f32 v14, v11;
	v10 =	vld [tilespmem:s30+$0xFFFFFFE0]  }
0x1da: {  	v7 =	vadd.f32 $0.0e+00, v9;
	v13 =	vld [tilespmem:s30+$0xFFFFFFB0]  }
0x1db: {  	s31 =	sadd.s32 $0xA0, s31;
	v8 =	vadd.f32 v15, v8;
	v9 =	vadd.f32 v14, v16;
	v11 =	vld [tilespmem:s30+$0xFFFFFFC0]  }
0x1dc: {  	v14 =	vld [tilespmem:s30+$0xFFFFFFF0]  }
0x1dd: {  	v15 =	vld [tilespmem:s30+$0x0]  }
0x1de: {  	v16 =	vld [tilespmem:s30+$0xFFFFFFD0];
	v12 =	vshll.u32 v12, $0x4  }
0x1df: {  	v17 =	vld [tilespmem:s30+$0x40];
	v12 =	vor.u32 v2, v12;
	v13 =	vshll.u32 v13, $0x4  }
0x1e0: {  	v13 =	vor.u32 v2, v13;
	v11 =	vshll.u32 v11, $0x4  }
0x1e1: {  	v18 =	vld [tilespmem:s30+$0x10];
	v11 =	vor.u32 v2, v11;
	v14 =	vshll.u32 v14, $0x4  }
0x1e2: {  	v15 =	vshll.u32 v15, $0x4;
	v14 =	vor.u32 v2, v14  }
0x1e3: {  	v19 =	vld [tilespmem:s30+$0x20];
	v16 =	vshll.u32 v16, $0x4;
	v15 =	vor.u32 v2, v15  }
0x1e4: {  	v17 =	vshll.u32 v17, $0x4;
	v16 =	vor.u32 v2, v16;
	v12 =	vld.idx.msk [tilespmem:v12+s28+$0x0], $0xffff  }
0x1e5: {  	v10 =	vshll.u32 v10, $0x4;
	v17 =	vor.u32 v2, v17;
	v13 =	vld.idx.msk [tilespmem:v13+s28+$0x0], $0xffff  }
0x1e6: {  	v10 =	vor.u32 v2, v10;
	v18 =	vshll.u32 v18, $0x4;
	v11 =	vld.idx.msk [tilespmem:v11+s28+$0x0], $0xffff  }
0x1e7: {  	v18 =	vor.u32 v2, v18;
	v14 =	vld.idx.msk [tilespmem:v14+s28+$0x0], $0xffff  }
0x1e8: {  	v19 =	vshll.u32 v19, $0x4;
	v15 =	vld.idx.msk [tilespmem:v15+s28+$0x0], $0xffff  }
0x1e9: {  	v19 =	vor.u32 v2, v19;
	v16 =	vld.idx.msk [tilespmem:v16+s28+$0x0], $0xffff  }
0x1ea: {  	v17 =	vld.idx.msk [tilespmem:v17+s28+$0x0], $0xffff  }
0x1eb: {  	v10 =	vld.idx.msk [tilespmem:v10+s28+$0x0], $0xffff;
	v13 =	vadd.f32 $0.0e+00, v13;
	v11 =	vadd.f32 $0.0e+00, v11  }
0x1ec: {  	v55 =	vld.idx.msk [tilespmem:v18+s28+$0x0], $0xffff  }
0x1ed: {  	v13 =	vadd.f32 v14, v13;
	v11 =	vadd.f32 v15, v11  }
0x1ee: {  	v56 =	vld.idx.msk [tilespmem:v19+s28+$0x0], $0xffff;
	v57 =	vadd.f32 $0.0e+00, v16  }
0x1ef: {  	v12 =	vadd.f32 v12, v13;
	v11 =	vadd.f32 v17, v11  }
0x1f0: {  	v10 =	vadd.f32 $0.0e+00, v10  }
0x1f1: {  	v14 =	vadd.f32 v55, v57;
	v11 =	vadd.f32 v11, v12  }
0x1f2: {  	v6 =	vadd.f32 v6, v7;
	v58 =	vadd.f32 v9, v8  }
0x1f3: {  	s22 =	sadd.s32 $0xA0, s29;
	v59 =	vadd.f32 v56, v10;
	v60 =	vadd.f32 v11, v14  }
0x1f4: {  	v61 =	vld [tilespmem:s22+$0xFFFFFF70];
	v6 =	vadd.f32 v58, v6  }
0x1f5: {  	v8 =	vadd.f32 v60, v59  }
0x1f6: {  	v62 =	vld [tilespmem:s22+$0x0];
	(xrf2) =	vadd.scan.msk.f32 $0xffff, v6  }
0x1f7: {  	(xrf2) =	vadd.scan.msk.f32 $0xffff, v8  }
0x1f8: {  	v5 =	vperm.xlane v5, v1  }
0x1f9: {  	v63 =	vperm.xlane v61, v1  }
0x1fa: {  	vm1 =	veq.s32 v5, v4  }
0x1fb: {  	vm1 =	vmand vm1, vm0;
	vm2 =	veq.s32 v63, v62  }
0x1fc: {  	vm2 =	vmand vm2, vm0;
	_ =	sdelay $0x1  }
.Ltmp16:
0x1fd: {  	_ = 	snop;
	(pc) =	sbr.rel .LBB2_22-.Ltmp16, $4  }
0x1fe: {  	_ = 	snop  }
0x1ff: {  	v5, _, _ =	vpop (xrf2)  }
0x200: {  	[tilespmem:v4+s18+$0x0] =	vst.idx.add.f32.msk vm1, v5;
	v4, _, _ =	vpop (xrf2)  }
0x201: {  	s29 =	simm.s32 $0x0;
	[tilespmem:v62+s18+$0x0] =	vst.idx.add.f32.msk vm2, v4  }
.LBB2_26:
0x202: {  	s29 =	sadd.s32 $0x1, s29  }
0x203: {  	p0 =	sne.s32 s29, $0x8  }
.Ltmp17:
0x204: {  	_ = 	snop;
	(pc) =	sbr.rel @!p0 .LBB2_27-.Ltmp17, $2  }
0x205: {  	_ =	sdelay $0x2  }
0x206: {  	s28 =	sadd.s32 $0x10, s28  }
.LBB2_22:
0x207: {  	s22 =	sshll.u32 s29, $0x4  }
0x208: {  	v4 =	vor.u32 s22, v2  }
0x209: {  	v5 =	vmin.u32 v4, $0x7C  }
0x20a: {  	v5 =	vmul.u32 $0xA0, v5;
	_ =	sdelay $0x1  }
0x20b: {  	v6 =	vadd.s32 $0x9F, v5;
	_ =	sdelay $0x3  }
0x20c: {  	v5 =	vld.idx.msk [tilespmem:v5+s12+$0x0], $0xffff  }
0x20d: {  	v6 =	vld.idx.msk [tilespmem:v6+s12+$0x0], $0xffff;
	_ =	sdelay $0x4  }
0x20e: {  	vm1 =	vlt.u32 v4, $0x7D;
	vm2 =	vne.s32 v5, v6  }
0x20f: {  	vm1 =	vmand vm1, vm2  }
0x210: {  	v4 =	vsel vm1, $0x3F800000, v0  }
0x211: {  	(xrf0) =	vmax.scan.msk.f32 $0xffff, v4;
	_ =	sdelay $0x5  }
0x212: {  	v4, _, _ =	vpop (xrf0)  }
0x213: {  	(v2sf) =	vpush v4, $0xF;
	_ =	sdelay $0xe  }
0x214: {  	s31 =	spop (v2sf)  }
0x215: {  	p0 =	sgt.f32 s31, $0.0e+00  }
.Ltmp18:
0x216: {  	_ = 	snop;
	(pc) =	sbr.rel @!p0 .LBB2_26-.Ltmp18, $1  }
0x217: {  	_ =	sdelay $0x3  }
.LBB2_23:
0x218: {  	v8 =	vmctz.xlane vm1;
	_ =	sdelay $0x1  }
0x219: {  	(v2sf) =	vpush v8, $0x0;
	_ =	sdelay $0xe  }
0x21a: {  	s22 =	spop (v2sf)  }
0x21b: {  	s22 =	sadd.s32 s22, s28  }
0x21c: {  	s22 =	smul.u32 $0x280, s22;
	_ =	sdelay $0x1  }
0x21d: {  	s22 =	sshra.s32 s22, $0x2  }
0x21e: {  	s30 =	sadd.s32 $0x800, s22  }
0x21f: {  	v9 =	vmov s30;
	_ =	sdelay $0x3  }
0x220: {  	s30 =	simm.s32 $0x0  }
0x221: {  	v4 =	vld.idx.msk [tilespmem:v9+s30+$0x0 ss:$0x1], $0xffff;
	_ =	sdelay $0x4  }
0x222: {  	v4 =	vshll.u32 v4, $0x4  }
0x223: {  	s31 =	simm.s32 $0x10;
	v7 =	vor.u32 v2, v4  }
0x224: {  	v5 =	vld.idx.msk [tilespmem:v9+s31+$0x0 ss:$0x1], $0xffff  }
0x225: {  	s22 =	sadd.s32 $0x5680, s22  }
0x226: {  	v6 =	vmov s22;
	_ =	sdelay $0x1  }
0x227: {  	v7 =	vld.idx.msk [tilespmem:v7+s1+$0x0], $0xffff  }
0x228: {  	v5 =	vshll.u32 v5, $0x4  }
0x229: {  	v10 =	vor.u32 v2, v5  }
0x22a: {  	v4 =	vld.idx.msk [tilespmem:v6+s30+$0x0 ss:$0x1], $0xffff;
	s30 =	simm.s32 $0x20  }
0x22b: {  	v11 =	vld.idx.msk [tilespmem:v9+s30+$0x0 ss:$0x1], $0xffff  }
0x22c: {  	(xrf2) =	vadd.scan.msk.f32 $0xffff, v7;
	_ =	sdelay $0x1  }
0x22d: {  	v10 =	vld.idx.msk [tilespmem:v10+s1+$0x0], $0xffff  }
0x22e: {  	v5 =	vperm.xlane v4, v3;
	v7 =	vld.idx.msk [tilespmem:v6+s31+$0x0 ss:$0x1], $0xffff  }
0x22f: {  	v11 =	vshll.u32 v11, $0x4  }
0x230: {  	s22 =	simm.s32 $0x100;
	v11 =	vor.u32 v2, v11;
	vm2 =	vne.s32 v4, v5;
	s31 =	simm.s32 $0x30  }
.LBB2_24:
0x231: {  	p0 =	sne.s32 s22, $0x240;
	v12 =	vld.idx.msk [tilespmem:v9+s31+$0x0 ss:$0x1], $0xffff;
	vm3 =	vmor vm2, vm0;
	_ =	sdelay $0x1  }
0x232: {  	(xrf2) =	vadd.scan.msk.f32 $0xffff, v10;
	v13 =	vmov v7  }
.Ltmp19:
0x233: {  	(pc) =	sbr.rel @p0 .LBB2_24-.Ltmp19, $4  }
0x234: {  	v10 =	vld.idx.msk [tilespmem:v11+s1+$0x0], $0xffff;
	v11, _, _ =	vpop (xrf2)  }
0x235: {  	v14 =	vperm.xlane v13, v3;
	v7 =	vld.idx.msk [tilespmem:v6+s30+$0x0 ss:$0x1], $0xffff;
	v15 =	vsub.f32 $0.0e+00, v11;
	s30 =	smov.u32 s31  }
0x236: {  	v12 =	vshll.u32 v12, $0x4;
	[tilespmem:v4+s18+$0x0] =	vst.idx.add.f32.msk vm3, v11;
	v4 =	vmov v13  }
0x237: {  	s31 =	sshra.s32 s22, $0x2;
	s22 =	sadd.s32 $0x40, s22;
	v11 =	vor.u32 v2, v12;
	[tilespmem:v5+s18+$0x0] =	vst.idx.add.f32.msk vm2, v15;
	vm2 =	vne.s32 v4, v14;
	v5 =	vmov v14  }
0x238: {  	v8 =	vbroadcast v8, $0x0;
	_ =	sdelay $0x1  }
0x239: {  	vm3 =	vne.s32 v8, v2  }
0x23a: {  	vm1 =	vmand vm1, vm3  }
0x23b: {  	v9 =	vld.idx.msk [tilespmem:v9+s31+$0x0 ss:$0x1], $0xffff;
	v55 =	vsel vm1, $0x3F800000, v0  }
0x23c: {  	(xrf0) =	vmax.scan.msk.f32 $0xffff, v55;
	_ =	sdelay $0x3  }
0x23d: {  	v56 =	vshll.u32 v9, $0x4  }
0x23e: {  	v8 =	vor.u32 v2, v56  }
0x23f: {  	v58, _, _ =	vpop (xrf0)  }
0x240: {  	(v2sf) =	vpush v58, $0xF  }
0x241: {  	v57 =	vld.idx.msk [tilespmem:v11+s1+$0x0], $0xffff;
	_ =	sdelay $0x1  }
0x242: {  	v8 =	vld.idx.msk [tilespmem:v8+s1+$0x0], $0xffff  }
0x243: {  	v59 =	vld.idx.msk [tilespmem:v6+s30+$0x0 ss:$0x1], $0xffff;
	(xrf2) =	vadd.scan.msk.f32 $0xffff, v10;
	_ =	sdelay $0x1  }
0x244: {  	v60 =	vld.idx.msk [tilespmem:v6+s31+$0x0 ss:$0x1], $0xffff;
	(xrf2) =	vadd.scan.msk.f32 $0xffff, v57  }
0x245: {  	v61 =	vperm.xlane v7, v3  }
0x246: {  	vm3 =	vmor vm2, vm0;
	(xrf2) =	vadd.scan.msk.f32 $0xffff, v8  }
0x247: {  	vm4 =	vne.s32 v7, v61;
	v62 =	vperm.xlane v59, v3  }
0x248: {  	vm5 =	vmor vm4, vm0  }
0x249: {  	v63 =	vperm.xlane v60, v3;
	vm6 =	vne.s32 v59, v62  }
0x24a: {  	v12, _, _ =	vpop (xrf2);
	vm7 =	vmor vm6, vm0  }
0x24b: {  	v13 =	vsub.f32 $0.0e+00, v12;
	vm8 =	vne.s32 v60, v63  }
0x24c: {  	[tilespmem:v4+s18+$0x0] =	vst.idx.add.f32.msk vm3, v12;
	vm3 =	vmor vm8, vm0;
	v14, _, _ =	vpop (xrf2)  }
0x24d: {  	[tilespmem:v5+s18+$0x0] =	vst.idx.add.f32.msk vm2, v13;
	v4 =	vsub.f32 $0.0e+00, v14;
	s22 =	spop (v2sf)  }
0x24e: {  	[tilespmem:v7+s18+$0x0] =	vst.idx.add.f32.msk vm5, v14;
	v5, _, _ =	vpop (xrf2);
	p0 =	sgt.f32 s22, $0.0e+00  }
.Ltmp20:
0x24f: {  	[tilespmem:v61+s18+$0x0] =	vst.idx.add.f32.msk vm4, v4;
	v4 =	vsub.f32 $0.0e+00, v5;
	(pc) =	sbr.rel @p0 .LBB2_23-.Ltmp20, $4  }
.Ltmp21:
0x250: {  	[tilespmem:v59+s18+$0x0] =	vst.idx.add.f32.msk vm7, v5;
	v5, _, _ =	vpop (xrf2);
	(pc) =	sbr.rel @!p0 .LBB2_26-.Ltmp21, $4  }
0x251: {  	[tilespmem:v62+s18+$0x0] =	vst.idx.add.f32.msk vm6, v4;
	v4 =	vsub.f32 $0.0e+00, v5  }
0x252: {  	[tilespmem:v60+s18+$0x0] =	vst.idx.add.f32.msk vm3, v5  }
0x253: {  	[tilespmem:v63+s18+$0x0] =	vst.idx.add.f32.msk vm8, v4  }
0x254: {  	_ = 	snop  }
.LBB2_27:
0x255: {  	s28 =	simm.s32 $0x0;
	s22 =	rddreg [dreg:$0xe]  }
0x256: {  	[tilespmem:s11], [sflag:$0x1] =	stream.linear.gather [hbm4b:s22+s28], $0x4E20, $0x38;
	[tilespmem:$0x17300] =	vst v63  }
0x257: {  	s22 =	rddreg [dreg:$0xf]  }
0x258: {  	[tilespmem:s12], [sflag:$0x2] =	stream.linear.gather [hbm4b:s22+s28], $0x4E20, $0x38;
	[tilespmem:$0x17300] =	vst v63  }
0x259: {  	_ =	swait.ge [sflag:s19], $0x4E20  }
0x25a: {  	[sflag:s19] =	ssyncset.done $0x0  }
0x25b: {  	[sflag:s19] =	ssyncadd.s32 $0xFFFFB1E0  }
0x25c: {  	_ =	swait.ge [sflag:s20], $0x4E20  }
0x25d: {  	[sflag:s20] =	ssyncset.done $0x0  }
0x25e: {  	s22 =	sand.u32 $0x7FE0, s28;
	[sflag:s20] =	ssyncadd.s32 $0xFFFFB1E0  }
0x25f: {  	s30 =	simm.s32 $0xA550;
	v4 =	vld [tilespmem:s22+$0xA580]  }
0x260: {  	v5 =	vld [tilespmem:s30+$0xFFFFFFE0]  }
0x261: {  	v6 =	vld [tilespmem:s30+$0xFFFFFFB0]  }
0x262: {  	v7 =	vld [tilespmem:s30+$0xFFFFFFC0];
	_ =	sdelay $0x1  }
0x263: {  	v8 =	vld [tilespmem:s30+$0xFFFFFFF0]  }
0x264: {  	v9 =	vld [tilespmem:s30+$0x0];
	v4 =	vshll.u32 v4, $0x4  }
0x265: {  	v10 =	vld [tilespmem:s30+$0xFFFFFFD0];
	v5 =	vshll.u32 v5, $0x4;
	v11 =	vor.u32 v2, v4  }
0x266: {  	v7 =	vshll.u32 v7, $0x4;
	v4 =	vshll.u32 v6, $0x4;
	v5 =	vor.u32 v2, v5;
	v6 =	vld [tilespmem:s30+$0x40]  }
0x267: {  	v13 =	vld [tilespmem:s30+$0x10];
	v7 =	vor.u32 v2, v7  }
0x268: {  	s29 =	simm.s32 $0xF410;
	v14 =	vld [tilespmem:s30+$0x20];
	v8 =	vshll.u32 v8, $0x4;
	v12 =	vor.u32 v2, v4  }
0x269: {  	v9 =	vshll.u32 v9, $0x4;
	v8 =	vor.u32 v2, v8;
	v4 =	vld [tilespmem:s29+$0x0]  }
0x26a: {  	v10 =	vshll.u32 v10, $0x4;
	v9 =	vor.u32 v2, v9;
	v11 =	vld.idx.msk [tilespmem:v11+s28+$0x0], $0xffff  }
0x26b: {  	v10 =	vor.u32 v2, v10;
	v15 =	vld.idx.msk [tilespmem:v5+s28+$0x0], $0xffff;
	v5 =	vshll.u32 v6, $0x4  }
0x26c: {  	v7 =	vld.idx.msk [tilespmem:v7+s28+$0x0], $0xffff;
	v5 =	vor.u32 v2, v5  }
0x26d: {  	v6 =	vld.idx.msk [tilespmem:v12+s28+$0x0], $0xffff;
	v12 =	vshll.u32 v13, $0x4  }
0x26e: {  	v8 =	vld.idx.msk [tilespmem:v8+s28+$0x0], $0xffff;
	v12 =	vor.u32 v2, v12  }
0x26f: {  	v9 =	vld.idx.msk [tilespmem:v9+s28+$0x0], $0xffff;
	v13 =	vshll.u32 v14, $0x4  }
0x270: {  	v10 =	vld.idx.msk [tilespmem:v10+s28+$0x0], $0xffff;
	v13 =	vor.u32 v2, v13  }
0x271: {  	v14 =	vld.idx.msk [tilespmem:v5+s28+$0x0], $0xffff  }
0x272: {  	s22 =	simm.s32 $0xA0;
	v7 =	vadd.f32 $0.0e+00, v7;
	v6 =	vadd.f32 $0.0e+00, v6;
	v5 =	vld [tilespmem:s29+$0xFFFFFF70]  }
0x273: {  	s22 =	sand.u32 $0x7FE0, s22;
	v16 =	vld.idx.msk [tilespmem:v12+s28+$0x0], $0xffff  }
0x274: {  	v7 =	vadd.f32 v9, v7;
	v12 =	vld [tilespmem:s22+$0xA580];
	v8 =	vadd.f32 v8, v6  }
0x275: {  	s30 =	simm.s32 $0xA5F0;
	v9 =	vadd.f32 $0.0e+00, v10;
	v6 =	vld.idx.msk [tilespmem:v13+s28+$0x0], $0xffff  }
0x276: {  	v10 =	vld [tilespmem:s30+$0xFFFFFFE0];
	v17 =	vadd.f32 v11, v8;
	v14 =	vadd.f32 v14, v7  }
0x277: {  	v13 =	vld [tilespmem:s30+$0xFFFFFFB0];
	v7 =	vadd.f32 $0.0e+00, v15  }
0x278: {  	s31 =	simm.s32 $0x140;
	v11 =	vld [tilespmem:s30+$0xFFFFFFC0];
	v8 =	vadd.f32 v16, v9;
	v9 =	vadd.f32 v14, v17  }
.LBB2_28:
0x279: {  	p0 =	sne.s32 s31, $0x4D80;
	v14 =	vld [tilespmem:s30+$0xFFFFFFF0]  }
0x27a: {  	v6 =	vadd.f32 v6, v7;
	v15 =	vld [tilespmem:s30+$0x0];
	v12 =	vshll.u32 v12, $0x4;
	v7 =	vadd.f32 v9, v8  }
0x27b: {  	v8 =	vld [tilespmem:s30+$0xFFFFFFD0];
	v9 =	vshll.u32 v10, $0x4;
	v10 =	vor.u32 v2, v12  }
0x27c: {  	v12 =	vshll.u32 v13, $0x4;
	v9 =	vor.u32 v2, v9;
	v13 =	vld [tilespmem:s30+$0x40];
	v6 =	vadd.f32 v7, v6  }
0x27d: {  	s29 =	sadd.s32 $0xA0, s29;
	v7 =	vor.u32 v2, v12;
	v11 =	vshll.u32 v11, $0x4;
	v12 =	vld [tilespmem:s30+$0x10]  }
0x27e: {  	v16 =	vld [tilespmem:s29+$0x0];
	v11 =	vor.u32 v2, v11;
	v14 =	vshll.u32 v14, $0x4;
	(xrf2) =	vadd.scan.msk.f32 $0xffff, v6  }
0x27f: {  	v6 =	vor.u32 v2, v14;
	v14 =	vshll.u32 v15, $0x4;
	v15 =	vld [tilespmem:s30+$0x20]  }
0x280: {  	v5 =	vperm.xlane v5, v1;
	v8 =	vshll.u32 v8, $0x4;
	v14 =	vor.u32 v2, v14;
	v17 =	vld.idx.msk [tilespmem:v10+s28+$0x0], $0xffff  }
0x281: {  	v8 =	vor.u32 v2, v8;
	v9 =	vld.idx.msk [tilespmem:v9+s28+$0x0], $0xffff;
	v10 =	vshll.u32 v13, $0x4  }
0x282: {  	vm1 =	veq.s32 v5, v4;
	v7 =	vld.idx.msk [tilespmem:v7+s28+$0x0], $0xffff;
	v12 =	vshll.u32 v12, $0x4;
	v10 =	vor.u32 v2, v10  }
0x283: {  	vm1 =	vmand vm1, vm0;
	v5 =	vld.idx.msk [tilespmem:v11+s28+$0x0], $0xffff;
	v11 =	vor.u32 v2, v12  }
0x284: {  	v6 =	vld.idx.msk [tilespmem:v6+s28+$0x0], $0xffff  }
0x285: {  	v13 =	vshll.u32 v15, $0x4;
	v12 =	vld.idx.msk [tilespmem:v14+s28+$0x0], $0xffff  }
0x286: {  	v13 =	vor.u32 v2, v13;
	v8 =	vld.idx.msk [tilespmem:v8+s28+$0x0], $0xffff  }
0x287: {  	v14 =	vld.idx.msk [tilespmem:v10+s28+$0x0], $0xffff  }
0x288: {  	v15 =	vld.idx.msk [tilespmem:v11+s28+$0x0], $0xffff;
	v10, _, _ =	vpop (xrf2)  }
0x289: {  	v7 =	vadd.f32 $0.0e+00, v7;
	v11 =	vadd.f32 $0.0e+00, v5;
	[tilespmem:v4+s18+$0x0] =	vst.idx.add.f32.msk vm1, v10;
	v4 =	vmov v16  }
0x28a: {  	v5 =	vld [tilespmem:s29+$0xFFFFFF70]  }
.Ltmp22:
0x28b: {  	s22 =	sand.u32 $0x7FE0, s31;
	v7 =	vadd.f32 v6, v7;
	v11 =	vadd.f32 v12, v11;
	v6 =	vld.idx.msk [tilespmem:v13+s28+$0x0], $0xffff;
	(pc) =	sbr.rel @p0 .LBB2_28-.Ltmp22, $4  }
0x28c: {  	s30 =	sadd.s32 $0xA0, s30;
	v8 =	vadd.f32 $0.0e+00, v8;
	v12 =	vld [tilespmem:s22+$0xA580]  }
0x28d: {  	v16 =	vadd.f32 v17, v7;
	v14 =	vadd.f32 v14, v11;
	v10 =	vld [tilespmem:s30+$0xFFFFFFE0]  }
0x28e: {  	v7 =	vadd.f32 $0.0e+00, v9;
	v13 =	vld [tilespmem:s30+$0xFFFFFFB0]  }
0x28f: {  	s31 =	sadd.s32 $0xA0, s31;
	v8 =	vadd.f32 v15, v8;
	v9 =	vadd.f32 v14, v16;
	v11 =	vld [tilespmem:s30+$0xFFFFFFC0]  }
0x290: {  	v14 =	vld [tilespmem:s30+$0xFFFFFFF0]  }
0x291: {  	v15 =	vld [tilespmem:s30+$0x0]  }
0x292: {  	v16 =	vld [tilespmem:s30+$0xFFFFFFD0];
	v12 =	vshll.u32 v12, $0x4  }
0x293: {  	v17 =	vld [tilespmem:s30+$0x40];
	v12 =	vor.u32 v2, v12;
	v13 =	vshll.u32 v13, $0x4  }
0x294: {  	v13 =	vor.u32 v2, v13;
	v11 =	vshll.u32 v11, $0x4  }
0x295: {  	v18 =	vld [tilespmem:s30+$0x10];
	v11 =	vor.u32 v2, v11;
	v14 =	vshll.u32 v14, $0x4  }
0x296: {  	v15 =	vshll.u32 v15, $0x4;
	v14 =	vor.u32 v2, v14  }
0x297: {  	v19 =	vld [tilespmem:s30+$0x20];
	v16 =	vshll.u32 v16, $0x4;
	v15 =	vor.u32 v2, v15  }
0x298: {  	v17 =	vshll.u32 v17, $0x4;
	v16 =	vor.u32 v2, v16;
	v12 =	vld.idx.msk [tilespmem:v12+s28+$0x0], $0xffff  }
0x299: {  	v10 =	vshll.u32 v10, $0x4;
	v17 =	vor.u32 v2, v17;
	v13 =	vld.idx.msk [tilespmem:v13+s28+$0x0], $0xffff  }
0x29a: {  	v10 =	vor.u32 v2, v10;
	v18 =	vshll.u32 v18, $0x4;
	v11 =	vld.idx.msk [tilespmem:v11+s28+$0x0], $0xffff  }
0x29b: {  	v18 =	vor.u32 v2, v18;
	v14 =	vld.idx.msk [tilespmem:v14+s28+$0x0], $0xffff  }
0x29c: {  	v19 =	vshll.u32 v19, $0x4;
	v15 =	vld.idx.msk [tilespmem:v15+s28+$0x0], $0xffff  }
0x29d: {  	v19 =	vor.u32 v2, v19;
	v16 =	vld.idx.msk [tilespmem:v16+s28+$0x0], $0xffff  }
0x29e: {  	v17 =	vld.idx.msk [tilespmem:v17+s28+$0x0], $0xffff  }
0x29f: {  	v10 =	vld.idx.msk [tilespmem:v10+s28+$0x0], $0xffff;
	v13 =	vadd.f32 $0.0e+00, v13;
	v11 =	vadd.f32 $0.0e+00, v11  }
0x2a0: {  	v55 =	vld.idx.msk [tilespmem:v18+s28+$0x0], $0xffff  }
0x2a1: {  	v13 =	vadd.f32 v14, v13;
	v11 =	vadd.f32 v15, v11  }
0x2a2: {  	v56 =	vld.idx.msk [tilespmem:v19+s28+$0x0], $0xffff;
	v57 =	vadd.f32 $0.0e+00, v16  }
0x2a3: {  	v12 =	vadd.f32 v12, v13;
	v11 =	vadd.f32 v17, v11  }
0x2a4: {  	v10 =	vadd.f32 $0.0e+00, v10  }
0x2a5: {  	v14 =	vadd.f32 v55, v57;
	v11 =	vadd.f32 v11, v12  }
0x2a6: {  	v6 =	vadd.f32 v6, v7;
	v58 =	vadd.f32 v9, v8  }
0x2a7: {  	s22 =	sadd.s32 $0xA0, s29;
	v59 =	vadd.f32 v56, v10;
	v60 =	vadd.f32 v11, v14  }
0x2a8: {  	v61 =	vld [tilespmem:s22+$0xFFFFFF70];
	v6 =	vadd.f32 v58, v6  }
0x2a9: {  	v8 =	vadd.f32 v60, v59  }
0x2aa: {  	v62 =	vld [tilespmem:s22+$0x0];
	(xrf2) =	vadd.scan.msk.f32 $0xffff, v6  }
0x2ab: {  	(xrf2) =	vadd.scan.msk.f32 $0xffff, v8  }
0x2ac: {  	v5 =	vperm.xlane v5, v1  }
0x2ad: {  	v63 =	vperm.xlane v61, v1  }
0x2ae: {  	vm1 =	veq.s32 v5, v4  }
0x2af: {  	vm1 =	vmand vm1, vm0;
	vm2 =	veq.s32 v63, v62  }
0x2b0: {  	vm2 =	vmand vm2, vm0;
	_ =	sdelay $0x1  }
.Ltmp23:
0x2b1: {  	_ = 	snop;
	(pc) =	sbr.rel .LBB2_30-.Ltmp23, $4  }
0x2b2: {  	_ = 	snop  }
0x2b3: {  	v5, _, _ =	vpop (xrf2)  }
0x2b4: {  	[tilespmem:v4+s18+$0x0] =	vst.idx.add.f32.msk vm1, v5;
	v4, _, _ =	vpop (xrf2)  }
0x2b5: {  	s29 =	simm.s32 $0x0;
	[tilespmem:v62+s18+$0x0] =	vst.idx.add.f32.msk vm2, v4  }
.LBB2_34:
0x2b6: {  	s29 =	sadd.s32 $0x1, s29  }
0x2b7: {  	p0 =	sne.s32 s29, $0x8  }
.Ltmp24:
0x2b8: {  	_ = 	snop;
	(pc) =	sbr.rel @!p0 .LBB2_35-.Ltmp24, $2  }
0x2b9: {  	_ =	sdelay $0x2  }
0x2ba: {  	s28 =	sadd.s32 $0x10, s28  }
.LBB2_30:
0x2bb: {  	s22 =	sshll.u32 s29, $0x4  }
0x2bc: {  	v4 =	vor.u32 s22, v2  }
0x2bd: {  	v5 =	vmin.u32 v4, $0x7C  }
0x2be: {  	v5 =	vmul.u32 $0xA0, v5;
	_ =	sdelay $0x1  }
0x2bf: {  	v6 =	vadd.s32 $0x9F, v5;
	_ =	sdelay $0x3  }
0x2c0: {  	v5 =	vld.idx.msk [tilespmem:v5+s14+$0x0], $0xffff  }
0x2c1: {  	v6 =	vld.idx.msk [tilespmem:v6+s14+$0x0], $0xffff;
	_ =	sdelay $0x4  }
0x2c2: {  	vm1 =	vlt.u32 v4, $0x7D;
	vm2 =	vne.s32 v5, v6  }
0x2c3: {  	vm1 =	vmand vm1, vm2  }
0x2c4: {  	v4 =	vsel vm1, $0x3F800000, v0  }
0x2c5: {  	(xrf0) =	vmax.scan.msk.f32 $0xffff, v4;
	_ =	sdelay $0x5  }
0x2c6: {  	v4, _, _ =	vpop (xrf0)  }
0x2c7: {  	(v2sf) =	vpush v4, $0xF;
	_ =	sdelay $0xe  }
0x2c8: {  	s31 =	spop (v2sf)  }
0x2c9: {  	p0 =	sgt.f32 s31, $0.0e+00  }
.Ltmp25:
0x2ca: {  	_ = 	snop;
	(pc) =	sbr.rel @!p0 .LBB2_34-.Ltmp25, $1  }
0x2cb: {  	_ =	sdelay $0x3  }
.LBB2_31:
0x2cc: {  	v8 =	vmctz.xlane vm1;
	_ =	sdelay $0x1  }
0x2cd: {  	(v2sf) =	vpush v8, $0x0;
	_ =	sdelay $0xe  }
0x2ce: {  	s22 =	spop (v2sf)  }
0x2cf: {  	s22 =	sadd.s32 s22, s28  }
0x2d0: {  	s22 =	smul.u32 $0x280, s22;
	_ =	sdelay $0x1  }
0x2d1: {  	s22 =	sshra.s32 s22, $0x2  }
0x2d2: {  	s30 =	sadd.s32 $0xA500, s22  }
0x2d3: {  	v9 =	vmov s30;
	_ =	sdelay $0x3  }
0x2d4: {  	s30 =	simm.s32 $0x0  }
0x2d5: {  	v4 =	vld.idx.msk [tilespmem:v9+s30+$0x0 ss:$0x1], $0xffff;
	_ =	sdelay $0x4  }
0x2d6: {  	v4 =	vshll.u32 v4, $0x4  }
0x2d7: {  	s31 =	simm.s32 $0x10;
	v7 =	vor.u32 v2, v4  }
0x2d8: {  	v5 =	vld.idx.msk [tilespmem:v9+s31+$0x0 ss:$0x1], $0xffff  }
0x2d9: {  	s22 =	sadd.s32 $0xF380, s22  }
0x2da: {  	v6 =	vmov s22;
	_ =	sdelay $0x1  }
0x2db: {  	v7 =	vld.idx.msk [tilespmem:v7+s1+$0x0], $0xffff  }
0x2dc: {  	v5 =	vshll.u32 v5, $0x4  }
0x2dd: {  	v10 =	vor.u32 v2, v5  }
0x2de: {  	v4 =	vld.idx.msk [tilespmem:v6+s30+$0x0 ss:$0x1], $0xffff;
	s30 =	simm.s32 $0x20  }
0x2df: {  	v11 =	vld.idx.msk [tilespmem:v9+s30+$0x0 ss:$0x1], $0xffff  }
0x2e0: {  	(xrf2) =	vadd.scan.msk.f32 $0xffff, v7;
	_ =	sdelay $0x1  }
0x2e1: {  	v10 =	vld.idx.msk [tilespmem:v10+s1+$0x0], $0xffff  }
0x2e2: {  	v5 =	vperm.xlane v4, v3;
	v7 =	vld.idx.msk [tilespmem:v6+s31+$0x0 ss:$0x1], $0xffff  }
0x2e3: {  	v11 =	vshll.u32 v11, $0x4  }
0x2e4: {  	s22 =	simm.s32 $0x100;
	v11 =	vor.u32 v2, v11;
	vm2 =	vne.s32 v4, v5;
	s31 =	simm.s32 $0x30  }
.LBB2_32:
0x2e5: {  	p0 =	sne.s32 s22, $0x240;
	v12 =	vld.idx.msk [tilespmem:v9+s31+$0x0 ss:$0x1], $0xffff;
	vm3 =	vmor vm2, vm0;
	_ =	sdelay $0x1  }
0x2e6: {  	(xrf2) =	vadd.scan.msk.f32 $0xffff, v10;
	v13 =	vmov v7  }
.Ltmp26:
0x2e7: {  	(pc) =	sbr.rel @p0 .LBB2_32-.Ltmp26, $4  }
0x2e8: {  	v10 =	vld.idx.msk [tilespmem:v11+s1+$0x0], $0xffff;
	v11, _, _ =	vpop (xrf2)  }
0x2e9: {  	v14 =	vperm.xlane v13, v3;
	v7 =	vld.idx.msk [tilespmem:v6+s30+$0x0 ss:$0x1], $0xffff;
	v15 =	vsub.f32 $0.0e+00, v11;
	s30 =	smov.u32 s31  }
0x2ea: {  	v12 =	vshll.u32 v12, $0x4;
	[tilespmem:v4+s18+$0x0] =	vst.idx.add.f32.msk vm3, v11;
	v4 =	vmov v13  }
0x2eb: {  	s31 =	sshra.s32 s22, $0x2;
	s22 =	sadd.s32 $0x40, s22;
	v11 =	vor.u32 v2, v12;
	[tilespmem:v5+s18+$0x0] =	vst.idx.add.f32.msk vm2, v15;
	vm2 =	vne.s32 v4, v14;
	v5 =	vmov v14  }
0x2ec: {  	v8 =	vbroadcast v8, $0x0;
	_ =	sdelay $0x1  }
0x2ed: {  	vm3 =	vne.s32 v8, v2  }
0x2ee: {  	vm1 =	vmand vm1, vm3  }
0x2ef: {  	v9 =	vld.idx.msk [tilespmem:v9+s31+$0x0 ss:$0x1], $0xffff;
	v55 =	vsel vm1, $0x3F800000, v0  }
0x2f0: {  	(xrf0) =	vmax.scan.msk.f32 $0xffff, v55;
	_ =	sdelay $0x3  }
0x2f1: {  	v56 =	vshll.u32 v9, $0x4  }
0x2f2: {  	v8 =	vor.u32 v2, v56  }
0x2f3: {  	v58, _, _ =	vpop (xrf0)  }
0x2f4: {  	(v2sf) =	vpush v58, $0xF  }
0x2f5: {  	v57 =	vld.idx.msk [tilespmem:v11+s1+$0x0], $0xffff;
	_ =	sdelay $0x1  }
0x2f6: {  	v8 =	vld.idx.msk [tilespmem:v8+s1+$0x0], $0xffff  }
0x2f7: {  	v59 =	vld.idx.msk [tilespmem:v6+s30+$0x0 ss:$0x1], $0xffff;
	(xrf2) =	vadd.scan.msk.f32 $0xffff, v10;
	_ =	sdelay $0x1  }
0x2f8: {  	v60 =	vld.idx.msk [tilespmem:v6+s31+$0x0 ss:$0x1], $0xffff;
	(xrf2) =	vadd.scan.msk.f32 $0xffff, v57  }
0x2f9: {  	v61 =	vperm.xlane v7, v3  }
0x2fa: {  	vm3 =	vmor vm2, vm0;
	(xrf2) =	vadd.scan.msk.f32 $0xffff, v8  }
0x2fb: {  	vm4 =	vne.s32 v7, v61;
	v62 =	vperm.xlane v59, v3  }
0x2fc: {  	vm5 =	vmor vm4, vm0  }
0x2fd: {  	v63 =	vperm.xlane v60, v3;
	vm6 =	vne.s32 v59, v62  }
0x2fe: {  	v12, _, _ =	vpop (xrf2);
	vm7 =	vmor vm6, vm0  }
0x2ff: {  	v13 =	vsub.f32 $0.0e+00, v12;
	vm8 =	vne.s32 v60, v63  }
0x300: {  	[tilespmem:v4+s18+$0x0] =	vst.idx.add.f32.msk vm3, v12;
	vm3 =	vmor vm8, vm0;
	v14, _, _ =	vpop (xrf2)  }
0x301: {  	[tilespmem:v5+s18+$0x0] =	vst.idx.add.f32.msk vm2, v13;
	v4 =	vsub.f32 $0.0e+00, v14;
	s22 =	spop (v2sf)  }
0x302: {  	[tilespmem:v7+s18+$0x0] =	vst.idx.add.f32.msk vm5, v14;
	v5, _, _ =	vpop (xrf2);
	p0 =	sgt.f32 s22, $0.0e+00  }
.Ltmp27:
0x303: {  	[tilespmem:v61+s18+$0x0] =	vst.idx.add.f32.msk vm4, v4;
	v4 =	vsub.f32 $0.0e+00, v5;
	(pc) =	sbr.rel @p0 .LBB2_31-.Ltmp27, $4  }
.Ltmp28:
0x304: {  	[tilespmem:v59+s18+$0x0] =	vst.idx.add.f32.msk vm7, v5;
	v5, _, _ =	vpop (xrf2);
	(pc) =	sbr.rel @!p0 .LBB2_34-.Ltmp28, $4  }
0x305: {  	[tilespmem:v62+s18+$0x0] =	vst.idx.add.f32.msk vm6, v4;
	v4 =	vsub.f32 $0.0e+00, v5  }
0x306: {  	[tilespmem:v60+s18+$0x0] =	vst.idx.add.f32.msk vm3, v5  }
0x307: {  	[tilespmem:v63+s18+$0x0] =	vst.idx.add.f32.msk vm8, v4  }
0x308: {  	_ = 	snop  }
.LBB2_35:
0x309: {  	s28 =	simm.s32 $0x0;
	s22 =	rddreg [dreg:$0x10]  }
0x30a: {  	[tilespmem:s13], [sflag:$0x3] =	stream.linear.gather [hbm4b:s22+s28], $0x4E20, $0x38;
	[tilespmem:$0x17300] =	vst v63  }
0x30b: {  	s22 =	rddreg [dreg:$0x11]  }
0x30c: {  	[tilespmem:s14], [sflag:$0x4] =	stream.linear.gather [hbm4b:s22+s28], $0x4E20, $0x38;
	[tilespmem:$0x17300] =	vst v63  }
0x30d: {  	_ =	swait.ge [sflag:s16], $0x4E20  }
0x30e: {  	[sflag:s16] =	ssyncset.done $0x0  }
0x30f: {  	[sflag:s16] =	ssyncadd.s32 $0xFFFFB1E0  }
0x310: {  	_ =	swait.ge [sflag:s17], $0x4E20  }
0x311: {  	[sflag:s17] =	ssyncset.done $0x0  }
0x312: {  	s22 =	sand.u32 $0x7FE0, s28;
	[sflag:s17] =	ssyncadd.s32 $0xFFFFB1E0  }
0x313: {  	s30 =	simm.s32 $0x850;
	v4 =	vld [tilespmem:s22+$0x880]  }
0x314: {  	v5 =	vld [tilespmem:s30+$0xFFFFFFE0]  }
0x315: {  	v6 =	vld [tilespmem:s30+$0xFFFFFFB0]  }
0x316: {  	v7 =	vld [tilespmem:s30+$0xFFFFFFC0];
	_ =	sdelay $0x1  }
0x317: {  	v8 =	vld [tilespmem:s30+$0xFFFFFFF0]  }
0x318: {  	v9 =	vld [tilespmem:s30+$0x0];
	v4 =	vshll.u32 v4, $0x4  }
0x319: {  	v10 =	vld [tilespmem:s30+$0xFFFFFFD0];
	v5 =	vshll.u32 v5, $0x4;
	v11 =	vor.u32 v2, v4  }
0x31a: {  	v7 =	vshll.u32 v7, $0x4;
	v4 =	vshll.u32 v6, $0x4;
	v5 =	vor.u32 v2, v5;
	v6 =	vld [tilespmem:s30+$0x40]  }
0x31b: {  	v13 =	vld [tilespmem:s30+$0x10];
	v7 =	vor.u32 v2, v7  }
0x31c: {  	s29 =	simm.s32 $0x5710;
	v14 =	vld [tilespmem:s30+$0x20];
	v8 =	vshll.u32 v8, $0x4;
	v12 =	vor.u32 v2, v4  }
0x31d: {  	v9 =	vshll.u32 v9, $0x4;
	v8 =	vor.u32 v2, v8;
	v4 =	vld [tilespmem:s29+$0x0]  }
0x31e: {  	v10 =	vshll.u32 v10, $0x4;
	v9 =	vor.u32 v2, v9;
	v11 =	vld.idx.msk [tilespmem:v11+s28+$0x0], $0xffff  }
0x31f: {  	v10 =	vor.u32 v2, v10;
	v15 =	vld.idx.msk [tilespmem:v5+s28+$0x0], $0xffff;
	v5 =	vshll.u32 v6, $0x4  }
0x320: {  	v7 =	vld.idx.msk [tilespmem:v7+s28+$0x0], $0xffff;
	v5 =	vor.u32 v2, v5  }
0x321: {  	v6 =	vld.idx.msk [tilespmem:v12+s28+$0x0], $0xffff;
	v12 =	vshll.u32 v13, $0x4  }
0x322: {  	v8 =	vld.idx.msk [tilespmem:v8+s28+$0x0], $0xffff;
	v12 =	vor.u32 v2, v12  }
0x323: {  	v9 =	vld.idx.msk [tilespmem:v9+s28+$0x0], $0xffff;
	v13 =	vshll.u32 v14, $0x4  }
0x324: {  	v10 =	vld.idx.msk [tilespmem:v10+s28+$0x0], $0xffff;
	v13 =	vor.u32 v2, v13  }
0x325: {  	v14 =	vld.idx.msk [tilespmem:v5+s28+$0x0], $0xffff  }
0x326: {  	s22 =	simm.s32 $0xA0;
	v7 =	vadd.f32 $0.0e+00, v7;
	v6 =	vadd.f32 $0.0e+00, v6;
	v5 =	vld [tilespmem:s29+$0xFFFFFF70]  }
0x327: {  	s22 =	sand.u32 $0x7FE0, s22;
	v16 =	vld.idx.msk [tilespmem:v12+s28+$0x0], $0xffff  }
0x328: {  	v7 =	vadd.f32 v9, v7;
	v12 =	vld [tilespmem:s22+$0x880];
	v8 =	vadd.f32 v8, v6  }
0x329: {  	s30 =	simm.s32 $0x8F0;
	v9 =	vadd.f32 $0.0e+00, v10;
	v6 =	vld.idx.msk [tilespmem:v13+s28+$0x0], $0xffff  }
0x32a: {  	v10 =	vld [tilespmem:s30+$0xFFFFFFE0];
	v17 =	vadd.f32 v11, v8;
	v14 =	vadd.f32 v14, v7  }
0x32b: {  	v13 =	vld [tilespmem:s30+$0xFFFFFFB0];
	v7 =	vadd.f32 $0.0e+00, v15  }
0x32c: {  	s31 =	simm.s32 $0x140;
	v11 =	vld [tilespmem:s30+$0xFFFFFFC0];
	v8 =	vadd.f32 v16, v9;
	v9 =	vadd.f32 v14, v17  }
.LBB2_36:
0x32d: {  	p0 =	sne.s32 s31, $0x4D80;
	v14 =	vld [tilespmem:s30+$0xFFFFFFF0]  }
0x32e: {  	v6 =	vadd.f32 v6, v7;
	v15 =	vld [tilespmem:s30+$0x0];
	v12 =	vshll.u32 v12, $0x4;
	v7 =	vadd.f32 v9, v8  }
0x32f: {  	v8 =	vld [tilespmem:s30+$0xFFFFFFD0];
	v9 =	vshll.u32 v10, $0x4;
	v10 =	vor.u32 v2, v12  }
0x330: {  	v12 =	vshll.u32 v13, $0x4;
	v9 =	vor.u32 v2, v9;
	v13 =	vld [tilespmem:s30+$0x40];
	v6 =	vadd.f32 v7, v6  }
0x331: {  	s29 =	sadd.s32 $0xA0, s29;
	v7 =	vor.u32 v2, v12;
	v11 =	vshll.u32 v11, $0x4;
	v12 =	vld [tilespmem:s30+$0x10]  }
0x332: {  	v16 =	vld [tilespmem:s29+$0x0];
	v11 =	vor.u32 v2, v11;
	v14 =	vshll.u32 v14, $0x4;
	(xrf2) =	vadd.scan.msk.f32 $0xffff, v6  }
0x333: {  	v6 =	vor.u32 v2, v14;
	v14 =	vshll.u32 v15, $0x4;
	v15 =	vld [tilespmem:s30+$0x20]  }
0x334: {  	v5 =	vperm.xlane v5, v1;
	v8 =	vshll.u32 v8, $0x4;
	v14 =	vor.u32 v2, v14;
	v17 =	vld.idx.msk [tilespmem:v10+s28+$0x0], $0xffff  }
0x335: {  	v8 =	vor.u32 v2, v8;
	v9 =	vld.idx.msk [tilespmem:v9+s28+$0x0], $0xffff;
	v10 =	vshll.u32 v13, $0x4  }
0x336: {  	vm1 =	veq.s32 v5, v4;
	v7 =	vld.idx.msk [tilespmem:v7+s28+$0x0], $0xffff;
	v12 =	vshll.u32 v12, $0x4;
	v10 =	vor.u32 v2, v10  }
0x337: {  	vm1 =	vmand vm1, vm0;
	v5 =	vld.idx.msk [tilespmem:v11+s28+$0x0], $0xffff;
	v11 =	vor.u32 v2, v12  }
0x338: {  	v6 =	vld.idx.msk [tilespmem:v6+s28+$0x0], $0xffff  }
0x339: {  	v13 =	vshll.u32 v15, $0x4;
	v12 =	vld.idx.msk [tilespmem:v14+s28+$0x0], $0xffff  }
0x33a: {  	v13 =	vor.u32 v2, v13;
	v8 =	vld.idx.msk [tilespmem:v8+s28+$0x0], $0xffff  }
0x33b: {  	v14 =	vld.idx.msk [tilespmem:v10+s28+$0x0], $0xffff  }
0x33c: {  	v15 =	vld.idx.msk [tilespmem:v11+s28+$0x0], $0xffff;
	v10, _, _ =	vpop (xrf2)  }
0x33d: {  	v7 =	vadd.f32 $0.0e+00, v7;
	v11 =	vadd.f32 $0.0e+00, v5;
	[tilespmem:v4+s18+$0x0] =	vst.idx.add.f32.msk vm1, v10;
	v4 =	vmov v16  }
0x33e: {  	v5 =	vld [tilespmem:s29+$0xFFFFFF70]  }
.Ltmp29:
0x33f: {  	s22 =	sand.u32 $0x7FE0, s31;
	v7 =	vadd.f32 v6, v7;
	v11 =	vadd.f32 v12, v11;
	v6 =	vld.idx.msk [tilespmem:v13+s28+$0x0], $0xffff;
	(pc) =	sbr.rel @p0 .LBB2_36-.Ltmp29, $4  }
0x340: {  	s30 =	sadd.s32 $0xA0, s30;
	v8 =	vadd.f32 $0.0e+00, v8;
	v12 =	vld [tilespmem:s22+$0x880]  }
0x341: {  	v16 =	vadd.f32 v17, v7;
	v14 =	vadd.f32 v14, v11;
	v10 =	vld [tilespmem:s30+$0xFFFFFFE0]  }
0x342: {  	v7 =	vadd.f32 $0.0e+00, v9;
	v13 =	vld [tilespmem:s30+$0xFFFFFFB0]  }
0x343: {  	s31 =	sadd.s32 $0xA0, s31;
	v8 =	vadd.f32 v15, v8;
	v9 =	vadd.f32 v14, v16;
	v11 =	vld [tilespmem:s30+$0xFFFFFFC0]  }
0x344: {  	v14 =	vld [tilespmem:s30+$0xFFFFFFF0]  }
0x345: {  	v15 =	vld [tilespmem:s30+$0x0]  }
0x346: {  	v16 =	vld [tilespmem:s30+$0xFFFFFFD0];
	v12 =	vshll.u32 v12, $0x4  }
0x347: {  	v17 =	vld [tilespmem:s30+$0x40];
	v12 =	vor.u32 v2, v12;
	v13 =	vshll.u32 v13, $0x4  }
0x348: {  	v13 =	vor.u32 v2, v13;
	v11 =	vshll.u32 v11, $0x4  }
0x349: {  	v18 =	vld [tilespmem:s30+$0x10];
	v11 =	vor.u32 v2, v11;
	v14 =	vshll.u32 v14, $0x4  }
0x34a: {  	v15 =	vshll.u32 v15, $0x4;
	v14 =	vor.u32 v2, v14  }
0x34b: {  	v19 =	vld [tilespmem:s30+$0x20];
	v16 =	vshll.u32 v16, $0x4;
	v15 =	vor.u32 v2, v15  }
0x34c: {  	v17 =	vshll.u32 v17, $0x4;
	v16 =	vor.u32 v2, v16;
	v12 =	vld.idx.msk [tilespmem:v12+s28+$0x0], $0xffff  }
0x34d: {  	v10 =	vshll.u32 v10, $0x4;
	v17 =	vor.u32 v2, v17;
	v13 =	vld.idx.msk [tilespmem:v13+s28+$0x0], $0xffff  }
0x34e: {  	v10 =	vor.u32 v2, v10;
	v18 =	vshll.u32 v18, $0x4;
	v11 =	vld.idx.msk [tilespmem:v11+s28+$0x0], $0xffff  }
0x34f: {  	v18 =	vor.u32 v2, v18;
	v14 =	vld.idx.msk [tilespmem:v14+s28+$0x0], $0xffff  }
0x350: {  	v19 =	vshll.u32 v19, $0x4;
	v15 =	vld.idx.msk [tilespmem:v15+s28+$0x0], $0xffff  }
0x351: {  	v19 =	vor.u32 v2, v19;
	v16 =	vld.idx.msk [tilespmem:v16+s28+$0x0], $0xffff  }
0x352: {  	v17 =	vld.idx.msk [tilespmem:v17+s28+$0x0], $0xffff  }
0x353: {  	v10 =	vld.idx.msk [tilespmem:v10+s28+$0x0], $0xffff;
	v13 =	vadd.f32 $0.0e+00, v13;
	v11 =	vadd.f32 $0.0e+00, v11  }
0x354: {  	v55 =	vld.idx.msk [tilespmem:v18+s28+$0x0], $0xffff  }
0x355: {  	v13 =	vadd.f32 v14, v13;
	v11 =	vadd.f32 v15, v11  }
0x356: {  	v56 =	vld.idx.msk [tilespmem:v19+s28+$0x0], $0xffff;
	v57 =	vadd.f32 $0.0e+00, v16  }
0x357: {  	v12 =	vadd.f32 v12, v13;
	v11 =	vadd.f32 v17, v11  }
0x358: {  	v10 =	vadd.f32 $0.0e+00, v10  }
0x359: {  	v14 =	vadd.f32 v55, v57;
	v11 =	vadd.f32 v11, v12  }
0x35a: {  	v6 =	vadd.f32 v6, v7;
	v58 =	vadd.f32 v9, v8  }
0x35b: {  	s22 =	sadd.s32 $0xA0, s29;
	v59 =	vadd.f32 v56, v10;
	v60 =	vadd.f32 v11, v14  }
0x35c: {  	v61 =	vld [tilespmem:s22+$0xFFFFFF70];
	v6 =	vadd.f32 v58, v6  }
0x35d: {  	v8 =	vadd.f32 v60, v59  }
0x35e: {  	v62 =	vld [tilespmem:s22+$0x0];
	(xrf2) =	vadd.scan.msk.f32 $0xffff, v6  }
0x35f: {  	(xrf2) =	vadd.scan.msk.f32 $0xffff, v8  }
0x360: {  	v5 =	vperm.xlane v5, v1  }
0x361: {  	v63 =	vperm.xlane v61, v1  }
0x362: {  	vm1 =	veq.s32 v5, v4  }
0x363: {  	vm1 =	vmand vm1, vm0;
	vm2 =	veq.s32 v63, v62  }
0x364: {  	vm2 =	vmand vm2, vm0;
	_ =	sdelay $0x1  }
.Ltmp30:
0x365: {  	_ = 	snop;
	(pc) =	sbr.rel .LBB2_38-.Ltmp30, $4  }
0x366: {  	_ = 	snop  }
0x367: {  	v5, _, _ =	vpop (xrf2)  }
0x368: {  	[tilespmem:v4+s18+$0x0] =	vst.idx.add.f32.msk vm1, v5;
	v4, _, _ =	vpop (xrf2)  }
0x369: {  	s29 =	simm.s32 $0x0;
	[tilespmem:v62+s18+$0x0] =	vst.idx.add.f32.msk vm2, v4  }
.LBB2_42:
0x36a: {  	s29 =	sadd.s32 $0x1, s29  }
0x36b: {  	p0 =	sne.s32 s29, $0x8  }
.Ltmp31:
0x36c: {  	_ = 	snop;
	(pc) =	sbr.rel @!p0 .LBB2_43-.Ltmp31, $2  }
0x36d: {  	_ =	sdelay $0x2  }
0x36e: {  	s28 =	sadd.s32 $0x10, s28  }
.LBB2_38:
0x36f: {  	s22 =	sshll.u32 s29, $0x4  }
0x370: {  	v4 =	vor.u32 s22, v2  }
0x371: {  	v5 =	vmin.u32 v4, $0x7C  }
0x372: {  	v5 =	vmul.u32 $0xA0, v5;
	_ =	sdelay $0x1  }
0x373: {  	v6 =	vadd.s32 $0x9F, v5;
	_ =	sdelay $0x3  }
0x374: {  	v5 =	vld.idx.msk [tilespmem:v5+s12+$0x0], $0xffff  }
0x375: {  	v6 =	vld.idx.msk [tilespmem:v6+s12+$0x0], $0xffff;
	_ =	sdelay $0x4  }
0x376: {  	vm1 =	vlt.u32 v4, $0x7D;
	vm2 =	vne.s32 v5, v6  }
0x377: {  	vm1 =	vmand vm1, vm2  }
0x378: {  	v4 =	vsel vm1, $0x3F800000, v0  }
0x379: {  	(xrf0) =	vmax.scan.msk.f32 $0xffff, v4;
	_ =	sdelay $0x5  }
0x37a: {  	v4, _, _ =	vpop (xrf0)  }
0x37b: {  	(v2sf) =	vpush v4, $0xF;
	_ =	sdelay $0xe  }
0x37c: {  	s31 =	spop (v2sf)  }
0x37d: {  	p0 =	sgt.f32 s31, $0.0e+00  }
.Ltmp32:
0x37e: {  	_ = 	snop;
	(pc) =	sbr.rel @!p0 .LBB2_42-.Ltmp32, $1  }
0x37f: {  	_ =	sdelay $0x3  }
.LBB2_39:
0x380: {  	v8 =	vmctz.xlane vm1;
	_ =	sdelay $0x1  }
0x381: {  	(v2sf) =	vpush v8, $0x0;
	_ =	sdelay $0xe  }
0x382: {  	s22 =	spop (v2sf)  }
0x383: {  	s22 =	sadd.s32 s22, s28  }
0x384: {  	s22 =	smul.u32 $0x280, s22;
	_ =	sdelay $0x1  }
0x385: {  	s22 =	sshra.s32 s22, $0x2  }
0x386: {  	s30 =	sadd.s32 $0x800, s22  }
0x387: {  	v9 =	vmov s30;
	_ =	sdelay $0x3  }
0x388: {  	s30 =	simm.s32 $0x0  }
0x389: {  	v4 =	vld.idx.msk [tilespmem:v9+s30+$0x0 ss:$0x1], $0xffff;
	_ =	sdelay $0x4  }
0x38a: {  	v4 =	vshll.u32 v4, $0x4  }
0x38b: {  	s31 =	simm.s32 $0x10;
	v7 =	vor.u32 v2, v4  }
0x38c: {  	v5 =	vld.idx.msk [tilespmem:v9+s31+$0x0 ss:$0x1], $0xffff  }
0x38d: {  	s22 =	sadd.s32 $0x5680, s22  }
0x38e: {  	v6 =	vmov s22;
	_ =	sdelay $0x1  }
0x38f: {  	v7 =	vld.idx.msk [tilespmem:v7+s1+$0x0], $0xffff  }
0x390: {  	v5 =	vshll.u32 v5, $0x4  }
0x391: {  	v10 =	vor.u32 v2, v5  }
0x392: {  	v4 =	vld.idx.msk [tilespmem:v6+s30+$0x0 ss:$0x1], $0xffff;
	s30 =	simm.s32 $0x20  }
0x393: {  	v11 =	vld.idx.msk [tilespmem:v9+s30+$0x0 ss:$0x1], $0xffff  }
0x394: {  	(xrf2) =	vadd.scan.msk.f32 $0xffff, v7;
	_ =	sdelay $0x1  }
0x395: {  	v10 =	vld.idx.msk [tilespmem:v10+s1+$0x0], $0xffff  }
0x396: {  	v5 =	vperm.xlane v4, v3;
	v7 =	vld.idx.msk [tilespmem:v6+s31+$0x0 ss:$0x1], $0xffff  }
0x397: {  	v11 =	vshll.u32 v11, $0x4  }
0x398: {  	s22 =	simm.s32 $0x100;
	v11 =	vor.u32 v2, v11;
	vm2 =	vne.s32 v4, v5;
	s31 =	simm.s32 $0x30  }
.LBB2_40:
0x399: {  	p0 =	sne.s32 s22, $0x240;
	v12 =	vld.idx.msk [tilespmem:v9+s31+$0x0 ss:$0x1], $0xffff;
	vm3 =	vmor vm2, vm0;
	_ =	sdelay $0x1  }
0x39a: {  	(xrf2) =	vadd.scan.msk.f32 $0xffff, v10;
	v13 =	vmov v7  }
.Ltmp33:
0x39b: {  	(pc) =	sbr.rel @p0 .LBB2_40-.Ltmp33, $4  }
0x39c: {  	v10 =	vld.idx.msk [tilespmem:v11+s1+$0x0], $0xffff;
	v11, _, _ =	vpop (xrf2)  }
0x39d: {  	v14 =	vperm.xlane v13, v3;
	v7 =	vld.idx.msk [tilespmem:v6+s30+$0x0 ss:$0x1], $0xffff;
	v15 =	vsub.f32 $0.0e+00, v11;
	s30 =	smov.u32 s31  }
0x39e: {  	v12 =	vshll.u32 v12, $0x4;
	[tilespmem:v4+s18+$0x0] =	vst.idx.add.f32.msk vm3, v11;
	v4 =	vmov v13  }
0x39f: {  	s31 =	sshra.s32 s22, $0x2;
	s22 =	sadd.s32 $0x40, s22;
	v11 =	vor.u32 v2, v12;
	[tilespmem:v5+s18+$0x0] =	vst.idx.add.f32.msk vm2, v15;
	vm2 =	vne.s32 v4, v14;
	v5 =	vmov v14  }
0x3a0: {  	v8 =	vbroadcast v8, $0x0;
	_ =	sdelay $0x1  }
0x3a1: {  	vm3 =	vne.s32 v8, v2  }
0x3a2: {  	vm1 =	vmand vm1, vm3  }
0x3a3: {  	v9 =	vld.idx.msk [tilespmem:v9+s31+$0x0 ss:$0x1], $0xffff;
	v55 =	vsel vm1, $0x3F800000, v0  }
0x3a4: {  	(xrf0) =	vmax.scan.msk.f32 $0xffff, v55;
	_ =	sdelay $0x3  }
0x3a5: {  	v56 =	vshll.u32 v9, $0x4  }
0x3a6: {  	v8 =	vor.u32 v2, v56  }
0x3a7: {  	v58, _, _ =	vpop (xrf0)  }
0x3a8: {  	(v2sf) =	vpush v58, $0xF  }
0x3a9: {  	v57 =	vld.idx.msk [tilespmem:v11+s1+$0x0], $0xffff;
	_ =	sdelay $0x1  }
0x3aa: {  	v8 =	vld.idx.msk [tilespmem:v8+s1+$0x0], $0xffff  }
0x3ab: {  	v59 =	vld.idx.msk [tilespmem:v6+s30+$0x0 ss:$0x1], $0xffff;
	(xrf2) =	vadd.scan.msk.f32 $0xffff, v10;
	_ =	sdelay $0x1  }
0x3ac: {  	v60 =	vld.idx.msk [tilespmem:v6+s31+$0x0 ss:$0x1], $0xffff;
	(xrf2) =	vadd.scan.msk.f32 $0xffff, v57  }
0x3ad: {  	v61 =	vperm.xlane v7, v3  }
0x3ae: {  	vm3 =	vmor vm2, vm0;
	(xrf2) =	vadd.scan.msk.f32 $0xffff, v8  }
0x3af: {  	vm4 =	vne.s32 v7, v61;
	v62 =	vperm.xlane v59, v3  }
0x3b0: {  	vm5 =	vmor vm4, vm0  }
0x3b1: {  	v63 =	vperm.xlane v60, v3;
	vm6 =	vne.s32 v59, v62  }
0x3b2: {  	v12, _, _ =	vpop (xrf2);
	vm7 =	vmor vm6, vm0  }
0x3b3: {  	v13 =	vsub.f32 $0.0e+00, v12;
	vm8 =	vne.s32 v60, v63  }
0x3b4: {  	[tilespmem:v4+s18+$0x0] =	vst.idx.add.f32.msk vm3, v12;
	vm3 =	vmor vm8, vm0;
	v14, _, _ =	vpop (xrf2)  }
0x3b5: {  	[tilespmem:v5+s18+$0x0] =	vst.idx.add.f32.msk vm2, v13;
	v4 =	vsub.f32 $0.0e+00, v14;
	s22 =	spop (v2sf)  }
0x3b6: {  	[tilespmem:v7+s18+$0x0] =	vst.idx.add.f32.msk vm5, v14;
	v5, _, _ =	vpop (xrf2);
	p0 =	sgt.f32 s22, $0.0e+00  }
.Ltmp34:
0x3b7: {  	[tilespmem:v61+s18+$0x0] =	vst.idx.add.f32.msk vm4, v4;
	v4 =	vsub.f32 $0.0e+00, v5;
	(pc) =	sbr.rel @p0 .LBB2_39-.Ltmp34, $4  }
.Ltmp35:
0x3b8: {  	[tilespmem:v59+s18+$0x0] =	vst.idx.add.f32.msk vm7, v5;
	v5, _, _ =	vpop (xrf2);
	(pc) =	sbr.rel @!p0 .LBB2_42-.Ltmp35, $4  }
0x3b9: {  	[tilespmem:v62+s18+$0x0] =	vst.idx.add.f32.msk vm6, v4;
	v4 =	vsub.f32 $0.0e+00, v5  }
0x3ba: {  	[tilespmem:v60+s18+$0x0] =	vst.idx.add.f32.msk vm3, v5  }
0x3bb: {  	[tilespmem:v63+s18+$0x0] =	vst.idx.add.f32.msk vm8, v4  }
0x3bc: {  	_ = 	snop  }
.LBB2_43:
0x3bd: {  	s28 =	simm.s32 $0x0;
	s22 =	rddreg [dreg:$0x12]  }
0x3be: {  	[tilespmem:s11], [sflag:$0x1] =	stream.linear.gather [hbm4b:s22+s28], $0x4E20, $0x38;
	[tilespmem:$0x17300] =	vst v63  }
0x3bf: {  	s22 =	rddreg [dreg:$0x13]  }
0x3c0: {  	[tilespmem:s12], [sflag:$0x2] =	stream.linear.gather [hbm4b:s22+s28], $0x4E20, $0x38;
	[tilespmem:$0x17300] =	vst v63  }
0x3c1: {  	_ =	swait.ge [sflag:s19], $0x4E20  }
0x3c2: {  	[sflag:s19] =	ssyncset.done $0x0  }
0x3c3: {  	[sflag:s19] =	ssyncadd.s32 $0xFFFFB1E0  }
0x3c4: {  	_ =	swait.ge [sflag:s20], $0x4E20  }
0x3c5: {  	[sflag:s20] =	ssyncset.done $0x0  }
0x3c6: {  	s22 =	sand.u32 $0x7FE0, s28;
	[sflag:s20] =	ssyncadd.s32 $0xFFFFB1E0  }
0x3c7: {  	s30 =	simm.s32 $0xA550;
	v4 =	vld [tilespmem:s22+$0xA580]  }
0x3c8: {  	v5 =	vld [tilespmem:s30+$0xFFFFFFE0]  }
0x3c9: {  	v6 =	vld [tilespmem:s30+$0xFFFFFFB0]  }
0x3ca: {  	v7 =	vld [tilespmem:s30+$0xFFFFFFC0];
	_ =	sdelay $0x1  }
0x3cb: {  	v8 =	vld [tilespmem:s30+$0xFFFFFFF0]  }
0x3cc: {  	v9 =	vld [tilespmem:s30+$0x0];
	v4 =	vshll.u32 v4, $0x4  }
0x3cd: {  	v10 =	vld [tilespmem:s30+$0xFFFFFFD0];
	v5 =	vshll.u32 v5, $0x4;
	v11 =	vor.u32 v2, v4  }
0x3ce: {  	v7 =	vshll.u32 v7, $0x4;
	v4 =	vshll.u32 v6, $0x4;
	v5 =	vor.u32 v2, v5;
	v6 =	vld [tilespmem:s30+$0x40]  }
0x3cf: {  	v13 =	vld [tilespmem:s30+$0x10];
	v7 =	vor.u32 v2, v7  }
0x3d0: {  	s29 =	simm.s32 $0xF410;
	v14 =	vld [tilespmem:s30+$0x20];
	v8 =	vshll.u32 v8, $0x4;
	v12 =	vor.u32 v2, v4  }
0x3d1: {  	v9 =	vshll.u32 v9, $0x4;
	v8 =	vor.u32 v2, v8;
	v4 =	vld [tilespmem:s29+$0x0]  }
0x3d2: {  	v10 =	vshll.u32 v10, $0x4;
	v9 =	vor.u32 v2, v9;
	v11 =	vld.idx.msk [tilespmem:v11+s28+$0x0], $0xffff  }
0x3d3: {  	v10 =	vor.u32 v2, v10;
	v15 =	vld.idx.msk [tilespmem:v5+s28+$0x0], $0xffff;
	v5 =	vshll.u32 v6, $0x4  }
0x3d4: {  	v7 =	vld.idx.msk [tilespmem:v7+s28+$0x0], $0xffff;
	v5 =	vor.u32 v2, v5  }
0x3d5: {  	v6 =	vld.idx.msk [tilespmem:v12+s28+$0x0], $0xffff;
	v12 =	vshll.u32 v13, $0x4  }
0x3d6: {  	v8 =	vld.idx.msk [tilespmem:v8+s28+$0x0], $0xffff;
	v12 =	vor.u32 v2, v12  }
0x3d7: {  	v9 =	vld.idx.msk [tilespmem:v9+s28+$0x0], $0xffff;
	v13 =	vshll.u32 v14, $0x4  }
0x3d8: {  	v10 =	vld.idx.msk [tilespmem:v10+s28+$0x0], $0xffff;
	v13 =	vor.u32 v2, v13  }
0x3d9: {  	v14 =	vld.idx.msk [tilespmem:v5+s28+$0x0], $0xffff  }
0x3da: {  	s22 =	simm.s32 $0xA0;
	v7 =	vadd.f32 $0.0e+00, v7;
	v6 =	vadd.f32 $0.0e+00, v6;
	v5 =	vld [tilespmem:s29+$0xFFFFFF70]  }
0x3db: {  	s22 =	sand.u32 $0x7FE0, s22;
	v16 =	vld.idx.msk [tilespmem:v12+s28+$0x0], $0xffff  }
0x3dc: {  	v7 =	vadd.f32 v9, v7;
	v12 =	vld [tilespmem:s22+$0xA580];
	v8 =	vadd.f32 v8, v6  }
0x3dd: {  	s30 =	simm.s32 $0xA5F0;
	v9 =	vadd.f32 $0.0e+00, v10;
	v6 =	vld.idx.msk [tilespmem:v13+s28+$0x0], $0xffff  }
0x3de: {  	v10 =	vld [tilespmem:s30+$0xFFFFFFE0];
	v17 =	vadd.f32 v11, v8;
	v14 =	vadd.f32 v14, v7  }
0x3df: {  	v13 =	vld [tilespmem:s30+$0xFFFFFFB0];
	v7 =	vadd.f32 $0.0e+00, v15  }
0x3e0: {  	s31 =	simm.s32 $0x140;
	v11 =	vld [tilespmem:s30+$0xFFFFFFC0];
	v8 =	vadd.f32 v16, v9;
	v9 =	vadd.f32 v14, v17  }
.LBB2_44:
0x3e1: {  	p0 =	sne.s32 s31, $0x4D80;
	v14 =	vld [tilespmem:s30+$0xFFFFFFF0]  }
0x3e2: {  	v6 =	vadd.f32 v6, v7;
	v15 =	vld [tilespmem:s30+$0x0];
	v12 =	vshll.u32 v12, $0x4;
	v7 =	vadd.f32 v9, v8  }
0x3e3: {  	v8 =	vld [tilespmem:s30+$0xFFFFFFD0];
	v9 =	vshll.u32 v10, $0x4;
	v10 =	vor.u32 v2, v12  }
0x3e4: {  	v12 =	vshll.u32 v13, $0x4;
	v9 =	vor.u32 v2, v9;
	v13 =	vld [tilespmem:s30+$0x40];
	v6 =	vadd.f32 v7, v6  }
0x3e5: {  	s29 =	sadd.s32 $0xA0, s29;
	v7 =	vor.u32 v2, v12;
	v11 =	vshll.u32 v11, $0x4;
	v12 =	vld [tilespmem:s30+$0x10]  }
0x3e6: {  	v16 =	vld [tilespmem:s29+$0x0];
	v11 =	vor.u32 v2, v11;
	v14 =	vshll.u32 v14, $0x4;
	(xrf2) =	vadd.scan.msk.f32 $0xffff, v6  }
0x3e7: {  	v6 =	vor.u32 v2, v14;
	v14 =	vshll.u32 v15, $0x4;
	v15 =	vld [tilespmem:s30+$0x20]  }
0x3e8: {  	v5 =	vperm.xlane v5, v1;
	v8 =	vshll.u32 v8, $0x4;
	v14 =	vor.u32 v2, v14;
	v17 =	vld.idx.msk [tilespmem:v10+s28+$0x0], $0xffff  }
0x3e9: {  	v8 =	vor.u32 v2, v8;
	v9 =	vld.idx.msk [tilespmem:v9+s28+$0x0], $0xffff;
	v10 =	vshll.u32 v13, $0x4  }
0x3ea: {  	vm1 =	veq.s32 v5, v4;
	v7 =	vld.idx.msk [tilespmem:v7+s28+$0x0], $0xffff;
	v12 =	vshll.u32 v12, $0x4;
	v10 =	vor.u32 v2, v10  }
0x3eb: {  	vm1 =	vmand vm1, vm0;
	v5 =	vld.idx.msk [tilespmem:v11+s28+$0x0], $0xffff;
	v11 =	vor.u32 v2, v12  }
0x3ec: {  	v6 =	vld.idx.msk [tilespmem:v6+s28+$0x0], $0xffff  }
0x3ed: {  	v13 =	vshll.u32 v15, $0x4;
	v12 =	vld.idx.msk [tilespmem:v14+s28+$0x0], $0xffff  }
0x3ee: {  	v13 =	vor.u32 v2, v13;
	v8 =	vld.idx.msk [tilespmem:v8+s28+$0x0], $0xffff  }
0x3ef: {  	v14 =	vld.idx.msk [tilespmem:v10+s28+$0x0], $0xffff  }
0x3f0: {  	v15 =	vld.idx.msk [tilespmem:v11+s28+$0x0], $0xffff;
	v10, _, _ =	vpop (xrf2)  }
0x3f1: {  	v7 =	vadd.f32 $0.0e+00, v7;
	v11 =	vadd.f32 $0.0e+00, v5;
	[tilespmem:v4+s18+$0x0] =	vst.idx.add.f32.msk vm1, v10;
	v4 =	vmov v16  }
0x3f2: {  	v5 =	vld [tilespmem:s29+$0xFFFFFF70]  }
.Ltmp36:
0x3f3: {  	s22 =	sand.u32 $0x7FE0, s31;
	v7 =	vadd.f32 v6, v7;
	v11 =	vadd.f32 v12, v11;
	v6 =	vld.idx.msk [tilespmem:v13+s28+$0x0], $0xffff;
	(pc) =	sbr.rel @p0 .LBB2_44-.Ltmp36, $4  }
0x3f4: {  	s30 =	sadd.s32 $0xA0, s30;
	v8 =	vadd.f32 $0.0e+00, v8;
	v12 =	vld [tilespmem:s22+$0xA580]  }
0x3f5: {  	v16 =	vadd.f32 v17, v7;
	v14 =	vadd.f32 v14, v11;
	v10 =	vld [tilespmem:s30+$0xFFFFFFE0]  }
0x3f6: {  	v7 =	vadd.f32 $0.0e+00, v9;
	v13 =	vld [tilespmem:s30+$0xFFFFFFB0]  }
0x3f7: {  	s31 =	sadd.s32 $0xA0, s31;
	v8 =	vadd.f32 v15, v8;
	v9 =	vadd.f32 v14, v16;
	v11 =	vld [tilespmem:s30+$0xFFFFFFC0]  }
0x3f8: {  	v14 =	vld [tilespmem:s30+$0xFFFFFFF0]  }
0x3f9: {  	v15 =	vld [tilespmem:s30+$0x0]  }
0x3fa: {  	v16 =	vld [tilespmem:s30+$0xFFFFFFD0];
	v12 =	vshll.u32 v12, $0x4  }
0x3fb: {  	v17 =	vld [tilespmem:s30+$0x40];
	v12 =	vor.u32 v2, v12;
	v13 =	vshll.u32 v13, $0x4  }
0x3fc: {  	v13 =	vor.u32 v2, v13;
	v11 =	vshll.u32 v11, $0x4  }
0x3fd: {  	v18 =	vld [tilespmem:s30+$0x10];
	v11 =	vor.u32 v2, v11;
	v14 =	vshll.u32 v14, $0x4  }
0x3fe: {  	v15 =	vshll.u32 v15, $0x4;
	v14 =	vor.u32 v2, v14  }
0x3ff: {  	v19 =	vld [tilespmem:s30+$0x20];
	v16 =	vshll.u32 v16, $0x4;
	v15 =	vor.u32 v2, v15  }
0x400: {  	v17 =	vshll.u32 v17, $0x4;
	v16 =	vor.u32 v2, v16;
	v12 =	vld.idx.msk [tilespmem:v12+s28+$0x0], $0xffff  }
0x401: {  	v10 =	vshll.u32 v10, $0x4;
	v17 =	vor.u32 v2, v17;
	v13 =	vld.idx.msk [tilespmem:v13+s28+$0x0], $0xffff  }
0x402: {  	v10 =	vor.u32 v2, v10;
	v18 =	vshll.u32 v18, $0x4;
	v11 =	vld.idx.msk [tilespmem:v11+s28+$0x0], $0xffff  }
0x403: {  	v18 =	vor.u32 v2, v18;
	v14 =	vld.idx.msk [tilespmem:v14+s28+$0x0], $0xffff  }
0x404: {  	v19 =	vshll.u32 v19, $0x4;
	v15 =	vld.idx.msk [tilespmem:v15+s28+$0x0], $0xffff  }
0x405: {  	v19 =	vor.u32 v2, v19;
	v16 =	vld.idx.msk [tilespmem:v16+s28+$0x0], $0xffff  }
0x406: {  	v17 =	vld.idx.msk [tilespmem:v17+s28+$0x0], $0xffff  }
0x407: {  	v10 =	vld.idx.msk [tilespmem:v10+s28+$0x0], $0xffff;
	v13 =	vadd.f32 $0.0e+00, v13;
	v11 =	vadd.f32 $0.0e+00, v11  }
0x408: {  	v55 =	vld.idx.msk [tilespmem:v18+s28+$0x0], $0xffff  }
0x409: {  	v13 =	vadd.f32 v14, v13;
	v11 =	vadd.f32 v15, v11  }
0x40a: {  	v56 =	vld.idx.msk [tilespmem:v19+s28+$0x0], $0xffff;
	v57 =	vadd.f32 $0.0e+00, v16  }
0x40b: {  	v12 =	vadd.f32 v12, v13;
	v11 =	vadd.f32 v17, v11  }
0x40c: {  	v10 =	vadd.f32 $0.0e+00, v10  }
0x40d: {  	v14 =	vadd.f32 v55, v57;
	v11 =	vadd.f32 v11, v12  }
0x40e: {  	v6 =	vadd.f32 v6, v7;
	v58 =	vadd.f32 v9, v8  }
0x40f: {  	s22 =	sadd.s32 $0xA0, s29;
	v59 =	vadd.f32 v56, v10;
	v60 =	vadd.f32 v11, v14  }
0x410: {  	v61 =	vld [tilespmem:s22+$0xFFFFFF70];
	v6 =	vadd.f32 v58, v6  }
0x411: {  	v8 =	vadd.f32 v60, v59  }
0x412: {  	v62 =	vld [tilespmem:s22+$0x0];
	(xrf2) =	vadd.scan.msk.f32 $0xffff, v6  }
0x413: {  	(xrf2) =	vadd.scan.msk.f32 $0xffff, v8  }
0x414: {  	v5 =	vperm.xlane v5, v1  }
0x415: {  	v63 =	vperm.xlane v61, v1  }
0x416: {  	vm1 =	veq.s32 v5, v4  }
0x417: {  	vm1 =	vmand vm1, vm0;
	vm2 =	veq.s32 v63, v62  }
0x418: {  	vm2 =	vmand vm2, vm0;
	_ =	sdelay $0x1  }
.Ltmp37:
0x419: {  	_ = 	snop;
	(pc) =	sbr.rel .LBB2_46-.Ltmp37, $4  }
0x41a: {  	_ = 	snop  }
0x41b: {  	v5, _, _ =	vpop (xrf2)  }
0x41c: {  	[tilespmem:v4+s18+$0x0] =	vst.idx.add.f32.msk vm1, v5;
	v4, _, _ =	vpop (xrf2)  }
0x41d: {  	s29 =	simm.s32 $0x0;
	[tilespmem:v62+s18+$0x0] =	vst.idx.add.f32.msk vm2, v4  }
.LBB2_50:
0x41e: {  	s29 =	sadd.s32 $0x1, s29  }
0x41f: {  	p0 =	sne.s32 s29, $0x8  }
.Ltmp38:
0x420: {  	_ = 	snop;
	(pc) =	sbr.rel @!p0 .LBB2_51-.Ltmp38, $2  }
0x421: {  	_ =	sdelay $0x2  }
0x422: {  	s28 =	sadd.s32 $0x10, s28  }
.LBB2_46:
0x423: {  	s22 =	sshll.u32 s29, $0x4  }
0x424: {  	v4 =	vor.u32 s22, v2  }
0x425: {  	v5 =	vmin.u32 v4, $0x7C  }
0x426: {  	v5 =	vmul.u32 $0xA0, v5;
	_ =	sdelay $0x1  }
0x427: {  	v6 =	vadd.s32 $0x9F, v5;
	_ =	sdelay $0x3  }
0x428: {  	v5 =	vld.idx.msk [tilespmem:v5+s14+$0x0], $0xffff  }
0x429: {  	v6 =	vld.idx.msk [tilespmem:v6+s14+$0x0], $0xffff;
	_ =	sdelay $0x4  }
0x42a: {  	vm1 =	vlt.u32 v4, $0x7D;
	vm2 =	vne.s32 v5, v6  }
0x42b: {  	vm1 =	vmand vm1, vm2  }
0x42c: {  	v4 =	vsel vm1, $0x3F800000, v0  }
0x42d: {  	(xrf0) =	vmax.scan.msk.f32 $0xffff, v4;
	_ =	sdelay $0x5  }
0x42e: {  	v4, _, _ =	vpop (xrf0)  }
0x42f: {  	(v2sf) =	vpush v4, $0xF;
	_ =	sdelay $0xe  }
0x430: {  	s31 =	spop (v2sf)  }
0x431: {  	p0 =	sgt.f32 s31, $0.0e+00  }
.Ltmp39:
0x432: {  	_ = 	snop;
	(pc) =	sbr.rel @!p0 .LBB2_50-.Ltmp39, $1  }
0x433: {  	_ =	sdelay $0x3  }
.LBB2_47:
0x434: {  	v8 =	vmctz.xlane vm1;
	_ =	sdelay $0x1  }
0x435: {  	(v2sf) =	vpush v8, $0x0;
	_ =	sdelay $0xe  }
0x436: {  	s22 =	spop (v2sf)  }
0x437: {  	s22 =	sadd.s32 s22, s28  }
0x438: {  	s22 =	smul.u32 $0x280, s22;
	_ =	sdelay $0x1  }
0x439: {  	s22 =	sshra.s32 s22, $0x2  }
0x43a: {  	s30 =	sadd.s32 $0xA500, s22  }
0x43b: {  	v9 =	vmov s30;
	_ =	sdelay $0x3  }
0x43c: {  	s30 =	simm.s32 $0x0  }
0x43d: {  	v4 =	vld.idx.msk [tilespmem:v9+s30+$0x0 ss:$0x1], $0xffff;
	_ =	sdelay $0x4  }
0x43e: {  	v4 =	vshll.u32 v4, $0x4  }
0x43f: {  	s31 =	simm.s32 $0x10;
	v7 =	vor.u32 v2, v4  }
0x440: {  	v5 =	vld.idx.msk [tilespmem:v9+s31+$0x0 ss:$0x1], $0xffff  }
0x441: {  	s22 =	sadd.s32 $0xF380, s22  }
0x442: {  	v6 =	vmov s22;
	_ =	sdelay $0x1  }
0x443: {  	v7 =	vld.idx.msk [tilespmem:v7+s1+$0x0], $0xffff  }
0x444: {  	v5 =	vshll.u32 v5, $0x4  }
0x445: {  	v10 =	vor.u32 v2, v5  }
0x446: {  	v4 =	vld.idx.msk [tilespmem:v6+s30+$0x0 ss:$0x1], $0xffff;
	s30 =	simm.s32 $0x20  }
0x447: {  	v11 =	vld.idx.msk [tilespmem:v9+s30+$0x0 ss:$0x1], $0xffff  }
0x448: {  	(xrf2) =	vadd.scan.msk.f32 $0xffff, v7;
	_ =	sdelay $0x1  }
0x449: {  	v10 =	vld.idx.msk [tilespmem:v10+s1+$0x0], $0xffff  }
0x44a: {  	v5 =	vperm.xlane v4, v3;
	v7 =	vld.idx.msk [tilespmem:v6+s31+$0x0 ss:$0x1], $0xffff  }
0x44b: {  	v11 =	vshll.u32 v11, $0x4  }
0x44c: {  	s22 =	simm.s32 $0x100;
	v11 =	vor.u32 v2, v11;
	vm2 =	vne.s32 v4, v5;
	s31 =	simm.s32 $0x30  }
.LBB2_48:
0x44d: {  	p0 =	sne.s32 s22, $0x240;
	v12 =	vld.idx.msk [tilespmem:v9+s31+$0x0 ss:$0x1], $0xffff;
	vm3 =	vmor vm2, vm0;
	_ =	sdelay $0x1  }
0x44e: {  	(xrf2) =	vadd.scan.msk.f32 $0xffff, v10;
	v13 =	vmov v7  }
.Ltmp40:
0x44f: {  	(pc) =	sbr.rel @p0 .LBB2_48-.Ltmp40, $4  }
0x450: {  	v10 =	vld.idx.msk [tilespmem:v11+s1+$0x0], $0xffff;
	v11, _, _ =	vpop (xrf2)  }
0x451: {  	v14 =	vperm.xlane v13, v3;
	v7 =	vld.idx.msk [tilespmem:v6+s30+$0x0 ss:$0x1], $0xffff;
	v15 =	vsub.f32 $0.0e+00, v11;
	s30 =	smov.u32 s31  }
0x452: {  	v12 =	vshll.u32 v12, $0x4;
	[tilespmem:v4+s18+$0x0] =	vst.idx.add.f32.msk vm3, v11;
	v4 =	vmov v13  }
0x453: {  	s31 =	sshra.s32 s22, $0x2;
	s22 =	sadd.s32 $0x40, s22;
	v11 =	vor.u32 v2, v12;
	[tilespmem:v5+s18+$0x0] =	vst.idx.add.f32.msk vm2, v15;
	vm2 =	vne.s32 v4, v14;
	v5 =	vmov v14  }
0x454: {  	v8 =	vbroadcast v8, $0x0;
	_ =	sdelay $0x1  }
0x455: {  	vm3 =	vne.s32 v8, v2  }
0x456: {  	vm1 =	vmand vm1, vm3  }
0x457: {  	v9 =	vld.idx.msk [tilespmem:v9+s31+$0x0 ss:$0x1], $0xffff;
	v55 =	vsel vm1, $0x3F800000, v0  }
0x458: {  	(xrf0) =	vmax.scan.msk.f32 $0xffff, v55;
	_ =	sdelay $0x3  }
0x459: {  	v56 =	vshll.u32 v9, $0x4  }
0x45a: {  	v8 =	vor.u32 v2, v56  }
0x45b: {  	v58, _, _ =	vpop (xrf0)  }
0x45c: {  	(v2sf) =	vpush v58, $0xF  }
0x45d: {  	v57 =	vld.idx.msk [tilespmem:v11+s1+$0x0], $0xffff;
	_ =	sdelay $0x1  }
0x45e: {  	v8 =	vld.idx.msk [tilespmem:v8+s1+$0x0], $0xffff  }
0x45f: {  	v59 =	vld.idx.msk [tilespmem:v6+s30+$0x0 ss:$0x1], $0xffff;
	(xrf2) =	vadd.scan.msk.f32 $0xffff, v10;
	_ =	sdelay $0x1  }
0x460: {  	v60 =	vld.idx.msk [tilespmem:v6+s31+$0x0 ss:$0x1], $0xffff;
	(xrf2) =	vadd.scan.msk.f32 $0xffff, v57  }
0x461: {  	v61 =	vperm.xlane v7, v3  }
0x462: {  	vm3 =	vmor vm2, vm0;
	(xrf2) =	vadd.scan.msk.f32 $0xffff, v8  }
0x463: {  	vm4 =	vne.s32 v7, v61;
	v62 =	vperm.xlane v59, v3  }
0x464: {  	vm5 =	vmor vm4, vm0  }
0x465: {  	v63 =	vperm.xlane v60, v3;
	vm6 =	vne.s32 v59, v62  }
0x466: {  	v12, _, _ =	vpop (xrf2);
	vm7 =	vmor vm6, vm0  }
0x467: {  	v13 =	vsub.f32 $0.0e+00, v12;
	vm8 =	vne.s32 v60, v63  }
0x468: {  	[tilespmem:v4+s18+$0x0] =	vst.idx.add.f32.msk vm3, v12;
	vm3 =	vmor vm8, vm0;
	v14, _, _ =	vpop (xrf2)  }
0x469: {  	[tilespmem:v5+s18+$0x0] =	vst.idx.add.f32.msk vm2, v13;
	v4 =	vsub.f32 $0.0e+00, v14;
	s22 =	spop (v2sf)  }
0x46a: {  	[tilespmem:v7+s18+$0x0] =	vst.idx.add.f32.msk vm5, v14;
	v5, _, _ =	vpop (xrf2);
	p0 =	sgt.f32 s22, $0.0e+00  }
.Ltmp41:
0x46b: {  	[tilespmem:v61+s18+$0x0] =	vst.idx.add.f32.msk vm4, v4;
	v4 =	vsub.f32 $0.0e+00, v5;
	(pc) =	sbr.rel @p0 .LBB2_47-.Ltmp41, $4  }
.Ltmp42:
0x46c: {  	[tilespmem:v59+s18+$0x0] =	vst.idx.add.f32.msk vm7, v5;
	v5, _, _ =	vpop (xrf2);
	(pc) =	sbr.rel @!p0 .LBB2_50-.Ltmp42, $4  }
0x46d: {  	[tilespmem:v62+s18+$0x0] =	vst.idx.add.f32.msk vm6, v4;
	v4 =	vsub.f32 $0.0e+00, v5  }
0x46e: {  	[tilespmem:v60+s18+$0x0] =	vst.idx.add.f32.msk vm3, v5  }
0x46f: {  	[tilespmem:v63+s18+$0x0] =	vst.idx.add.f32.msk vm8, v4  }
0x470: {  	_ = 	snop  }
.LBB2_51:
0x471: {  	s28 =	simm.s32 $0x0;
	s22 =	rddreg [dreg:$0x14]  }
0x472: {  	[tilespmem:s13], [sflag:$0x3] =	stream.linear.gather [hbm4b:s22+s28], $0x4E20, $0x38;
	[tilespmem:$0x17300] =	vst v63  }
0x473: {  	s22 =	rddreg [dreg:$0x15]  }
0x474: {  	[tilespmem:s14], [sflag:$0x4] =	stream.linear.gather [hbm4b:s22+s28], $0x4E20, $0x38;
	[tilespmem:$0x17300] =	vst v63  }
0x475: {  	_ =	swait.ge [sflag:s16], $0x4E20  }
0x476: {  	[sflag:s16] =	ssyncset.done $0x0  }
0x477: {  	[sflag:s16] =	ssyncadd.s32 $0xFFFFB1E0  }
0x478: {  	_ =	swait.ge [sflag:s17], $0x4E20  }
0x479: {  	[sflag:s17] =	ssyncset.done $0x0  }
0x47a: {  	s22 =	sand.u32 $0x7FE0, s28;
	[sflag:s17] =	ssyncadd.s32 $0xFFFFB1E0  }
0x47b: {  	s30 =	simm.s32 $0x850;
	v4 =	vld [tilespmem:s22+$0x880]  }
0x47c: {  	v5 =	vld [tilespmem:s30+$0xFFFFFFE0]  }
0x47d: {  	v6 =	vld [tilespmem:s30+$0xFFFFFFB0]  }
0x47e: {  	v7 =	vld [tilespmem:s30+$0xFFFFFFC0];
	_ =	sdelay $0x1  }
0x47f: {  	v8 =	vld [tilespmem:s30+$0xFFFFFFF0]  }
0x480: {  	v9 =	vld [tilespmem:s30+$0x0];
	v4 =	vshll.u32 v4, $0x4  }
0x481: {  	v10 =	vld [tilespmem:s30+$0xFFFFFFD0];
	v5 =	vshll.u32 v5, $0x4;
	v11 =	vor.u32 v2, v4  }
0x482: {  	v7 =	vshll.u32 v7, $0x4;
	v4 =	vshll.u32 v6, $0x4;
	v5 =	vor.u32 v2, v5;
	v6 =	vld [tilespmem:s30+$0x40]  }
0x483: {  	v13 =	vld [tilespmem:s30+$0x10];
	v7 =	vor.u32 v2, v7  }
0x484: {  	s29 =	simm.s32 $0x5710;
	v14 =	vld [tilespmem:s30+$0x20];
	v8 =	vshll.u32 v8, $0x4;
	v12 =	vor.u32 v2, v4  }
0x485: {  	v9 =	vshll.u32 v9, $0x4;
	v8 =	vor.u32 v2, v8;
	v4 =	vld [tilespmem:s29+$0x0]  }
0x486: {  	v10 =	vshll.u32 v10, $0x4;
	v9 =	vor.u32 v2, v9;
	v11 =	vld.idx.msk [tilespmem:v11+s28+$0x0], $0xffff  }
0x487: {  	v10 =	vor.u32 v2, v10;
	v15 =	vld.idx.msk [tilespmem:v5+s28+$0x0], $0xffff;
	v5 =	vshll.u32 v6, $0x4  }
0x488: {  	v7 =	vld.idx.msk [tilespmem:v7+s28+$0x0], $0xffff;
	v5 =	vor.u32 v2, v5  }
0x489: {  	v6 =	vld.idx.msk [tilespmem:v12+s28+$0x0], $0xffff;
	v12 =	vshll.u32 v13, $0x4  }
0x48a: {  	v8 =	vld.idx.msk [tilespmem:v8+s28+$0x0], $0xffff;
	v12 =	vor.u32 v2, v12  }
0x48b: {  	v9 =	vld.idx.msk [tilespmem:v9+s28+$0x0], $0xffff;
	v13 =	vshll.u32 v14, $0x4  }
0x48c: {  	v10 =	vld.idx.msk [tilespmem:v10+s28+$0x0], $0xffff;
	v13 =	vor.u32 v2, v13  }
0x48d: {  	v14 =	vld.idx.msk [tilespmem:v5+s28+$0x0], $0xffff  }
0x48e: {  	s22 =	simm.s32 $0xA0;
	v7 =	vadd.f32 $0.0e+00, v7;
	v6 =	vadd.f32 $0.0e+00, v6;
	v5 =	vld [tilespmem:s29+$0xFFFFFF70]  }
0x48f: {  	s22 =	sand.u32 $0x7FE0, s22;
	v16 =	vld.idx.msk [tilespmem:v12+s28+$0x0], $0xffff  }
0x490: {  	v7 =	vadd.f32 v9, v7;
	v12 =	vld [tilespmem:s22+$0x880];
	v8 =	vadd.f32 v8, v6  }
0x491: {  	s30 =	simm.s32 $0x8F0;
	v9 =	vadd.f32 $0.0e+00, v10;
	v6 =	vld.idx.msk [tilespmem:v13+s28+$0x0], $0xffff  }
0x492: {  	v10 =	vld [tilespmem:s30+$0xFFFFFFE0];
	v17 =	vadd.f32 v11, v8;
	v14 =	vadd.f32 v14, v7  }
0x493: {  	v13 =	vld [tilespmem:s30+$0xFFFFFFB0];
	v7 =	vadd.f32 $0.0e+00, v15  }
0x494: {  	s31 =	simm.s32 $0x140;
	v11 =	vld [tilespmem:s30+$0xFFFFFFC0];
	v8 =	vadd.f32 v16, v9;
	v9 =	vadd.f32 v14, v17  }
.LBB2_52:
0x495: {  	p0 =	sne.s32 s31, $0x4D80;
	v14 =	vld [tilespmem:s30+$0xFFFFFFF0]  }
0x496: {  	v6 =	vadd.f32 v6, v7;
	v15 =	vld [tilespmem:s30+$0x0];
	v12 =	vshll.u32 v12, $0x4;
	v7 =	vadd.f32 v9, v8  }
0x497: {  	v8 =	vld [tilespmem:s30+$0xFFFFFFD0];
	v9 =	vshll.u32 v10, $0x4;
	v10 =	vor.u32 v2, v12  }
0x498: {  	v12 =	vshll.u32 v13, $0x4;
	v9 =	vor.u32 v2, v9;
	v13 =	vld [tilespmem:s30+$0x40];
	v6 =	vadd.f32 v7, v6  }
0x499: {  	s29 =	sadd.s32 $0xA0, s29;
	v7 =	vor.u32 v2, v12;
	v11 =	vshll.u32 v11, $0x4;
	v12 =	vld [tilespmem:s30+$0x10]  }
0x49a: {  	v16 =	vld [tilespmem:s29+$0x0];
	v11 =	vor.u32 v2, v11;
	v14 =	vshll.u32 v14, $0x4;
	(xrf2) =	vadd.scan.msk.f32 $0xffff, v6  }
0x49b: {  	v6 =	vor.u32 v2, v14;
	v14 =	vshll.u32 v15, $0x4;
	v15 =	vld [tilespmem:s30+$0x20]  }
0x49c: {  	v5 =	vperm.xlane v5, v1;
	v8 =	vshll.u32 v8, $0x4;
	v14 =	vor.u32 v2, v14;
	v17 =	vld.idx.msk [tilespmem:v10+s28+$0x0], $0xffff  }
0x49d: {  	v8 =	vor.u32 v2, v8;
	v9 =	vld.idx.msk [tilespmem:v9+s28+$0x0], $0xffff;
	v10 =	vshll.u32 v13, $0x4  }
0x49e: {  	vm1 =	veq.s32 v5, v4;
	v7 =	vld.idx.msk [tilespmem:v7+s28+$0x0], $0xffff;
	v12 =	vshll.u32 v12, $0x4;
	v10 =	vor.u32 v2, v10  }
0x49f: {  	vm1 =	vmand vm1, vm0;
	v5 =	vld.idx.msk [tilespmem:v11+s28+$0x0], $0xffff;
	v11 =	vor.u32 v2, v12  }
0x4a0: {  	v6 =	vld.idx.msk [tilespmem:v6+s28+$0x0], $0xffff  }
0x4a1: {  	v13 =	vshll.u32 v15, $0x4;
	v12 =	vld.idx.msk [tilespmem:v14+s28+$0x0], $0xffff  }
0x4a2: {  	v13 =	vor.u32 v2, v13;
	v8 =	vld.idx.msk [tilespmem:v8+s28+$0x0], $0xffff  }
0x4a3: {  	v14 =	vld.idx.msk [tilespmem:v10+s28+$0x0], $0xffff  }
0x4a4: {  	v15 =	vld.idx.msk [tilespmem:v11+s28+$0x0], $0xffff;
	v10, _, _ =	vpop (xrf2)  }
0x4a5: {  	v7 =	vadd.f32 $0.0e+00, v7;
	v11 =	vadd.f32 $0.0e+00, v5;
	[tilespmem:v4+s18+$0x0] =	vst.idx.add.f32.msk vm1, v10;
	v4 =	vmov v16  }
0x4a6: {  	v5 =	vld [tilespmem:s29+$0xFFFFFF70]  }
.Ltmp43:
0x4a7: {  	s22 =	sand.u32 $0x7FE0, s31;
	v7 =	vadd.f32 v6, v7;
	v11 =	vadd.f32 v12, v11;
	v6 =	vld.idx.msk [tilespmem:v13+s28+$0x0], $0xffff;
	(pc) =	sbr.rel @p0 .LBB2_52-.Ltmp43, $4  }
0x4a8: {  	s30 =	sadd.s32 $0xA0, s30;
	v8 =	vadd.f32 $0.0e+00, v8;
	v12 =	vld [tilespmem:s22+$0x880]  }
0x4a9: {  	v16 =	vadd.f32 v17, v7;
	v14 =	vadd.f32 v14, v11;
	v10 =	vld [tilespmem:s30+$0xFFFFFFE0]  }
0x4aa: {  	v7 =	vadd.f32 $0.0e+00, v9;
	v13 =	vld [tilespmem:s30+$0xFFFFFFB0]  }
0x4ab: {  	s31 =	sadd.s32 $0xA0, s31;
	v8 =	vadd.f32 v15, v8;
	v9 =	vadd.f32 v14, v16;
	v11 =	vld [tilespmem:s30+$0xFFFFFFC0]  }
0x4ac: {  	v14 =	vld [tilespmem:s30+$0xFFFFFFF0]  }
0x4ad: {  	v15 =	vld [tilespmem:s30+$0x0]  }
0x4ae: {  	v16 =	vld [tilespmem:s30+$0xFFFFFFD0];
	v12 =	vshll.u32 v12, $0x4  }
0x4af: {  	v17 =	vld [tilespmem:s30+$0x40];
	v12 =	vor.u32 v2, v12;
	v13 =	vshll.u32 v13, $0x4  }
0x4b0: {  	v13 =	vor.u32 v2, v13;
	v11 =	vshll.u32 v11, $0x4  }
0x4b1: {  	v18 =	vld [tilespmem:s30+$0x10];
	v11 =	vor.u32 v2, v11;
	v14 =	vshll.u32 v14, $0x4  }
0x4b2: {  	v15 =	vshll.u32 v15, $0x4;
	v14 =	vor.u32 v2, v14  }
0x4b3: {  	v19 =	vld [tilespmem:s30+$0x20];
	v16 =	vshll.u32 v16, $0x4;
	v15 =	vor.u32 v2, v15  }
0x4b4: {  	v17 =	vshll.u32 v17, $0x4;
	v16 =	vor.u32 v2, v16;
	v12 =	vld.idx.msk [tilespmem:v12+s28+$0x0], $0xffff  }
0x4b5: {  	v10 =	vshll.u32 v10, $0x4;
	v17 =	vor.u32 v2, v17;
	v13 =	vld.idx.msk [tilespmem:v13+s28+$0x0], $0xffff  }
0x4b6: {  	v10 =	vor.u32 v2, v10;
	v18 =	vshll.u32 v18, $0x4;
	v11 =	vld.idx.msk [tilespmem:v11+s28+$0x0], $0xffff  }
0x4b7: {  	v18 =	vor.u32 v2, v18;
	v14 =	vld.idx.msk [tilespmem:v14+s28+$0x0], $0xffff  }
0x4b8: {  	v19 =	vshll.u32 v19, $0x4;
	v15 =	vld.idx.msk [tilespmem:v15+s28+$0x0], $0xffff  }
0x4b9: {  	v19 =	vor.u32 v2, v19;
	v16 =	vld.idx.msk [tilespmem:v16+s28+$0x0], $0xffff  }
0x4ba: {  	v17 =	vld.idx.msk [tilespmem:v17+s28+$0x0], $0xffff  }
0x4bb: {  	v10 =	vld.idx.msk [tilespmem:v10+s28+$0x0], $0xffff;
	v13 =	vadd.f32 $0.0e+00, v13;
	v11 =	vadd.f32 $0.0e+00, v11  }
0x4bc: {  	v55 =	vld.idx.msk [tilespmem:v18+s28+$0x0], $0xffff  }
0x4bd: {  	v13 =	vadd.f32 v14, v13;
	v11 =	vadd.f32 v15, v11  }
0x4be: {  	v56 =	vld.idx.msk [tilespmem:v19+s28+$0x0], $0xffff;
	v57 =	vadd.f32 $0.0e+00, v16  }
0x4bf: {  	v12 =	vadd.f32 v12, v13;
	v11 =	vadd.f32 v17, v11  }
0x4c0: {  	v10 =	vadd.f32 $0.0e+00, v10  }
0x4c1: {  	v14 =	vadd.f32 v55, v57;
	v11 =	vadd.f32 v11, v12  }
0x4c2: {  	v6 =	vadd.f32 v6, v7;
	v58 =	vadd.f32 v9, v8  }
0x4c3: {  	s22 =	sadd.s32 $0xA0, s29;
	v59 =	vadd.f32 v56, v10;
	v60 =	vadd.f32 v11, v14  }
0x4c4: {  	v61 =	vld [tilespmem:s22+$0xFFFFFF70];
	v6 =	vadd.f32 v58, v6  }
0x4c5: {  	v8 =	vadd.f32 v60, v59  }
0x4c6: {  	v62 =	vld [tilespmem:s22+$0x0];
	(xrf2) =	vadd.scan.msk.f32 $0xffff, v6  }
0x4c7: {  	(xrf2) =	vadd.scan.msk.f32 $0xffff, v8  }
0x4c8: {  	v5 =	vperm.xlane v5, v1  }
0x4c9: {  	v63 =	vperm.xlane v61, v1  }
0x4ca: {  	vm1 =	veq.s32 v5, v4  }
0x4cb: {  	vm1 =	vmand vm1, vm0;
	vm2 =	veq.s32 v63, v62  }
0x4cc: {  	vm2 =	vmand vm2, vm0;
	_ =	sdelay $0x1  }
.Ltmp44:
0x4cd: {  	_ = 	snop;
	(pc) =	sbr.rel .LBB2_54-.Ltmp44, $4  }
0x4ce: {  	_ = 	snop  }
0x4cf: {  	v5, _, _ =	vpop (xrf2)  }
0x4d0: {  	[tilespmem:v4+s18+$0x0] =	vst.idx.add.f32.msk vm1, v5;
	v4, _, _ =	vpop (xrf2)  }
0x4d1: {  	s29 =	simm.s32 $0x0;
	[tilespmem:v62+s18+$0x0] =	vst.idx.add.f32.msk vm2, v4  }
.LBB2_58:
0x4d2: {  	s29 =	sadd.s32 $0x1, s29  }
0x4d3: {  	p0 =	sne.s32 s29, $0x8  }
.Ltmp45:
0x4d4: {  	_ = 	snop;
	(pc) =	sbr.rel @!p0 .LBB2_59-.Ltmp45, $2  }
0x4d5: {  	_ =	sdelay $0x2  }
0x4d6: {  	s28 =	sadd.s32 $0x10, s28  }
.LBB2_54:
0x4d7: {  	s22 =	sshll.u32 s29, $0x4  }
0x4d8: {  	v4 =	vor.u32 s22, v2  }
0x4d9: {  	v5 =	vmin.u32 v4, $0x7C  }
0x4da: {  	v5 =	vmul.u32 $0xA0, v5;
	_ =	sdelay $0x1  }
0x4db: {  	v6 =	vadd.s32 $0x9F, v5;
	_ =	sdelay $0x3  }
0x4dc: {  	v5 =	vld.idx.msk [tilespmem:v5+s12+$0x0], $0xffff  }
0x4dd: {  	v6 =	vld.idx.msk [tilespmem:v6+s12+$0x0], $0xffff;
	_ =	sdelay $0x4  }
0x4de: {  	vm1 =	vlt.u32 v4, $0x7D;
	vm2 =	vne.s32 v5, v6  }
0x4df: {  	vm1 =	vmand vm1, vm2  }
0x4e0: {  	v4 =	vsel vm1, $0x3F800000, v0  }
0x4e1: {  	(xrf0) =	vmax.scan.msk.f32 $0xffff, v4;
	_ =	sdelay $0x5  }
0x4e2: {  	v4, _, _ =	vpop (xrf0)  }
0x4e3: {  	(v2sf) =	vpush v4, $0xF;
	_ =	sdelay $0xe  }
0x4e4: {  	s31 =	spop (v2sf)  }
0x4e5: {  	p0 =	sgt.f32 s31, $0.0e+00  }
.Ltmp46:
0x4e6: {  	_ = 	snop;
	(pc) =	sbr.rel @!p0 .LBB2_58-.Ltmp46, $1  }
0x4e7: {  	_ =	sdelay $0x3  }
.LBB2_55:
0x4e8: {  	v8 =	vmctz.xlane vm1;
	_ =	sdelay $0x1  }
0x4e9: {  	(v2sf) =	vpush v8, $0x0;
	_ =	sdelay $0xe  }
0x4ea: {  	s22 =	spop (v2sf)  }
0x4eb: {  	s22 =	sadd.s32 s22, s28  }
0x4ec: {  	s22 =	smul.u32 $0x280, s22;
	_ =	sdelay $0x1  }
0x4ed: {  	s22 =	sshra.s32 s22, $0x2  }
0x4ee: {  	s30 =	sadd.s32 $0x800, s22  }
0x4ef: {  	v9 =	vmov s30;
	_ =	sdelay $0x3  }
0x4f0: {  	s30 =	simm.s32 $0x0  }
0x4f1: {  	v4 =	vld.idx.msk [tilespmem:v9+s30+$0x0 ss:$0x1], $0xffff;
	_ =	sdelay $0x4  }
0x4f2: {  	v4 =	vshll.u32 v4, $0x4  }
0x4f3: {  	s31 =	simm.s32 $0x10;
	v7 =	vor.u32 v2, v4  }
0x4f4: {  	v5 =	vld.idx.msk [tilespmem:v9+s31+$0x0 ss:$0x1], $0xffff  }
0x4f5: {  	s22 =	sadd.s32 $0x5680, s22  }
0x4f6: {  	v6 =	vmov s22;
	_ =	sdelay $0x1  }
0x4f7: {  	v7 =	vld.idx.msk [tilespmem:v7+s1+$0x0], $0xffff  }
0x4f8: {  	v5 =	vshll.u32 v5, $0x4  }
0x4f9: {  	v10 =	vor.u32 v2, v5  }
0x4fa: {  	v4 =	vld.idx.msk [tilespmem:v6+s30+$0x0 ss:$0x1], $0xffff;
	s30 =	simm.s32 $0x20  }
0x4fb: {  	v11 =	vld.idx.msk [tilespmem:v9+s30+$0x0 ss:$0x1], $0xffff  }
0x4fc: {  	(xrf2) =	vadd.scan.msk.f32 $0xffff, v7;
	_ =	sdelay $0x1  }
0x4fd: {  	v10 =	vld.idx.msk [tilespmem:v10+s1+$0x0], $0xffff  }
0x4fe: {  	v5 =	vperm.xlane v4, v3;
	v7 =	vld.idx.msk [tilespmem:v6+s31+$0x0 ss:$0x1], $0xffff  }
0x4ff: {  	v11 =	vshll.u32 v11, $0x4  }
0x500: {  	s22 =	simm.s32 $0x100;
	v11 =	vor.u32 v2, v11;
	vm2 =	vne.s32 v4, v5;
	s31 =	simm.s32 $0x30  }
.LBB2_56:
0x501: {  	p0 =	sne.s32 s22, $0x240;
	v12 =	vld.idx.msk [tilespmem:v9+s31+$0x0 ss:$0x1], $0xffff;
	vm3 =	vmor vm2, vm0;
	_ =	sdelay $0x1  }
0x502: {  	(xrf2) =	vadd.scan.msk.f32 $0xffff, v10;
	v13 =	vmov v7  }
.Ltmp47:
0x503: {  	(pc) =	sbr.rel @p0 .LBB2_56-.Ltmp47, $4  }
0x504: {  	v10 =	vld.idx.msk [tilespmem:v11+s1+$0x0], $0xffff;
	v11, _, _ =	vpop (xrf2)  }
0x505: {  	v14 =	vperm.xlane v13, v3;
	v7 =	vld.idx.msk [tilespmem:v6+s30+$0x0 ss:$0x1], $0xffff;
	v15 =	vsub.f32 $0.0e+00, v11;
	s30 =	smov.u32 s31  }
0x506: {  	v12 =	vshll.u32 v12, $0x4;
	[tilespmem:v4+s18+$0x0] =	vst.idx.add.f32.msk vm3, v11;
	v4 =	vmov v13  }
0x507: {  	s31 =	sshra.s32 s22, $0x2;
	s22 =	sadd.s32 $0x40, s22;
	v11 =	vor.u32 v2, v12;
	[tilespmem:v5+s18+$0x0] =	vst.idx.add.f32.msk vm2, v15;
	vm2 =	vne.s32 v4, v14;
	v5 =	vmov v14  }
0x508: {  	v8 =	vbroadcast v8, $0x0;
	_ =	sdelay $0x1  }
0x509: {  	vm3 =	vne.s32 v8, v2  }
0x50a: {  	vm1 =	vmand vm1, vm3  }
0x50b: {  	v9 =	vld.idx.msk [tilespmem:v9+s31+$0x0 ss:$0x1], $0xffff;
	v55 =	vsel vm1, $0x3F800000, v0  }
0x50c: {  	(xrf0) =	vmax.scan.msk.f32 $0xffff, v55;
	_ =	sdelay $0x3  }
0x50d: {  	v56 =	vshll.u32 v9, $0x4  }
0x50e: {  	v8 =	vor.u32 v2, v56  }
0x50f: {  	v58, _, _ =	vpop (xrf0)  }
0x510: {  	(v2sf) =	vpush v58, $0xF  }
0x511: {  	v57 =	vld.idx.msk [tilespmem:v11+s1+$0x0], $0xffff;
	_ =	sdelay $0x1  }
0x512: {  	v8 =	vld.idx.msk [tilespmem:v8+s1+$0x0], $0xffff  }
0x513: {  	v59 =	vld.idx.msk [tilespmem:v6+s30+$0x0 ss:$0x1], $0xffff;
	(xrf2) =	vadd.scan.msk.f32 $0xffff, v10;
	_ =	sdelay $0x1  }
0x514: {  	v60 =	vld.idx.msk [tilespmem:v6+s31+$0x0 ss:$0x1], $0xffff;
	(xrf2) =	vadd.scan.msk.f32 $0xffff, v57  }
0x515: {  	v61 =	vperm.xlane v7, v3  }
0x516: {  	vm3 =	vmor vm2, vm0;
	(xrf2) =	vadd.scan.msk.f32 $0xffff, v8  }
0x517: {  	vm4 =	vne.s32 v7, v61;
	v62 =	vperm.xlane v59, v3  }
0x518: {  	vm5 =	vmor vm4, vm0  }
0x519: {  	v63 =	vperm.xlane v60, v3;
	vm6 =	vne.s32 v59, v62  }
0x51a: {  	v12, _, _ =	vpop (xrf2);
	vm7 =	vmor vm6, vm0  }
0x51b: {  	v13 =	vsub.f32 $0.0e+00, v12;
	vm8 =	vne.s32 v60, v63  }
0x51c: {  	[tilespmem:v4+s18+$0x0] =	vst.idx.add.f32.msk vm3, v12;
	vm3 =	vmor vm8, vm0;
	v14, _, _ =	vpop (xrf2)  }
0x51d: {  	[tilespmem:v5+s18+$0x0] =	vst.idx.add.f32.msk vm2, v13;
	v4 =	vsub.f32 $0.0e+00, v14;
	s22 =	spop (v2sf)  }
0x51e: {  	[tilespmem:v7+s18+$0x0] =	vst.idx.add.f32.msk vm5, v14;
	v5, _, _ =	vpop (xrf2);
	p0 =	sgt.f32 s22, $0.0e+00  }
.Ltmp48:
0x51f: {  	[tilespmem:v61+s18+$0x0] =	vst.idx.add.f32.msk vm4, v4;
	v4 =	vsub.f32 $0.0e+00, v5;
	(pc) =	sbr.rel @p0 .LBB2_55-.Ltmp48, $4  }
.Ltmp49:
0x520: {  	[tilespmem:v59+s18+$0x0] =	vst.idx.add.f32.msk vm7, v5;
	v5, _, _ =	vpop (xrf2);
	(pc) =	sbr.rel @!p0 .LBB2_58-.Ltmp49, $4  }
0x521: {  	[tilespmem:v62+s18+$0x0] =	vst.idx.add.f32.msk vm6, v4;
	v4 =	vsub.f32 $0.0e+00, v5  }
0x522: {  	[tilespmem:v60+s18+$0x0] =	vst.idx.add.f32.msk vm3, v5  }
0x523: {  	[tilespmem:v63+s18+$0x0] =	vst.idx.add.f32.msk vm8, v4  }
0x524: {  	_ = 	snop  }
.LBB2_59:
0x525: {  	s28 =	simm.s32 $0x0;
	s22 =	rddreg [dreg:$0x16]  }
0x526: {  	[tilespmem:s11], [sflag:$0x1] =	stream.linear.gather [hbm4b:s22+s28], $0x4E20, $0x38;
	[tilespmem:$0x17300] =	vst v63  }
0x527: {  	s22 =	rddreg [dreg:$0x17]  }
0x528: {  	[tilespmem:s12], [sflag:$0x2] =	stream.linear.gather [hbm4b:s22+s28], $0x4E20, $0x38;
	[tilespmem:$0x17300] =	vst v63  }
0x529: {  	_ =	swait.ge [sflag:s19], $0x4E20  }
0x52a: {  	[sflag:s19] =	ssyncset.done $0x0  }
0x52b: {  	[sflag:s19] =	ssyncadd.s32 $0xFFFFB1E0  }
0x52c: {  	_ =	swait.ge [sflag:s20], $0x4E20  }
0x52d: {  	[sflag:s20] =	ssyncset.done $0x0  }
0x52e: {  	s22 =	sand.u32 $0x7FE0, s28;
	[sflag:s20] =	ssyncadd.s32 $0xFFFFB1E0  }
0x52f: {  	s30 =	simm.s32 $0xA550;
	v4 =	vld [tilespmem:s22+$0xA580]  }
0x530: {  	v5 =	vld [tilespmem:s30+$0xFFFFFFE0]  }
0x531: {  	v6 =	vld [tilespmem:s30+$0xFFFFFFB0]  }
0x532: {  	v7 =	vld [tilespmem:s30+$0xFFFFFFC0];
	_ =	sdelay $0x1  }
0x533: {  	v8 =	vld [tilespmem:s30+$0xFFFFFFF0]  }
0x534: {  	v9 =	vld [tilespmem:s30+$0x0];
	v4 =	vshll.u32 v4, $0x4  }
0x535: {  	v10 =	vld [tilespmem:s30+$0xFFFFFFD0];
	v5 =	vshll.u32 v5, $0x4;
	v11 =	vor.u32 v2, v4  }
0x536: {  	v7 =	vshll.u32 v7, $0x4;
	v4 =	vshll.u32 v6, $0x4;
	v5 =	vor.u32 v2, v5;
	v6 =	vld [tilespmem:s30+$0x40]  }
0x537: {  	v13 =	vld [tilespmem:s30+$0x10];
	v7 =	vor.u32 v2, v7  }
0x538: {  	s29 =	simm.s32 $0xF410;
	v14 =	vld [tilespmem:s30+$0x20];
	v8 =	vshll.u32 v8, $0x4;
	v12 =	vor.u32 v2, v4  }
0x539: {  	v9 =	vshll.u32 v9, $0x4;
	v8 =	vor.u32 v2, v8;
	v4 =	vld [tilespmem:s29+$0x0]  }
0x53a: {  	v10 =	vshll.u32 v10, $0x4;
	v9 =	vor.u32 v2, v9;
	v11 =	vld.idx.msk [tilespmem:v11+s28+$0x0], $0xffff  }
0x53b: {  	v10 =	vor.u32 v2, v10;
	v15 =	vld.idx.msk [tilespmem:v5+s28+$0x0], $0xffff;
	v5 =	vshll.u32 v6, $0x4  }
0x53c: {  	v7 =	vld.idx.msk [tilespmem:v7+s28+$0x0], $0xffff;
	v5 =	vor.u32 v2, v5  }
0x53d: {  	v6 =	vld.idx.msk [tilespmem:v12+s28+$0x0], $0xffff;
	v12 =	vshll.u32 v13, $0x4  }
0x53e: {  	v8 =	vld.idx.msk [tilespmem:v8+s28+$0x0], $0xffff;
	v12 =	vor.u32 v2, v12  }
0x53f: {  	v9 =	vld.idx.msk [tilespmem:v9+s28+$0x0], $0xffff;
	v13 =	vshll.u32 v14, $0x4  }
0x540: {  	v10 =	vld.idx.msk [tilespmem:v10+s28+$0x0], $0xffff;
	v13 =	vor.u32 v2, v13  }
0x541: {  	v14 =	vld.idx.msk [tilespmem:v5+s28+$0x0], $0xffff  }
0x542: {  	s22 =	simm.s32 $0xA0;
	v7 =	vadd.f32 $0.0e+00, v7;
	v6 =	vadd.f32 $0.0e+00, v6;
	v5 =	vld [tilespmem:s29+$0xFFFFFF70]  }
0x543: {  	s22 =	sand.u32 $0x7FE0, s22;
	v16 =	vld.idx.msk [tilespmem:v12+s28+$0x0], $0xffff  }
0x544: {  	v7 =	vadd.f32 v9, v7;
	v12 =	vld [tilespmem:s22+$0xA580];
	v8 =	vadd.f32 v8, v6  }
0x545: {  	s30 =	simm.s32 $0xA5F0;
	v9 =	vadd.f32 $0.0e+00, v10;
	v6 =	vld.idx.msk [tilespmem:v13+s28+$0x0], $0xffff  }
0x546: {  	v10 =	vld [tilespmem:s30+$0xFFFFFFE0];
	v17 =	vadd.f32 v11, v8;
	v14 =	vadd.f32 v14, v7  }
0x547: {  	v13 =	vld [tilespmem:s30+$0xFFFFFFB0];
	v7 =	vadd.f32 $0.0e+00, v15  }
0x548: {  	s31 =	simm.s32 $0x140;
	v11 =	vld [tilespmem:s30+$0xFFFFFFC0];
	v8 =	vadd.f32 v16, v9;
	v9 =	vadd.f32 v14, v17  }
.LBB2_60:
0x549: {  	p0 =	sne.s32 s31, $0x4D80;
	v14 =	vld [tilespmem:s30+$0xFFFFFFF0]  }
0x54a: {  	v6 =	vadd.f32 v6, v7;
	v15 =	vld [tilespmem:s30+$0x0];
	v12 =	vshll.u32 v12, $0x4;
	v7 =	vadd.f32 v9, v8  }
0x54b: {  	v8 =	vld [tilespmem:s30+$0xFFFFFFD0];
	v9 =	vshll.u32 v10, $0x4;
	v10 =	vor.u32 v2, v12  }
0x54c: {  	v12 =	vshll.u32 v13, $0x4;
	v9 =	vor.u32 v2, v9;
	v13 =	vld [tilespmem:s30+$0x40];
	v6 =	vadd.f32 v7, v6  }
0x54d: {  	s29 =	sadd.s32 $0xA0, s29;
	v7 =	vor.u32 v2, v12;
	v11 =	vshll.u32 v11, $0x4;
	v12 =	vld [tilespmem:s30+$0x10]  }
0x54e: {  	v16 =	vld [tilespmem:s29+$0x0];
	v11 =	vor.u32 v2, v11;
	v14 =	vshll.u32 v14, $0x4;
	(xrf2) =	vadd.scan.msk.f32 $0xffff, v6  }
0x54f: {  	v6 =	vor.u32 v2, v14;
	v14 =	vshll.u32 v15, $0x4;
	v15 =	vld [tilespmem:s30+$0x20]  }
0x550: {  	v5 =	vperm.xlane v5, v1;
	v8 =	vshll.u32 v8, $0x4;
	v14 =	vor.u32 v2, v14;
	v17 =	vld.idx.msk [tilespmem:v10+s28+$0x0], $0xffff  }
0x551: {  	v8 =	vor.u32 v2, v8;
	v9 =	vld.idx.msk [tilespmem:v9+s28+$0x0], $0xffff;
	v10 =	vshll.u32 v13, $0x4  }
0x552: {  	vm1 =	veq.s32 v5, v4;
	v7 =	vld.idx.msk [tilespmem:v7+s28+$0x0], $0xffff;
	v12 =	vshll.u32 v12, $0x4;
	v10 =	vor.u32 v2, v10  }
0x553: {  	vm1 =	vmand vm1, vm0;
	v5 =	vld.idx.msk [tilespmem:v11+s28+$0x0], $0xffff;
	v11 =	vor.u32 v2, v12  }
0x554: {  	v6 =	vld.idx.msk [tilespmem:v6+s28+$0x0], $0xffff  }
0x555: {  	v13 =	vshll.u32 v15, $0x4;
	v12 =	vld.idx.msk [tilespmem:v14+s28+$0x0], $0xffff  }
0x556: {  	v13 =	vor.u32 v2, v13;
	v8 =	vld.idx.msk [tilespmem:v8+s28+$0x0], $0xffff  }
0x557: {  	v14 =	vld.idx.msk [tilespmem:v10+s28+$0x0], $0xffff  }
0x558: {  	v15 =	vld.idx.msk [tilespmem:v11+s28+$0x0], $0xffff;
	v10, _, _ =	vpop (xrf2)  }
0x559: {  	v7 =	vadd.f32 $0.0e+00, v7;
	v11 =	vadd.f32 $0.0e+00, v5;
	[tilespmem:v4+s18+$0x0] =	vst.idx.add.f32.msk vm1, v10;
	v4 =	vmov v16  }
0x55a: {  	v5 =	vld [tilespmem:s29+$0xFFFFFF70]  }
.Ltmp50:
0x55b: {  	s22 =	sand.u32 $0x7FE0, s31;
	v7 =	vadd.f32 v6, v7;
	v11 =	vadd.f32 v12, v11;
	v6 =	vld.idx.msk [tilespmem:v13+s28+$0x0], $0xffff;
	(pc) =	sbr.rel @p0 .LBB2_60-.Ltmp50, $4  }
0x55c: {  	s30 =	sadd.s32 $0xA0, s30;
	v8 =	vadd.f32 $0.0e+00, v8;
	v12 =	vld [tilespmem:s22+$0xA580]  }
0x55d: {  	v16 =	vadd.f32 v17, v7;
	v14 =	vadd.f32 v14, v11;
	v10 =	vld [tilespmem:s30+$0xFFFFFFE0]  }
0x55e: {  	v7 =	vadd.f32 $0.0e+00, v9;
	v13 =	vld [tilespmem:s30+$0xFFFFFFB0]  }
0x55f: {  	s31 =	sadd.s32 $0xA0, s31;
	v8 =	vadd.f32 v15, v8;
	v9 =	vadd.f32 v14, v16;
	v11 =	vld [tilespmem:s30+$0xFFFFFFC0]  }
0x560: {  	v14 =	vld [tilespmem:s30+$0xFFFFFFF0]  }
0x561: {  	v15 =	vld [tilespmem:s30+$0x0]  }
0x562: {  	v16 =	vld [tilespmem:s30+$0xFFFFFFD0];
	v12 =	vshll.u32 v12, $0x4  }
0x563: {  	v17 =	vld [tilespmem:s30+$0x40];
	v12 =	vor.u32 v2, v12;
	v13 =	vshll.u32 v13, $0x4  }
0x564: {  	v13 =	vor.u32 v2, v13;
	v11 =	vshll.u32 v11, $0x4  }
0x565: {  	v18 =	vld [tilespmem:s30+$0x10];
	v11 =	vor.u32 v2, v11;
	v14 =	vshll.u32 v14, $0x4  }
0x566: {  	v15 =	vshll.u32 v15, $0x4;
	v14 =	vor.u32 v2, v14  }
0x567: {  	v19 =	vld [tilespmem:s30+$0x20];
	v16 =	vshll.u32 v16, $0x4;
	v15 =	vor.u32 v2, v15  }
0x568: {  	v17 =	vshll.u32 v17, $0x4;
	v16 =	vor.u32 v2, v16;
	v12 =	vld.idx.msk [tilespmem:v12+s28+$0x0], $0xffff  }
0x569: {  	v10 =	vshll.u32 v10, $0x4;
	v17 =	vor.u32 v2, v17;
	v13 =	vld.idx.msk [tilespmem:v13+s28+$0x0], $0xffff  }
0x56a: {  	v10 =	vor.u32 v2, v10;
	v18 =	vshll.u32 v18, $0x4;
	v11 =	vld.idx.msk [tilespmem:v11+s28+$0x0], $0xffff  }
0x56b: {  	v18 =	vor.u32 v2, v18;
	v14 =	vld.idx.msk [tilespmem:v14+s28+$0x0], $0xffff  }
0x56c: {  	v19 =	vshll.u32 v19, $0x4;
	v15 =	vld.idx.msk [tilespmem:v15+s28+$0x0], $0xffff  }
0x56d: {  	v19 =	vor.u32 v2, v19;
	v16 =	vld.idx.msk [tilespmem:v16+s28+$0x0], $0xffff  }
0x56e: {  	v17 =	vld.idx.msk [tilespmem:v17+s28+$0x0], $0xffff  }
0x56f: {  	v10 =	vld.idx.msk [tilespmem:v10+s28+$0x0], $0xffff;
	v13 =	vadd.f32 $0.0e+00, v13;
	v11 =	vadd.f32 $0.0e+00, v11  }
0x570: {  	v55 =	vld.idx.msk [tilespmem:v18+s28+$0x0], $0xffff  }
0x571: {  	v13 =	vadd.f32 v14, v13;
	v11 =	vadd.f32 v15, v11  }
0x572: {  	v56 =	vld.idx.msk [tilespmem:v19+s28+$0x0], $0xffff;
	v57 =	vadd.f32 $0.0e+00, v16  }
0x573: {  	v12 =	vadd.f32 v12, v13;
	v11 =	vadd.f32 v17, v11  }
0x574: {  	v10 =	vadd.f32 $0.0e+00, v10  }
0x575: {  	v14 =	vadd.f32 v55, v57;
	v11 =	vadd.f32 v11, v12  }
0x576: {  	v6 =	vadd.f32 v6, v7;
	v58 =	vadd.f32 v9, v8  }
0x577: {  	s22 =	sadd.s32 $0xA0, s29;
	v59 =	vadd.f32 v56, v10;
	v60 =	vadd.f32 v11, v14  }
0x578: {  	v61 =	vld [tilespmem:s22+$0xFFFFFF70];
	v6 =	vadd.f32 v58, v6  }
0x579: {  	v8 =	vadd.f32 v60, v59  }
0x57a: {  	v62 =	vld [tilespmem:s22+$0x0];
	(xrf2) =	vadd.scan.msk.f32 $0xffff, v6  }
0x57b: {  	(xrf2) =	vadd.scan.msk.f32 $0xffff, v8  }
0x57c: {  	v5 =	vperm.xlane v5, v1  }
0x57d: {  	v63 =	vperm.xlane v61, v1  }
0x57e: {  	vm1 =	veq.s32 v5, v4  }
0x57f: {  	vm1 =	vmand vm1, vm0;
	vm2 =	veq.s32 v63, v62  }
0x580: {  	vm2 =	vmand vm2, vm0;
	_ =	sdelay $0x1  }
.Ltmp51:
0x581: {  	_ = 	snop;
	(pc) =	sbr.rel .LBB2_62-.Ltmp51, $4  }
0x582: {  	_ = 	snop  }
0x583: {  	v5, _, _ =	vpop (xrf2)  }
0x584: {  	[tilespmem:v4+s18+$0x0] =	vst.idx.add.f32.msk vm1, v5;
	v4, _, _ =	vpop (xrf2)  }
0x585: {  	s29 =	simm.s32 $0x0;
	[tilespmem:v62+s18+$0x0] =	vst.idx.add.f32.msk vm2, v4  }
.LBB2_66:
0x586: {  	s29 =	sadd.s32 $0x1, s29  }
0x587: {  	p0 =	sne.s32 s29, $0x8  }
.Ltmp52:
0x588: {  	_ = 	snop;
	(pc) =	sbr.rel @!p0 .LBB2_67-.Ltmp52, $2  }
0x589: {  	_ =	sdelay $0x2  }
0x58a: {  	s28 =	sadd.s32 $0x10, s28  }
.LBB2_62:
0x58b: {  	s22 =	sshll.u32 s29, $0x4  }
0x58c: {  	v4 =	vor.u32 s22, v2  }
0x58d: {  	v5 =	vmin.u32 v4, $0x7C  }
0x58e: {  	v5 =	vmul.u32 $0xA0, v5;
	_ =	sdelay $0x1  }
0x58f: {  	v6 =	vadd.s32 $0x9F, v5;
	_ =	sdelay $0x3  }
0x590: {  	v5 =	vld.idx.msk [tilespmem:v5+s14+$0x0], $0xffff  }
0x591: {  	v6 =	vld.idx.msk [tilespmem:v6+s14+$0x0], $0xffff;
	_ =	sdelay $0x4  }
0x592: {  	vm1 =	vlt.u32 v4, $0x7D;
	vm2 =	vne.s32 v5, v6  }
0x593: {  	vm1 =	vmand vm1, vm2  }
0x594: {  	v4 =	vsel vm1, $0x3F800000, v0  }
0x595: {  	(xrf0) =	vmax.scan.msk.f32 $0xffff, v4;
	_ =	sdelay $0x5  }
0x596: {  	v4, _, _ =	vpop (xrf0)  }
0x597: {  	(v2sf) =	vpush v4, $0xF;
	_ =	sdelay $0xe  }
0x598: {  	s31 =	spop (v2sf)  }
0x599: {  	p0 =	sgt.f32 s31, $0.0e+00  }
.Ltmp53:
0x59a: {  	_ = 	snop;
	(pc) =	sbr.rel @!p0 .LBB2_66-.Ltmp53, $1  }
0x59b: {  	_ =	sdelay $0x3  }
.LBB2_63:
0x59c: {  	v8 =	vmctz.xlane vm1;
	_ =	sdelay $0x1  }
0x59d: {  	(v2sf) =	vpush v8, $0x0;
	_ =	sdelay $0xe  }
0x59e: {  	s22 =	spop (v2sf)  }
0x59f: {  	s22 =	sadd.s32 s22, s28  }
0x5a0: {  	s22 =	smul.u32 $0x280, s22;
	_ =	sdelay $0x1  }
0x5a1: {  	s22 =	sshra.s32 s22, $0x2  }
0x5a2: {  	s30 =	sadd.s32 $0xA500, s22  }
0x5a3: {  	v9 =	vmov s30;
	_ =	sdelay $0x3  }
0x5a4: {  	s30 =	simm.s32 $0x0  }
0x5a5: {  	v4 =	vld.idx.msk [tilespmem:v9+s30+$0x0 ss:$0x1], $0xffff;
	_ =	sdelay $0x4  }
0x5a6: {  	v4 =	vshll.u32 v4, $0x4  }
0x5a7: {  	s31 =	simm.s32 $0x10;
	v7 =	vor.u32 v2, v4  }
0x5a8: {  	v5 =	vld.idx.msk [tilespmem:v9+s31+$0x0 ss:$0x1], $0xffff  }
0x5a9: {  	s22 =	sadd.s32 $0xF380, s22  }
0x5aa: {  	v6 =	vmov s22;
	_ =	sdelay $0x1  }
0x5ab: {  	v7 =	vld.idx.msk [tilespmem:v7+s1+$0x0], $0xffff  }
0x5ac: {  	v5 =	vshll.u32 v5, $0x4  }
0x5ad: {  	v10 =	vor.u32 v2, v5  }
0x5ae: {  	v4 =	vld.idx.msk [tilespmem:v6+s30+$0x0 ss:$0x1], $0xffff;
	s30 =	simm.s32 $0x20  }
0x5af: {  	v11 =	vld.idx.msk [tilespmem:v9+s30+$0x0 ss:$0x1], $0xffff  }
0x5b0: {  	(xrf2) =	vadd.scan.msk.f32 $0xffff, v7;
	_ =	sdelay $0x1  }
0x5b1: {  	v10 =	vld.idx.msk [tilespmem:v10+s1+$0x0], $0xffff  }
0x5b2: {  	v5 =	vperm.xlane v4, v3;
	v7 =	vld.idx.msk [tilespmem:v6+s31+$0x0 ss:$0x1], $0xffff  }
0x5b3: {  	v11 =	vshll.u32 v11, $0x4  }
0x5b4: {  	s22 =	simm.s32 $0x100;
	v11 =	vor.u32 v2, v11;
	vm2 =	vne.s32 v4, v5;
	s31 =	simm.s32 $0x30  }
.LBB2_64:
0x5b5: {  	p0 =	sne.s32 s22, $0x240;
	v12 =	vld.idx.msk [tilespmem:v9+s31+$0x0 ss:$0x1], $0xffff;
	vm3 =	vmor vm2, vm0;
	_ =	sdelay $0x1  }
0x5b6: {  	(xrf2) =	vadd.scan.msk.f32 $0xffff, v10;
	v13 =	vmov v7  }
.Ltmp54:
0x5b7: {  	(pc) =	sbr.rel @p0 .LBB2_64-.Ltmp54, $4  }
0x5b8: {  	v10 =	vld.idx.msk [tilespmem:v11+s1+$0x0], $0xffff;
	v11, _, _ =	vpop (xrf2)  }
0x5b9: {  	v14 =	vperm.xlane v13, v3;
	v7 =	vld.idx.msk [tilespmem:v6+s30+$0x0 ss:$0x1], $0xffff;
	v15 =	vsub.f32 $0.0e+00, v11;
	s30 =	smov.u32 s31  }
0x5ba: {  	v12 =	vshll.u32 v12, $0x4;
	[tilespmem:v4+s18+$0x0] =	vst.idx.add.f32.msk vm3, v11;
	v4 =	vmov v13  }
0x5bb: {  	s31 =	sshra.s32 s22, $0x2;
	s22 =	sadd.s32 $0x40, s22;
	v11 =	vor.u32 v2, v12;
	[tilespmem:v5+s18+$0x0] =	vst.idx.add.f32.msk vm2, v15;
	vm2 =	vne.s32 v4, v14;
	v5 =	vmov v14  }
0x5bc: {  	v8 =	vbroadcast v8, $0x0;
	_ =	sdelay $0x1  }
0x5bd: {  	vm3 =	vne.s32 v8, v2  }
0x5be: {  	vm1 =	vmand vm1, vm3  }
0x5bf: {  	v9 =	vld.idx.msk [tilespmem:v9+s31+$0x0 ss:$0x1], $0xffff;
	v55 =	vsel vm1, $0x3F800000, v0  }
0x5c0: {  	(xrf0) =	vmax.scan.msk.f32 $0xffff, v55;
	_ =	sdelay $0x3  }
0x5c1: {  	v56 =	vshll.u32 v9, $0x4  }
0x5c2: {  	v8 =	vor.u32 v2, v56  }
0x5c3: {  	v58, _, _ =	vpop (xrf0)  }
0x5c4: {  	(v2sf) =	vpush v58, $0xF  }
0x5c5: {  	v57 =	vld.idx.msk [tilespmem:v11+s1+$0x0], $0xffff;
	_ =	sdelay $0x1  }
0x5c6: {  	v8 =	vld.idx.msk [tilespmem:v8+s1+$0x0], $0xffff  }
0x5c7: {  	v59 =	vld.idx.msk [tilespmem:v6+s30+$0x0 ss:$0x1], $0xffff;
	(xrf2) =	vadd.scan.msk.f32 $0xffff, v10;
	_ =	sdelay $0x1  }
0x5c8: {  	v60 =	vld.idx.msk [tilespmem:v6+s31+$0x0 ss:$0x1], $0xffff;
	(xrf2) =	vadd.scan.msk.f32 $0xffff, v57  }
0x5c9: {  	v61 =	vperm.xlane v7, v3  }
0x5ca: {  	vm3 =	vmor vm2, vm0;
	(xrf2) =	vadd.scan.msk.f32 $0xffff, v8  }
0x5cb: {  	vm4 =	vne.s32 v7, v61;
	v62 =	vperm.xlane v59, v3  }
0x5cc: {  	vm5 =	vmor vm4, vm0  }
0x5cd: {  	v63 =	vperm.xlane v60, v3;
	vm6 =	vne.s32 v59, v62  }
0x5ce: {  	v12, _, _ =	vpop (xrf2);
	vm7 =	vmor vm6, vm0  }
0x5cf: {  	v13 =	vsub.f32 $0.0e+00, v12;
	vm8 =	vne.s32 v60, v63  }
0x5d0: {  	[tilespmem:v4+s18+$0x0] =	vst.idx.add.f32.msk vm3, v12;
	vm3 =	vmor vm8, vm0;
	v14, _, _ =	vpop (xrf2)  }
0x5d1: {  	[tilespmem:v5+s18+$0x0] =	vst.idx.add.f32.msk vm2, v13;
	v4 =	vsub.f32 $0.0e+00, v14;
	s22 =	spop (v2sf)  }
0x5d2: {  	[tilespmem:v7+s18+$0x0] =	vst.idx.add.f32.msk vm5, v14;
	v5, _, _ =	vpop (xrf2);
	p0 =	sgt.f32 s22, $0.0e+00  }
.Ltmp55:
0x5d3: {  	[tilespmem:v61+s18+$0x0] =	vst.idx.add.f32.msk vm4, v4;
	v4 =	vsub.f32 $0.0e+00, v5;
	(pc) =	sbr.rel @p0 .LBB2_63-.Ltmp55, $4  }
.Ltmp56:
0x5d4: {  	[tilespmem:v59+s18+$0x0] =	vst.idx.add.f32.msk vm7, v5;
	v5, _, _ =	vpop (xrf2);
	(pc) =	sbr.rel @!p0 .LBB2_66-.Ltmp56, $4  }
0x5d5: {  	[tilespmem:v62+s18+$0x0] =	vst.idx.add.f32.msk vm6, v4;
	v4 =	vsub.f32 $0.0e+00, v5  }
0x5d6: {  	[tilespmem:v60+s18+$0x0] =	vst.idx.add.f32.msk vm3, v5  }
0x5d7: {  	[tilespmem:v63+s18+$0x0] =	vst.idx.add.f32.msk vm8, v4  }
0x5d8: {  	_ = 	snop  }
.LBB2_67:
0x5d9: {  	s28 =	simm.s32 $0x0;
	s22 =	rddreg [dreg:$0x18]  }
0x5da: {  	[tilespmem:s13], [sflag:$0x3] =	stream.linear.gather [hbm4b:s22+s28], $0x4E20, $0x38;
	[tilespmem:$0x17300] =	vst v63  }
0x5db: {  	s22 =	rddreg [dreg:$0x19]  }
0x5dc: {  	[tilespmem:s14], [sflag:$0x4] =	stream.linear.gather [hbm4b:s22+s28], $0x4E20, $0x38;
	[tilespmem:$0x17300] =	vst v63  }
0x5dd: {  	_ =	swait.ge [sflag:s16], $0x4E20  }
0x5de: {  	[sflag:s16] =	ssyncset.done $0x0  }
0x5df: {  	[sflag:s16] =	ssyncadd.s32 $0xFFFFB1E0  }
0x5e0: {  	_ =	swait.ge [sflag:s17], $0x4E20  }
0x5e1: {  	[sflag:s17] =	ssyncset.done $0x0  }
0x5e2: {  	s22 =	sand.u32 $0x7FE0, s28;
	[sflag:s17] =	ssyncadd.s32 $0xFFFFB1E0  }
0x5e3: {  	s30 =	simm.s32 $0x850;
	v4 =	vld [tilespmem:s22+$0x880]  }
0x5e4: {  	v5 =	vld [tilespmem:s30+$0xFFFFFFE0]  }
0x5e5: {  	v6 =	vld [tilespmem:s30+$0xFFFFFFB0]  }
0x5e6: {  	v7 =	vld [tilespmem:s30+$0xFFFFFFC0];
	_ =	sdelay $0x1  }
0x5e7: {  	v8 =	vld [tilespmem:s30+$0xFFFFFFF0]  }
0x5e8: {  	v9 =	vld [tilespmem:s30+$0x0];
	v4 =	vshll.u32 v4, $0x4  }
0x5e9: {  	v10 =	vld [tilespmem:s30+$0xFFFFFFD0];
	v5 =	vshll.u32 v5, $0x4;
	v11 =	vor.u32 v2, v4  }
0x5ea: {  	v7 =	vshll.u32 v7, $0x4;
	v4 =	vshll.u32 v6, $0x4;
	v5 =	vor.u32 v2, v5;
	v6 =	vld [tilespmem:s30+$0x40]  }
0x5eb: {  	v13 =	vld [tilespmem:s30+$0x10];
	v7 =	vor.u32 v2, v7  }
0x5ec: {  	s29 =	simm.s32 $0x5710;
	v14 =	vld [tilespmem:s30+$0x20];
	v8 =	vshll.u32 v8, $0x4;
	v12 =	vor.u32 v2, v4  }
0x5ed: {  	v9 =	vshll.u32 v9, $0x4;
	v8 =	vor.u32 v2, v8;
	v4 =	vld [tilespmem:s29+$0x0]  }
0x5ee: {  	v10 =	vshll.u32 v10, $0x4;
	v9 =	vor.u32 v2, v9;
	v11 =	vld.idx.msk [tilespmem:v11+s28+$0x0], $0xffff  }
0x5ef: {  	v10 =	vor.u32 v2, v10;
	v15 =	vld.idx.msk [tilespmem:v5+s28+$0x0], $0xffff;
	v5 =	vshll.u32 v6, $0x4  }
0x5f0: {  	v7 =	vld.idx.msk [tilespmem:v7+s28+$0x0], $0xffff;
	v5 =	vor.u32 v2, v5  }
0x5f1: {  	v6 =	vld.idx.msk [tilespmem:v12+s28+$0x0], $0xffff;
	v12 =	vshll.u32 v13, $0x4  }
0x5f2: {  	v8 =	vld.idx.msk [tilespmem:v8+s28+$0x0], $0xffff;
	v12 =	vor.u32 v2, v12  }
0x5f3: {  	v9 =	vld.idx.msk [tilespmem:v9+s28+$0x0], $0xffff;
	v13 =	vshll.u32 v14, $0x4  }
0x5f4: {  	v10 =	vld.idx.msk [tilespmem:v10+s28+$0x0], $0xffff;
	v13 =	vor.u32 v2, v13  }
0x5f5: {  	v14 =	vld.idx.msk [tilespmem:v5+s28+$0x0], $0xffff  }
0x5f6: {  	s22 =	simm.s32 $0xA0;
	v7 =	vadd.f32 $0.0e+00, v7;
	v6 =	vadd.f32 $0.0e+00, v6;
	v5 =	vld [tilespmem:s29+$0xFFFFFF70]  }
0x5f7: {  	s22 =	sand.u32 $0x7FE0, s22;
	v16 =	vld.idx.msk [tilespmem:v12+s28+$0x0], $0xffff  }
0x5f8: {  	v7 =	vadd.f32 v9, v7;
	v12 =	vld [tilespmem:s22+$0x880];
	v8 =	vadd.f32 v8, v6  }
0x5f9: {  	s30 =	simm.s32 $0x8F0;
	v9 =	vadd.f32 $0.0e+00, v10;
	v6 =	vld.idx.msk [tilespmem:v13+s28+$0x0], $0xffff  }
0x5fa: {  	v10 =	vld [tilespmem:s30+$0xFFFFFFE0];
	v17 =	vadd.f32 v11, v8;
	v14 =	vadd.f32 v14, v7  }
0x5fb: {  	v13 =	vld [tilespmem:s30+$0xFFFFFFB0];
	v7 =	vadd.f32 $0.0e+00, v15  }
0x5fc: {  	s31 =	simm.s32 $0x140;
	v11 =	vld [tilespmem:s30+$0xFFFFFFC0];
	v8 =	vadd.f32 v16, v9;
	v9 =	vadd.f32 v14, v17  }
.LBB2_68:
0x5fd: {  	p0 =	sne.s32 s31, $0x4D80;
	v14 =	vld [tilespmem:s30+$0xFFFFFFF0]  }
0x5fe: {  	v6 =	vadd.f32 v6, v7;
	v15 =	vld [tilespmem:s30+$0x0];
	v12 =	vshll.u32 v12, $0x4;
	v7 =	vadd.f32 v9, v8  }
0x5ff: {  	v8 =	vld [tilespmem:s30+$0xFFFFFFD0];
	v9 =	vshll.u32 v10, $0x4;
	v10 =	vor.u32 v2, v12  }
0x600: {  	v12 =	vshll.u32 v13, $0x4;
	v9 =	vor.u32 v2, v9;
	v13 =	vld [tilespmem:s30+$0x40];
	v6 =	vadd.f32 v7, v6  }
0x601: {  	s29 =	sadd.s32 $0xA0, s29;
	v7 =	vor.u32 v2, v12;
	v11 =	vshll.u32 v11, $0x4;
	v12 =	vld [tilespmem:s30+$0x10]  }
0x602: {  	v16 =	vld [tilespmem:s29+$0x0];
	v11 =	vor.u32 v2, v11;
	v14 =	vshll.u32 v14, $0x4;
	(xrf2) =	vadd.scan.msk.f32 $0xffff, v6  }
0x603: {  	v6 =	vor.u32 v2, v14;
	v14 =	vshll.u32 v15, $0x4;
	v15 =	vld [tilespmem:s30+$0x20]  }
0x604: {  	v5 =	vperm.xlane v5, v1;
	v8 =	vshll.u32 v8, $0x4;
	v14 =	vor.u32 v2, v14;
	v17 =	vld.idx.msk [tilespmem:v10+s28+$0x0], $0xffff  }
0x605: {  	v8 =	vor.u32 v2, v8;
	v9 =	vld.idx.msk [tilespmem:v9+s28+$0x0], $0xffff;
	v10 =	vshll.u32 v13, $0x4  }
0x606: {  	vm1 =	veq.s32 v5, v4;
	v7 =	vld.idx.msk [tilespmem:v7+s28+$0x0], $0xffff;
	v12 =	vshll.u32 v12, $0x4;
	v10 =	vor.u32 v2, v10  }
0x607: {  	vm1 =	vmand vm1, vm0;
	v5 =	vld.idx.msk [tilespmem:v11+s28+$0x0], $0xffff;
	v11 =	vor.u32 v2, v12  }
0x608: {  	v6 =	vld.idx.msk [tilespmem:v6+s28+$0x0], $0xffff  }
0x609: {  	v13 =	vshll.u32 v15, $0x4;
	v12 =	vld.idx.msk [tilespmem:v14+s28+$0x0], $0xffff  }
0x60a: {  	v13 =	vor.u32 v2, v13;
	v8 =	vld.idx.msk [tilespmem:v8+s28+$0x0], $0xffff  }
0x60b: {  	v14 =	vld.idx.msk [tilespmem:v10+s28+$0x0], $0xffff  }
0x60c: {  	v15 =	vld.idx.msk [tilespmem:v11+s28+$0x0], $0xffff;
	v10, _, _ =	vpop (xrf2)  }
0x60d: {  	v7 =	vadd.f32 $0.0e+00, v7;
	v11 =	vadd.f32 $0.0e+00, v5;
	[tilespmem:v4+s18+$0x0] =	vst.idx.add.f32.msk vm1, v10;
	v4 =	vmov v16  }
0x60e: {  	v5 =	vld [tilespmem:s29+$0xFFFFFF70]  }
.Ltmp57:
0x60f: {  	s22 =	sand.u32 $0x7FE0, s31;
	v7 =	vadd.f32 v6, v7;
	v11 =	vadd.f32 v12, v11;
	v6 =	vld.idx.msk [tilespmem:v13+s28+$0x0], $0xffff;
	(pc) =	sbr.rel @p0 .LBB2_68-.Ltmp57, $4  }
0x610: {  	s30 =	sadd.s32 $0xA0, s30;
	v8 =	vadd.f32 $0.0e+00, v8;
	v12 =	vld [tilespmem:s22+$0x880]  }
0x611: {  	v16 =	vadd.f32 v17, v7;
	v14 =	vadd.f32 v14, v11;
	v10 =	vld [tilespmem:s30+$0xFFFFFFE0]  }
0x612: {  	v7 =	vadd.f32 $0.0e+00, v9;
	v13 =	vld [tilespmem:s30+$0xFFFFFFB0]  }
0x613: {  	s31 =	sadd.s32 $0xA0, s31;
	v8 =	vadd.f32 v15, v8;
	v9 =	vadd.f32 v14, v16;
	v11 =	vld [tilespmem:s30+$0xFFFFFFC0]  }
0x614: {  	v14 =	vld [tilespmem:s30+$0xFFFFFFF0]  }
0x615: {  	v15 =	vld [tilespmem:s30+$0x0]  }
0x616: {  	v16 =	vld [tilespmem:s30+$0xFFFFFFD0];
	v12 =	vshll.u32 v12, $0x4  }
0x617: {  	v17 =	vld [tilespmem:s30+$0x40];
	v12 =	vor.u32 v2, v12;
	v13 =	vshll.u32 v13, $0x4  }
0x618: {  	v13 =	vor.u32 v2, v13;
	v11 =	vshll.u32 v11, $0x4  }
0x619: {  	v18 =	vld [tilespmem:s30+$0x10];
	v11 =	vor.u32 v2, v11;
	v14 =	vshll.u32 v14, $0x4  }
0x61a: {  	v15 =	vshll.u32 v15, $0x4;
	v14 =	vor.u32 v2, v14  }
0x61b: {  	v19 =	vld [tilespmem:s30+$0x20];
	v16 =	vshll.u32 v16, $0x4;
	v15 =	vor.u32 v2, v15  }
0x61c: {  	v17 =	vshll.u32 v17, $0x4;
	v16 =	vor.u32 v2, v16;
	v12 =	vld.idx.msk [tilespmem:v12+s28+$0x0], $0xffff  }
0x61d: {  	v10 =	vshll.u32 v10, $0x4;
	v17 =	vor.u32 v2, v17;
	v13 =	vld.idx.msk [tilespmem:v13+s28+$0x0], $0xffff  }
0x61e: {  	v10 =	vor.u32 v2, v10;
	v18 =	vshll.u32 v18, $0x4;
	v11 =	vld.idx.msk [tilespmem:v11+s28+$0x0], $0xffff  }
0x61f: {  	v18 =	vor.u32 v2, v18;
	v14 =	vld.idx.msk [tilespmem:v14+s28+$0x0], $0xffff  }
0x620: {  	v19 =	vshll.u32 v19, $0x4;
	v15 =	vld.idx.msk [tilespmem:v15+s28+$0x0], $0xffff  }
0x621: {  	v19 =	vor.u32 v2, v19;
	v16 =	vld.idx.msk [tilespmem:v16+s28+$0x0], $0xffff  }
0x622: {  	v17 =	vld.idx.msk [tilespmem:v17+s28+$0x0], $0xffff  }
0x623: {  	v10 =	vld.idx.msk [tilespmem:v10+s28+$0x0], $0xffff;
	v13 =	vadd.f32 $0.0e+00, v13;
	v11 =	vadd.f32 $0.0e+00, v11  }
0x624: {  	v55 =	vld.idx.msk [tilespmem:v18+s28+$0x0], $0xffff  }
0x625: {  	v13 =	vadd.f32 v14, v13;
	v11 =	vadd.f32 v15, v11  }
0x626: {  	v56 =	vld.idx.msk [tilespmem:v19+s28+$0x0], $0xffff;
	v57 =	vadd.f32 $0.0e+00, v16  }
0x627: {  	v12 =	vadd.f32 v12, v13;
	v11 =	vadd.f32 v17, v11  }
0x628: {  	v10 =	vadd.f32 $0.0e+00, v10  }
0x629: {  	v14 =	vadd.f32 v55, v57;
	v11 =	vadd.f32 v11, v12  }
0x62a: {  	v6 =	vadd.f32 v6, v7;
	v58 =	vadd.f32 v9, v8  }
0x62b: {  	s22 =	sadd.s32 $0xA0, s29;
	v59 =	vadd.f32 v56, v10;
	v60 =	vadd.f32 v11, v14  }
0x62c: {  	v61 =	vld [tilespmem:s22+$0xFFFFFF70];
	v6 =	vadd.f32 v58, v6  }
0x62d: {  	v8 =	vadd.f32 v60, v59  }
0x62e: {  	v62 =	vld [tilespmem:s22+$0x0];
	(xrf2) =	vadd.scan.msk.f32 $0xffff, v6  }
0x62f: {  	(xrf2) =	vadd.scan.msk.f32 $0xffff, v8  }
0x630: {  	v5 =	vperm.xlane v5, v1  }
0x631: {  	v63 =	vperm.xlane v61, v1  }
0x632: {  	vm1 =	veq.s32 v5, v4  }
0x633: {  	vm1 =	vmand vm1, vm0;
	vm2 =	veq.s32 v63, v62  }
0x634: {  	vm2 =	vmand vm2, vm0;
	_ =	sdelay $0x1  }
.Ltmp58:
0x635: {  	_ = 	snop;
	(pc) =	sbr.rel .LBB2_70-.Ltmp58, $4  }
0x636: {  	_ = 	snop  }
0x637: {  	v5, _, _ =	vpop (xrf2)  }
0x638: {  	[tilespmem:v4+s18+$0x0] =	vst.idx.add.f32.msk vm1, v5;
	v4, _, _ =	vpop (xrf2)  }
0x639: {  	s29 =	simm.s32 $0x0;
	[tilespmem:v62+s18+$0x0] =	vst.idx.add.f32.msk vm2, v4  }
.LBB2_74:
0x63a: {  	s29 =	sadd.s32 $0x1, s29  }
0x63b: {  	p0 =	sne.s32 s29, $0x8  }
.Ltmp59:
0x63c: {  	_ = 	snop;
	(pc) =	sbr.rel @!p0 .LBB2_75-.Ltmp59, $2  }
0x63d: {  	_ =	sdelay $0x2  }
0x63e: {  	s28 =	sadd.s32 $0x10, s28  }
.LBB2_70:
0x63f: {  	s22 =	sshll.u32 s29, $0x4  }
0x640: {  	v4 =	vor.u32 s22, v2  }
0x641: {  	v5 =	vmin.u32 v4, $0x7C  }
0x642: {  	v5 =	vmul.u32 $0xA0, v5;
	_ =	sdelay $0x1  }
0x643: {  	v6 =	vadd.s32 $0x9F, v5;
	_ =	sdelay $0x3  }
0x644: {  	v5 =	vld.idx.msk [tilespmem:v5+s12+$0x0], $0xffff  }
0x645: {  	v6 =	vld.idx.msk [tilespmem:v6+s12+$0x0], $0xffff;
	_ =	sdelay $0x4  }
0x646: {  	vm1 =	vlt.u32 v4, $0x7D;
	vm2 =	vne.s32 v5, v6  }
0x647: {  	vm1 =	vmand vm1, vm2  }
0x648: {  	v4 =	vsel vm1, $0x3F800000, v0  }
0x649: {  	(xrf0) =	vmax.scan.msk.f32 $0xffff, v4;
	_ =	sdelay $0x5  }
0x64a: {  	v4, _, _ =	vpop (xrf0)  }
0x64b: {  	(v2sf) =	vpush v4, $0xF;
	_ =	sdelay $0xe  }
0x64c: {  	s31 =	spop (v2sf)  }
0x64d: {  	p0 =	sgt.f32 s31, $0.0e+00  }
.Ltmp60:
0x64e: {  	_ = 	snop;
	(pc) =	sbr.rel @!p0 .LBB2_74-.Ltmp60, $1  }
0x64f: {  	_ =	sdelay $0x3  }
.LBB2_71:
0x650: {  	v8 =	vmctz.xlane vm1;
	_ =	sdelay $0x1  }
0x651: {  	(v2sf) =	vpush v8, $0x0;
	_ =	sdelay $0xe  }
0x652: {  	s22 =	spop (v2sf)  }
0x653: {  	s22 =	sadd.s32 s22, s28  }
0x654: {  	s22 =	smul.u32 $0x280, s22;
	_ =	sdelay $0x1  }
0x655: {  	s22 =	sshra.s32 s22, $0x2  }
0x656: {  	s30 =	sadd.s32 $0x800, s22  }
0x657: {  	v9 =	vmov s30;
	_ =	sdelay $0x3  }
0x658: {  	s30 =	simm.s32 $0x0  }
0x659: {  	v4 =	vld.idx.msk [tilespmem:v9+s30+$0x0 ss:$0x1], $0xffff;
	_ =	sdelay $0x4  }
0x65a: {  	v4 =	vshll.u32 v4, $0x4  }
0x65b: {  	s31 =	simm.s32 $0x10;
	v7 =	vor.u32 v2, v4  }
0x65c: {  	v5 =	vld.idx.msk [tilespmem:v9+s31+$0x0 ss:$0x1], $0xffff  }
0x65d: {  	s22 =	sadd.s32 $0x5680, s22  }
0x65e: {  	v6 =	vmov s22;
	_ =	sdelay $0x1  }
0x65f: {  	v7 =	vld.idx.msk [tilespmem:v7+s1+$0x0], $0xffff  }
0x660: {  	v5 =	vshll.u32 v5, $0x4  }
0x661: {  	v10 =	vor.u32 v2, v5  }
0x662: {  	v4 =	vld.idx.msk [tilespmem:v6+s30+$0x0 ss:$0x1], $0xffff;
	s30 =	simm.s32 $0x20  }
0x663: {  	v11 =	vld.idx.msk [tilespmem:v9+s30+$0x0 ss:$0x1], $0xffff  }
0x664: {  	(xrf2) =	vadd.scan.msk.f32 $0xffff, v7;
	_ =	sdelay $0x1  }
0x665: {  	v10 =	vld.idx.msk [tilespmem:v10+s1+$0x0], $0xffff  }
0x666: {  	v5 =	vperm.xlane v4, v3;
	v7 =	vld.idx.msk [tilespmem:v6+s31+$0x0 ss:$0x1], $0xffff  }
0x667: {  	v11 =	vshll.u32 v11, $0x4  }
0x668: {  	s22 =	simm.s32 $0x100;
	v11 =	vor.u32 v2, v11;
	vm2 =	vne.s32 v4, v5;
	s31 =	simm.s32 $0x30  }
.LBB2_72:
0x669: {  	p0 =	sne.s32 s22, $0x240;
	v12 =	vld.idx.msk [tilespmem:v9+s31+$0x0 ss:$0x1], $0xffff;
	vm3 =	vmor vm2, vm0;
	_ =	sdelay $0x1  }
0x66a: {  	(xrf2) =	vadd.scan.msk.f32 $0xffff, v10;
	v13 =	vmov v7  }
.Ltmp61:
0x66b: {  	(pc) =	sbr.rel @p0 .LBB2_72-.Ltmp61, $4  }
0x66c: {  	v10 =	vld.idx.msk [tilespmem:v11+s1+$0x0], $0xffff;
	v11, _, _ =	vpop (xrf2)  }
0x66d: {  	v14 =	vperm.xlane v13, v3;
	v7 =	vld.idx.msk [tilespmem:v6+s30+$0x0 ss:$0x1], $0xffff;
	v15 =	vsub.f32 $0.0e+00, v11;
	s30 =	smov.u32 s31  }
0x66e: {  	v12 =	vshll.u32 v12, $0x4;
	[tilespmem:v4+s18+$0x0] =	vst.idx.add.f32.msk vm3, v11;
	v4 =	vmov v13  }
0x66f: {  	s31 =	sshra.s32 s22, $0x2;
	s22 =	sadd.s32 $0x40, s22;
	v11 =	vor.u32 v2, v12;
	[tilespmem:v5+s18+$0x0] =	vst.idx.add.f32.msk vm2, v15;
	vm2 =	vne.s32 v4, v14;
	v5 =	vmov v14  }
0x670: {  	v8 =	vbroadcast v8, $0x0;
	_ =	sdelay $0x1  }
0x671: {  	vm3 =	vne.s32 v8, v2  }
0x672: {  	vm1 =	vmand vm1, vm3  }
0x673: {  	v9 =	vld.idx.msk [tilespmem:v9+s31+$0x0 ss:$0x1], $0xffff;
	v55 =	vsel vm1, $0x3F800000, v0  }
0x674: {  	(xrf0) =	vmax.scan.msk.f32 $0xffff, v55;
	_ =	sdelay $0x3  }
0x675: {  	v56 =	vshll.u32 v9, $0x4  }
0x676: {  	v8 =	vor.u32 v2, v56  }
0x677: {  	v58, _, _ =	vpop (xrf0)  }
0x678: {  	(v2sf) =	vpush v58, $0xF  }
0x679: {  	v57 =	vld.idx.msk [tilespmem:v11+s1+$0x0], $0xffff;
	_ =	sdelay $0x1  }
0x67a: {  	v8 =	vld.idx.msk [tilespmem:v8+s1+$0x0], $0xffff  }
0x67b: {  	v59 =	vld.idx.msk [tilespmem:v6+s30+$0x0 ss:$0x1], $0xffff;
	(xrf2) =	vadd.scan.msk.f32 $0xffff, v10;
	_ =	sdelay $0x1  }
0x67c: {  	v60 =	vld.idx.msk [tilespmem:v6+s31+$0x0 ss:$0x1], $0xffff;
	(xrf2) =	vadd.scan.msk.f32 $0xffff, v57  }
0x67d: {  	v61 =	vperm.xlane v7, v3  }
0x67e: {  	vm3 =	vmor vm2, vm0;
	(xrf2) =	vadd.scan.msk.f32 $0xffff, v8  }
0x67f: {  	vm4 =	vne.s32 v7, v61;
	v62 =	vperm.xlane v59, v3  }
0x680: {  	vm5 =	vmor vm4, vm0  }
0x681: {  	v63 =	vperm.xlane v60, v3;
	vm6 =	vne.s32 v59, v62  }
0x682: {  	v12, _, _ =	vpop (xrf2);
	vm7 =	vmor vm6, vm0  }
0x683: {  	v13 =	vsub.f32 $0.0e+00, v12;
	vm8 =	vne.s32 v60, v63  }
0x684: {  	[tilespmem:v4+s18+$0x0] =	vst.idx.add.f32.msk vm3, v12;
	vm3 =	vmor vm8, vm0;
	v14, _, _ =	vpop (xrf2)  }
0x685: {  	[tilespmem:v5+s18+$0x0] =	vst.idx.add.f32.msk vm2, v13;
	v4 =	vsub.f32 $0.0e+00, v14;
	s22 =	spop (v2sf)  }
0x686: {  	[tilespmem:v7+s18+$0x0] =	vst.idx.add.f32.msk vm5, v14;
	v5, _, _ =	vpop (xrf2);
	p0 =	sgt.f32 s22, $0.0e+00  }
.Ltmp62:
0x687: {  	[tilespmem:v61+s18+$0x0] =	vst.idx.add.f32.msk vm4, v4;
	v4 =	vsub.f32 $0.0e+00, v5;
	(pc) =	sbr.rel @p0 .LBB2_71-.Ltmp62, $4  }
.Ltmp63:
0x688: {  	[tilespmem:v59+s18+$0x0] =	vst.idx.add.f32.msk vm7, v5;
	v5, _, _ =	vpop (xrf2);
	(pc) =	sbr.rel @!p0 .LBB2_74-.Ltmp63, $4  }
0x689: {  	[tilespmem:v62+s18+$0x0] =	vst.idx.add.f32.msk vm6, v4;
	v4 =	vsub.f32 $0.0e+00, v5  }
0x68a: {  	[tilespmem:v60+s18+$0x0] =	vst.idx.add.f32.msk vm3, v5  }
0x68b: {  	[tilespmem:v63+s18+$0x0] =	vst.idx.add.f32.msk vm8, v4  }
0x68c: {  	_ = 	snop  }
.LBB2_75:
0x68d: {  	_ =	swait.ge [sflag:s19], $0x4E20  }
0x68e: {  	[sflag:s19] =	ssyncset.done $0x0  }
0x68f: {  	[sflag:s19] =	ssyncadd.s32 $0xFFFFB1E0  }
0x690: {  	_ =	swait.ge [sflag:s20], $0x4E20  }
0x691: {  	s28 =	simm.s32 $0x0;
	[sflag:s20] =	ssyncset.done $0x0  }
0x692: {  	s22 =	sand.u32 $0x7FE0, s28;
	[sflag:s20] =	ssyncadd.s32 $0xFFFFB1E0  }
0x693: {  	s30 =	simm.s32 $0xA550;
	v4 =	vld [tilespmem:s22+$0xA580]  }
0x694: {  	v5 =	vld [tilespmem:s30+$0xFFFFFFE0]  }
0x695: {  	v6 =	vld [tilespmem:s30+$0xFFFFFFB0]  }
0x696: {  	v7 =	vld [tilespmem:s30+$0xFFFFFFC0];
	_ =	sdelay $0x1  }
0x697: {  	v8 =	vld [tilespmem:s30+$0xFFFFFFF0]  }
0x698: {  	v9 =	vld [tilespmem:s30+$0x0];
	v4 =	vshll.u32 v4, $0x4  }
0x699: {  	v10 =	vld [tilespmem:s30+$0xFFFFFFD0];
	v5 =	vshll.u32 v5, $0x4;
	v11 =	vor.u32 v2, v4  }
0x69a: {  	v7 =	vshll.u32 v7, $0x4;
	v4 =	vshll.u32 v6, $0x4;
	v5 =	vor.u32 v2, v5;
	v6 =	vld [tilespmem:s30+$0x40]  }
0x69b: {  	v13 =	vld [tilespmem:s30+$0x10];
	v7 =	vor.u32 v2, v7  }
0x69c: {  	s29 =	simm.s32 $0xF410;
	v14 =	vld [tilespmem:s30+$0x20];
	v8 =	vshll.u32 v8, $0x4;
	v12 =	vor.u32 v2, v4  }
0x69d: {  	v9 =	vshll.u32 v9, $0x4;
	v8 =	vor.u32 v2, v8;
	v4 =	vld [tilespmem:s29+$0x0]  }
0x69e: {  	v10 =	vshll.u32 v10, $0x4;
	v9 =	vor.u32 v2, v9;
	v11 =	vld.idx.msk [tilespmem:v11+s28+$0x0], $0xffff  }
0x69f: {  	v10 =	vor.u32 v2, v10;
	v15 =	vld.idx.msk [tilespmem:v5+s28+$0x0], $0xffff;
	v5 =	vshll.u32 v6, $0x4  }
0x6a0: {  	v7 =	vld.idx.msk [tilespmem:v7+s28+$0x0], $0xffff;
	v5 =	vor.u32 v2, v5  }
0x6a1: {  	v6 =	vld.idx.msk [tilespmem:v12+s28+$0x0], $0xffff;
	v12 =	vshll.u32 v13, $0x4  }
0x6a2: {  	v8 =	vld.idx.msk [tilespmem:v8+s28+$0x0], $0xffff;
	v12 =	vor.u32 v2, v12  }
0x6a3: {  	v9 =	vld.idx.msk [tilespmem:v9+s28+$0x0], $0xffff;
	v13 =	vshll.u32 v14, $0x4  }
0x6a4: {  	v10 =	vld.idx.msk [tilespmem:v10+s28+$0x0], $0xffff;
	v13 =	vor.u32 v2, v13  }
0x6a5: {  	v14 =	vld.idx.msk [tilespmem:v5+s28+$0x0], $0xffff  }
0x6a6: {  	s22 =	simm.s32 $0xA0;
	v7 =	vadd.f32 $0.0e+00, v7;
	v6 =	vadd.f32 $0.0e+00, v6;
	v5 =	vld [tilespmem:s29+$0xFFFFFF70]  }
0x6a7: {  	s22 =	sand.u32 $0x7FE0, s22;
	v16 =	vld.idx.msk [tilespmem:v12+s28+$0x0], $0xffff  }
0x6a8: {  	v7 =	vadd.f32 v9, v7;
	v12 =	vld [tilespmem:s22+$0xA580];
	v8 =	vadd.f32 v8, v6  }
0x6a9: {  	s30 =	simm.s32 $0xA5F0;
	v9 =	vadd.f32 $0.0e+00, v10;
	v6 =	vld.idx.msk [tilespmem:v13+s28+$0x0], $0xffff  }
0x6aa: {  	v10 =	vld [tilespmem:s30+$0xFFFFFFE0];
	v17 =	vadd.f32 v11, v8;
	v14 =	vadd.f32 v14, v7  }
0x6ab: {  	v13 =	vld [tilespmem:s30+$0xFFFFFFB0];
	v7 =	vadd.f32 $0.0e+00, v15  }
0x6ac: {  	s31 =	simm.s32 $0x140;
	v11 =	vld [tilespmem:s30+$0xFFFFFFC0];
	v8 =	vadd.f32 v16, v9;
	v9 =	vadd.f32 v14, v17  }
.LBB2_76:
0x6ad: {  	p0 =	sne.s32 s31, $0x4D80;
	v14 =	vld [tilespmem:s30+$0xFFFFFFF0]  }
0x6ae: {  	v6 =	vadd.f32 v6, v7;
	v15 =	vld [tilespmem:s30+$0x0];
	v12 =	vshll.u32 v12, $0x4;
	v7 =	vadd.f32 v9, v8  }
0x6af: {  	v8 =	vld [tilespmem:s30+$0xFFFFFFD0];
	v9 =	vshll.u32 v10, $0x4;
	v10 =	vor.u32 v2, v12  }
0x6b0: {  	v12 =	vshll.u32 v13, $0x4;
	v9 =	vor.u32 v2, v9;
	v13 =	vld [tilespmem:s30+$0x40];
	v6 =	vadd.f32 v7, v6  }
0x6b1: {  	s29 =	sadd.s32 $0xA0, s29;
	v7 =	vor.u32 v2, v12;
	v11 =	vshll.u32 v11, $0x4;
	v12 =	vld [tilespmem:s30+$0x10]  }
0x6b2: {  	v16 =	vld [tilespmem:s29+$0x0];
	v11 =	vor.u32 v2, v11;
	v14 =	vshll.u32 v14, $0x4;
	(xrf2) =	vadd.scan.msk.f32 $0xffff, v6  }
0x6b3: {  	v6 =	vor.u32 v2, v14;
	v14 =	vshll.u32 v15, $0x4;
	v15 =	vld [tilespmem:s30+$0x20]  }
0x6b4: {  	v5 =	vperm.xlane v5, v1;
	v8 =	vshll.u32 v8, $0x4;
	v14 =	vor.u32 v2, v14;
	v17 =	vld.idx.msk [tilespmem:v10+s28+$0x0], $0xffff  }
0x6b5: {  	v8 =	vor.u32 v2, v8;
	v9 =	vld.idx.msk [tilespmem:v9+s28+$0x0], $0xffff;
	v10 =	vshll.u32 v13, $0x4  }
0x6b6: {  	vm1 =	veq.s32 v5, v4;
	v7 =	vld.idx.msk [tilespmem:v7+s28+$0x0], $0xffff;
	v12 =	vshll.u32 v12, $0x4;
	v10 =	vor.u32 v2, v10  }
0x6b7: {  	vm1 =	vmand vm1, vm0;
	v5 =	vld.idx.msk [tilespmem:v11+s28+$0x0], $0xffff;
	v11 =	vor.u32 v2, v12  }
0x6b8: {  	v6 =	vld.idx.msk [tilespmem:v6+s28+$0x0], $0xffff  }
0x6b9: {  	v13 =	vshll.u32 v15, $0x4;
	v12 =	vld.idx.msk [tilespmem:v14+s28+$0x0], $0xffff  }
0x6ba: {  	v13 =	vor.u32 v2, v13;
	v8 =	vld.idx.msk [tilespmem:v8+s28+$0x0], $0xffff  }
0x6bb: {  	v14 =	vld.idx.msk [tilespmem:v10+s28+$0x0], $0xffff  }
0x6bc: {  	v15 =	vld.idx.msk [tilespmem:v11+s28+$0x0], $0xffff;
	v10, _, _ =	vpop (xrf2)  }
0x6bd: {  	v7 =	vadd.f32 $0.0e+00, v7;
	v11 =	vadd.f32 $0.0e+00, v5;
	[tilespmem:v4+s18+$0x0] =	vst.idx.add.f32.msk vm1, v10;
	v4 =	vmov v16  }
0x6be: {  	v5 =	vld [tilespmem:s29+$0xFFFFFF70]  }
.Ltmp64:
0x6bf: {  	s22 =	sand.u32 $0x7FE0, s31;
	v7 =	vadd.f32 v6, v7;
	v11 =	vadd.f32 v12, v11;
	v6 =	vld.idx.msk [tilespmem:v13+s28+$0x0], $0xffff;
	(pc) =	sbr.rel @p0 .LBB2_76-.Ltmp64, $4  }
0x6c0: {  	s30 =	sadd.s32 $0xA0, s30;
	v8 =	vadd.f32 $0.0e+00, v8;
	v12 =	vld [tilespmem:s22+$0xA580]  }
0x6c1: {  	v16 =	vadd.f32 v17, v7;
	v14 =	vadd.f32 v14, v11;
	v10 =	vld [tilespmem:s30+$0xFFFFFFE0]  }
0x6c2: {  	v7 =	vadd.f32 $0.0e+00, v9;
	v13 =	vld [tilespmem:s30+$0xFFFFFFB0]  }
0x6c3: {  	s31 =	sadd.s32 $0xA0, s31;
	v8 =	vadd.f32 v15, v8;
	v9 =	vadd.f32 v14, v16;
	v11 =	vld [tilespmem:s30+$0xFFFFFFC0]  }
0x6c4: {  	v14 =	vld [tilespmem:s30+$0xFFFFFFF0]  }
0x6c5: {  	v15 =	vld [tilespmem:s30+$0x0]  }
0x6c6: {  	v16 =	vld [tilespmem:s30+$0xFFFFFFD0];
	v12 =	vshll.u32 v12, $0x4  }
0x6c7: {  	v17 =	vld [tilespmem:s30+$0x40];
	v12 =	vor.u32 v2, v12;
	v13 =	vshll.u32 v13, $0x4  }
0x6c8: {  	v13 =	vor.u32 v2, v13;
	v11 =	vshll.u32 v11, $0x4  }
0x6c9: {  	v18 =	vld [tilespmem:s30+$0x10];
	v11 =	vor.u32 v2, v11;
	v14 =	vshll.u32 v14, $0x4  }
0x6ca: {  	v15 =	vshll.u32 v15, $0x4;
	v14 =	vor.u32 v2, v14  }
0x6cb: {  	v19 =	vld [tilespmem:s30+$0x20];
	v16 =	vshll.u32 v16, $0x4;
	v15 =	vor.u32 v2, v15  }
0x6cc: {  	v17 =	vshll.u32 v17, $0x4;
	v16 =	vor.u32 v2, v16;
	v12 =	vld.idx.msk [tilespmem:v12+s28+$0x0], $0xffff  }
0x6cd: {  	v10 =	vshll.u32 v10, $0x4;
	v17 =	vor.u32 v2, v17;
	v13 =	vld.idx.msk [tilespmem:v13+s28+$0x0], $0xffff  }
0x6ce: {  	v10 =	vor.u32 v2, v10;
	v18 =	vshll.u32 v18, $0x4;
	v11 =	vld.idx.msk [tilespmem:v11+s28+$0x0], $0xffff  }
0x6cf: {  	v18 =	vor.u32 v2, v18;
	v14 =	vld.idx.msk [tilespmem:v14+s28+$0x0], $0xffff  }
0x6d0: {  	v19 =	vshll.u32 v19, $0x4;
	v15 =	vld.idx.msk [tilespmem:v15+s28+$0x0], $0xffff  }
0x6d1: {  	v19 =	vor.u32 v2, v19;
	v16 =	vld.idx.msk [tilespmem:v16+s28+$0x0], $0xffff  }
0x6d2: {  	v17 =	vld.idx.msk [tilespmem:v17+s28+$0x0], $0xffff  }
0x6d3: {  	v10 =	vld.idx.msk [tilespmem:v10+s28+$0x0], $0xffff;
	v13 =	vadd.f32 $0.0e+00, v13;
	v11 =	vadd.f32 $0.0e+00, v11  }
0x6d4: {  	v55 =	vld.idx.msk [tilespmem:v18+s28+$0x0], $0xffff  }
0x6d5: {  	v13 =	vadd.f32 v14, v13;
	v11 =	vadd.f32 v15, v11  }
0x6d6: {  	v56 =	vld.idx.msk [tilespmem:v19+s28+$0x0], $0xffff;
	v57 =	vadd.f32 $0.0e+00, v16  }
0x6d7: {  	v12 =	vadd.f32 v12, v13;
	v11 =	vadd.f32 v17, v11  }
0x6d8: {  	v10 =	vadd.f32 $0.0e+00, v10  }
0x6d9: {  	v14 =	vadd.f32 v55, v57;
	v11 =	vadd.f32 v11, v12  }
0x6da: {  	v6 =	vadd.f32 v6, v7;
	v58 =	vadd.f32 v9, v8  }
0x6db: {  	s22 =	sadd.s32 $0xA0, s29;
	v59 =	vadd.f32 v56, v10;
	v60 =	vadd.f32 v11, v14  }
0x6dc: {  	v61 =	vld [tilespmem:s22+$0xFFFFFF70];
	v6 =	vadd.f32 v58, v6  }
0x6dd: {  	v8 =	vadd.f32 v60, v59  }
0x6de: {  	v62 =	vld [tilespmem:s22+$0x0];
	(xrf2) =	vadd.scan.msk.f32 $0xffff, v6  }
0x6df: {  	(xrf2) =	vadd.scan.msk.f32 $0xffff, v8  }
0x6e0: {  	v5 =	vperm.xlane v5, v1  }
0x6e1: {  	v63 =	vperm.xlane v61, v1  }
0x6e2: {  	vm1 =	veq.s32 v5, v4  }
0x6e3: {  	vm1 =	vmand vm1, vm0;
	vm2 =	veq.s32 v63, v62  }
0x6e4: {  	vm2 =	vmand vm2, vm0;
	_ =	sdelay $0x1  }
.Ltmp65:
0x6e5: {  	_ = 	snop;
	(pc) =	sbr.rel .LBB2_78-.Ltmp65, $4  }
0x6e6: {  	_ = 	snop  }
0x6e7: {  	v5, _, _ =	vpop (xrf2)  }
0x6e8: {  	[tilespmem:v4+s18+$0x0] =	vst.idx.add.f32.msk vm1, v5;
	v4, _, _ =	vpop (xrf2)  }
0x6e9: {  	s29 =	simm.s32 $0x0;
	[tilespmem:v62+s18+$0x0] =	vst.idx.add.f32.msk vm2, v4  }
.LBB2_82:
0x6ea: {  	s29 =	sadd.s32 $0x1, s29  }
0x6eb: {  	p0 =	sne.s32 s29, $0x8  }
.Ltmp66:
0x6ec: {  	_ = 	snop;
	(pc) =	sbr.rel @!p0 .LBB2_83-.Ltmp66, $2  }
0x6ed: {  	_ =	sdelay $0x2  }
0x6ee: {  	s28 =	sadd.s32 $0x10, s28  }
.LBB2_78:
0x6ef: {  	s22 =	sshll.u32 s29, $0x4  }
0x6f0: {  	v4 =	vor.u32 s22, v2  }
0x6f1: {  	v5 =	vmin.u32 v4, $0x7C  }
0x6f2: {  	v5 =	vmul.u32 $0xA0, v5;
	_ =	sdelay $0x1  }
0x6f3: {  	v6 =	vadd.s32 $0x9F, v5;
	_ =	sdelay $0x3  }
0x6f4: {  	v5 =	vld.idx.msk [tilespmem:v5+s14+$0x0], $0xffff  }
0x6f5: {  	v6 =	vld.idx.msk [tilespmem:v6+s14+$0x0], $0xffff;
	_ =	sdelay $0x4  }
0x6f6: {  	vm1 =	vlt.u32 v4, $0x7D;
	vm2 =	vne.s32 v5, v6  }
0x6f7: {  	vm1 =	vmand vm1, vm2  }
0x6f8: {  	v4 =	vsel vm1, $0x3F800000, v0  }
0x6f9: {  	(xrf0) =	vmax.scan.msk.f32 $0xffff, v4;
	_ =	sdelay $0x5  }
0x6fa: {  	v4, _, _ =	vpop (xrf0)  }
0x6fb: {  	(v2sf) =	vpush v4, $0xF;
	_ =	sdelay $0xe  }
0x6fc: {  	s31 =	spop (v2sf)  }
0x6fd: {  	p0 =	sgt.f32 s31, $0.0e+00  }
.Ltmp67:
0x6fe: {  	_ = 	snop;
	(pc) =	sbr.rel @!p0 .LBB2_82-.Ltmp67, $1  }
0x6ff: {  	_ =	sdelay $0x3  }
.LBB2_79:
0x700: {  	v8 =	vmctz.xlane vm1;
	_ =	sdelay $0x1  }
0x701: {  	(v2sf) =	vpush v8, $0x0;
	_ =	sdelay $0xe  }
0x702: {  	s22 =	spop (v2sf)  }
0x703: {  	s22 =	sadd.s32 s22, s28  }
0x704: {  	s22 =	smul.u32 $0x280, s22;
	_ =	sdelay $0x1  }
0x705: {  	s22 =	sshra.s32 s22, $0x2  }
0x706: {  	s30 =	sadd.s32 $0xA500, s22  }
0x707: {  	v9 =	vmov s30;
	_ =	sdelay $0x3  }
0x708: {  	s30 =	simm.s32 $0x0  }
0x709: {  	v4 =	vld.idx.msk [tilespmem:v9+s30+$0x0 ss:$0x1], $0xffff;
	_ =	sdelay $0x4  }
0x70a: {  	v4 =	vshll.u32 v4, $0x4  }
0x70b: {  	s31 =	simm.s32 $0x10;
	v7 =	vor.u32 v2, v4  }
0x70c: {  	v5 =	vld.idx.msk [tilespmem:v9+s31+$0x0 ss:$0x1], $0xffff  }
0x70d: {  	s22 =	sadd.s32 $0xF380, s22  }
0x70e: {  	v6 =	vmov s22;
	_ =	sdelay $0x1  }
0x70f: {  	v7 =	vld.idx.msk [tilespmem:v7+s1+$0x0], $0xffff  }
0x710: {  	v5 =	vshll.u32 v5, $0x4  }
0x711: {  	v10 =	vor.u32 v2, v5  }
0x712: {  	v4 =	vld.idx.msk [tilespmem:v6+s30+$0x0 ss:$0x1], $0xffff;
	s30 =	simm.s32 $0x20  }
0x713: {  	v11 =	vld.idx.msk [tilespmem:v9+s30+$0x0 ss:$0x1], $0xffff  }
0x714: {  	(xrf2) =	vadd.scan.msk.f32 $0xffff, v7;
	_ =	sdelay $0x1  }
0x715: {  	v10 =	vld.idx.msk [tilespmem:v10+s1+$0x0], $0xffff  }
0x716: {  	v5 =	vperm.xlane v4, v3;
	v7 =	vld.idx.msk [tilespmem:v6+s31+$0x0 ss:$0x1], $0xffff  }
0x717: {  	v11 =	vshll.u32 v11, $0x4  }
0x718: {  	s22 =	simm.s32 $0x100;
	v11 =	vor.u32 v2, v11;
	vm2 =	vne.s32 v4, v5;
	s31 =	simm.s32 $0x30  }
.LBB2_80:
0x719: {  	p0 =	sne.s32 s22, $0x240;
	v12 =	vld.idx.msk [tilespmem:v9+s31+$0x0 ss:$0x1], $0xffff;
	vm3 =	vmor vm2, vm0;
	_ =	sdelay $0x1  }
0x71a: {  	(xrf2) =	vadd.scan.msk.f32 $0xffff, v10;
	v13 =	vmov v7  }
.Ltmp68:
0x71b: {  	(pc) =	sbr.rel @p0 .LBB2_80-.Ltmp68, $4  }
0x71c: {  	v10 =	vld.idx.msk [tilespmem:v11+s1+$0x0], $0xffff;
	v11, _, _ =	vpop (xrf2)  }
0x71d: {  	v14 =	vperm.xlane v13, v3;
	v7 =	vld.idx.msk [tilespmem:v6+s30+$0x0 ss:$0x1], $0xffff;
	v15 =	vsub.f32 $0.0e+00, v11;
	s30 =	smov.u32 s31  }
0x71e: {  	v12 =	vshll.u32 v12, $0x4;
	[tilespmem:v4+s18+$0x0] =	vst.idx.add.f32.msk vm3, v11;
	v4 =	vmov v13  }
0x71f: {  	s31 =	sshra.s32 s22, $0x2;
	s22 =	sadd.s32 $0x40, s22;
	v11 =	vor.u32 v2, v12;
	[tilespmem:v5+s18+$0x0] =	vst.idx.add.f32.msk vm2, v15;
	vm2 =	vne.s32 v4, v14;
	v5 =	vmov v14  }
0x720: {  	v8 =	vbroadcast v8, $0x0;
	_ =	sdelay $0x1  }
0x721: {  	vm3 =	vne.s32 v8, v2  }
0x722: {  	vm1 =	vmand vm1, vm3  }
0x723: {  	v9 =	vld.idx.msk [tilespmem:v9+s31+$0x0 ss:$0x1], $0xffff;
	v55 =	vsel vm1, $0x3F800000, v0  }
0x724: {  	(xrf0) =	vmax.scan.msk.f32 $0xffff, v55;
	_ =	sdelay $0x3  }
0x725: {  	v56 =	vshll.u32 v9, $0x4  }
0x726: {  	v8 =	vor.u32 v2, v56  }
0x727: {  	v58, _, _ =	vpop (xrf0)  }
0x728: {  	(v2sf) =	vpush v58, $0xF  }
0x729: {  	v57 =	vld.idx.msk [tilespmem:v11+s1+$0x0], $0xffff;
	_ =	sdelay $0x1  }
0x72a: {  	v8 =	vld.idx.msk [tilespmem:v8+s1+$0x0], $0xffff  }
0x72b: {  	v59 =	vld.idx.msk [tilespmem:v6+s30+$0x0 ss:$0x1], $0xffff;
	(xrf2) =	vadd.scan.msk.f32 $0xffff, v10;
	_ =	sdelay $0x1  }
0x72c: {  	v60 =	vld.idx.msk [tilespmem:v6+s31+$0x0 ss:$0x1], $0xffff;
	(xrf2) =	vadd.scan.msk.f32 $0xffff, v57  }
0x72d: {  	v61 =	vperm.xlane v7, v3  }
0x72e: {  	vm3 =	vmor vm2, vm0;
	(xrf2) =	vadd.scan.msk.f32 $0xffff, v8  }
0x72f: {  	vm4 =	vne.s32 v7, v61;
	v62 =	vperm.xlane v59, v3  }
0x730: {  	vm5 =	vmor vm4, vm0  }
0x731: {  	v63 =	vperm.xlane v60, v3;
	vm6 =	vne.s32 v59, v62  }
0x732: {  	v12, _, _ =	vpop (xrf2);
	vm7 =	vmor vm6, vm0  }
0x733: {  	v13 =	vsub.f32 $0.0e+00, v12;
	vm8 =	vne.s32 v60, v63  }
0x734: {  	[tilespmem:v4+s18+$0x0] =	vst.idx.add.f32.msk vm3, v12;
	vm3 =	vmor vm8, vm0;
	v14, _, _ =	vpop (xrf2)  }
0x735: {  	[tilespmem:v5+s18+$0x0] =	vst.idx.add.f32.msk vm2, v13;
	v4 =	vsub.f32 $0.0e+00, v14;
	s22 =	spop (v2sf)  }
0x736: {  	[tilespmem:v7+s18+$0x0] =	vst.idx.add.f32.msk vm5, v14;
	v5, _, _ =	vpop (xrf2);
	p0 =	sgt.f32 s22, $0.0e+00  }
.Ltmp69:
0x737: {  	[tilespmem:v61+s18+$0x0] =	vst.idx.add.f32.msk vm4, v4;
	v4 =	vsub.f32 $0.0e+00, v5;
	(pc) =	sbr.rel @p0 .LBB2_79-.Ltmp69, $4  }
.Ltmp70:
0x738: {  	[tilespmem:v59+s18+$0x0] =	vst.idx.add.f32.msk vm7, v5;
	v5, _, _ =	vpop (xrf2);
	(pc) =	sbr.rel @!p0 .LBB2_82-.Ltmp70, $4  }
0x739: {  	[tilespmem:v62+s18+$0x0] =	vst.idx.add.f32.msk vm6, v4;
	v4 =	vsub.f32 $0.0e+00, v5  }
0x73a: {  	[tilespmem:v60+s18+$0x0] =	vst.idx.add.f32.msk vm3, v5  }
0x73b: {  	[tilespmem:v63+s18+$0x0] =	vst.idx.add.f32.msk vm8, v4  }
0x73c: {  	_ = 	snop  }
.LBB2_83:
0x73d: {  	s22 =	rddreg [dreg:$0x1a]  }
0x73e: {  	[spmem:s22] =	stream.strided.scatter [tilespmem:s18], [sflag:$0x5], $0x1000, s24, s21, $0x38;
	[tilespmem:$0x17300] =	vst v63  }
0x73f: {  	_ =	swait.ge [sflag:s15], $0x1000  }
0x740: {  	[sflag:s15] =	ssyncset.done $0x0  }
0x741: {  	[sflag:s15] =	ssyncadd.s32 $0xFFFFF000  }
0x742: {  	s28 =	simm.s32 $0x15200;
	[bflag:$0x0] =	sbarrier.arrive $0xFFFF  }
0x743: {  	[tilespmem:s28], [sflag:$0x1] =	stream.strided.gather [spmem:s25], $0x100, s24, s21, $0x38;
	[tilespmem:$0x17300] =	vst v63  }
0x744: {  	s29 =	simm.s32 $0x15300;
	s22 =	rddreg [dreg:$0x1d]  }
0x745: {  	[tilespmem:s29], [sflag:$0x1] =	stream.strided.gather [spmem:s22], $0x100, s24, s21, $0x38;
	[tilespmem:$0x17300] =	vst v63  }
0x746: {  	s22 =	rddreg [dreg:$0x1e];
	s29 =	simm.s32 $0x15400  }
0x747: {  	[tilespmem:s29], [sflag:$0x1] =	stream.strided.gather [spmem:s22], $0x100, s24, s21, $0x38;
	[tilespmem:$0x17300] =	vst v63  }
0x748: {  	s22 =	rddreg [dreg:$0x1f];
	s29 =	simm.s32 $0x15500  }
0x749: {  	[tilespmem:s29], [sflag:$0x1] =	stream.strided.gather [spmem:s22], $0x100, s24, s21, $0x38;
	[tilespmem:$0x17300] =	vst v63  }
0x74a: {  	s22 =	sld [smem:$0x7FD];
	_ =	sdelay $0x1  }
0x74b: {  	s29 =	simm.s32 $0x15600  }
0x74c: {  	[tilespmem:s29], [sflag:$0x1] =	stream.strided.gather [spmem:s22], $0x100, s24, s21, $0x38;
	[tilespmem:$0x17300] =	vst v63  }
0x74d: {  	s22 =	simm.s32 $0x15700  }
0x74e: {  	[tilespmem:s22], [sflag:$0x1] =	stream.strided.gather [spmem:s0], $0x100, s24, s21, $0x38;
	[tilespmem:$0x17300] =	vst v63  }
0x74f: {  	s22 =	simm.s32 $0x15800  }
0x750: {  	[tilespmem:s22], [sflag:$0x1] =	stream.strided.gather [spmem:s23], $0x100, s24, s21, $0x38;
	[tilespmem:$0x17300] =	vst v63  }
0x751: {  	s22 =	simm.s32 $0x15900  }
0x752: {  	[tilespmem:s22], [sflag:$0x1] =	stream.strided.gather [spmem:s2], $0x100, s24, s21, $0x38;
	[tilespmem:$0x17300] =	vst v63  }
0x753: {  	s22 =	simm.s32 $0x15A00  }
0x754: {  	[tilespmem:s22], [sflag:$0x1] =	stream.strided.gather [spmem:s3], $0x100, s24, s21, $0x38;
	[tilespmem:$0x17300] =	vst v63  }
0x755: {  	s22 =	simm.s32 $0x15B00  }
0x756: {  	[tilespmem:s22], [sflag:$0x1] =	stream.strided.gather [spmem:s4], $0x100, s24, s21, $0x38;
	[tilespmem:$0x17300] =	vst v63  }
0x757: {  	s22 =	simm.s32 $0x15C00  }
0x758: {  	[tilespmem:s22], [sflag:$0x1] =	stream.strided.gather [spmem:s5], $0x100, s24, s21, $0x38;
	[tilespmem:$0x17300] =	vst v63  }
0x759: {  	s22 =	simm.s32 $0x15D00  }
0x75a: {  	[tilespmem:s22], [sflag:$0x1] =	stream.strided.gather [spmem:s6], $0x100, s24, s21, $0x38;
	[tilespmem:$0x17300] =	vst v63  }
0x75b: {  	s22 =	simm.s32 $0x15E00  }
0x75c: {  	[tilespmem:s22], [sflag:$0x1] =	stream.strided.gather [spmem:s7], $0x100, s24, s21, $0x38;
	[tilespmem:$0x17300] =	vst v63  }
0x75d: {  	s22 =	simm.s32 $0x15F00  }
0x75e: {  	[tilespmem:s22], [sflag:$0x1] =	stream.strided.gather [spmem:s8], $0x100, s24, s21, $0x38;
	[tilespmem:$0x17300] =	vst v63  }
0x75f: {  	s22 =	simm.s32 $0x16000  }
0x760: {  	[tilespmem:s22], [sflag:$0x1] =	stream.strided.gather [spmem:s9], $0x100, s24, s21, $0x38;
	[tilespmem:$0x17300] =	vst v63  }
0x761: {  	s22 =	simm.s32 $0x16100  }
0x762: {  	[tilespmem:s22], [sflag:$0x1] =	stream.strided.gather [spmem:s10], $0x100, s24, s21, $0x38;
	[tilespmem:$0x17300] =	vst v63  }
0x763: {  	_ =	swait.ge [sflag:s16], $0x100  }
0x764: {  	[sflag:s16] =	ssyncset.done $0x0  }
0x765: {  	[sflag:s16] =	ssyncadd.s32 $0xFFFFFF00  }
0x766: {  	_ =	swait.ge [sflag:s16], $0x100  }
0x767: {  	[sflag:s16] =	ssyncset.done $0x0  }
0x768: {  	[sflag:s16] =	ssyncadd.s32 $0xFFFFFF00  }
0x769: {  	_ =	swait.ge [sflag:s16], $0x100  }
0x76a: {  	[sflag:s16] =	ssyncset.done $0x0  }
0x76b: {  	[sflag:s16] =	ssyncadd.s32 $0xFFFFFF00  }
0x76c: {  	_ =	swait.ge [sflag:s16], $0x100  }
0x76d: {  	[sflag:s16] =	ssyncset.done $0x0  }
0x76e: {  	[sflag:s16] =	ssyncadd.s32 $0xFFFFFF00  }
0x76f: {  	_ =	swait.ge [sflag:s16], $0x100  }
0x770: {  	[sflag:s16] =	ssyncset.done $0x0  }
0x771: {  	[sflag:s16] =	ssyncadd.s32 $0xFFFFFF00  }
0x772: {  	_ =	swait.ge [sflag:s16], $0x100  }
0x773: {  	[sflag:s16] =	ssyncset.done $0x0  }
0x774: {  	[sflag:s16] =	ssyncadd.s32 $0xFFFFFF00  }
0x775: {  	_ =	swait.ge [sflag:s16], $0x100  }
0x776: {  	[sflag:s16] =	ssyncset.done $0x0  }
0x777: {  	[sflag:s16] =	ssyncadd.s32 $0xFFFFFF00  }
0x778: {  	_ =	swait.ge [sflag:s16], $0x100  }
0x779: {  	[sflag:s16] =	ssyncset.done $0x0  }
0x77a: {  	[sflag:s16] =	ssyncadd.s32 $0xFFFFFF00  }
0x77b: {  	_ =	swait.ge [sflag:s16], $0x100  }
0x77c: {  	[sflag:s16] =	ssyncset.done $0x0  }
0x77d: {  	[sflag:s16] =	ssyncadd.s32 $0xFFFFFF00  }
0x77e: {  	_ =	swait.ge [sflag:s16], $0x100  }
0x77f: {  	[sflag:s16] =	ssyncset.done $0x0  }
0x780: {  	[sflag:s16] =	ssyncadd.s32 $0xFFFFFF00  }
0x781: {  	_ =	swait.ge [sflag:s16], $0x100  }
0x782: {  	[sflag:s16] =	ssyncset.done $0x0  }
0x783: {  	[sflag:s16] =	ssyncadd.s32 $0xFFFFFF00  }
0x784: {  	_ =	swait.ge [sflag:s16], $0x100  }
0x785: {  	[sflag:s16] =	ssyncset.done $0x0  }
0x786: {  	[sflag:s16] =	ssyncadd.s32 $0xFFFFFF00  }
0x787: {  	_ =	swait.ge [sflag:s16], $0x100  }
0x788: {  	[sflag:s16] =	ssyncset.done $0x0  }
0x789: {  	[sflag:s16] =	ssyncadd.s32 $0xFFFFFF00  }
0x78a: {  	_ =	swait.ge [sflag:s16], $0x100  }
0x78b: {  	[sflag:s16] =	ssyncset.done $0x0  }
0x78c: {  	[sflag:s16] =	ssyncadd.s32 $0xFFFFFF00  }
0x78d: {  	_ =	swait.ge [sflag:s16], $0x100  }
0x78e: {  	[sflag:s16] =	ssyncset.done $0x0  }
0x78f: {  	[sflag:s16] =	ssyncadd.s32 $0xFFFFFF00  }
0x790: {  	_ =	swait.ge [sflag:s16], $0x100  }
0x791: {  	[sflag:s16] =	ssyncset.done $0x0  }
0x792: {  	[sflag:s16] =	ssyncadd.s32 $0xFFFFFF00  }
0x793: {  	s22 =	simm.s32 $0x0;
	v4 =	vld [tilespmem:s28+$0x0]  }
0x794: {  	s22 =	sand.u32 $0xF0, s22  }
0x795: {  	v5 =	vld [tilespmem:s22+$0x15300];
	_ =	sdelay $0x1  }
0x796: {  	v6 =	vld [tilespmem:s22+$0x15400]  }
0x797: {  	v4 =	vadd.f32 $0.0e+00, v4  }
0x798: {  	v7 =	vld [tilespmem:s22+$0x15500]  }
0x799: {  	v4 =	vadd.f32 v5, v4  }
0x79a: {  	v5 =	vld [tilespmem:s22+$0x15600]  }
0x79b: {  	v4 =	vadd.f32 v6, v4  }
0x79c: {  	v6 =	vld [tilespmem:s22+$0x15700]  }
0x79d: {  	v4 =	vadd.f32 v7, v4  }
0x79e: {  	v7 =	vld [tilespmem:s22+$0x15800]  }
0x79f: {  	v4 =	vadd.f32 v5, v4  }
0x7a0: {  	v5 =	vld [tilespmem:s22+$0x15900]  }
0x7a1: {  	v4 =	vadd.f32 v6, v4  }
0x7a2: {  	v6 =	vld [tilespmem:s22+$0x15A00]  }
0x7a3: {  	v4 =	vadd.f32 v7, v4  }
0x7a4: {  	v7 =	vld [tilespmem:s22+$0x15B00]  }
0x7a5: {  	v4 =	vadd.f32 v5, v4  }
0x7a6: {  	v5 =	vld [tilespmem:s22+$0x15C00]  }
0x7a7: {  	v4 =	vadd.f32 v6, v4  }
0x7a8: {  	v6 =	vld [tilespmem:s22+$0x15D00]  }
0x7a9: {  	v4 =	vadd.f32 v7, v4  }
0x7aa: {  	v7 =	vld [tilespmem:s22+$0x15E00]  }
0x7ab: {  	v4 =	vadd.f32 v5, v4  }
0x7ac: {  	v5 =	vld [tilespmem:s22+$0x15F00]  }
0x7ad: {  	v4 =	vadd.f32 v6, v4  }
0x7ae: {  	v6 =	vld [tilespmem:s22+$0x16000]  }
0x7af: {  	v4 =	vadd.f32 v7, v4  }
0x7b0: {  	v7 =	vld [tilespmem:s22+$0x16100]  }
0x7b1: {  	v4 =	vadd.f32 v5, v4;
	_ =	sdelay $0x1  }
0x7b2: {  	v4 =	vadd.f32 v6, v4;
	_ =	sdelay $0x1  }
0x7b3: {  	v4 =	vadd.f32 v7, v4  }
0x7b4: {  	s28 =	simm.s32 $0x16200  }
0x7b5: {  	s29 =	simm.s32 $0x15210;
	[tilespmem:s28+$0x0] =	vst v4  }
0x7b6: {  	s30 =	simm.s32 $0x10;
	s31 =	simm.s32 $0x20;
	v4 =	vld [tilespmem:s29+$0x0]  }
.LBB2_84:
0x7b7: {  	p0 =	sne.s32 s31, $0xF0;
	s22 =	sand.u32 $0xF0, s30;
	s30 =	smov.u32 s31  }
0x7b8: {  	v5 =	vld [tilespmem:s22+$0x15300];
	_ =	sdelay $0x1  }
0x7b9: {  	v6 =	vld [tilespmem:s22+$0x15400]  }
0x7ba: {  	v4 =	vadd.f32 $0.0e+00, v4  }
0x7bb: {  	v7 =	vld [tilespmem:s22+$0x15500]  }
0x7bc: {  	v4 =	vadd.f32 v5, v4  }
0x7bd: {  	v5 =	vld [tilespmem:s22+$0x15600]  }
0x7be: {  	v4 =	vadd.f32 v6, v4  }
0x7bf: {  	v6 =	vld [tilespmem:s22+$0x15700]  }
0x7c0: {  	v4 =	vadd.f32 v7, v4  }
0x7c1: {  	v7 =	vld [tilespmem:s22+$0x15800]  }
0x7c2: {  	v4 =	vadd.f32 v5, v4  }
0x7c3: {  	v5 =	vld [tilespmem:s22+$0x15900]  }
0x7c4: {  	v4 =	vadd.f32 v6, v4  }
0x7c5: {  	v6 =	vld [tilespmem:s22+$0x15A00]  }
0x7c6: {  	v4 =	vadd.f32 v7, v4  }
0x7c7: {  	v7 =	vld [tilespmem:s22+$0x15B00]  }
0x7c8: {  	v4 =	vadd.f32 v5, v4  }
0x7c9: {  	v5 =	vld [tilespmem:s22+$0x15C00]  }
0x7ca: {  	v4 =	vadd.f32 v6, v4  }
0x7cb: {  	v6 =	vld [tilespmem:s22+$0x15D00]  }
0x7cc: {  	v4 =	vadd.f32 v7, v4  }
0x7cd: {  	v7 =	vld [tilespmem:s22+$0x15E00]  }
0x7ce: {  	v4 =	vadd.f32 v5, v4  }
0x7cf: {  	v5 =	vld [tilespmem:s22+$0x15F00]  }
0x7d0: {  	v4 =	vadd.f32 v6, v4  }
0x7d1: {  	v6 =	vld [tilespmem:s22+$0x16000]  }
0x7d2: {  	v4 =	vadd.f32 v7, v4  }
0x7d3: {  	v7 =	vld [tilespmem:s22+$0x16100]  }
0x7d4: {  	v4 =	vadd.f32 v5, v4;
	_ =	sdelay $0x1  }
0x7d5: {  	v4 =	vadd.f32 v6, v4  }
.Ltmp71:
0x7d6: {  	(pc) =	sbr.rel @p0 .LBB2_84-.Ltmp71, $4  }
0x7d7: {  	v4 =	vadd.f32 v7, v4  }
0x7d8: {  	s28 =	sadd.s32 $0x10, s28  }
0x7d9: {  	s29 =	sadd.s32 $0x10, s29;
	[tilespmem:s28+$0x0] =	vst v4  }
0x7da: {  	s31 =	sadd.s32 $0x10, s31;
	v4 =	vld [tilespmem:s29+$0x0]  }
0x7db: {  	s22 =	sand.u32 $0xF0, s30  }
0x7dc: {  	v5 =	vld [tilespmem:s22+$0x15300];
	_ =	sdelay $0x1  }
0x7dd: {  	v6 =	vld [tilespmem:s22+$0x15400]  }
0x7de: {  	v4 =	vadd.f32 $0.0e+00, v4  }
0x7df: {  	v7 =	vld [tilespmem:s22+$0x15500]  }
0x7e0: {  	v4 =	vadd.f32 v5, v4  }
0x7e1: {  	v5 =	vld [tilespmem:s22+$0x15600]  }
0x7e2: {  	v4 =	vadd.f32 v6, v4  }
0x7e3: {  	v56 =	vld [tilespmem:s22+$0x15700]  }
0x7e4: {  	v4 =	vadd.f32 v7, v4  }
0x7e5: {  	v57 =	vld [tilespmem:s22+$0x15800]  }
0x7e6: {  	v4 =	vadd.f32 v5, v4  }
0x7e7: {  	v5 =	vld [tilespmem:s22+$0x15900]  }
0x7e8: {  	v4 =	vadd.f32 v56, v4  }
0x7e9: {  	v58 =	vld [tilespmem:s22+$0x15A00]  }
0x7ea: {  	v4 =	vadd.f32 v57, v4  }
0x7eb: {  	v59 =	vld [tilespmem:s22+$0x15B00]  }
0x7ec: {  	v4 =	vadd.f32 v5, v4  }
0x7ed: {  	v5 =	vld [tilespmem:s22+$0x15C00]  }
0x7ee: {  	v4 =	vadd.f32 v58, v4  }
0x7ef: {  	v60 =	vld [tilespmem:s22+$0x15D00]  }
0x7f0: {  	v4 =	vadd.f32 v59, v4  }
0x7f1: {  	v61 =	vld [tilespmem:s22+$0x15E00]  }
0x7f2: {  	v4 =	vadd.f32 v5, v4  }
0x7f3: {  	v5 =	vld [tilespmem:s22+$0x15F00]  }
0x7f4: {  	v4 =	vadd.f32 v60, v4  }
0x7f5: {  	v62 =	vld [tilespmem:s22+$0x16000]  }
0x7f6: {  	v4 =	vadd.f32 v61, v4  }
0x7f7: {  	v63 =	vld [tilespmem:s22+$0x16100]  }
0x7f8: {  	v4 =	vadd.f32 v5, v4;
	_ =	sdelay $0x1  }
0x7f9: {  	v4 =	vadd.f32 v62, v4;
	_ =	sdelay $0x1  }
0x7fa: {  	v4 =	vadd.f32 v63, v4  }
0x7fb: {  	s30 =	sadd.s32 $0x10, s28  }
0x7fc: {  	s31 =	rddreg [dreg:$0x1b];
	s29 =	simm.s32 $0x16200;
	[tilespmem:s30+$0x0] =	vst v4;
	s30 =	simm.s32 $0x100  }
0x7fd: {  	[hbm4b:s31+s21] =	stream.strided.scatter [tilespmem:s29], [sflag:$0x5], $0x100, s30, s21, $0x38;
	[tilespmem:$0x17300] =	vst v63  }
0x7fe: {  	_ =	swait.ge [sflag:s15], $0x100  }
0x7ff: {  	s26 =	sadd.s32 $0x1, s26;
	s31 =	rddreg [dreg:$0x1c]  }
0x800: {  	p0 =	sne.s32 s26, s31  }
.Ltmp72:
0x801: {  	_ = 	snop;
	(pc) =	sbr.rel @p0 .LBB2_1-.Ltmp72, $3  }
0x802: {  	_ =	sdelay $0x1  }
0x803: {  	[sflag:s15] =	ssyncset.done $0x0  }
0x804: {  	[sflag:s15] =	ssyncadd.s32 $0xFFFFFF00  }
0x805: {  	_ =	sfence.sel $0x180000  }
0x806: {  	[bflag:$0x0] =	sbarrier.arrive $0xFFFF  }
0x807: {  	_ =	strace $0x90000047  }
0x808: {  	s0 =	stileid.u32;
	[bflag:$0x2] =	sbarrier.arrive $0xFFFF  }
0x809: {  	p0 =	sne.s32 s0, $0x0;
	s0 =	rddreg [dreg:$0x5]  }
0x80a: {  	s0 =	sadd.s32 @!p0 $0x100000, s0  }
0x80b: {  	[sflag:s0] =	ssyncadd.tile.s32 @!p0 $0x1;
	_ =	shalt  }
.Lfunc_end2:
_tile_overlayer_lowered:
.L_overlay_start_2:
0x80c: {  	(tag) =	ssettag $0x2  }
0x80d: {  	s0 =	rddreg [dreg:$0x0];
	s2 =	stileid.u32  }
0x80e: {  	s1 =	rddreg [dreg:$0x1];
	p0 =	sne.s32 s2, $0x0  }
0x80f: {  	s3 =	rddreg [dreg:$0x2];
	[bflag:$0x3] =	sbarrier.arrive $0xFFFF;
	s2 =	simm.s32 @!p0 $0x1C05  }
0x810: {  	[timem:s3], [sflag:s2] =	dma.local @!p0 [hbm:s0], s1  }
0x811: {  	s0 =	simm.s32 @!p0 $0x5  }
0x812: {  	_ =	swait.ge @!p0 [sflag:s0], s1  }
0x813: {  	s1 =	ssub.s32 @!p0 $0x0, s1;
	[sflag:s0] =	ssyncset.done @!p0 $0x0  }
0x814: {  	[sflag:s0] =	ssyncadd.s32 @!p0 s1  }
0x815: {  	[bflag:$0x3] =	sbarrier.arrive $0xFFFF  }
0x816: {  	_ =	shalt  }

</sc_bundles>
